<compile_context>
chip_gen: v7x
topology: tpu7x:2x2x1
jax: 0.10.2.dev20260603
libtpu: 0.0.44.dev20260713+nightly
codegen_flags: <defaults>
</compile_context>

<pallas_src>
import functools

import jax
import jax.numpy as jnp
from jax import lax
from jax.experimental import pallas as pl
from jax.experimental.pallas import tpu as pltpu
from jax.experimental.pallas import tpu_sc as plsc

_F = 26
_D = 32
_B = 16384
_OFFSETS = (1, 5, 7, 11, 13)
_E = _F * len(_OFFSETS)

_NC = 2
_NS = 16
_NW = _NC * _NS
_RPW = _B // _NW
_NB = 128
_NCHUNK = _RPW // _NB
_GRP = _D * (_NB // 16)


def _edge_table():
    pairs = sorted(((f + o) % _F, f) for f in range(_F) for o in _OFFSETS)
    eid = {p: k for k, p in enumerate(pairs)}
    return tuple(
        tuple(((f + o) % _F, eid[((f + o) % _F, f)]) for o in _OFFSETS)
        for f in range(_F)
    )


_TABLE = _edge_table()


def _tanh(x):
    return 1.0 - 2.0 / (jnp.exp(x * 2.0) + 1.0)


def _mac(hs, w_s, f):
    t = [hs[s] * w_s[e] for s, e in _TABLE[f]]
    return ((t[0] + t[1]) + (t[2] + t[3])) + t[4]


@functools.partial(
    pl.kernel,
    mesh=plsc.VectorSubcoreMesh(core_axis_name="c", subcore_axis_name="s"),
    out_type=jax.ShapeDtypeStruct((_F * _D, _B), jnp.float32),
    scratch_types=[
        pltpu.VMEM((_F * _D, _NB), jnp.float32),
        pltpu.VMEM((_F, 16), jnp.float32),
        pltpu.SMEM((_E,), jnp.float32),
        pltpu.SMEM((_E,), jnp.float32),
        pltpu.VMEM_SHARED((_E,), jnp.float32),
        pltpu.VMEM_SHARED((_E,), jnp.float32),
    ],
)
def _gnn(x_hbm, w0_hbm, w1_hbm, out_hbm,
         buf_v, h1_v, w0_s, w1_s, w0_vs, w1_vs):
    wid = lax.axis_index("s") * _NC + lax.axis_index("c")
    base = wid * _RPW
    pltpu.sync_copy(w0_hbm, w0_vs)
    pltpu.sync_copy(w1_hbm, w1_vs)
    pltpu.sync_copy(w0_vs, w0_s)
    pltpu.sync_copy(w1_vs, w1_s)

    def chunk(ci, carry):
        b0 = base + ci * _NB
        pltpu.sync_copy(x_hbm.at[:, pl.ds(b0, _NB)], buf_v)

        def colfn(gi, c2):
            d = gi // (_NB // 16)
            lb = (gi % (_NB // 16)) * 16
            hs = [buf_v[f * _D + d, pl.ds(lb, 16)] for f in range(_F)]
            for f in range(_F):
                h1_v[f, :] = _tanh(_mac(hs, w0_s, f))
            hs = [h1_v[f, :] for f in range(_F)]
            for f in range(_F):
                buf_v[f * _D + d, pl.ds(lb, 16)] = _tanh(_mac(hs, w1_s, f))
            return c2

        lax.fori_loop(0, _GRP, colfn, 0)
        pltpu.sync_copy(buf_v, out_hbm.at[:, pl.ds(b0, _NB)])
        return carry

    lax.fori_loop(0, _NCHUNK, chunk, 0)


def kernel(inputs, w0, w1):
    xt = jnp.transpose(inputs, (1, 2, 0)).reshape(_F * _D, _B)
    out = _gnn(xt, w0, w1)
    return jnp.transpose(out, (1, 0))

# --- scband reference (transcript-rebuilt; emitter-appended) ---
"""Pipeline reference for scband-sparse-gnnlayer-1202590843657 (READ-ONLY COPY).

The authoritative reference and input builder live on the scoring server;
editing this copy changes nothing except your own understanding.
"""

import jax, jax.numpy as jnp
import numpy as np

F = 26
D = 32
B = 16384
NUM_LAYERS = 2
OFFSETS = [1, 5, 7, 11, 13]


def _edges():
    # Mirrors SparseGNNLayer._generate_indices: indices are [neighbor_idx, idx],
    # sorted lexicographically. Edge weight k corresponds to sorted pair k.
    pairs = []
    for idx in range(F):
        for off in OFFSETS:
            pairs.append(((idx + off) % F, idx))
    pairs = sorted(pairs)
    src = np.array([p[0] for p in pairs], dtype=np.int32)  # neighbor (source)
    dst = np.array([p[1] for p in pairs], dtype=np.int32)  # field (destination)
    return src, dst


def setup_inputs(seed: int = 0) -> dict:
    key = jax.random.key(seed)
    inputs = jax.random.normal(key, (B, F, D), dtype=jnp.float32)
    num_edges = F * len(OFFSETS)
    # weights_initializer defaults to tf.constant_initializer(0.1); two sets since
    # share_weights_between_layers=False and num_layers=2.
    w0 = jnp.full((num_edges,), 0.1, dtype=jnp.float32)
    w1 = jnp.full((num_edges,), 0.1, dtype=jnp.float32)
    return {"inputs": inputs, "w0": w0, "w1": w1}


def reference(inputs, w0, w1):
    src_np, dst_np = _edges()
    src = jnp.asarray(src_np)
    dst = jnp.asarray(dst_np)
    # _normalize_inputs: (B, F, D) -> (B, D, F)
    h = jnp.transpose(inputs, (0, 2, 1))
    for w in (w0, w1):
        # sparse [F, F] matmul applied on the field axis:
        # out[:, :, idx] = sum_over_neighbors w[neighbor, idx] * h[:, :, neighbor]
        gathered = jnp.take(h, src, axis=2) * w[None, None, :]  # (B, D, E)
        agg = jnp.zeros_like(h).at[:, :, dst].add(gathered)      # scatter-add over dst fields
        h = jnp.tanh(agg)
    # transpose_outputs=True: (B, D, F) -> (B, F, D); flattern_outputs=True: -> (B, F*D)
    out = jnp.transpose(h, (0, 2, 1))
    out = out.reshape(out.shape[0], F * D)
    return out

if __name__ == "__main__":
    import jax
    _d = setup_inputs()
    print(jax.jit(kernel)(*tuple(_d.values())))

</pallas_src>

<mosaic_0001>
#map = affine_map<(d0, d1) -> (0, 0)>
#map1 = affine_map<(d0, d1) -> (0)>
module attributes {stable_mosaic.version = 14 : i64} {
  func.func @_gnn(%arg0: i32, %arg1: i32, %arg2: memref<832x16384xf32, #tpu.memory_space<hbm>>, %arg3: memref<130xf32, #tpu.memory_space<hbm>>, %arg4: memref<130xf32, #tpu.memory_space<hbm>>, %arg5: memref<832x16384xf32, #tpu.memory_space<hbm>>, %arg6: memref<832x128xf32, #tpu.memory_space<vmem>>, %arg7: memref<26x16xf32, #tpu.memory_space<vmem>>, %arg8: memref<130xf32, #tpu.memory_space<smem>>, %arg9: memref<130xf32, #tpu.memory_space<smem>>, %arg10: memref<130xf32, #tpu.memory_space<vmem_shared>>, %arg11: memref<130xf32, #tpu.memory_space<vmem_shared>>) attributes {dimension_semantics = [#tpu.dimension_semantics<core_parallel>, #tpu.dimension_semantics<subcore_parallel>], iteration_bounds = array<i64: 2, 16>, scalar_prefetch = 0 : i64, scratch_operands = 6 : i64, tpu.core_type = #tpu.core_type<sc_vector_subcore>, window_params = [{transform_indices = #map}, {transform_indices = #map1}, {transform_indices = #map1}, {transform_indices = #map}]} {
    %mul3A = arith.constant 2 : i32
    %mul3A_0 = arith.muli %arg1, %mul3A : i32
    %add3A = arith.addi %mul3A_0, %arg0 : i32
    %mul3A_1 = arith.constant 512 : i32
    %mul3A_2 = arith.muli %add3A, %mul3A_1 : i32
    "tpu.region"() ({
      %run_scoped3A = tpu.sem_alloc : memref<!tpu.dma_semaphore, #tpu.memory_space<semaphore_mem>>
      tpu.enqueue_dma source(%arg3 : memref<130xf32, #tpu.memory_space<hbm>>) target(%arg10 : memref<130xf32, #tpu.memory_space<vmem_shared>>) target_semaphore(%run_scoped3A : memref<!tpu.dma_semaphore, #tpu.memory_space<semaphore_mem>>)
      tpu.wait_dma2 semaphore(%run_scoped3A : memref<!tpu.dma_semaphore, #tpu.memory_space<semaphore_mem>>) src(%arg3 : memref<130xf32, #tpu.memory_space<hbm>>) dst(%arg10 : memref<130xf32, #tpu.memory_space<vmem_shared>>)
      tpu.yield
    }) : () -> ()
    "tpu.region"() ({
      %run_scoped3A = tpu.sem_alloc : memref<!tpu.dma_semaphore, #tpu.memory_space<semaphore_mem>>
      tpu.enqueue_dma source(%arg4 : memref<130xf32, #tpu.memory_space<hbm>>) target(%arg11 : memref<130xf32, #tpu.memory_space<vmem_shared>>) target_semaphore(%run_scoped3A : memref<!tpu.dma_semaphore, #tpu.memory_space<semaphore_mem>>)
      tpu.wait_dma2 semaphore(%run_scoped3A : memref<!tpu.dma_semaphore, #tpu.memory_space<semaphore_mem>>) src(%arg4 : memref<130xf32, #tpu.memory_space<hbm>>) dst(%arg11 : memref<130xf32, #tpu.memory_space<vmem_shared>>)
      tpu.yield
    }) : () -> ()
    "tpu.region"() ({
      %run_scoped3A = tpu.sem_alloc : memref<!tpu.dma_semaphore, #tpu.memory_space<semaphore_mem>>
      tpu.enqueue_dma source(%arg10 : memref<130xf32, #tpu.memory_space<vmem_shared>>) target(%arg8 : memref<130xf32, #tpu.memory_space<smem>>) target_semaphore(%run_scoped3A : memref<!tpu.dma_semaphore, #tpu.memory_space<semaphore_mem>>)
      tpu.wait_dma2 semaphore(%run_scoped3A : memref<!tpu.dma_semaphore, #tpu.memory_space<semaphore_mem>>) src(%arg10 : memref<130xf32, #tpu.memory_space<vmem_shared>>) dst(%arg8 : memref<130xf32, #tpu.memory_space<smem>>)
      tpu.yield
    }) : () -> ()
    "tpu.region"() ({
      %run_scoped3A = tpu.sem_alloc : memref<!tpu.dma_semaphore, #tpu.memory_space<semaphore_mem>>
      tpu.enqueue_dma source(%arg11 : memref<130xf32, #tpu.memory_space<vmem_shared>>) target(%arg9 : memref<130xf32, #tpu.memory_space<smem>>) target_semaphore(%run_scoped3A : memref<!tpu.dma_semaphore, #tpu.memory_space<semaphore_mem>>)
      tpu.wait_dma2 semaphore(%run_scoped3A : memref<!tpu.dma_semaphore, #tpu.memory_space<semaphore_mem>>) src(%arg11 : memref<130xf32, #tpu.memory_space<vmem_shared>>) dst(%arg9 : memref<130xf32, #tpu.memory_space<smem>>)
      tpu.yield
    }) : () -> ()
    %scan3A = arith.constant 0 : i32
    %scan3A_3 = arith.constant 0 : i32
    %scan3A_4 = arith.constant 4 : i32
    %scan3A_5 = arith.addi %scan3A_3, %scan3A_4 : i32
    %scan3A_6 = arith.constant 1 : i32
    scf.for %scan3A_8 = %scan3A_3 to %scan3A_5 step %scan3A_6  : i32 {
      %mul3A_9 = arith.constant 128 : i32
      %mul3A_10 = arith.muli %scan3A_8, %mul3A_9 : i32
      %add3A_11 = arith.addi %mul3A_2, %mul3A_10 : i32
      "tpu.region"() ({
        %run_scoped3A = tpu.sem_alloc : memref<!tpu.dma_semaphore, #tpu.memory_space<semaphore_mem>>
        %dma_start3A = arith.constant 0 : i32
        %dma_start3A_18 = tpu.memref_slice %arg2[%dma_start3A, %add3A_11] : memref<832x16384xf32, #tpu.memory_space<hbm>> -> memref<832x128xf32, #tpu.memory_space<hbm>>
        %dma_start3A_19 = arith.constant 0 : i32
        %dma_start3A_20 = tpu.memref_slice %arg2[%dma_start3A_19, %add3A_11] : memref<832x16384xf32, #tpu.memory_space<hbm>> -> memref<832x128xf32, #tpu.memory_space<hbm>>
        tpu.enqueue_dma source(%dma_start3A_20 : memref<832x128xf32, #tpu.memory_space<hbm>>) target(%arg6 : memref<832x128xf32, #tpu.memory_space<vmem>>) target_semaphore(%run_scoped3A : memref<!tpu.dma_semaphore, #tpu.memory_space<semaphore_mem>>)
        %dma_wait3A = arith.constant 0 : i32
        %dma_wait3A_21 = tpu.memref_slice %arg2[%dma_wait3A, %add3A_11] : memref<832x16384xf32, #tpu.memory_space<hbm>> -> memref<832x128xf32, #tpu.memory_space<hbm>>
        %dma_wait3A_22 = arith.constant 0 : i32
        %dma_wait3A_23 = tpu.memref_slice %arg2[%dma_wait3A_22, %add3A_11] : memref<832x16384xf32, #tpu.memory_space<hbm>> -> memref<832x128xf32, #tpu.memory_space<hbm>>
        tpu.wait_dma2 semaphore(%run_scoped3A : memref<!tpu.dma_semaphore, #tpu.memory_space<semaphore_mem>>) src(%dma_wait3A_23 : memref<832x128xf32, #tpu.memory_space<hbm>>) dst(%arg6 : memref<832x128xf32, #tpu.memory_space<vmem>>)
        tpu.yield
      }) : () -> ()
      %scan3A_12 = arith.constant 0 : i32
      %scan3A_13 = arith.constant 0 : i32
      %scan3A_14 = arith.constant 256 : i32
      %scan3A_15 = arith.addi %scan3A_13, %scan3A_14 : i32
      %scan3A_16 = arith.constant 1 : i32
      scf.for %scan3A_18 = %scan3A_13 to %scan3A_15 step %scan3A_16  : i32 {
        %jit3A = arith.constant 8 : i32
        %div3A = arith.divsi %scan3A_18, %jit3A : i32
        %sign3A = arith.constant 0 : i32
        %sign3A_19 = arith.cmpi sgt, %scan3A_18, %sign3A : i32
        %sign3A_20 = arith.extui %sign3A_19 : i1 to i32
        %sign3A_21 = arith.constant 0 : i32
        %sign3A_22 = arith.cmpi slt, %scan3A_18, %sign3A_21 : i32
        %sign3A_23 = arith.extui %sign3A_22 : i1 to i32
        %sign3A_24 = arith.subi %sign3A_20, %sign3A_23 : i32
        %sign3A_25 = arith.constant 0 : i32
        %sign3A_26 = arith.cmpi sgt, %jit3A, %sign3A_25 : i32
        %sign3A_27 = arith.extui %sign3A_26 : i1 to i32
        %sign3A_28 = arith.constant 0 : i32
        %sign3A_29 = arith.cmpi slt, %jit3A, %sign3A_28 : i32
        %sign3A_30 = arith.extui %sign3A_29 : i1 to i32
        %sign3A_31 = arith.subi %sign3A_27, %sign3A_30 : i32
        %ne3A = arith.cmpi ne, %sign3A_24, %sign3A_31 : i32
        %rem3A = arith.remsi %scan3A_18, %jit3A : i32
        %ne3A_32 = arith.constant 0 : i32
        %ne3A_33 = arith.cmpi ne, %rem3A, %ne3A_32 : i32
        %and3A = arith.andi %ne3A, %ne3A_33 : i1
        %sub3A = arith.constant 1 : i32
        %sub3A_34 = arith.subi %div3A, %sub3A : i32
        %select_n3A = arith.select %and3A, %sub3A_34, %div3A : i32
        %jit3A_35 = arith.constant 8 : i32
        %eq3A = arith.constant 0 : i32
        %eq3A_36 = arith.cmpi eq, %jit3A_35, %eq3A : i32
        %jit3A_37 = arith.constant 1 : i32
        %select_n3A_38 = arith.select %eq3A_36, %jit3A_37, %jit3A_35 : i32
        %rem3A_39 = arith.remsi %scan3A_18, %select_n3A_38 : i32
        %ne3A_40 = arith.constant 0 : i32
        %ne3A_41 = arith.cmpi ne, %rem3A_39, %ne3A_40 : i32
        %lt3A = arith.constant 0 : i32
        %lt3A_42 = arith.cmpi slt, %rem3A_39, %lt3A : i32
        %lt3A_43 = arith.constant 0 : i32
        %lt3A_44 = arith.cmpi slt, %select_n3A_38, %lt3A_43 : i32
        %ne3A_45 = arith.xori %lt3A_42, %lt3A_44 : i1
        %and3A_46 = arith.andi %ne3A_45, %ne3A_41 : i1
        %add3A_47 = arith.addi %rem3A_39, %select_n3A_38 : i32
        %select_n3A_48 = arith.select %and3A_46, %add3A_47, %rem3A_39 : i32
        %mul3A_49 = arith.constant 16 : i32
        %mul3A_50 = arith.muli %select_n3A_48, %mul3A_49 : i32
        %add3A_51 = arith.constant 0 : i32
        %add3A_52 = arith.addi %add3A_51, %select_n3A : i32
        %get3A = arith.index_cast %add3A_52 : i32 to index
        %get3A_53 = arith.index_cast %mul3A_50 : i32 to index
        %get3A_54 = tpu.vector_load %arg6[%get3A, %get3A_53] {strides = array<i32>} : memref<832x128xf32, #tpu.memory_space<vmem>>, vector<1x16xf32>,
        %get3A_55 = vector.shape_cast %get3A_54 : vector<1x16xf32> to vector<16xf32>
        %add3A_56 = arith.constant 32 : i32
        %add3A_57 = arith.addi %add3A_56, %select_n3A : i32
        %get3A_58 = arith.index_cast %add3A_57 : i32 to index
        %get3A_59 = arith.index_cast %mul3A_50 : i32 to index
        %get3A_60 = tpu.vector_load %arg6[%get3A_58, %get3A_59] {strides = array<i32>} : memref<832x128xf32, #tpu.memory_space<vmem>>, vector<1x16xf32>,
        %get3A_61 = vector.shape_cast %get3A_60 : vector<1x16xf32> to vector<16xf32>
        %add3A_62 = arith.constant 64 : i32
        %add3A_63 = arith.addi %add3A_62, %select_n3A : i32
        %get3A_64 = arith.index_cast %add3A_63 : i32 to index
        %get3A_65 = arith.index_cast %mul3A_50 : i32 to index
        %get3A_66 = tpu.vector_load %arg6[%get3A_64, %get3A_65] {strides = array<i32>} : memref<832x128xf32, #tpu.memory_space<vmem>>, vector<1x16xf32>,
        %get3A_67 = vector.shape_cast %get3A_66 : vector<1x16xf32> to vector<16xf32>
        %add3A_68 = arith.constant 96 : i32
        %add3A_69 = arith.addi %add3A_68, %select_n3A : i32
        %get3A_70 = arith.index_cast %add3A_69 : i32 to index
        %get3A_71 = arith.index_cast %mul3A_50 : i32 to index
        %get3A_72 = tpu.vector_load %arg6[%get3A_70, %get3A_71] {strides = array<i32>} : memref<832x128xf32, #tpu.memory_space<vmem>>, vector<1x16xf32>,
        %get3A_73 = vector.shape_cast %get3A_72 : vector<1x16xf32> to vector<16xf32>
        %add3A_74 = arith.constant 128 : i32
        %add3A_75 = arith.addi %add3A_74, %select_n3A : i32
        %get3A_76 = arith.index_cast %add3A_75 : i32 to index
        %get3A_77 = arith.index_cast %mul3A_50 : i32 to index
        %get3A_78 = tpu.vector_load %arg6[%get3A_76, %get3A_77] {strides = array<i32>} : memref<832x128xf32, #tpu.memory_space<vmem>>, vector<1x16xf32>,
        %get3A_79 = vector.shape_cast %get3A_78 : vector<1x16xf32> to vector<16xf32>
        %add3A_80 = arith.constant 160 : i32
        %add3A_81 = arith.addi %add3A_80, %select_n3A : i32
        %get3A_82 = arith.index_cast %add3A_81 : i32 to index
        %get3A_83 = arith.index_cast %mul3A_50 : i32 to index
        %get3A_84 = tpu.vector_load %arg6[%get3A_82, %get3A_83] {strides = array<i32>} : memref<832x128xf32, #tpu.memory_space<vmem>>, vector<1x16xf32>,
        %get3A_85 = vector.shape_cast %get3A_84 : vector<1x16xf32> to vector<16xf32>
        %add3A_86 = arith.constant 192 : i32
        %add3A_87 = arith.addi %add3A_86, %select_n3A : i32
        %get3A_88 = arith.index_cast %add3A_87 : i32 to index
        %get3A_89 = arith.index_cast %mul3A_50 : i32 to index
        %get3A_90 = tpu.vector_load %arg6[%get3A_88, %get3A_89] {strides = array<i32>} : memref<832x128xf32, #tpu.memory_space<vmem>>, vector<1x16xf32>,
        %get3A_91 = vector.shape_cast %get3A_90 : vector<1x16xf32> to vector<16xf32>
        %add3A_92 = arith.constant 224 : i32
        %add3A_93 = arith.addi %add3A_92, %select_n3A : i32
        %get3A_94 = arith.index_cast %add3A_93 : i32 to index
        %get3A_95 = arith.index_cast %mul3A_50 : i32 to index
        %get3A_96 = tpu.vector_load %arg6[%get3A_94, %get3A_95] {strides = array<i32>} : memref<832x128xf32, #tpu.memory_space<vmem>>, vector<1x16xf32>,
        %get3A_97 = vector.shape_cast %get3A_96 : vector<1x16xf32> to vector<16xf32>
        %add3A_98 = arith.constant 256 : i32
        %add3A_99 = arith.addi %add3A_98, %select_n3A : i32
        %get3A_100 = arith.index_cast %add3A_99 : i32 to index
        %get3A_101 = arith.index_cast %mul3A_50 : i32 to index
        %get3A_102 = tpu.vector_load %arg6[%get3A_100, %get3A_101] {strides = array<i32>} : memref<832x128xf32, #tpu.memory_space<vmem>>, vector<1x16xf32>,
        %get3A_103 = vector.shape_cast %get3A_102 : vector<1x16xf32> to vector<16xf32>
        %add3A_104 = arith.constant 288 : i32
        %add3A_105 = arith.addi %add3A_104, %select_n3A : i32
        %get3A_106 = arith.index_cast %add3A_105 : i32 to index
        %get3A_107 = arith.index_cast %mul3A_50 : i32 to index
        %get3A_108 = tpu.vector_load %arg6[%get3A_106, %get3A_107] {strides = array<i32>} : memref<832x128xf32, #tpu.memory_space<vmem>>, vector<1x16xf32>,
        %get3A_109 = vector.shape_cast %get3A_108 : vector<1x16xf32> to vector<16xf32>
        %add3A_110 = arith.constant 320 : i32
        %add3A_111 = arith.addi %add3A_110, %select_n3A : i32
        %get3A_112 = arith.index_cast %add3A_111 : i32 to index
        %get3A_113 = arith.index_cast %mul3A_50 : i32 to index
        %get3A_114 = tpu.vector_load %arg6[%get3A_112, %get3A_113] {strides = array<i32>} : memref<832x128xf32, #tpu.memory_space<vmem>>, vector<1x16xf32>,
        %get3A_115 = vector.shape_cast %get3A_114 : vector<1x16xf32> to vector<16xf32>
        %add3A_116 = arith.constant 352 : i32
        %add3A_117 = arith.addi %add3A_116, %select_n3A : i32
        %get3A_118 = arith.index_cast %add3A_117 : i32 to index
        %get3A_119 = arith.index_cast %mul3A_50 : i32 to index
        %get3A_120 = tpu.vector_load %arg6[%get3A_118, %get3A_119] {strides = array<i32>} : memref<832x128xf32, #tpu.memory_space<vmem>>, vector<1x16xf32>,
        %get3A_121 = vector.shape_cast %get3A_120 : vector<1x16xf32> to vector<16xf32>
        %add3A_122 = arith.constant 384 : i32
        %add3A_123 = arith.addi %add3A_122, %select_n3A : i32
        %get3A_124 = arith.index_cast %add3A_123 : i32 to index
        %get3A_125 = arith.index_cast %mul3A_50 : i32 to index
        %get3A_126 = tpu.vector_load %arg6[%get3A_124, %get3A_125] {strides = array<i32>} : memref<832x128xf32, #tpu.memory_space<vmem>>, vector<1x16xf32>,
        %get3A_127 = vector.shape_cast %get3A_126 : vector<1x16xf32> to vector<16xf32>
        %add3A_128 = arith.constant 416 : i32
        %add3A_129 = arith.addi %add3A_128, %select_n3A : i32
        %get3A_130 = arith.index_cast %add3A_129 : i32 to index
        %get3A_131 = arith.index_cast %mul3A_50 : i32 to index
        %get3A_132 = tpu.vector_load %arg6[%get3A_130, %get3A_131] {strides = array<i32>} : memref<832x128xf32, #tpu.memory_space<vmem>>, vector<1x16xf32>,
        %get3A_133 = vector.shape_cast %get3A_132 : vector<1x16xf32> to vector<16xf32>
        %add3A_134 = arith.constant 448 : i32
        %add3A_135 = arith.addi %add3A_134, %select_n3A : i32
        %get3A_136 = arith.index_cast %add3A_135 : i32 to index
        %get3A_137 = arith.index_cast %mul3A_50 : i32 to index
        %get3A_138 = tpu.vector_load %arg6[%get3A_136, %get3A_137] {strides = array<i32>} : memref<832x128xf32, #tpu.memory_space<vmem>>, vector<1x16xf32>,
        %get3A_139 = vector.shape_cast %get3A_138 : vector<1x16xf32> to vector<16xf32>
        %add3A_140 = arith.constant 480 : i32
        %add3A_141 = arith.addi %add3A_140, %select_n3A : i32
        %get3A_142 = arith.index_cast %add3A_141 : i32 to index
        %get3A_143 = arith.index_cast %mul3A_50 : i32 to index
        %get3A_144 = tpu.vector_load %arg6[%get3A_142, %get3A_143] {strides = array<i32>} : memref<832x128xf32, #tpu.memory_space<vmem>>, vector<1x16xf32>,
        %get3A_145 = vector.shape_cast %get3A_144 : vector<1x16xf32> to vector<16xf32>
        %add3A_146 = arith.constant 512 : i32
        %add3A_147 = arith.addi %add3A_146, %select_n3A : i32
        %get3A_148 = arith.index_cast %add3A_147 : i32 to index
        %get3A_149 = arith.index_cast %mul3A_50 : i32 to index
        %get3A_150 = tpu.vector_load %arg6[%get3A_148, %get3A_149] {strides = array<i32>} : memref<832x128xf32, #tpu.memory_space<vmem>>, vector<1x16xf32>,
        %get3A_151 = vector.shape_cast %get3A_150 : vector<1x16xf32> to vector<16xf32>
        %add3A_152 = arith.constant 544 : i32
        %add3A_153 = arith.addi %add3A_152, %select_n3A : i32
        %get3A_154 = arith.index_cast %add3A_153 : i32 to index
        %get3A_155 = arith.index_cast %mul3A_50 : i32 to index
        %get3A_156 = tpu.vector_load %arg6[%get3A_154, %get3A_155] {strides = array<i32>} : memref<832x128xf32, #tpu.memory_space<vmem>>, vector<1x16xf32>,
        %get3A_157 = vector.shape_cast %get3A_156 : vector<1x16xf32> to vector<16xf32>
        %add3A_158 = arith.constant 576 : i32
        %add3A_159 = arith.addi %add3A_158, %select_n3A : i32
        %get3A_160 = arith.index_cast %add3A_159 : i32 to index
        %get3A_161 = arith.index_cast %mul3A_50 : i32 to index
        %get3A_162 = tpu.vector_load %arg6[%get3A_160, %get3A_161] {strides = array<i32>} : memref<832x128xf32, #tpu.memory_space<vmem>>, vector<1x16xf32>,
        %get3A_163 = vector.shape_cast %get3A_162 : vector<1x16xf32> to vector<16xf32>
        %add3A_164 = arith.constant 608 : i32
        %add3A_165 = arith.addi %add3A_164, %select_n3A : i32
        %get3A_166 = arith.index_cast %add3A_165 : i32 to index
        %get3A_167 = arith.index_cast %mul3A_50 : i32 to index
        %get3A_168 = tpu.vector_load %arg6[%get3A_166, %get3A_167] {strides = array<i32>} : memref<832x128xf32, #tpu.memory_space<vmem>>, vector<1x16xf32>,
        %get3A_169 = vector.shape_cast %get3A_168 : vector<1x16xf32> to vector<16xf32>
        %add3A_170 = arith.constant 640 : i32
        %add3A_171 = arith.addi %add3A_170, %select_n3A : i32
        %get3A_172 = arith.index_cast %add3A_171 : i32 to index
        %get3A_173 = arith.index_cast %mul3A_50 : i32 to index
        %get3A_174 = tpu.vector_load %arg6[%get3A_172, %get3A_173] {strides = array<i32>} : memref<832x128xf32, #tpu.memory_space<vmem>>, vector<1x16xf32>,
        %get3A_175 = vector.shape_cast %get3A_174 : vector<1x16xf32> to vector<16xf32>
        %add3A_176 = arith.constant 672 : i32
        %add3A_177 = arith.addi %add3A_176, %select_n3A : i32
        %get3A_178 = arith.index_cast %add3A_177 : i32 to index
        %get3A_179 = arith.index_cast %mul3A_50 : i32 to index
        %get3A_180 = tpu.vector_load %arg6[%get3A_178, %get3A_179] {strides = array<i32>} : memref<832x128xf32, #tpu.memory_space<vmem>>, vector<1x16xf32>,
        %get3A_181 = vector.shape_cast %get3A_180 : vector<1x16xf32> to vector<16xf32>
        %add3A_182 = arith.constant 704 : i32
        %add3A_183 = arith.addi %add3A_182, %select_n3A : i32
        %get3A_184 = arith.index_cast %add3A_183 : i32 to index
        %get3A_185 = arith.index_cast %mul3A_50 : i32 to index
        %get3A_186 = tpu.vector_load %arg6[%get3A_184, %get3A_185] {strides = array<i32>} : memref<832x128xf32, #tpu.memory_space<vmem>>, vector<1x16xf32>,
        %get3A_187 = vector.shape_cast %get3A_186 : vector<1x16xf32> to vector<16xf32>
        %add3A_188 = arith.constant 736 : i32
        %add3A_189 = arith.addi %add3A_188, %select_n3A : i32
        %get3A_190 = arith.index_cast %add3A_189 : i32 to index
        %get3A_191 = arith.index_cast %mul3A_50 : i32 to index
        %get3A_192 = tpu.vector_load %arg6[%get3A_190, %get3A_191] {strides = array<i32>} : memref<832x128xf32, #tpu.memory_space<vmem>>, vector<1x16xf32>,
        %get3A_193 = vector.shape_cast %get3A_192 : vector<1x16xf32> to vector<16xf32>
        %add3A_194 = arith.constant 768 : i32
        %add3A_195 = arith.addi %add3A_194, %select_n3A : i32
        %get3A_196 = arith.index_cast %add3A_195 : i32 to index
        %get3A_197 = arith.index_cast %mul3A_50 : i32 to index
        %get3A_198 = tpu.vector_load %arg6[%get3A_196, %get3A_197] {strides = array<i32>} : memref<832x128xf32, #tpu.memory_space<vmem>>, vector<1x16xf32>,
        %get3A_199 = vector.shape_cast %get3A_198 : vector<1x16xf32> to vector<16xf32>
        %add3A_200 = arith.constant 800 : i32
        %add3A_201 = arith.addi %add3A_200, %select_n3A : i32
        %get3A_202 = arith.index_cast %add3A_201 : i32 to index
        %get3A_203 = arith.index_cast %mul3A_50 : i32 to index
        %get3A_204 = tpu.vector_load %arg6[%get3A_202, %get3A_203] {strides = array<i32>} : memref<832x128xf32, #tpu.memory_space<vmem>>, vector<1x16xf32>,
        %get3A_205 = vector.shape_cast %get3A_204 : vector<1x16xf32> to vector<16xf32>
        %get3A_206 = arith.constant 5 : i32
        %get3A_207 = arith.index_cast %get3A_206 : i32 to index
        %get3A_208 = memref.load %arg8[%get3A_207] : memref<130xf32, #tpu.memory_space<smem>>
        %mul3A_209 = vector.broadcast %get3A_208 : f32 to vector<16xf32>
        %mul3A_210 = arith.mulf %get3A_61, %mul3A_209 : vector<16xf32>
        %get3A_211 = arith.constant 25 : i32
        %get3A_212 = arith.index_cast %get3A_211 : i32 to index
        %get3A_213 = memref.load %arg8[%get3A_212] : memref<130xf32, #tpu.memory_space<smem>>
        %mul3A_214 = vector.broadcast %get3A_213 : f32 to vector<16xf32>
        %mul3A_215 = arith.mulf %get3A_85, %mul3A_214 : vector<16xf32>
        %get3A_216 = arith.constant 35 : i32
        %get3A_217 = arith.index_cast %get3A_216 : i32 to index
        %get3A_218 = memref.load %arg8[%get3A_217] : memref<130xf32, #tpu.memory_space<smem>>
        %mul3A_219 = vector.broadcast %get3A_218 : f32 to vector<16xf32>
        %mul3A_220 = arith.mulf %get3A_97, %mul3A_219 : vector<16xf32>
        %get3A_221 = arith.constant 55 : i32
        %get3A_222 = arith.index_cast %get3A_221 : i32 to index
        %get3A_223 = memref.load %arg8[%get3A_222] : memref<130xf32, #tpu.memory_space<smem>>
        %mul3A_224 = vector.broadcast %get3A_223 : f32 to vector<16xf32>
        %mul3A_225 = arith.mulf %get3A_121, %mul3A_224 : vector<16xf32>
        %get3A_226 = arith.constant 65 : i32
        %get3A_227 = arith.index_cast %get3A_226 : i32 to index
        %get3A_228 = memref.load %arg8[%get3A_227] : memref<130xf32, #tpu.memory_space<smem>>
        %mul3A_229 = vector.broadcast %get3A_228 : f32 to vector<16xf32>
        %mul3A_230 = arith.mulf %get3A_133, %mul3A_229 : vector<16xf32>
        %add3A_231 = arith.addf %mul3A_210, %mul3A_215 : vector<16xf32>
        %add3A_232 = arith.addf %mul3A_220, %mul3A_225 : vector<16xf32>
        %add3A_233 = arith.addf %add3A_231, %add3A_232 : vector<16xf32>
        %add3A_234 = arith.addf %add3A_233, %mul3A_230 : vector<16xf32>
        %mul3A_235 = arith.constant 2.000000e+00 : f32
        %mul3A_236 = vector.broadcast %mul3A_235 : f32 to vector<16xf32>
        %mul3A_237 = arith.mulf %add3A_234, %mul3A_236 : vector<16xf32>
        %exp3A = math.exp %mul3A_237 : vector<16xf32>
        %add3A_238 = arith.constant 1.000000e+00 : f32
        %add3A_239 = vector.broadcast %add3A_238 : f32 to vector<16xf32>
        %add3A_240 = arith.addf %exp3A, %add3A_239 : vector<16xf32>
        %div3A_241 = arith.constant 2.000000e+00 : f32
        %div3A_242 = vector.broadcast %div3A_241 : f32 to vector<16xf32>
        %div3A_243 = arith.divf %div3A_242, %add3A_240 : vector<16xf32>
        %sub3A_244 = arith.constant 1.000000e+00 : f32
        %sub3A_245 = vector.broadcast %sub3A_244 : f32 to vector<16xf32>
        %sub3A_246 = arith.subf %sub3A_245, %div3A_243 : vector<16xf32>
        %swap3A = arith.constant 0 : i32
        %swap3A_247 = arith.index_cast %swap3A : i32 to index
        %swap3A_248 = arith.constant 0 : index
        %swap3A_249 = tpu.vector_load %arg7[%swap3A_247, %swap3A_248] {strides = array<i32>} : memref<26x16xf32, #tpu.memory_space<vmem>>, vector<1x16xf32>,
        %swap3A_250 = vector.shape_cast %swap3A_249 : vector<1x16xf32> to vector<16xf32>
        %swap3A_251 = vector.shape_cast %sub3A_246 : vector<16xf32> to vector<1x16xf32>
        tpu.vector_store %arg7[%swap3A_247, %swap3A_248], %swap3A_251 {strides = array<i32>} : memref<26x16xf32, #tpu.memory_space<vmem>>, vector<1x16xf32>,
        %get3A_252 = arith.constant 10 : i32
        %get3A_253 = arith.index_cast %get3A_252 : i32 to index
        %get3A_254 = memref.load %arg8[%get3A_253] : memref<130xf32, #tpu.memory_space<smem>>
        %mul3A_255 = vector.broadcast %get3A_254 : f32 to vector<16xf32>
        %mul3A_256 = arith.mulf %get3A_67, %mul3A_255 : vector<16xf32>
        %get3A_257 = arith.constant 30 : i32
        %get3A_258 = arith.index_cast %get3A_257 : i32 to index
        %get3A_259 = memref.load %arg8[%get3A_258] : memref<130xf32, #tpu.memory_space<smem>>
        %mul3A_260 = vector.broadcast %get3A_259 : f32 to vector<16xf32>
        %mul3A_261 = arith.mulf %get3A_91, %mul3A_260 : vector<16xf32>
        %get3A_262 = arith.constant 40 : i32
        %get3A_263 = arith.index_cast %get3A_262 : i32 to index
        %get3A_264 = memref.load %arg8[%get3A_263] : memref<130xf32, #tpu.memory_space<smem>>
        %mul3A_265 = vector.broadcast %get3A_264 : f32 to vector<16xf32>
        %mul3A_266 = arith.mulf %get3A_103, %mul3A_265 : vector<16xf32>
        %get3A_267 = arith.constant 60 : i32
        %get3A_268 = arith.index_cast %get3A_267 : i32 to index
        %get3A_269 = memref.load %arg8[%get3A_268] : memref<130xf32, #tpu.memory_space<smem>>
        %mul3A_270 = vector.broadcast %get3A_269 : f32 to vector<16xf32>
        %mul3A_271 = arith.mulf %get3A_127, %mul3A_270 : vector<16xf32>
        %get3A_272 = arith.constant 70 : i32
        %get3A_273 = arith.index_cast %get3A_272 : i32 to index
        %get3A_274 = memref.load %arg8[%get3A_273] : memref<130xf32, #tpu.memory_space<smem>>
        %mul3A_275 = vector.broadcast %get3A_274 : f32 to vector<16xf32>
        %mul3A_276 = arith.mulf %get3A_139, %mul3A_275 : vector<16xf32>
        %add3A_277 = arith.addf %mul3A_256, %mul3A_261 : vector<16xf32>
        %add3A_278 = arith.addf %mul3A_266, %mul3A_271 : vector<16xf32>
        %add3A_279 = arith.addf %add3A_277, %add3A_278 : vector<16xf32>
        %add3A_280 = arith.addf %add3A_279, %mul3A_276 : vector<16xf32>
        %mul3A_281 = arith.constant 2.000000e+00 : f32
        %mul3A_282 = vector.broadcast %mul3A_281 : f32 to vector<16xf32>
        %mul3A_283 = arith.mulf %add3A_280, %mul3A_282 : vector<16xf32>
        %exp3A_284 = math.exp %mul3A_283 : vector<16xf32>
        %add3A_285 = arith.constant 1.000000e+00 : f32
        %add3A_286 = vector.broadcast %add3A_285 : f32 to vector<16xf32>
        %add3A_287 = arith.addf %exp3A_284, %add3A_286 : vector<16xf32>
        %div3A_288 = arith.constant 2.000000e+00 : f32
        %div3A_289 = vector.broadcast %div3A_288 : f32 to vector<16xf32>
        %div3A_290 = arith.divf %div3A_289, %add3A_287 : vector<16xf32>
        %sub3A_291 = arith.constant 1.000000e+00 : f32
        %sub3A_292 = vector.broadcast %sub3A_291 : f32 to vector<16xf32>
        %sub3A_293 = arith.subf %sub3A_292, %div3A_290 : vector<16xf32>
        %swap3A_294 = arith.constant 1 : i32
        %swap3A_295 = arith.index_cast %swap3A_294 : i32 to index
        %swap3A_296 = arith.constant 0 : index
        %swap3A_297 = tpu.vector_load %arg7[%swap3A_295, %swap3A_296] {strides = array<i32>} : memref<26x16xf32, #tpu.memory_space<vmem>>, vector<1x16xf32>,
        %swap3A_298 = vector.shape_cast %swap3A_297 : vector<1x16xf32> to vector<16xf32>
        %swap3A_299 = vector.shape_cast %sub3A_293 : vector<16xf32> to vector<1x16xf32>
        tpu.vector_store %arg7[%swap3A_295, %swap3A_296], %swap3A_299 {strides = array<i32>} : memref<26x16xf32, #tpu.memory_space<vmem>>, vector<1x16xf32>,
        %get3A_300 = arith.constant 15 : i32
        %get3A_301 = arith.index_cast %get3A_300 : i32 to index
        %get3A_302 = memref.load %arg8[%get3A_301] : memref<130xf32, #tpu.memory_space<smem>>
        %mul3A_303 = vector.broadcast %get3A_302 : f32 to vector<16xf32>
        %mul3A_304 = arith.mulf %get3A_73, %mul3A_303 : vector<16xf32>
        %get3A_305 = arith.constant 36 : i32
        %get3A_306 = arith.index_cast %get3A_305 : i32 to index
        %get3A_307 = memref.load %arg8[%get3A_306] : memref<130xf32, #tpu.memory_space<smem>>
        %mul3A_308 = vector.broadcast %get3A_307 : f32 to vector<16xf32>
        %mul3A_309 = arith.mulf %get3A_97, %mul3A_308 : vector<16xf32>
        %get3A_310 = arith.constant 45 : i32
        %get3A_311 = arith.index_cast %get3A_310 : i32 to index
        %get3A_312 = memref.load %arg8[%get3A_311] : memref<130xf32, #tpu.memory_space<smem>>
        %mul3A_313 = vector.broadcast %get3A_312 : f32 to vector<16xf32>
        %mul3A_314 = arith.mulf %get3A_109, %mul3A_313 : vector<16xf32>
        %get3A_315 = arith.constant 66 : i32
        %get3A_316 = arith.index_cast %get3A_315 : i32 to index
        %get3A_317 = memref.load %arg8[%get3A_316] : memref<130xf32, #tpu.memory_space<smem>>
        %mul3A_318 = vector.broadcast %get3A_317 : f32 to vector<16xf32>
        %mul3A_319 = arith.mulf %get3A_133, %mul3A_318 : vector<16xf32>
        %get3A_320 = arith.constant 75 : i32
        %get3A_321 = arith.index_cast %get3A_320 : i32 to index
        %get3A_322 = memref.load %arg8[%get3A_321] : memref<130xf32, #tpu.memory_space<smem>>
        %mul3A_323 = vector.broadcast %get3A_322 : f32 to vector<16xf32>
        %mul3A_324 = arith.mulf %get3A_145, %mul3A_323 : vector<16xf32>
        %add3A_325 = arith.addf %mul3A_304, %mul3A_309 : vector<16xf32>
        %add3A_326 = arith.addf %mul3A_314, %mul3A_319 : vector<16xf32>
        %add3A_327 = arith.addf %add3A_325, %add3A_326 : vector<16xf32>
        %add3A_328 = arith.addf %add3A_327, %mul3A_324 : vector<16xf32>
        %mul3A_329 = arith.constant 2.000000e+00 : f32
        %mul3A_330 = vector.broadcast %mul3A_329 : f32 to vector<16xf32>
        %mul3A_331 = arith.mulf %add3A_328, %mul3A_330 : vector<16xf32>
        %exp3A_332 = math.exp %mul3A_331 : vector<16xf32>
        %add3A_333 = arith.constant 1.000000e+00 : f32
        %add3A_334 = vector.broadcast %add3A_333 : f32 to vector<16xf32>
        %add3A_335 = arith.addf %exp3A_332, %add3A_334 : vector<16xf32>
        %div3A_336 = arith.constant 2.000000e+00 : f32
        %div3A_337 = vector.broadcast %div3A_336 : f32 to vector<16xf32>
        %div3A_338 = arith.divf %div3A_337, %add3A_335 : vector<16xf32>
        %sub3A_339 = arith.constant 1.000000e+00 : f32
        %sub3A_340 = vector.broadcast %sub3A_339 : f32 to vector<16xf32>
        %sub3A_341 = arith.subf %sub3A_340, %div3A_338 : vector<16xf32>
        %swap3A_342 = arith.constant 2 : i32
        %swap3A_343 = arith.index_cast %swap3A_342 : i32 to index
        %swap3A_344 = arith.constant 0 : index
        %swap3A_345 = tpu.vector_load %arg7[%swap3A_343, %swap3A_344] {strides = array<i32>} : memref<26x16xf32, #tpu.memory_space<vmem>>, vector<1x16xf32>,
        %swap3A_346 = vector.shape_cast %swap3A_345 : vector<1x16xf32> to vector<16xf32>
        %swap3A_347 = vector.shape_cast %sub3A_341 : vector<16xf32> to vector<1x16xf32>
        tpu.vector_store %arg7[%swap3A_343, %swap3A_344], %swap3A_347 {strides = array<i32>} : memref<26x16xf32, #tpu.memory_space<vmem>>, vector<1x16xf32>,
        %get3A_348 = arith.constant 20 : i32
        %get3A_349 = arith.index_cast %get3A_348 : i32 to index
        %get3A_350 = memref.load %arg8[%get3A_349] : memref<130xf32, #tpu.memory_space<smem>>
        %mul3A_351 = vector.broadcast %get3A_350 : f32 to vector<16xf32>
        %mul3A_352 = arith.mulf %get3A_79, %mul3A_351 : vector<16xf32>
        %get3A_353 = arith.constant 41 : i32
        %get3A_354 = arith.index_cast %get3A_353 : i32 to index
        %get3A_355 = memref.load %arg8[%get3A_354] : memref<130xf32, #tpu.memory_space<smem>>
        %mul3A_356 = vector.broadcast %get3A_355 : f32 to vector<16xf32>
        %mul3A_357 = arith.mulf %get3A_103, %mul3A_356 : vector<16xf32>
        %get3A_358 = arith.constant 50 : i32
        %get3A_359 = arith.index_cast %get3A_358 : i32 to index
        %get3A_360 = memref.load %arg8[%get3A_359] : memref<130xf32, #tpu.memory_space<smem>>
        %mul3A_361 = vector.broadcast %get3A_360 : f32 to vector<16xf32>
        %mul3A_362 = arith.mulf %get3A_115, %mul3A_361 : vector<16xf32>
        %get3A_363 = arith.constant 71 : i32
        %get3A_364 = arith.index_cast %get3A_363 : i32 to index
        %get3A_365 = memref.load %arg8[%get3A_364] : memref<130xf32, #tpu.memory_space<smem>>
        %mul3A_366 = vector.broadcast %get3A_365 : f32 to vector<16xf32>
        %mul3A_367 = arith.mulf %get3A_139, %mul3A_366 : vector<16xf32>
        %get3A_368 = arith.constant 80 : i32
        %get3A_369 = arith.index_cast %get3A_368 : i32 to index
        %get3A_370 = memref.load %arg8[%get3A_369] : memref<130xf32, #tpu.memory_space<smem>>
        %mul3A_371 = vector.broadcast %get3A_370 : f32 to vector<16xf32>
        %mul3A_372 = arith.mulf %get3A_151, %mul3A_371 : vector<16xf32>
        %add3A_373 = arith.addf %mul3A_352, %mul3A_357 : vector<16xf32>
        %add3A_374 = arith.addf %mul3A_362, %mul3A_367 : vector<16xf32>
        %add3A_375 = arith.addf %add3A_373, %add3A_374 : vector<16xf32>
        %add3A_376 = arith.addf %add3A_375, %mul3A_372 : vector<16xf32>
        %mul3A_377 = arith.constant 2.000000e+00 : f32
        %mul3A_378 = vector.broadcast %mul3A_377 : f32 to vector<16xf32>
        %mul3A_379 = arith.mulf %add3A_376, %mul3A_378 : vector<16xf32>
        %exp3A_380 = math.exp %mul3A_379 : vector<16xf32>
        %add3A_381 = arith.constant 1.000000e+00 : f32
        %add3A_382 = vector.broadcast %add3A_381 : f32 to vector<16xf32>
        %add3A_383 = arith.addf %exp3A_380, %add3A_382 : vector<16xf32>
        %div3A_384 = arith.constant 2.000000e+00 : f32
        %div3A_385 = vector.broadcast %div3A_384 : f32 to vector<16xf32>
        %div3A_386 = arith.divf %div3A_385, %add3A_383 : vector<16xf32>
        %sub3A_387 = arith.constant 1.000000e+00 : f32
        %sub3A_388 = vector.broadcast %sub3A_387 : f32 to vector<16xf32>
        %sub3A_389 = arith.subf %sub3A_388, %div3A_386 : vector<16xf32>
        %swap3A_390 = arith.constant 3 : i32
        %swap3A_391 = arith.index_cast %swap3A_390 : i32 to index
        %swap3A_392 = arith.constant 0 : index
        %swap3A_393 = tpu.vector_load %arg7[%swap3A_391, %swap3A_392] {strides = array<i32>} : memref<26x16xf32, #tpu.memory_space<vmem>>, vector<1x16xf32>,
        %swap3A_394 = vector.shape_cast %swap3A_393 : vector<1x16xf32> to vector<16xf32>
        %swap3A_395 = vector.shape_cast %sub3A_389 : vector<16xf32> to vector<1x16xf32>
        tpu.vector_store %arg7[%swap3A_391, %swap3A_392], %swap3A_395 {strides = array<i32>} : memref<26x16xf32, #tpu.memory_space<vmem>>, vector<1x16xf32>,
        %get3A_396 = arith.constant 26 : i32
        %get3A_397 = arith.index_cast %get3A_396 : i32 to index
        %get3A_398 = memref.load %arg8[%get3A_397] : memref<130xf32, #tpu.memory_space<smem>>
        %mul3A_399 = vector.broadcast %get3A_398 : f32 to vector<16xf32>
        %mul3A_400 = arith.mulf %get3A_85, %mul3A_399 : vector<16xf32>
        %get3A_401 = arith.constant 46 : i32
        %get3A_402 = arith.index_cast %get3A_401 : i32 to index
        %get3A_403 = memref.load %arg8[%get3A_402] : memref<130xf32, #tpu.memory_space<smem>>
        %mul3A_404 = vector.broadcast %get3A_403 : f32 to vector<16xf32>
        %mul3A_405 = arith.mulf %get3A_109, %mul3A_404 : vector<16xf32>
        %get3A_406 = arith.constant 56 : i32
        %get3A_407 = arith.index_cast %get3A_406 : i32 to index
        %get3A_408 = memref.load %arg8[%get3A_407] : memref<130xf32, #tpu.memory_space<smem>>
        %mul3A_409 = vector.broadcast %get3A_408 : f32 to vector<16xf32>
        %mul3A_410 = arith.mulf %get3A_121, %mul3A_409 : vector<16xf32>
        %get3A_411 = arith.constant 76 : i32
        %get3A_412 = arith.index_cast %get3A_411 : i32 to index
        %get3A_413 = memref.load %arg8[%get3A_412] : memref<130xf32, #tpu.memory_space<smem>>
        %mul3A_414 = vector.broadcast %get3A_413 : f32 to vector<16xf32>
        %mul3A_415 = arith.mulf %get3A_145, %mul3A_414 : vector<16xf32>
        %get3A_416 = arith.constant 85 : i32
        %get3A_417 = arith.index_cast %get3A_416 : i32 to index
        %get3A_418 = memref.load %arg8[%get3A_417] : memref<130xf32, #tpu.memory_space<smem>>
        %mul3A_419 = vector.broadcast %get3A_418 : f32 to vector<16xf32>
        %mul3A_420 = arith.mulf %get3A_157, %mul3A_419 : vector<16xf32>
        %add3A_421 = arith.addf %mul3A_400, %mul3A_405 : vector<16xf32>
        %add3A_422 = arith.addf %mul3A_410, %mul3A_415 : vector<16xf32>
        %add3A_423 = arith.addf %add3A_421, %add3A_422 : vector<16xf32>
        %add3A_424 = arith.addf %add3A_423, %mul3A_420 : vector<16xf32>
        %mul3A_425 = arith.constant 2.000000e+00 : f32
        %mul3A_426 = vector.broadcast %mul3A_425 : f32 to vector<16xf32>
        %mul3A_427 = arith.mulf %add3A_424, %mul3A_426 : vector<16xf32>
        %exp3A_428 = math.exp %mul3A_427 : vector<16xf32>
        %add3A_429 = arith.constant 1.000000e+00 : f32
        %add3A_430 = vector.broadcast %add3A_429 : f32 to vector<16xf32>
        %add3A_431 = arith.addf %exp3A_428, %add3A_430 : vector<16xf32>
        %div3A_432 = arith.constant 2.000000e+00 : f32
        %div3A_433 = vector.broadcast %div3A_432 : f32 to vector<16xf32>
        %div3A_434 = arith.divf %div3A_433, %add3A_431 : vector<16xf32>
        %sub3A_435 = arith.constant 1.000000e+00 : f32
        %sub3A_436 = vector.broadcast %sub3A_435 : f32 to vector<16xf32>
        %sub3A_437 = arith.subf %sub3A_436, %div3A_434 : vector<16xf32>
        %swap3A_438 = arith.constant 4 : i32
        %swap3A_439 = arith.index_cast %swap3A_438 : i32 to index
        %swap3A_440 = arith.constant 0 : index
        %swap3A_441 = tpu.vector_load %arg7[%swap3A_439, %swap3A_440] {strides = array<i32>} : memref<26x16xf32, #tpu.memory_space<vmem>>, vector<1x16xf32>,
        %swap3A_442 = vector.shape_cast %swap3A_441 : vector<1x16xf32> to vector<16xf32>
        %swap3A_443 = vector.shape_cast %sub3A_437 : vector<16xf32> to vector<1x16xf32>
        tpu.vector_store %arg7[%swap3A_439, %swap3A_440], %swap3A_443 {strides = array<i32>} : memref<26x16xf32, #tpu.memory_space<vmem>>, vector<1x16xf32>,
        %get3A_444 = arith.constant 31 : i32
        %get3A_445 = arith.index_cast %get3A_444 : i32 to index
        %get3A_446 = memref.load %arg8[%get3A_445] : memref<130xf32, #tpu.memory_space<smem>>
        %mul3A_447 = vector.broadcast %get3A_446 : f32 to vector<16xf32>
        %mul3A_448 = arith.mulf %get3A_91, %mul3A_447 : vector<16xf32>
        %get3A_449 = arith.constant 51 : i32
        %get3A_450 = arith.index_cast %get3A_449 : i32 to index
        %get3A_451 = memref.load %arg8[%get3A_450] : memref<130xf32, #tpu.memory_space<smem>>
        %mul3A_452 = vector.broadcast %get3A_451 : f32 to vector<16xf32>
        %mul3A_453 = arith.mulf %get3A_115, %mul3A_452 : vector<16xf32>
        %get3A_454 = arith.constant 61 : i32
        %get3A_455 = arith.index_cast %get3A_454 : i32 to index
        %get3A_456 = memref.load %arg8[%get3A_455] : memref<130xf32, #tpu.memory_space<smem>>
        %mul3A_457 = vector.broadcast %get3A_456 : f32 to vector<16xf32>
        %mul3A_458 = arith.mulf %get3A_127, %mul3A_457 : vector<16xf32>
        %get3A_459 = arith.constant 81 : i32
        %get3A_460 = arith.index_cast %get3A_459 : i32 to index
        %get3A_461 = memref.load %arg8[%get3A_460] : memref<130xf32, #tpu.memory_space<smem>>
        %mul3A_462 = vector.broadcast %get3A_461 : f32 to vector<16xf32>
        %mul3A_463 = arith.mulf %get3A_151, %mul3A_462 : vector<16xf32>
        %get3A_464 = arith.constant 90 : i32
        %get3A_465 = arith.index_cast %get3A_464 : i32 to index
        %get3A_466 = memref.load %arg8[%get3A_465] : memref<130xf32, #tpu.memory_space<smem>>
        %mul3A_467 = vector.broadcast %get3A_466 : f32 to vector<16xf32>
        %mul3A_468 = arith.mulf %get3A_163, %mul3A_467 : vector<16xf32>
        %add3A_469 = arith.addf %mul3A_448, %mul3A_453 : vector<16xf32>
        %add3A_470 = arith.addf %mul3A_458, %mul3A_463 : vector<16xf32>
        %add3A_471 = arith.addf %add3A_469, %add3A_470 : vector<16xf32>
        %add3A_472 = arith.addf %add3A_471, %mul3A_468 : vector<16xf32>
        %mul3A_473 = arith.constant 2.000000e+00 : f32
        %mul3A_474 = vector.broadcast %mul3A_473 : f32 to vector<16xf32>
        %mul3A_475 = arith.mulf %add3A_472, %mul3A_474 : vector<16xf32>
        %exp3A_476 = math.exp %mul3A_475 : vector<16xf32>
        %add3A_477 = arith.constant 1.000000e+00 : f32
        %add3A_478 = vector.broadcast %add3A_477 : f32 to vector<16xf32>
        %add3A_479 = arith.addf %exp3A_476, %add3A_478 : vector<16xf32>
        %div3A_480 = arith.constant 2.000000e+00 : f32
        %div3A_481 = vector.broadcast %div3A_480 : f32 to vector<16xf32>
        %div3A_482 = arith.divf %div3A_481, %add3A_479 : vector<16xf32>
        %sub3A_483 = arith.constant 1.000000e+00 : f32
        %sub3A_484 = vector.broadcast %sub3A_483 : f32 to vector<16xf32>
        %sub3A_485 = arith.subf %sub3A_484, %div3A_482 : vector<16xf32>
        %swap3A_486 = arith.constant 5 : i32
        %swap3A_487 = arith.index_cast %swap3A_486 : i32 to index
        %swap3A_488 = arith.constant 0 : index
        %swap3A_489 = tpu.vector_load %arg7[%swap3A_487, %swap3A_488] {strides = array<i32>} : memref<26x16xf32, #tpu.memory_space<vmem>>, vector<1x16xf32>,
        %swap3A_490 = vector.shape_cast %swap3A_489 : vector<1x16xf32> to vector<16xf32>
        %swap3A_491 = vector.shape_cast %sub3A_485 : vector<16xf32> to vector<1x16xf32>
        tpu.vector_store %arg7[%swap3A_487, %swap3A_488], %swap3A_491 {strides = array<i32>} : memref<26x16xf32, #tpu.memory_space<vmem>>, vector<1x16xf32>,
        %get3A_492 = arith.constant 37 : i32
        %get3A_493 = arith.index_cast %get3A_492 : i32 to index
        %get3A_494 = memref.load %arg8[%get3A_493] : memref<130xf32, #tpu.memory_space<smem>>
        %mul3A_495 = vector.broadcast %get3A_494 : f32 to vector<16xf32>
        %mul3A_496 = arith.mulf %get3A_97, %mul3A_495 : vector<16xf32>
        %get3A_497 = arith.constant 57 : i32
        %get3A_498 = arith.index_cast %get3A_497 : i32 to index
        %get3A_499 = memref.load %arg8[%get3A_498] : memref<130xf32, #tpu.memory_space<smem>>
        %mul3A_500 = vector.broadcast %get3A_499 : f32 to vector<16xf32>
        %mul3A_501 = arith.mulf %get3A_121, %mul3A_500 : vector<16xf32>
        %get3A_502 = arith.constant 67 : i32
        %get3A_503 = arith.index_cast %get3A_502 : i32 to index
        %get3A_504 = memref.load %arg8[%get3A_503] : memref<130xf32, #tpu.memory_space<smem>>
        %mul3A_505 = vector.broadcast %get3A_504 : f32 to vector<16xf32>
        %mul3A_506 = arith.mulf %get3A_133, %mul3A_505 : vector<16xf32>
        %get3A_507 = arith.constant 86 : i32
        %get3A_508 = arith.index_cast %get3A_507 : i32 to index
        %get3A_509 = memref.load %arg8[%get3A_508] : memref<130xf32, #tpu.memory_space<smem>>
        %mul3A_510 = vector.broadcast %get3A_509 : f32 to vector<16xf32>
        %mul3A_511 = arith.mulf %get3A_157, %mul3A_510 : vector<16xf32>
        %get3A_512 = arith.constant 95 : i32
        %get3A_513 = arith.index_cast %get3A_512 : i32 to index
        %get3A_514 = memref.load %arg8[%get3A_513] : memref<130xf32, #tpu.memory_space<smem>>
        %mul3A_515 = vector.broadcast %get3A_514 : f32 to vector<16xf32>
        %mul3A_516 = arith.mulf %get3A_169, %mul3A_515 : vector<16xf32>
        %add3A_517 = arith.addf %mul3A_496, %mul3A_501 : vector<16xf32>
        %add3A_518 = arith.addf %mul3A_506, %mul3A_511 : vector<16xf32>
        %add3A_519 = arith.addf %add3A_517, %add3A_518 : vector<16xf32>
        %add3A_520 = arith.addf %add3A_519, %mul3A_516 : vector<16xf32>
        %mul3A_521 = arith.constant 2.000000e+00 : f32
        %mul3A_522 = vector.broadcast %mul3A_521 : f32 to vector<16xf32>
        %mul3A_523 = arith.mulf %add3A_520, %mul3A_522 : vector<16xf32>
        %exp3A_524 = math.exp %mul3A_523 : vector<16xf32>
        %add3A_525 = arith.constant 1.000000e+00 : f32
        %add3A_526 = vector.broadcast %add3A_525 : f32 to vector<16xf32>
        %add3A_527 = arith.addf %exp3A_524, %add3A_526 : vector<16xf32>
        %div3A_528 = arith.constant 2.000000e+00 : f32
        %div3A_529 = vector.broadcast %div3A_528 : f32 to vector<16xf32>
        %div3A_530 = arith.divf %div3A_529, %add3A_527 : vector<16xf32>
        %sub3A_531 = arith.constant 1.000000e+00 : f32
        %sub3A_532 = vector.broadcast %sub3A_531 : f32 to vector<16xf32>
        %sub3A_533 = arith.subf %sub3A_532, %div3A_530 : vector<16xf32>
        %swap3A_534 = arith.constant 6 : i32
        %swap3A_535 = arith.index_cast %swap3A_534 : i32 to index
        %swap3A_536 = arith.constant 0 : index
        %swap3A_537 = tpu.vector_load %arg7[%swap3A_535, %swap3A_536] {strides = array<i32>} : memref<26x16xf32, #tpu.memory_space<vmem>>, vector<1x16xf32>,
        %swap3A_538 = vector.shape_cast %swap3A_537 : vector<1x16xf32> to vector<16xf32>
        %swap3A_539 = vector.shape_cast %sub3A_533 : vector<16xf32> to vector<1x16xf32>
        tpu.vector_store %arg7[%swap3A_535, %swap3A_536], %swap3A_539 {strides = array<i32>} : memref<26x16xf32, #tpu.memory_space<vmem>>, vector<1x16xf32>,
        %get3A_540 = arith.constant 42 : i32
        %get3A_541 = arith.index_cast %get3A_540 : i32 to index
        %get3A_542 = memref.load %arg8[%get3A_541] : memref<130xf32, #tpu.memory_space<smem>>
        %mul3A_543 = vector.broadcast %get3A_542 : f32 to vector<16xf32>
        %mul3A_544 = arith.mulf %get3A_103, %mul3A_543 : vector<16xf32>
        %get3A_545 = arith.constant 62 : i32
        %get3A_546 = arith.index_cast %get3A_545 : i32 to index
        %get3A_547 = memref.load %arg8[%get3A_546] : memref<130xf32, #tpu.memory_space<smem>>
        %mul3A_548 = vector.broadcast %get3A_547 : f32 to vector<16xf32>
        %mul3A_549 = arith.mulf %get3A_127, %mul3A_548 : vector<16xf32>
        %get3A_550 = arith.constant 72 : i32
        %get3A_551 = arith.index_cast %get3A_550 : i32 to index
        %get3A_552 = memref.load %arg8[%get3A_551] : memref<130xf32, #tpu.memory_space<smem>>
        %mul3A_553 = vector.broadcast %get3A_552 : f32 to vector<16xf32>
        %mul3A_554 = arith.mulf %get3A_139, %mul3A_553 : vector<16xf32>
        %get3A_555 = arith.constant 91 : i32
        %get3A_556 = arith.index_cast %get3A_555 : i32 to index
        %get3A_557 = memref.load %arg8[%get3A_556] : memref<130xf32, #tpu.memory_space<smem>>
        %mul3A_558 = vector.broadcast %get3A_557 : f32 to vector<16xf32>
        %mul3A_559 = arith.mulf %get3A_163, %mul3A_558 : vector<16xf32>
        %get3A_560 = arith.constant 100 : i32
        %get3A_561 = arith.index_cast %get3A_560 : i32 to index
        %get3A_562 = memref.load %arg8[%get3A_561] : memref<130xf32, #tpu.memory_space<smem>>
        %mul3A_563 = vector.broadcast %get3A_562 : f32 to vector<16xf32>
        %mul3A_564 = arith.mulf %get3A_175, %mul3A_563 : vector<16xf32>
        %add3A_565 = arith.addf %mul3A_544, %mul3A_549 : vector<16xf32>
        %add3A_566 = arith.addf %mul3A_554, %mul3A_559 : vector<16xf32>
        %add3A_567 = arith.addf %add3A_565, %add3A_566 : vector<16xf32>
        %add3A_568 = arith.addf %add3A_567, %mul3A_564 : vector<16xf32>
        %mul3A_569 = arith.constant 2.000000e+00 : f32
        %mul3A_570 = vector.broadcast %mul3A_569 : f32 to vector<16xf32>
        %mul3A_571 = arith.mulf %add3A_568, %mul3A_570 : vector<16xf32>
        %exp3A_572 = math.exp %mul3A_571 : vector<16xf32>
        %add3A_573 = arith.constant 1.000000e+00 : f32
        %add3A_574 = vector.broadcast %add3A_573 : f32 to vector<16xf32>
        %add3A_575 = arith.addf %exp3A_572, %add3A_574 : vector<16xf32>
        %div3A_576 = arith.constant 2.000000e+00 : f32
        %div3A_577 = vector.broadcast %div3A_576 : f32 to vector<16xf32>
        %div3A_578 = arith.divf %div3A_577, %add3A_575 : vector<16xf32>
        %sub3A_579 = arith.constant 1.000000e+00 : f32
        %sub3A_580 = vector.broadcast %sub3A_579 : f32 to vector<16xf32>
        %sub3A_581 = arith.subf %sub3A_580, %div3A_578 : vector<16xf32>
        %swap3A_582 = arith.constant 7 : i32
        %swap3A_583 = arith.index_cast %swap3A_582 : i32 to index
        %swap3A_584 = arith.constant 0 : index
        %swap3A_585 = tpu.vector_load %arg7[%swap3A_583, %swap3A_584] {strides = array<i32>} : memref<26x16xf32, #tpu.memory_space<vmem>>, vector<1x16xf32>,
        %swap3A_586 = vector.shape_cast %swap3A_585 : vector<1x16xf32> to vector<16xf32>
        %swap3A_587 = vector.shape_cast %sub3A_581 : vector<16xf32> to vector<1x16xf32>
        tpu.vector_store %arg7[%swap3A_583, %swap3A_584], %swap3A_587 {strides = array<i32>} : memref<26x16xf32, #tpu.memory_space<vmem>>, vector<1x16xf32>,
        %get3A_588 = arith.constant 47 : i32
        %get3A_589 = arith.index_cast %get3A_588 : i32 to index
        %get3A_590 = memref.load %arg8[%get3A_589] : memref<130xf32, #tpu.memory_space<smem>>
        %mul3A_591 = vector.broadcast %get3A_590 : f32 to vector<16xf32>
        %mul3A_592 = arith.mulf %get3A_109, %mul3A_591 : vector<16xf32>
        %get3A_593 = arith.constant 68 : i32
        %get3A_594 = arith.index_cast %get3A_593 : i32 to index
        %get3A_595 = memref.load %arg8[%get3A_594] : memref<130xf32, #tpu.memory_space<smem>>
        %mul3A_596 = vector.broadcast %get3A_595 : f32 to vector<16xf32>
        %mul3A_597 = arith.mulf %get3A_133, %mul3A_596 : vector<16xf32>
        %get3A_598 = arith.constant 77 : i32
        %get3A_599 = arith.index_cast %get3A_598 : i32 to index
        %get3A_600 = memref.load %arg8[%get3A_599] : memref<130xf32, #tpu.memory_space<smem>>
        %mul3A_601 = vector.broadcast %get3A_600 : f32 to vector<16xf32>
        %mul3A_602 = arith.mulf %get3A_145, %mul3A_601 : vector<16xf32>
        %get3A_603 = arith.constant 96 : i32
        %get3A_604 = arith.index_cast %get3A_603 : i32 to index
        %get3A_605 = memref.load %arg8[%get3A_604] : memref<130xf32, #tpu.memory_space<smem>>
        %mul3A_606 = vector.broadcast %get3A_605 : f32 to vector<16xf32>
        %mul3A_607 = arith.mulf %get3A_169, %mul3A_606 : vector<16xf32>
        %get3A_608 = arith.constant 105 : i32
        %get3A_609 = arith.index_cast %get3A_608 : i32 to index
        %get3A_610 = memref.load %arg8[%get3A_609] : memref<130xf32, #tpu.memory_space<smem>>
        %mul3A_611 = vector.broadcast %get3A_610 : f32 to vector<16xf32>
        %mul3A_612 = arith.mulf %get3A_181, %mul3A_611 : vector<16xf32>
        %add3A_613 = arith.addf %mul3A_592, %mul3A_597 : vector<16xf32>
        %add3A_614 = arith.addf %mul3A_602, %mul3A_607 : vector<16xf32>
        %add3A_615 = arith.addf %add3A_613, %add3A_614 : vector<16xf32>
        %add3A_616 = arith.addf %add3A_615, %mul3A_612 : vector<16xf32>
        %mul3A_617 = arith.constant 2.000000e+00 : f32
        %mul3A_618 = vector.broadcast %mul3A_617 : f32 to vector<16xf32>
        %mul3A_619 = arith.mulf %add3A_616, %mul3A_618 : vector<16xf32>
        %exp3A_620 = math.exp %mul3A_619 : vector<16xf32>
        %add3A_621 = arith.constant 1.000000e+00 : f32
        %add3A_622 = vector.broadcast %add3A_621 : f32 to vector<16xf32>
        %add3A_623 = arith.addf %exp3A_620, %add3A_622 : vector<16xf32>
        %div3A_624 = arith.constant 2.000000e+00 : f32
        %div3A_625 = vector.broadcast %div3A_624 : f32 to vector<16xf32>
        %div3A_626 = arith.divf %div3A_625, %add3A_623 : vector<16xf32>
        %sub3A_627 = arith.constant 1.000000e+00 : f32
        %sub3A_628 = vector.broadcast %sub3A_627 : f32 to vector<16xf32>
        %sub3A_629 = arith.subf %sub3A_628, %div3A_626 : vector<16xf32>
        %swap3A_630 = arith.constant 8 : i32
        %swap3A_631 = arith.index_cast %swap3A_630 : i32 to index
        %swap3A_632 = arith.constant 0 : index
        %swap3A_633 = tpu.vector_load %arg7[%swap3A_631, %swap3A_632] {strides = array<i32>} : memref<26x16xf32, #tpu.memory_space<vmem>>, vector<1x16xf32>,
        %swap3A_634 = vector.shape_cast %swap3A_633 : vector<1x16xf32> to vector<16xf32>
        %swap3A_635 = vector.shape_cast %sub3A_629 : vector<16xf32> to vector<1x16xf32>
        tpu.vector_store %arg7[%swap3A_631, %swap3A_632], %swap3A_635 {strides = array<i32>} : memref<26x16xf32, #tpu.memory_space<vmem>>, vector<1x16xf32>,
        %get3A_636 = arith.constant 52 : i32
        %get3A_637 = arith.index_cast %get3A_636 : i32 to index
        %get3A_638 = memref.load %arg8[%get3A_637] : memref<130xf32, #tpu.memory_space<smem>>
        %mul3A_639 = vector.broadcast %get3A_638 : f32 to vector<16xf32>
        %mul3A_640 = arith.mulf %get3A_115, %mul3A_639 : vector<16xf32>
        %get3A_641 = arith.constant 73 : i32
        %get3A_642 = arith.index_cast %get3A_641 : i32 to index
        %get3A_643 = memref.load %arg8[%get3A_642] : memref<130xf32, #tpu.memory_space<smem>>
        %mul3A_644 = vector.broadcast %get3A_643 : f32 to vector<16xf32>
        %mul3A_645 = arith.mulf %get3A_139, %mul3A_644 : vector<16xf32>
        %get3A_646 = arith.constant 82 : i32
        %get3A_647 = arith.index_cast %get3A_646 : i32 to index
        %get3A_648 = memref.load %arg8[%get3A_647] : memref<130xf32, #tpu.memory_space<smem>>
        %mul3A_649 = vector.broadcast %get3A_648 : f32 to vector<16xf32>
        %mul3A_650 = arith.mulf %get3A_151, %mul3A_649 : vector<16xf32>
        %get3A_651 = arith.constant 101 : i32
        %get3A_652 = arith.index_cast %get3A_651 : i32 to index
        %get3A_653 = memref.load %arg8[%get3A_652] : memref<130xf32, #tpu.memory_space<smem>>
        %mul3A_654 = vector.broadcast %get3A_653 : f32 to vector<16xf32>
        %mul3A_655 = arith.mulf %get3A_175, %mul3A_654 : vector<16xf32>
        %get3A_656 = arith.constant 110 : i32
        %get3A_657 = arith.index_cast %get3A_656 : i32 to index
        %get3A_658 = memref.load %arg8[%get3A_657] : memref<130xf32, #tpu.memory_space<smem>>
        %mul3A_659 = vector.broadcast %get3A_658 : f32 to vector<16xf32>
        %mul3A_660 = arith.mulf %get3A_187, %mul3A_659 : vector<16xf32>
        %add3A_661 = arith.addf %mul3A_640, %mul3A_645 : vector<16xf32>
        %add3A_662 = arith.addf %mul3A_650, %mul3A_655 : vector<16xf32>
        %add3A_663 = arith.addf %add3A_661, %add3A_662 : vector<16xf32>
        %add3A_664 = arith.addf %add3A_663, %mul3A_660 : vector<16xf32>
        %mul3A_665 = arith.constant 2.000000e+00 : f32
        %mul3A_666 = vector.broadcast %mul3A_665 : f32 to vector<16xf32>
        %mul3A_667 = arith.mulf %add3A_664, %mul3A_666 : vector<16xf32>
        %exp3A_668 = math.exp %mul3A_667 : vector<16xf32>
        %add3A_669 = arith.constant 1.000000e+00 : f32
        %add3A_670 = vector.broadcast %add3A_669 : f32 to vector<16xf32>
        %add3A_671 = arith.addf %exp3A_668, %add3A_670 : vector<16xf32>
        %div3A_672 = arith.constant 2.000000e+00 : f32
        %div3A_673 = vector.broadcast %div3A_672 : f32 to vector<16xf32>
        %div3A_674 = arith.divf %div3A_673, %add3A_671 : vector<16xf32>
        %sub3A_675 = arith.constant 1.000000e+00 : f32
        %sub3A_676 = vector.broadcast %sub3A_675 : f32 to vector<16xf32>
        %sub3A_677 = arith.subf %sub3A_676, %div3A_674 : vector<16xf32>
        %swap3A_678 = arith.constant 9 : i32
        %swap3A_679 = arith.index_cast %swap3A_678 : i32 to index
        %swap3A_680 = arith.constant 0 : index
        %swap3A_681 = tpu.vector_load %arg7[%swap3A_679, %swap3A_680] {strides = array<i32>} : memref<26x16xf32, #tpu.memory_space<vmem>>, vector<1x16xf32>,
        %swap3A_682 = vector.shape_cast %swap3A_681 : vector<1x16xf32> to vector<16xf32>
        %swap3A_683 = vector.shape_cast %sub3A_677 : vector<16xf32> to vector<1x16xf32>
        tpu.vector_store %arg7[%swap3A_679, %swap3A_680], %swap3A_683 {strides = array<i32>} : memref<26x16xf32, #tpu.memory_space<vmem>>, vector<1x16xf32>,
        %get3A_684 = arith.constant 58 : i32
        %get3A_685 = arith.index_cast %get3A_684 : i32 to index
        %get3A_686 = memref.load %arg8[%get3A_685] : memref<130xf32, #tpu.memory_space<smem>>
        %mul3A_687 = vector.broadcast %get3A_686 : f32 to vector<16xf32>
        %mul3A_688 = arith.mulf %get3A_121, %mul3A_687 : vector<16xf32>
        %get3A_689 = arith.constant 78 : i32
        %get3A_690 = arith.index_cast %get3A_689 : i32 to index
        %get3A_691 = memref.load %arg8[%get3A_690] : memref<130xf32, #tpu.memory_space<smem>>
        %mul3A_692 = vector.broadcast %get3A_691 : f32 to vector<16xf32>
        %mul3A_693 = arith.mulf %get3A_145, %mul3A_692 : vector<16xf32>
        %get3A_694 = arith.constant 87 : i32
        %get3A_695 = arith.index_cast %get3A_694 : i32 to index
        %get3A_696 = memref.load %arg8[%get3A_695] : memref<130xf32, #tpu.memory_space<smem>>
        %mul3A_697 = vector.broadcast %get3A_696 : f32 to vector<16xf32>
        %mul3A_698 = arith.mulf %get3A_157, %mul3A_697 : vector<16xf32>
        %get3A_699 = arith.constant 106 : i32
        %get3A_700 = arith.index_cast %get3A_699 : i32 to index
        %get3A_701 = memref.load %arg8[%get3A_700] : memref<130xf32, #tpu.memory_space<smem>>
        %mul3A_702 = vector.broadcast %get3A_701 : f32 to vector<16xf32>
        %mul3A_703 = arith.mulf %get3A_181, %mul3A_702 : vector<16xf32>
        %get3A_704 = arith.constant 115 : i32
        %get3A_705 = arith.index_cast %get3A_704 : i32 to index
        %get3A_706 = memref.load %arg8[%get3A_705] : memref<130xf32, #tpu.memory_space<smem>>
        %mul3A_707 = vector.broadcast %get3A_706 : f32 to vector<16xf32>
        %mul3A_708 = arith.mulf %get3A_193, %mul3A_707 : vector<16xf32>
        %add3A_709 = arith.addf %mul3A_688, %mul3A_693 : vector<16xf32>
        %add3A_710 = arith.addf %mul3A_698, %mul3A_703 : vector<16xf32>
        %add3A_711 = arith.addf %add3A_709, %add3A_710 : vector<16xf32>
        %add3A_712 = arith.addf %add3A_711, %mul3A_708 : vector<16xf32>
        %mul3A_713 = arith.constant 2.000000e+00 : f32
        %mul3A_714 = vector.broadcast %mul3A_713 : f32 to vector<16xf32>
        %mul3A_715 = arith.mulf %add3A_712, %mul3A_714 : vector<16xf32>
        %exp3A_716 = math.exp %mul3A_715 : vector<16xf32>
        %add3A_717 = arith.constant 1.000000e+00 : f32
        %add3A_718 = vector.broadcast %add3A_717 : f32 to vector<16xf32>
        %add3A_719 = arith.addf %exp3A_716, %add3A_718 : vector<16xf32>
        %div3A_720 = arith.constant 2.000000e+00 : f32
        %div3A_721 = vector.broadcast %div3A_720 : f32 to vector<16xf32>
        %div3A_722 = arith.divf %div3A_721, %add3A_719 : vector<16xf32>
        %sub3A_723 = arith.constant 1.000000e+00 : f32
        %sub3A_724 = vector.broadcast %sub3A_723 : f32 to vector<16xf32>
        %sub3A_725 = arith.subf %sub3A_724, %div3A_722 : vector<16xf32>
        %swap3A_726 = arith.constant 10 : i32
        %swap3A_727 = arith.index_cast %swap3A_726 : i32 to index
        %swap3A_728 = arith.constant 0 : index
        %swap3A_729 = tpu.vector_load %arg7[%swap3A_727, %swap3A_728] {strides = array<i32>} : memref<26x16xf32, #tpu.memory_space<vmem>>, vector<1x16xf32>,
        %swap3A_730 = vector.shape_cast %swap3A_729 : vector<1x16xf32> to vector<16xf32>
        %swap3A_731 = vector.shape_cast %sub3A_725 : vector<16xf32> to vector<1x16xf32>
        tpu.vector_store %arg7[%swap3A_727, %swap3A_728], %swap3A_731 {strides = array<i32>} : memref<26x16xf32, #tpu.memory_space<vmem>>, vector<1x16xf32>,
        %get3A_732 = arith.constant 63 : i32
        %get3A_733 = arith.index_cast %get3A_732 : i32 to index
        %get3A_734 = memref.load %arg8[%get3A_733] : memref<130xf32, #tpu.memory_space<smem>>
        %mul3A_735 = vector.broadcast %get3A_734 : f32 to vector<16xf32>
        %mul3A_736 = arith.mulf %get3A_127, %mul3A_735 : vector<16xf32>
        %get3A_737 = arith.constant 83 : i32
        %get3A_738 = arith.index_cast %get3A_737 : i32 to index
        %get3A_739 = memref.load %arg8[%get3A_738] : memref<130xf32, #tpu.memory_space<smem>>
        %mul3A_740 = vector.broadcast %get3A_739 : f32 to vector<16xf32>
        %mul3A_741 = arith.mulf %get3A_151, %mul3A_740 : vector<16xf32>
        %get3A_742 = arith.constant 92 : i32
        %get3A_743 = arith.index_cast %get3A_742 : i32 to index
        %get3A_744 = memref.load %arg8[%get3A_743] : memref<130xf32, #tpu.memory_space<smem>>
        %mul3A_745 = vector.broadcast %get3A_744 : f32 to vector<16xf32>
        %mul3A_746 = arith.mulf %get3A_163, %mul3A_745 : vector<16xf32>
        %get3A_747 = arith.constant 111 : i32
        %get3A_748 = arith.index_cast %get3A_747 : i32 to index
        %get3A_749 = memref.load %arg8[%get3A_748] : memref<130xf32, #tpu.memory_space<smem>>
        %mul3A_750 = vector.broadcast %get3A_749 : f32 to vector<16xf32>
        %mul3A_751 = arith.mulf %get3A_187, %mul3A_750 : vector<16xf32>
        %get3A_752 = arith.constant 120 : i32
        %get3A_753 = arith.index_cast %get3A_752 : i32 to index
        %get3A_754 = memref.load %arg8[%get3A_753] : memref<130xf32, #tpu.memory_space<smem>>
        %mul3A_755 = vector.broadcast %get3A_754 : f32 to vector<16xf32>
        %mul3A_756 = arith.mulf %get3A_199, %mul3A_755 : vector<16xf32>
        %add3A_757 = arith.addf %mul3A_736, %mul3A_741 : vector<16xf32>
        %add3A_758 = arith.addf %mul3A_746, %mul3A_751 : vector<16xf32>
        %add3A_759 = arith.addf %add3A_757, %add3A_758 : vector<16xf32>
        %add3A_760 = arith.addf %add3A_759, %mul3A_756 : vector<16xf32>
        %mul3A_761 = arith.constant 2.000000e+00 : f32
        %mul3A_762 = vector.broadcast %mul3A_761 : f32 to vector<16xf32>
        %mul3A_763 = arith.mulf %add3A_760, %mul3A_762 : vector<16xf32>
        %exp3A_764 = math.exp %mul3A_763 : vector<16xf32>
        %add3A_765 = arith.constant 1.000000e+00 : f32
        %add3A_766 = vector.broadcast %add3A_765 : f32 to vector<16xf32>
        %add3A_767 = arith.addf %exp3A_764, %add3A_766 : vector<16xf32>
        %div3A_768 = arith.constant 2.000000e+00 : f32
        %div3A_769 = vector.broadcast %div3A_768 : f32 to vector<16xf32>
        %div3A_770 = arith.divf %div3A_769, %add3A_767 : vector<16xf32>
        %sub3A_771 = arith.constant 1.000000e+00 : f32
        %sub3A_772 = vector.broadcast %sub3A_771 : f32 to vector<16xf32>
        %sub3A_773 = arith.subf %sub3A_772, %div3A_770 : vector<16xf32>
        %swap3A_774 = arith.constant 11 : i32
        %swap3A_775 = arith.index_cast %swap3A_774 : i32 to index
        %swap3A_776 = arith.constant 0 : index
        %swap3A_777 = tpu.vector_load %arg7[%swap3A_775, %swap3A_776] {strides = array<i32>} : memref<26x16xf32, #tpu.memory_space<vmem>>, vector<1x16xf32>,
        %swap3A_778 = vector.shape_cast %swap3A_777 : vector<1x16xf32> to vector<16xf32>
        %swap3A_779 = vector.shape_cast %sub3A_773 : vector<16xf32> to vector<1x16xf32>
        tpu.vector_store %arg7[%swap3A_775, %swap3A_776], %swap3A_779 {strides = array<i32>} : memref<26x16xf32, #tpu.memory_space<vmem>>, vector<1x16xf32>,
        %get3A_780 = arith.constant 69 : i32
        %get3A_781 = arith.index_cast %get3A_780 : i32 to index
        %get3A_782 = memref.load %arg8[%get3A_781] : memref<130xf32, #tpu.memory_space<smem>>
        %mul3A_783 = vector.broadcast %get3A_782 : f32 to vector<16xf32>
        %mul3A_784 = arith.mulf %get3A_133, %mul3A_783 : vector<16xf32>
        %get3A_785 = arith.constant 88 : i32
        %get3A_786 = arith.index_cast %get3A_785 : i32 to index
        %get3A_787 = memref.load %arg8[%get3A_786] : memref<130xf32, #tpu.memory_space<smem>>
        %mul3A_788 = vector.broadcast %get3A_787 : f32 to vector<16xf32>
        %mul3A_789 = arith.mulf %get3A_157, %mul3A_788 : vector<16xf32>
        %get3A_790 = arith.constant 97 : i32
        %get3A_791 = arith.index_cast %get3A_790 : i32 to index
        %get3A_792 = memref.load %arg8[%get3A_791] : memref<130xf32, #tpu.memory_space<smem>>
        %mul3A_793 = vector.broadcast %get3A_792 : f32 to vector<16xf32>
        %mul3A_794 = arith.mulf %get3A_169, %mul3A_793 : vector<16xf32>
        %get3A_795 = arith.constant 116 : i32
        %get3A_796 = arith.index_cast %get3A_795 : i32 to index
        %get3A_797 = memref.load %arg8[%get3A_796] : memref<130xf32, #tpu.memory_space<smem>>
        %mul3A_798 = vector.broadcast %get3A_797 : f32 to vector<16xf32>
        %mul3A_799 = arith.mulf %get3A_193, %mul3A_798 : vector<16xf32>
        %get3A_800 = arith.constant 125 : i32
        %get3A_801 = arith.index_cast %get3A_800 : i32 to index
        %get3A_802 = memref.load %arg8[%get3A_801] : memref<130xf32, #tpu.memory_space<smem>>
        %mul3A_803 = vector.broadcast %get3A_802 : f32 to vector<16xf32>
        %mul3A_804 = arith.mulf %get3A_205, %mul3A_803 : vector<16xf32>
        %add3A_805 = arith.addf %mul3A_784, %mul3A_789 : vector<16xf32>
        %add3A_806 = arith.addf %mul3A_794, %mul3A_799 : vector<16xf32>
        %add3A_807 = arith.addf %add3A_805, %add3A_806 : vector<16xf32>
        %add3A_808 = arith.addf %add3A_807, %mul3A_804 : vector<16xf32>
        %mul3A_809 = arith.constant 2.000000e+00 : f32
        %mul3A_810 = vector.broadcast %mul3A_809 : f32 to vector<16xf32>
        %mul3A_811 = arith.mulf %add3A_808, %mul3A_810 : vector<16xf32>
        %exp3A_812 = math.exp %mul3A_811 : vector<16xf32>
        %add3A_813 = arith.constant 1.000000e+00 : f32
        %add3A_814 = vector.broadcast %add3A_813 : f32 to vector<16xf32>
        %add3A_815 = arith.addf %exp3A_812, %add3A_814 : vector<16xf32>
        %div3A_816 = arith.constant 2.000000e+00 : f32
        %div3A_817 = vector.broadcast %div3A_816 : f32 to vector<16xf32>
        %div3A_818 = arith.divf %div3A_817, %add3A_815 : vector<16xf32>
        %sub3A_819 = arith.constant 1.000000e+00 : f32
        %sub3A_820 = vector.broadcast %sub3A_819 : f32 to vector<16xf32>
        %sub3A_821 = arith.subf %sub3A_820, %div3A_818 : vector<16xf32>
        %swap3A_822 = arith.constant 12 : i32
        %swap3A_823 = arith.index_cast %swap3A_822 : i32 to index
        %swap3A_824 = arith.constant 0 : index
        %swap3A_825 = tpu.vector_load %arg7[%swap3A_823, %swap3A_824] {strides = array<i32>} : memref<26x16xf32, #tpu.memory_space<vmem>>, vector<1x16xf32>,
        %swap3A_826 = vector.shape_cast %swap3A_825 : vector<1x16xf32> to vector<16xf32>
        %swap3A_827 = vector.shape_cast %sub3A_821 : vector<16xf32> to vector<1x16xf32>
        tpu.vector_store %arg7[%swap3A_823, %swap3A_824], %swap3A_827 {strides = array<i32>} : memref<26x16xf32, #tpu.memory_space<vmem>>, vector<1x16xf32>,
        %get3A_828 = arith.constant 74 : i32
        %get3A_829 = arith.index_cast %get3A_828 : i32 to index
        %get3A_830 = memref.load %arg8[%get3A_829] : memref<130xf32, #tpu.memory_space<smem>>
        %mul3A_831 = vector.broadcast %get3A_830 : f32 to vector<16xf32>
        %mul3A_832 = arith.mulf %get3A_139, %mul3A_831 : vector<16xf32>
        %get3A_833 = arith.constant 93 : i32
        %get3A_834 = arith.index_cast %get3A_833 : i32 to index
        %get3A_835 = memref.load %arg8[%get3A_834] : memref<130xf32, #tpu.memory_space<smem>>
        %mul3A_836 = vector.broadcast %get3A_835 : f32 to vector<16xf32>
        %mul3A_837 = arith.mulf %get3A_163, %mul3A_836 : vector<16xf32>
        %get3A_838 = arith.constant 102 : i32
        %get3A_839 = arith.index_cast %get3A_838 : i32 to index
        %get3A_840 = memref.load %arg8[%get3A_839] : memref<130xf32, #tpu.memory_space<smem>>
        %mul3A_841 = vector.broadcast %get3A_840 : f32 to vector<16xf32>
        %mul3A_842 = arith.mulf %get3A_175, %mul3A_841 : vector<16xf32>
        %get3A_843 = arith.constant 121 : i32
        %get3A_844 = arith.index_cast %get3A_843 : i32 to index
        %get3A_845 = memref.load %arg8[%get3A_844] : memref<130xf32, #tpu.memory_space<smem>>
        %mul3A_846 = vector.broadcast %get3A_845 : f32 to vector<16xf32>
        %mul3A_847 = arith.mulf %get3A_199, %mul3A_846 : vector<16xf32>
        %get3A_848 = arith.constant 0 : i32
        %get3A_849 = arith.index_cast %get3A_848 : i32 to index
        %get3A_850 = memref.load %arg8[%get3A_849] : memref<130xf32, #tpu.memory_space<smem>>
        %mul3A_851 = vector.broadcast %get3A_850 : f32 to vector<16xf32>
        %mul3A_852 = arith.mulf %get3A_55, %mul3A_851 : vector<16xf32>
        %add3A_853 = arith.addf %mul3A_832, %mul3A_837 : vector<16xf32>
        %add3A_854 = arith.addf %mul3A_842, %mul3A_847 : vector<16xf32>
        %add3A_855 = arith.addf %add3A_853, %add3A_854 : vector<16xf32>
        %add3A_856 = arith.addf %add3A_855, %mul3A_852 : vector<16xf32>
        %mul3A_857 = arith.constant 2.000000e+00 : f32
        %mul3A_858 = vector.broadcast %mul3A_857 : f32 to vector<16xf32>
        %mul3A_859 = arith.mulf %add3A_856, %mul3A_858 : vector<16xf32>
        %exp3A_860 = math.exp %mul3A_859 : vector<16xf32>
        %add3A_861 = arith.constant 1.000000e+00 : f32
        %add3A_862 = vector.broadcast %add3A_861 : f32 to vector<16xf32>
        %add3A_863 = arith.addf %exp3A_860, %add3A_862 : vector<16xf32>
        %div3A_864 = arith.constant 2.000000e+00 : f32
        %div3A_865 = vector.broadcast %div3A_864 : f32 to vector<16xf32>
        %div3A_866 = arith.divf %div3A_865, %add3A_863 : vector<16xf32>
        %sub3A_867 = arith.constant 1.000000e+00 : f32
        %sub3A_868 = vector.broadcast %sub3A_867 : f32 to vector<16xf32>
        %sub3A_869 = arith.subf %sub3A_868, %div3A_866 : vector<16xf32>
        %swap3A_870 = arith.constant 13 : i32
        %swap3A_871 = arith.index_cast %swap3A_870 : i32 to index
        %swap3A_872 = arith.constant 0 : index
        %swap3A_873 = tpu.vector_load %arg7[%swap3A_871, %swap3A_872] {strides = array<i32>} : memref<26x16xf32, #tpu.memory_space<vmem>>, vector<1x16xf32>,
        %swap3A_874 = vector.shape_cast %swap3A_873 : vector<1x16xf32> to vector<16xf32>
        %swap3A_875 = vector.shape_cast %sub3A_869 : vector<16xf32> to vector<1x16xf32>
        tpu.vector_store %arg7[%swap3A_871, %swap3A_872], %swap3A_875 {strides = array<i32>} : memref<26x16xf32, #tpu.memory_space<vmem>>, vector<1x16xf32>,
        %get3A_876 = arith.constant 79 : i32
        %get3A_877 = arith.index_cast %get3A_876 : i32 to index
        %get3A_878 = memref.load %arg8[%get3A_877] : memref<130xf32, #tpu.memory_space<smem>>
        %mul3A_879 = vector.broadcast %get3A_878 : f32 to vector<16xf32>
        %mul3A_880 = arith.mulf %get3A_145, %mul3A_879 : vector<16xf32>
        %get3A_881 = arith.constant 98 : i32
        %get3A_882 = arith.index_cast %get3A_881 : i32 to index
        %get3A_883 = memref.load %arg8[%get3A_882] : memref<130xf32, #tpu.memory_space<smem>>
        %mul3A_884 = vector.broadcast %get3A_883 : f32 to vector<16xf32>
        %mul3A_885 = arith.mulf %get3A_169, %mul3A_884 : vector<16xf32>
        %get3A_886 = arith.constant 107 : i32
        %get3A_887 = arith.index_cast %get3A_886 : i32 to index
        %get3A_888 = memref.load %arg8[%get3A_887] : memref<130xf32, #tpu.memory_space<smem>>
        %mul3A_889 = vector.broadcast %get3A_888 : f32 to vector<16xf32>
        %mul3A_890 = arith.mulf %get3A_181, %mul3A_889 : vector<16xf32>
        %get3A_891 = arith.constant 126 : i32
        %get3A_892 = arith.index_cast %get3A_891 : i32 to index
        %get3A_893 = memref.load %arg8[%get3A_892] : memref<130xf32, #tpu.memory_space<smem>>
        %mul3A_894 = vector.broadcast %get3A_893 : f32 to vector<16xf32>
        %mul3A_895 = arith.mulf %get3A_205, %mul3A_894 : vector<16xf32>
        %get3A_896 = arith.constant 6 : i32
        %get3A_897 = arith.index_cast %get3A_896 : i32 to index
        %get3A_898 = memref.load %arg8[%get3A_897] : memref<130xf32, #tpu.memory_space<smem>>
        %mul3A_899 = vector.broadcast %get3A_898 : f32 to vector<16xf32>
        %mul3A_900 = arith.mulf %get3A_61, %mul3A_899 : vector<16xf32>
        %add3A_901 = arith.addf %mul3A_880, %mul3A_885 : vector<16xf32>
        %add3A_902 = arith.addf %mul3A_890, %mul3A_895 : vector<16xf32>
        %add3A_903 = arith.addf %add3A_901, %add3A_902 : vector<16xf32>
        %add3A_904 = arith.addf %add3A_903, %mul3A_900 : vector<16xf32>
        %mul3A_905 = arith.constant 2.000000e+00 : f32
        %mul3A_906 = vector.broadcast %mul3A_905 : f32 to vector<16xf32>
        %mul3A_907 = arith.mulf %add3A_904, %mul3A_906 : vector<16xf32>
        %exp3A_908 = math.exp %mul3A_907 : vector<16xf32>
        %add3A_909 = arith.constant 1.000000e+00 : f32
        %add3A_910 = vector.broadcast %add3A_909 : f32 to vector<16xf32>
        %add3A_911 = arith.addf %exp3A_908, %add3A_910 : vector<16xf32>
        %div3A_912 = arith.constant 2.000000e+00 : f32
        %div3A_913 = vector.broadcast %div3A_912 : f32 to vector<16xf32>
        %div3A_914 = arith.divf %div3A_913, %add3A_911 : vector<16xf32>
        %sub3A_915 = arith.constant 1.000000e+00 : f32
        %sub3A_916 = vector.broadcast %sub3A_915 : f32 to vector<16xf32>
        %sub3A_917 = arith.subf %sub3A_916, %div3A_914 : vector<16xf32>
        %swap3A_918 = arith.constant 14 : i32
        %swap3A_919 = arith.index_cast %swap3A_918 : i32 to index
        %swap3A_920 = arith.constant 0 : index
        %swap3A_921 = tpu.vector_load %arg7[%swap3A_919, %swap3A_920] {strides = array<i32>} : memref<26x16xf32, #tpu.memory_space<vmem>>, vector<1x16xf32>,
        %swap3A_922 = vector.shape_cast %swap3A_921 : vector<1x16xf32> to vector<16xf32>
        %swap3A_923 = vector.shape_cast %sub3A_917 : vector<16xf32> to vector<1x16xf32>
        tpu.vector_store %arg7[%swap3A_919, %swap3A_920], %swap3A_923 {strides = array<i32>} : memref<26x16xf32, #tpu.memory_space<vmem>>, vector<1x16xf32>,
        %get3A_924 = arith.constant 84 : i32
        %get3A_925 = arith.index_cast %get3A_924 : i32 to index
        %get3A_926 = memref.load %arg8[%get3A_925] : memref<130xf32, #tpu.memory_space<smem>>
        %mul3A_927 = vector.broadcast %get3A_926 : f32 to vector<16xf32>
        %mul3A_928 = arith.mulf %get3A_151, %mul3A_927 : vector<16xf32>
        %get3A_929 = arith.constant 103 : i32
        %get3A_930 = arith.index_cast %get3A_929 : i32 to index
        %get3A_931 = memref.load %arg8[%get3A_930] : memref<130xf32, #tpu.memory_space<smem>>
        %mul3A_932 = vector.broadcast %get3A_931 : f32 to vector<16xf32>
        %mul3A_933 = arith.mulf %get3A_175, %mul3A_932 : vector<16xf32>
        %get3A_934 = arith.constant 112 : i32
        %get3A_935 = arith.index_cast %get3A_934 : i32 to index
        %get3A_936 = memref.load %arg8[%get3A_935] : memref<130xf32, #tpu.memory_space<smem>>
        %mul3A_937 = vector.broadcast %get3A_936 : f32 to vector<16xf32>
        %mul3A_938 = arith.mulf %get3A_187, %mul3A_937 : vector<16xf32>
        %get3A_939 = arith.constant 1 : i32
        %get3A_940 = arith.index_cast %get3A_939 : i32 to index
        %get3A_941 = memref.load %arg8[%get3A_940] : memref<130xf32, #tpu.memory_space<smem>>
        %mul3A_942 = vector.broadcast %get3A_941 : f32 to vector<16xf32>
        %mul3A_943 = arith.mulf %get3A_55, %mul3A_942 : vector<16xf32>
        %get3A_944 = arith.constant 11 : i32
        %get3A_945 = arith.index_cast %get3A_944 : i32 to index
        %get3A_946 = memref.load %arg8[%get3A_945] : memref<130xf32, #tpu.memory_space<smem>>
        %mul3A_947 = vector.broadcast %get3A_946 : f32 to vector<16xf32>
        %mul3A_948 = arith.mulf %get3A_67, %mul3A_947 : vector<16xf32>
        %add3A_949 = arith.addf %mul3A_928, %mul3A_933 : vector<16xf32>
        %add3A_950 = arith.addf %mul3A_938, %mul3A_943 : vector<16xf32>
        %add3A_951 = arith.addf %add3A_949, %add3A_950 : vector<16xf32>
        %add3A_952 = arith.addf %add3A_951, %mul3A_948 : vector<16xf32>
        %mul3A_953 = arith.constant 2.000000e+00 : f32
        %mul3A_954 = vector.broadcast %mul3A_953 : f32 to vector<16xf32>
        %mul3A_955 = arith.mulf %add3A_952, %mul3A_954 : vector<16xf32>
        %exp3A_956 = math.exp %mul3A_955 : vector<16xf32>
        %add3A_957 = arith.constant 1.000000e+00 : f32
        %add3A_958 = vector.broadcast %add3A_957 : f32 to vector<16xf32>
        %add3A_959 = arith.addf %exp3A_956, %add3A_958 : vector<16xf32>
        %div3A_960 = arith.constant 2.000000e+00 : f32
        %div3A_961 = vector.broadcast %div3A_960 : f32 to vector<16xf32>
        %div3A_962 = arith.divf %div3A_961, %add3A_959 : vector<16xf32>
        %sub3A_963 = arith.constant 1.000000e+00 : f32
        %sub3A_964 = vector.broadcast %sub3A_963 : f32 to vector<16xf32>
        %sub3A_965 = arith.subf %sub3A_964, %div3A_962 : vector<16xf32>
        %swap3A_966 = arith.constant 15 : i32
        %swap3A_967 = arith.index_cast %swap3A_966 : i32 to index
        %swap3A_968 = arith.constant 0 : index
        %swap3A_969 = tpu.vector_load %arg7[%swap3A_967, %swap3A_968] {strides = array<i32>} : memref<26x16xf32, #tpu.memory_space<vmem>>, vector<1x16xf32>,
        %swap3A_970 = vector.shape_cast %swap3A_969 : vector<1x16xf32> to vector<16xf32>
        %swap3A_971 = vector.shape_cast %sub3A_965 : vector<16xf32> to vector<1x16xf32>
        tpu.vector_store %arg7[%swap3A_967, %swap3A_968], %swap3A_971 {strides = array<i32>} : memref<26x16xf32, #tpu.memory_space<vmem>>, vector<1x16xf32>,
        %get3A_972 = arith.constant 89 : i32
        %get3A_973 = arith.index_cast %get3A_972 : i32 to index
        %get3A_974 = memref.load %arg8[%get3A_973] : memref<130xf32, #tpu.memory_space<smem>>
        %mul3A_975 = vector.broadcast %get3A_974 : f32 to vector<16xf32>
        %mul3A_976 = arith.mulf %get3A_157, %mul3A_975 : vector<16xf32>
        %get3A_977 = arith.constant 108 : i32
        %get3A_978 = arith.index_cast %get3A_977 : i32 to index
        %get3A_979 = memref.load %arg8[%get3A_978] : memref<130xf32, #tpu.memory_space<smem>>
        %mul3A_980 = vector.broadcast %get3A_979 : f32 to vector<16xf32>
        %mul3A_981 = arith.mulf %get3A_181, %mul3A_980 : vector<16xf32>
        %get3A_982 = arith.constant 117 : i32
        %get3A_983 = arith.index_cast %get3A_982 : i32 to index
        %get3A_984 = memref.load %arg8[%get3A_983] : memref<130xf32, #tpu.memory_space<smem>>
        %mul3A_985 = vector.broadcast %get3A_984 : f32 to vector<16xf32>
        %mul3A_986 = arith.mulf %get3A_193, %mul3A_985 : vector<16xf32>
        %get3A_987 = arith.constant 7 : i32
        %get3A_988 = arith.index_cast %get3A_987 : i32 to index
        %get3A_989 = memref.load %arg8[%get3A_988] : memref<130xf32, #tpu.memory_space<smem>>
        %mul3A_990 = vector.broadcast %get3A_989 : f32 to vector<16xf32>
        %mul3A_991 = arith.mulf %get3A_61, %mul3A_990 : vector<16xf32>
        %get3A_992 = arith.constant 16 : i32
        %get3A_993 = arith.index_cast %get3A_992 : i32 to index
        %get3A_994 = memref.load %arg8[%get3A_993] : memref<130xf32, #tpu.memory_space<smem>>
        %mul3A_995 = vector.broadcast %get3A_994 : f32 to vector<16xf32>
        %mul3A_996 = arith.mulf %get3A_73, %mul3A_995 : vector<16xf32>
        %add3A_997 = arith.addf %mul3A_976, %mul3A_981 : vector<16xf32>
        %add3A_998 = arith.addf %mul3A_986, %mul3A_991 : vector<16xf32>
        %add3A_999 = arith.addf %add3A_997, %add3A_998 : vector<16xf32>
        %add3A_1000 = arith.addf %add3A_999, %mul3A_996 : vector<16xf32>
        %mul3A_1001 = arith.constant 2.000000e+00 : f32
        %mul3A_1002 = vector.broadcast %mul3A_1001 : f32 to vector<16xf32>
        %mul3A_1003 = arith.mulf %add3A_1000, %mul3A_1002 : vector<16xf32>
        %exp3A_1004 = math.exp %mul3A_1003 : vector<16xf32>
        %add3A_1005 = arith.constant 1.000000e+00 : f32
        %add3A_1006 = vector.broadcast %add3A_1005 : f32 to vector<16xf32>
        %add3A_1007 = arith.addf %exp3A_1004, %add3A_1006 : vector<16xf32>
        %div3A_1008 = arith.constant 2.000000e+00 : f32
        %div3A_1009 = vector.broadcast %div3A_1008 : f32 to vector<16xf32>
        %div3A_1010 = arith.divf %div3A_1009, %add3A_1007 : vector<16xf32>
        %sub3A_1011 = arith.constant 1.000000e+00 : f32
        %sub3A_1012 = vector.broadcast %sub3A_1011 : f32 to vector<16xf32>
        %sub3A_1013 = arith.subf %sub3A_1012, %div3A_1010 : vector<16xf32>
        %swap3A_1014 = arith.constant 16 : i32
        %swap3A_1015 = arith.index_cast %swap3A_1014 : i32 to index
        %swap3A_1016 = arith.constant 0 : index
        %swap3A_1017 = tpu.vector_load %arg7[%swap3A_1015, %swap3A_1016] {strides = array<i32>} : memref<26x16xf32, #tpu.memory_space<vmem>>, vector<1x16xf32>,
        %swap3A_1018 = vector.shape_cast %swap3A_1017 : vector<1x16xf32> to vector<16xf32>
        %swap3A_1019 = vector.shape_cast %sub3A_1013 : vector<16xf32> to vector<1x16xf32>
        tpu.vector_store %arg7[%swap3A_1015, %swap3A_1016], %swap3A_1019 {strides = array<i32>} : memref<26x16xf32, #tpu.memory_space<vmem>>, vector<1x16xf32>,
        %get3A_1020 = arith.constant 94 : i32
        %get3A_1021 = arith.index_cast %get3A_1020 : i32 to index
        %get3A_1022 = memref.load %arg8[%get3A_1021] : memref<130xf32, #tpu.memory_space<smem>>
        %mul3A_1023 = vector.broadcast %get3A_1022 : f32 to vector<16xf32>
        %mul3A_1024 = arith.mulf %get3A_163, %mul3A_1023 : vector<16xf32>
        %get3A_1025 = arith.constant 113 : i32
        %get3A_1026 = arith.index_cast %get3A_1025 : i32 to index
        %get3A_1027 = memref.load %arg8[%get3A_1026] : memref<130xf32, #tpu.memory_space<smem>>
        %mul3A_1028 = vector.broadcast %get3A_1027 : f32 to vector<16xf32>
        %mul3A_1029 = arith.mulf %get3A_187, %mul3A_1028 : vector<16xf32>
        %get3A_1030 = arith.constant 122 : i32
        %get3A_1031 = arith.index_cast %get3A_1030 : i32 to index
        %get3A_1032 = memref.load %arg8[%get3A_1031] : memref<130xf32, #tpu.memory_space<smem>>
        %mul3A_1033 = vector.broadcast %get3A_1032 : f32 to vector<16xf32>
        %mul3A_1034 = arith.mulf %get3A_199, %mul3A_1033 : vector<16xf32>
        %get3A_1035 = arith.constant 12 : i32
        %get3A_1036 = arith.index_cast %get3A_1035 : i32 to index
        %get3A_1037 = memref.load %arg8[%get3A_1036] : memref<130xf32, #tpu.memory_space<smem>>
        %mul3A_1038 = vector.broadcast %get3A_1037 : f32 to vector<16xf32>
        %mul3A_1039 = arith.mulf %get3A_67, %mul3A_1038 : vector<16xf32>
        %get3A_1040 = arith.constant 21 : i32
        %get3A_1041 = arith.index_cast %get3A_1040 : i32 to index
        %get3A_1042 = memref.load %arg8[%get3A_1041] : memref<130xf32, #tpu.memory_space<smem>>
        %mul3A_1043 = vector.broadcast %get3A_1042 : f32 to vector<16xf32>
        %mul3A_1044 = arith.mulf %get3A_79, %mul3A_1043 : vector<16xf32>
        %add3A_1045 = arith.addf %mul3A_1024, %mul3A_1029 : vector<16xf32>
        %add3A_1046 = arith.addf %mul3A_1034, %mul3A_1039 : vector<16xf32>
        %add3A_1047 = arith.addf %add3A_1045, %add3A_1046 : vector<16xf32>
        %add3A_1048 = arith.addf %add3A_1047, %mul3A_1044 : vector<16xf32>
        %mul3A_1049 = arith.constant 2.000000e+00 : f32
        %mul3A_1050 = vector.broadcast %mul3A_1049 : f32 to vector<16xf32>
        %mul3A_1051 = arith.mulf %add3A_1048, %mul3A_1050 : vector<16xf32>
        %exp3A_1052 = math.exp %mul3A_1051 : vector<16xf32>
        %add3A_1053 = arith.constant 1.000000e+00 : f32
        %add3A_1054 = vector.broadcast %add3A_1053 : f32 to vector<16xf32>
        %add3A_1055 = arith.addf %exp3A_1052, %add3A_1054 : vector<16xf32>
        %div3A_1056 = arith.constant 2.000000e+00 : f32
        %div3A_1057 = vector.broadcast %div3A_1056 : f32 to vector<16xf32>
        %div3A_1058 = arith.divf %div3A_1057, %add3A_1055 : vector<16xf32>
        %sub3A_1059 = arith.constant 1.000000e+00 : f32
        %sub3A_1060 = vector.broadcast %sub3A_1059 : f32 to vector<16xf32>
        %sub3A_1061 = arith.subf %sub3A_1060, %div3A_1058 : vector<16xf32>
        %swap3A_1062 = arith.constant 17 : i32
        %swap3A_1063 = arith.index_cast %swap3A_1062 : i32 to index
        %swap3A_1064 = arith.constant 0 : index
        %swap3A_1065 = tpu.vector_load %arg7[%swap3A_1063, %swap3A_1064] {strides = array<i32>} : memref<26x16xf32, #tpu.memory_space<vmem>>, vector<1x16xf32>,
        %swap3A_1066 = vector.shape_cast %swap3A_1065 : vector<1x16xf32> to vector<16xf32>
        %swap3A_1067 = vector.shape_cast %sub3A_1061 : vector<16xf32> to vector<1x16xf32>
        tpu.vector_store %arg7[%swap3A_1063, %swap3A_1064], %swap3A_1067 {strides = array<i32>} : memref<26x16xf32, #tpu.memory_space<vmem>>, vector<1x16xf32>,
        %get3A_1068 = arith.constant 99 : i32
        %get3A_1069 = arith.index_cast %get3A_1068 : i32 to index
        %get3A_1070 = memref.load %arg8[%get3A_1069] : memref<130xf32, #tpu.memory_space<smem>>
        %mul3A_1071 = vector.broadcast %get3A_1070 : f32 to vector<16xf32>
        %mul3A_1072 = arith.mulf %get3A_169, %mul3A_1071 : vector<16xf32>
        %get3A_1073 = arith.constant 118 : i32
        %get3A_1074 = arith.index_cast %get3A_1073 : i32 to index
        %get3A_1075 = memref.load %arg8[%get3A_1074] : memref<130xf32, #tpu.memory_space<smem>>
        %mul3A_1076 = vector.broadcast %get3A_1075 : f32 to vector<16xf32>
        %mul3A_1077 = arith.mulf %get3A_193, %mul3A_1076 : vector<16xf32>
        %get3A_1078 = arith.constant 127 : i32
        %get3A_1079 = arith.index_cast %get3A_1078 : i32 to index
        %get3A_1080 = memref.load %arg8[%get3A_1079] : memref<130xf32, #tpu.memory_space<smem>>
        %mul3A_1081 = vector.broadcast %get3A_1080 : f32 to vector<16xf32>
        %mul3A_1082 = arith.mulf %get3A_205, %mul3A_1081 : vector<16xf32>
        %get3A_1083 = arith.constant 17 : i32
        %get3A_1084 = arith.index_cast %get3A_1083 : i32 to index
        %get3A_1085 = memref.load %arg8[%get3A_1084] : memref<130xf32, #tpu.memory_space<smem>>
        %mul3A_1086 = vector.broadcast %get3A_1085 : f32 to vector<16xf32>
        %mul3A_1087 = arith.mulf %get3A_73, %mul3A_1086 : vector<16xf32>
        %get3A_1088 = arith.constant 27 : i32
        %get3A_1089 = arith.index_cast %get3A_1088 : i32 to index
        %get3A_1090 = memref.load %arg8[%get3A_1089] : memref<130xf32, #tpu.memory_space<smem>>
        %mul3A_1091 = vector.broadcast %get3A_1090 : f32 to vector<16xf32>
        %mul3A_1092 = arith.mulf %get3A_85, %mul3A_1091 : vector<16xf32>
        %add3A_1093 = arith.addf %mul3A_1072, %mul3A_1077 : vector<16xf32>
        %add3A_1094 = arith.addf %mul3A_1082, %mul3A_1087 : vector<16xf32>
        %add3A_1095 = arith.addf %add3A_1093, %add3A_1094 : vector<16xf32>
        %add3A_1096 = arith.addf %add3A_1095, %mul3A_1092 : vector<16xf32>
        %mul3A_1097 = arith.constant 2.000000e+00 : f32
        %mul3A_1098 = vector.broadcast %mul3A_1097 : f32 to vector<16xf32>
        %mul3A_1099 = arith.mulf %add3A_1096, %mul3A_1098 : vector<16xf32>
        %exp3A_1100 = math.exp %mul3A_1099 : vector<16xf32>
        %add3A_1101 = arith.constant 1.000000e+00 : f32
        %add3A_1102 = vector.broadcast %add3A_1101 : f32 to vector<16xf32>
        %add3A_1103 = arith.addf %exp3A_1100, %add3A_1102 : vector<16xf32>
        %div3A_1104 = arith.constant 2.000000e+00 : f32
        %div3A_1105 = vector.broadcast %div3A_1104 : f32 to vector<16xf32>
        %div3A_1106 = arith.divf %div3A_1105, %add3A_1103 : vector<16xf32>
        %sub3A_1107 = arith.constant 1.000000e+00 : f32
        %sub3A_1108 = vector.broadcast %sub3A_1107 : f32 to vector<16xf32>
        %sub3A_1109 = arith.subf %sub3A_1108, %div3A_1106 : vector<16xf32>
        %swap3A_1110 = arith.constant 18 : i32
        %swap3A_1111 = arith.index_cast %swap3A_1110 : i32 to index
        %swap3A_1112 = arith.constant 0 : index
        %swap3A_1113 = tpu.vector_load %arg7[%swap3A_1111, %swap3A_1112] {strides = array<i32>} : memref<26x16xf32, #tpu.memory_space<vmem>>, vector<1x16xf32>,
        %swap3A_1114 = vector.shape_cast %swap3A_1113 : vector<1x16xf32> to vector<16xf32>
        %swap3A_1115 = vector.shape_cast %sub3A_1109 : vector<16xf32> to vector<1x16xf32>
        tpu.vector_store %arg7[%swap3A_1111, %swap3A_1112], %swap3A_1115 {strides = array<i32>} : memref<26x16xf32, #tpu.memory_space<vmem>>, vector<1x16xf32>,
        %get3A_1116 = arith.constant 104 : i32
        %get3A_1117 = arith.index_cast %get3A_1116 : i32 to index
        %get3A_1118 = memref.load %arg8[%get3A_1117] : memref<130xf32, #tpu.memory_space<smem>>
        %mul3A_1119 = vector.broadcast %get3A_1118 : f32 to vector<16xf32>
        %mul3A_1120 = arith.mulf %get3A_175, %mul3A_1119 : vector<16xf32>
        %get3A_1121 = arith.constant 123 : i32
        %get3A_1122 = arith.index_cast %get3A_1121 : i32 to index
        %get3A_1123 = memref.load %arg8[%get3A_1122] : memref<130xf32, #tpu.memory_space<smem>>
        %mul3A_1124 = vector.broadcast %get3A_1123 : f32 to vector<16xf32>
        %mul3A_1125 = arith.mulf %get3A_199, %mul3A_1124 : vector<16xf32>
        %get3A_1126 = arith.constant 2 : i32
        %get3A_1127 = arith.index_cast %get3A_1126 : i32 to index
        %get3A_1128 = memref.load %arg8[%get3A_1127] : memref<130xf32, #tpu.memory_space<smem>>
        %mul3A_1129 = vector.broadcast %get3A_1128 : f32 to vector<16xf32>
        %mul3A_1130 = arith.mulf %get3A_55, %mul3A_1129 : vector<16xf32>
        %get3A_1131 = arith.constant 22 : i32
        %get3A_1132 = arith.index_cast %get3A_1131 : i32 to index
        %get3A_1133 = memref.load %arg8[%get3A_1132] : memref<130xf32, #tpu.memory_space<smem>>
        %mul3A_1134 = vector.broadcast %get3A_1133 : f32 to vector<16xf32>
        %mul3A_1135 = arith.mulf %get3A_79, %mul3A_1134 : vector<16xf32>
        %get3A_1136 = arith.constant 32 : i32
        %get3A_1137 = arith.index_cast %get3A_1136 : i32 to index
        %get3A_1138 = memref.load %arg8[%get3A_1137] : memref<130xf32, #tpu.memory_space<smem>>
        %mul3A_1139 = vector.broadcast %get3A_1138 : f32 to vector<16xf32>
        %mul3A_1140 = arith.mulf %get3A_91, %mul3A_1139 : vector<16xf32>
        %add3A_1141 = arith.addf %mul3A_1120, %mul3A_1125 : vector<16xf32>
        %add3A_1142 = arith.addf %mul3A_1130, %mul3A_1135 : vector<16xf32>
        %add3A_1143 = arith.addf %add3A_1141, %add3A_1142 : vector<16xf32>
        %add3A_1144 = arith.addf %add3A_1143, %mul3A_1140 : vector<16xf32>
        %mul3A_1145 = arith.constant 2.000000e+00 : f32
        %mul3A_1146 = vector.broadcast %mul3A_1145 : f32 to vector<16xf32>
        %mul3A_1147 = arith.mulf %add3A_1144, %mul3A_1146 : vector<16xf32>
        %exp3A_1148 = math.exp %mul3A_1147 : vector<16xf32>
        %add3A_1149 = arith.constant 1.000000e+00 : f32
        %add3A_1150 = vector.broadcast %add3A_1149 : f32 to vector<16xf32>
        %add3A_1151 = arith.addf %exp3A_1148, %add3A_1150 : vector<16xf32>
        %div3A_1152 = arith.constant 2.000000e+00 : f32
        %div3A_1153 = vector.broadcast %div3A_1152 : f32 to vector<16xf32>
        %div3A_1154 = arith.divf %div3A_1153, %add3A_1151 : vector<16xf32>
        %sub3A_1155 = arith.constant 1.000000e+00 : f32
        %sub3A_1156 = vector.broadcast %sub3A_1155 : f32 to vector<16xf32>
        %sub3A_1157 = arith.subf %sub3A_1156, %div3A_1154 : vector<16xf32>
        %swap3A_1158 = arith.constant 19 : i32
        %swap3A_1159 = arith.index_cast %swap3A_1158 : i32 to index
        %swap3A_1160 = arith.constant 0 : index
        %swap3A_1161 = tpu.vector_load %arg7[%swap3A_1159, %swap3A_1160] {strides = array<i32>} : memref<26x16xf32, #tpu.memory_space<vmem>>, vector<1x16xf32>,
        %swap3A_1162 = vector.shape_cast %swap3A_1161 : vector<1x16xf32> to vector<16xf32>
        %swap3A_1163 = vector.shape_cast %sub3A_1157 : vector<16xf32> to vector<1x16xf32>
        tpu.vector_store %arg7[%swap3A_1159, %swap3A_1160], %swap3A_1163 {strides = array<i32>} : memref<26x16xf32, #tpu.memory_space<vmem>>, vector<1x16xf32>,
        %get3A_1164 = arith.constant 109 : i32
        %get3A_1165 = arith.index_cast %get3A_1164 : i32 to index
        %get3A_1166 = memref.load %arg8[%get3A_1165] : memref<130xf32, #tpu.memory_space<smem>>
        %mul3A_1167 = vector.broadcast %get3A_1166 : f32 to vector<16xf32>
        %mul3A_1168 = arith.mulf %get3A_181, %mul3A_1167 : vector<16xf32>
        %get3A_1169 = arith.constant 128 : i32
        %get3A_1170 = arith.index_cast %get3A_1169 : i32 to index
        %get3A_1171 = memref.load %arg8[%get3A_1170] : memref<130xf32, #tpu.memory_space<smem>>
        %mul3A_1172 = vector.broadcast %get3A_1171 : f32 to vector<16xf32>
        %mul3A_1173 = arith.mulf %get3A_205, %mul3A_1172 : vector<16xf32>
        %get3A_1174 = arith.constant 8 : i32
        %get3A_1175 = arith.index_cast %get3A_1174 : i32 to index
        %get3A_1176 = memref.load %arg8[%get3A_1175] : memref<130xf32, #tpu.memory_space<smem>>
        %mul3A_1177 = vector.broadcast %get3A_1176 : f32 to vector<16xf32>
        %mul3A_1178 = arith.mulf %get3A_61, %mul3A_1177 : vector<16xf32>
        %get3A_1179 = arith.constant 28 : i32
        %get3A_1180 = arith.index_cast %get3A_1179 : i32 to index
        %get3A_1181 = memref.load %arg8[%get3A_1180] : memref<130xf32, #tpu.memory_space<smem>>
        %mul3A_1182 = vector.broadcast %get3A_1181 : f32 to vector<16xf32>
        %mul3A_1183 = arith.mulf %get3A_85, %mul3A_1182 : vector<16xf32>
        %get3A_1184 = arith.constant 38 : i32
        %get3A_1185 = arith.index_cast %get3A_1184 : i32 to index
        %get3A_1186 = memref.load %arg8[%get3A_1185] : memref<130xf32, #tpu.memory_space<smem>>
        %mul3A_1187 = vector.broadcast %get3A_1186 : f32 to vector<16xf32>
        %mul3A_1188 = arith.mulf %get3A_97, %mul3A_1187 : vector<16xf32>
        %add3A_1189 = arith.addf %mul3A_1168, %mul3A_1173 : vector<16xf32>
        %add3A_1190 = arith.addf %mul3A_1178, %mul3A_1183 : vector<16xf32>
        %add3A_1191 = arith.addf %add3A_1189, %add3A_1190 : vector<16xf32>
        %add3A_1192 = arith.addf %add3A_1191, %mul3A_1188 : vector<16xf32>
        %mul3A_1193 = arith.constant 2.000000e+00 : f32
        %mul3A_1194 = vector.broadcast %mul3A_1193 : f32 to vector<16xf32>
        %mul3A_1195 = arith.mulf %add3A_1192, %mul3A_1194 : vector<16xf32>
        %exp3A_1196 = math.exp %mul3A_1195 : vector<16xf32>
        %add3A_1197 = arith.constant 1.000000e+00 : f32
        %add3A_1198 = vector.broadcast %add3A_1197 : f32 to vector<16xf32>
        %add3A_1199 = arith.addf %exp3A_1196, %add3A_1198 : vector<16xf32>
        %div3A_1200 = arith.constant 2.000000e+00 : f32
        %div3A_1201 = vector.broadcast %div3A_1200 : f32 to vector<16xf32>
        %div3A_1202 = arith.divf %div3A_1201, %add3A_1199 : vector<16xf32>
        %sub3A_1203 = arith.constant 1.000000e+00 : f32
        %sub3A_1204 = vector.broadcast %sub3A_1203 : f32 to vector<16xf32>
        %sub3A_1205 = arith.subf %sub3A_1204, %div3A_1202 : vector<16xf32>
        %swap3A_1206 = arith.constant 20 : i32
        %swap3A_1207 = arith.index_cast %swap3A_1206 : i32 to index
        %swap3A_1208 = arith.constant 0 : index
        %swap3A_1209 = tpu.vector_load %arg7[%swap3A_1207, %swap3A_1208] {strides = array<i32>} : memref<26x16xf32, #tpu.memory_space<vmem>>, vector<1x16xf32>,
        %swap3A_1210 = vector.shape_cast %swap3A_1209 : vector<1x16xf32> to vector<16xf32>
        %swap3A_1211 = vector.shape_cast %sub3A_1205 : vector<16xf32> to vector<1x16xf32>
        tpu.vector_store %arg7[%swap3A_1207, %swap3A_1208], %swap3A_1211 {strides = array<i32>} : memref<26x16xf32, #tpu.memory_space<vmem>>, vector<1x16xf32>,
        %get3A_1212 = arith.constant 114 : i32
        %get3A_1213 = arith.index_cast %get3A_1212 : i32 to index
        %get3A_1214 = memref.load %arg8[%get3A_1213] : memref<130xf32, #tpu.memory_space<smem>>
        %mul3A_1215 = vector.broadcast %get3A_1214 : f32 to vector<16xf32>
        %mul3A_1216 = arith.mulf %get3A_187, %mul3A_1215 : vector<16xf32>
        %get3A_1217 = arith.constant 3 : i32
        %get3A_1218 = arith.index_cast %get3A_1217 : i32 to index
        %get3A_1219 = memref.load %arg8[%get3A_1218] : memref<130xf32, #tpu.memory_space<smem>>
        %mul3A_1220 = vector.broadcast %get3A_1219 : f32 to vector<16xf32>
        %mul3A_1221 = arith.mulf %get3A_55, %mul3A_1220 : vector<16xf32>
        %get3A_1222 = arith.constant 13 : i32
        %get3A_1223 = arith.index_cast %get3A_1222 : i32 to index
        %get3A_1224 = memref.load %arg8[%get3A_1223] : memref<130xf32, #tpu.memory_space<smem>>
        %mul3A_1225 = vector.broadcast %get3A_1224 : f32 to vector<16xf32>
        %mul3A_1226 = arith.mulf %get3A_67, %mul3A_1225 : vector<16xf32>
        %get3A_1227 = arith.constant 33 : i32
        %get3A_1228 = arith.index_cast %get3A_1227 : i32 to index
        %get3A_1229 = memref.load %arg8[%get3A_1228] : memref<130xf32, #tpu.memory_space<smem>>
        %mul3A_1230 = vector.broadcast %get3A_1229 : f32 to vector<16xf32>
        %mul3A_1231 = arith.mulf %get3A_91, %mul3A_1230 : vector<16xf32>
        %get3A_1232 = arith.constant 43 : i32
        %get3A_1233 = arith.index_cast %get3A_1232 : i32 to index
        %get3A_1234 = memref.load %arg8[%get3A_1233] : memref<130xf32, #tpu.memory_space<smem>>
        %mul3A_1235 = vector.broadcast %get3A_1234 : f32 to vector<16xf32>
        %mul3A_1236 = arith.mulf %get3A_103, %mul3A_1235 : vector<16xf32>
        %add3A_1237 = arith.addf %mul3A_1216, %mul3A_1221 : vector<16xf32>
        %add3A_1238 = arith.addf %mul3A_1226, %mul3A_1231 : vector<16xf32>
        %add3A_1239 = arith.addf %add3A_1237, %add3A_1238 : vector<16xf32>
        %add3A_1240 = arith.addf %add3A_1239, %mul3A_1236 : vector<16xf32>
        %mul3A_1241 = arith.constant 2.000000e+00 : f32
        %mul3A_1242 = vector.broadcast %mul3A_1241 : f32 to vector<16xf32>
        %mul3A_1243 = arith.mulf %add3A_1240, %mul3A_1242 : vector<16xf32>
        %exp3A_1244 = math.exp %mul3A_1243 : vector<16xf32>
        %add3A_1245 = arith.constant 1.000000e+00 : f32
        %add3A_1246 = vector.broadcast %add3A_1245 : f32 to vector<16xf32>
        %add3A_1247 = arith.addf %exp3A_1244, %add3A_1246 : vector<16xf32>
        %div3A_1248 = arith.constant 2.000000e+00 : f32
        %div3A_1249 = vector.broadcast %div3A_1248 : f32 to vector<16xf32>
        %div3A_1250 = arith.divf %div3A_1249, %add3A_1247 : vector<16xf32>
        %sub3A_1251 = arith.constant 1.000000e+00 : f32
        %sub3A_1252 = vector.broadcast %sub3A_1251 : f32 to vector<16xf32>
        %sub3A_1253 = arith.subf %sub3A_1252, %div3A_1250 : vector<16xf32>
        %swap3A_1254 = arith.constant 21 : i32
        %swap3A_1255 = arith.index_cast %swap3A_1254 : i32 to index
        %swap3A_1256 = arith.constant 0 : index
        %swap3A_1257 = tpu.vector_load %arg7[%swap3A_1255, %swap3A_1256] {strides = array<i32>} : memref<26x16xf32, #tpu.memory_space<vmem>>, vector<1x16xf32>,
        %swap3A_1258 = vector.shape_cast %swap3A_1257 : vector<1x16xf32> to vector<16xf32>
        %swap3A_1259 = vector.shape_cast %sub3A_1253 : vector<16xf32> to vector<1x16xf32>
        tpu.vector_store %arg7[%swap3A_1255, %swap3A_1256], %swap3A_1259 {strides = array<i32>} : memref<26x16xf32, #tpu.memory_space<vmem>>, vector<1x16xf32>,
        %get3A_1260 = arith.constant 119 : i32
        %get3A_1261 = arith.index_cast %get3A_1260 : i32 to index
        %get3A_1262 = memref.load %arg8[%get3A_1261] : memref<130xf32, #tpu.memory_space<smem>>
        %mul3A_1263 = vector.broadcast %get3A_1262 : f32 to vector<16xf32>
        %mul3A_1264 = arith.mulf %get3A_193, %mul3A_1263 : vector<16xf32>
        %get3A_1265 = arith.constant 9 : i32
        %get3A_1266 = arith.index_cast %get3A_1265 : i32 to index
        %get3A_1267 = memref.load %arg8[%get3A_1266] : memref<130xf32, #tpu.memory_space<smem>>
        %mul3A_1268 = vector.broadcast %get3A_1267 : f32 to vector<16xf32>
        %mul3A_1269 = arith.mulf %get3A_61, %mul3A_1268 : vector<16xf32>
        %get3A_1270 = arith.constant 18 : i32
        %get3A_1271 = arith.index_cast %get3A_1270 : i32 to index
        %get3A_1272 = memref.load %arg8[%get3A_1271] : memref<130xf32, #tpu.memory_space<smem>>
        %mul3A_1273 = vector.broadcast %get3A_1272 : f32 to vector<16xf32>
        %mul3A_1274 = arith.mulf %get3A_73, %mul3A_1273 : vector<16xf32>
        %get3A_1275 = arith.constant 39 : i32
        %get3A_1276 = arith.index_cast %get3A_1275 : i32 to index
        %get3A_1277 = memref.load %arg8[%get3A_1276] : memref<130xf32, #tpu.memory_space<smem>>
        %mul3A_1278 = vector.broadcast %get3A_1277 : f32 to vector<16xf32>
        %mul3A_1279 = arith.mulf %get3A_97, %mul3A_1278 : vector<16xf32>
        %get3A_1280 = arith.constant 48 : i32
        %get3A_1281 = arith.index_cast %get3A_1280 : i32 to index
        %get3A_1282 = memref.load %arg8[%get3A_1281] : memref<130xf32, #tpu.memory_space<smem>>
        %mul3A_1283 = vector.broadcast %get3A_1282 : f32 to vector<16xf32>
        %mul3A_1284 = arith.mulf %get3A_109, %mul3A_1283 : vector<16xf32>
        %add3A_1285 = arith.addf %mul3A_1264, %mul3A_1269 : vector<16xf32>
        %add3A_1286 = arith.addf %mul3A_1274, %mul3A_1279 : vector<16xf32>
        %add3A_1287 = arith.addf %add3A_1285, %add3A_1286 : vector<16xf32>
        %add3A_1288 = arith.addf %add3A_1287, %mul3A_1284 : vector<16xf32>
        %mul3A_1289 = arith.constant 2.000000e+00 : f32
        %mul3A_1290 = vector.broadcast %mul3A_1289 : f32 to vector<16xf32>
        %mul3A_1291 = arith.mulf %add3A_1288, %mul3A_1290 : vector<16xf32>
        %exp3A_1292 = math.exp %mul3A_1291 : vector<16xf32>
        %add3A_1293 = arith.constant 1.000000e+00 : f32
        %add3A_1294 = vector.broadcast %add3A_1293 : f32 to vector<16xf32>
        %add3A_1295 = arith.addf %exp3A_1292, %add3A_1294 : vector<16xf32>
        %div3A_1296 = arith.constant 2.000000e+00 : f32
        %div3A_1297 = vector.broadcast %div3A_1296 : f32 to vector<16xf32>
        %div3A_1298 = arith.divf %div3A_1297, %add3A_1295 : vector<16xf32>
        %sub3A_1299 = arith.constant 1.000000e+00 : f32
        %sub3A_1300 = vector.broadcast %sub3A_1299 : f32 to vector<16xf32>
        %sub3A_1301 = arith.subf %sub3A_1300, %div3A_1298 : vector<16xf32>
        %swap3A_1302 = arith.constant 22 : i32
        %swap3A_1303 = arith.index_cast %swap3A_1302 : i32 to index
        %swap3A_1304 = arith.constant 0 : index
        %swap3A_1305 = tpu.vector_load %arg7[%swap3A_1303, %swap3A_1304] {strides = array<i32>} : memref<26x16xf32, #tpu.memory_space<vmem>>, vector<1x16xf32>,
        %swap3A_1306 = vector.shape_cast %swap3A_1305 : vector<1x16xf32> to vector<16xf32>
        %swap3A_1307 = vector.shape_cast %sub3A_1301 : vector<16xf32> to vector<1x16xf32>
        tpu.vector_store %arg7[%swap3A_1303, %swap3A_1304], %swap3A_1307 {strides = array<i32>} : memref<26x16xf32, #tpu.memory_space<vmem>>, vector<1x16xf32>,
        %get3A_1308 = arith.constant 124 : i32
        %get3A_1309 = arith.index_cast %get3A_1308 : i32 to index
        %get3A_1310 = memref.load %arg8[%get3A_1309] : memref<130xf32, #tpu.memory_space<smem>>
        %mul3A_1311 = vector.broadcast %get3A_1310 : f32 to vector<16xf32>
        %mul3A_1312 = arith.mulf %get3A_199, %mul3A_1311 : vector<16xf32>
        %get3A_1313 = arith.constant 14 : i32
        %get3A_1314 = arith.index_cast %get3A_1313 : i32 to index
        %get3A_1315 = memref.load %arg8[%get3A_1314] : memref<130xf32, #tpu.memory_space<smem>>
        %mul3A_1316 = vector.broadcast %get3A_1315 : f32 to vector<16xf32>
        %mul3A_1317 = arith.mulf %get3A_67, %mul3A_1316 : vector<16xf32>
        %get3A_1318 = arith.constant 23 : i32
        %get3A_1319 = arith.index_cast %get3A_1318 : i32 to index
        %get3A_1320 = memref.load %arg8[%get3A_1319] : memref<130xf32, #tpu.memory_space<smem>>
        %mul3A_1321 = vector.broadcast %get3A_1320 : f32 to vector<16xf32>
        %mul3A_1322 = arith.mulf %get3A_79, %mul3A_1321 : vector<16xf32>
        %get3A_1323 = arith.constant 44 : i32
        %get3A_1324 = arith.index_cast %get3A_1323 : i32 to index
        %get3A_1325 = memref.load %arg8[%get3A_1324] : memref<130xf32, #tpu.memory_space<smem>>
        %mul3A_1326 = vector.broadcast %get3A_1325 : f32 to vector<16xf32>
        %mul3A_1327 = arith.mulf %get3A_103, %mul3A_1326 : vector<16xf32>
        %get3A_1328 = arith.constant 53 : i32
        %get3A_1329 = arith.index_cast %get3A_1328 : i32 to index
        %get3A_1330 = memref.load %arg8[%get3A_1329] : memref<130xf32, #tpu.memory_space<smem>>
        %mul3A_1331 = vector.broadcast %get3A_1330 : f32 to vector<16xf32>
        %mul3A_1332 = arith.mulf %get3A_115, %mul3A_1331 : vector<16xf32>
        %add3A_1333 = arith.addf %mul3A_1312, %mul3A_1317 : vector<16xf32>
        %add3A_1334 = arith.addf %mul3A_1322, %mul3A_1327 : vector<16xf32>
        %add3A_1335 = arith.addf %add3A_1333, %add3A_1334 : vector<16xf32>
        %add3A_1336 = arith.addf %add3A_1335, %mul3A_1332 : vector<16xf32>
        %mul3A_1337 = arith.constant 2.000000e+00 : f32
        %mul3A_1338 = vector.broadcast %mul3A_1337 : f32 to vector<16xf32>
        %mul3A_1339 = arith.mulf %add3A_1336, %mul3A_1338 : vector<16xf32>
        %exp3A_1340 = math.exp %mul3A_1339 : vector<16xf32>
        %add3A_1341 = arith.constant 1.000000e+00 : f32
        %add3A_1342 = vector.broadcast %add3A_1341 : f32 to vector<16xf32>
        %add3A_1343 = arith.addf %exp3A_1340, %add3A_1342 : vector<16xf32>
        %div3A_1344 = arith.constant 2.000000e+00 : f32
        %div3A_1345 = vector.broadcast %div3A_1344 : f32 to vector<16xf32>
        %div3A_1346 = arith.divf %div3A_1345, %add3A_1343 : vector<16xf32>
        %sub3A_1347 = arith.constant 1.000000e+00 : f32
        %sub3A_1348 = vector.broadcast %sub3A_1347 : f32 to vector<16xf32>
        %sub3A_1349 = arith.subf %sub3A_1348, %div3A_1346 : vector<16xf32>
        %swap3A_1350 = arith.constant 23 : i32
        %swap3A_1351 = arith.index_cast %swap3A_1350 : i32 to index
        %swap3A_1352 = arith.constant 0 : index
        %swap3A_1353 = tpu.vector_load %arg7[%swap3A_1351, %swap3A_1352] {strides = array<i32>} : memref<26x16xf32, #tpu.memory_space<vmem>>, vector<1x16xf32>,
        %swap3A_1354 = vector.shape_cast %swap3A_1353 : vector<1x16xf32> to vector<16xf32>
        %swap3A_1355 = vector.shape_cast %sub3A_1349 : vector<16xf32> to vector<1x16xf32>
        tpu.vector_store %arg7[%swap3A_1351, %swap3A_1352], %swap3A_1355 {strides = array<i32>} : memref<26x16xf32, #tpu.memory_space<vmem>>, vector<1x16xf32>,
        %get3A_1356 = arith.constant 129 : i32
        %get3A_1357 = arith.index_cast %get3A_1356 : i32 to index
        %get3A_1358 = memref.load %arg8[%get3A_1357] : memref<130xf32, #tpu.memory_space<smem>>
        %mul3A_1359 = vector.broadcast %get3A_1358 : f32 to vector<16xf32>
        %mul3A_1360 = arith.mulf %get3A_205, %mul3A_1359 : vector<16xf32>
        %get3A_1361 = arith.constant 19 : i32
        %get3A_1362 = arith.index_cast %get3A_1361 : i32 to index
        %get3A_1363 = memref.load %arg8[%get3A_1362] : memref<130xf32, #tpu.memory_space<smem>>
        %mul3A_1364 = vector.broadcast %get3A_1363 : f32 to vector<16xf32>
        %mul3A_1365 = arith.mulf %get3A_73, %mul3A_1364 : vector<16xf32>
        %get3A_1366 = arith.constant 29 : i32
        %get3A_1367 = arith.index_cast %get3A_1366 : i32 to index
        %get3A_1368 = memref.load %arg8[%get3A_1367] : memref<130xf32, #tpu.memory_space<smem>>
        %mul3A_1369 = vector.broadcast %get3A_1368 : f32 to vector<16xf32>
        %mul3A_1370 = arith.mulf %get3A_85, %mul3A_1369 : vector<16xf32>
        %get3A_1371 = arith.constant 49 : i32
        %get3A_1372 = arith.index_cast %get3A_1371 : i32 to index
        %get3A_1373 = memref.load %arg8[%get3A_1372] : memref<130xf32, #tpu.memory_space<smem>>
        %mul3A_1374 = vector.broadcast %get3A_1373 : f32 to vector<16xf32>
        %mul3A_1375 = arith.mulf %get3A_109, %mul3A_1374 : vector<16xf32>
        %get3A_1376 = arith.constant 59 : i32
        %get3A_1377 = arith.index_cast %get3A_1376 : i32 to index
        %get3A_1378 = memref.load %arg8[%get3A_1377] : memref<130xf32, #tpu.memory_space<smem>>
        %mul3A_1379 = vector.broadcast %get3A_1378 : f32 to vector<16xf32>
        %mul3A_1380 = arith.mulf %get3A_121, %mul3A_1379 : vector<16xf32>
        %add3A_1381 = arith.addf %mul3A_1360, %mul3A_1365 : vector<16xf32>
        %add3A_1382 = arith.addf %mul3A_1370, %mul3A_1375 : vector<16xf32>
        %add3A_1383 = arith.addf %add3A_1381, %add3A_1382 : vector<16xf32>
        %add3A_1384 = arith.addf %add3A_1383, %mul3A_1380 : vector<16xf32>
        %mul3A_1385 = arith.constant 2.000000e+00 : f32
        %mul3A_1386 = vector.broadcast %mul3A_1385 : f32 to vector<16xf32>
        %mul3A_1387 = arith.mulf %add3A_1384, %mul3A_1386 : vector<16xf32>
        %exp3A_1388 = math.exp %mul3A_1387 : vector<16xf32>
        %add3A_1389 = arith.constant 1.000000e+00 : f32
        %add3A_1390 = vector.broadcast %add3A_1389 : f32 to vector<16xf32>
        %add3A_1391 = arith.addf %exp3A_1388, %add3A_1390 : vector<16xf32>
        %div3A_1392 = arith.constant 2.000000e+00 : f32
        %div3A_1393 = vector.broadcast %div3A_1392 : f32 to vector<16xf32>
        %div3A_1394 = arith.divf %div3A_1393, %add3A_1391 : vector<16xf32>
        %sub3A_1395 = arith.constant 1.000000e+00 : f32
        %sub3A_1396 = vector.broadcast %sub3A_1395 : f32 to vector<16xf32>
        %sub3A_1397 = arith.subf %sub3A_1396, %div3A_1394 : vector<16xf32>
        %swap3A_1398 = arith.constant 24 : i32
        %swap3A_1399 = arith.index_cast %swap3A_1398 : i32 to index
        %swap3A_1400 = arith.constant 0 : index
        %swap3A_1401 = tpu.vector_load %arg7[%swap3A_1399, %swap3A_1400] {strides = array<i32>} : memref<26x16xf32, #tpu.memory_space<vmem>>, vector<1x16xf32>,
        %swap3A_1402 = vector.shape_cast %swap3A_1401 : vector<1x16xf32> to vector<16xf32>
        %swap3A_1403 = vector.shape_cast %sub3A_1397 : vector<16xf32> to vector<1x16xf32>
        tpu.vector_store %arg7[%swap3A_1399, %swap3A_1400], %swap3A_1403 {strides = array<i32>} : memref<26x16xf32, #tpu.memory_space<vmem>>, vector<1x16xf32>,
        %get3A_1404 = arith.constant 4 : i32
        %get3A_1405 = arith.index_cast %get3A_1404 : i32 to index
        %get3A_1406 = memref.load %arg8[%get3A_1405] : memref<130xf32, #tpu.memory_space<smem>>
        %mul3A_1407 = vector.broadcast %get3A_1406 : f32 to vector<16xf32>
        %mul3A_1408 = arith.mulf %get3A_55, %mul3A_1407 : vector<16xf32>
        %get3A_1409 = arith.constant 24 : i32
        %get3A_1410 = arith.index_cast %get3A_1409 : i32 to index
        %get3A_1411 = memref.load %arg8[%get3A_1410] : memref<130xf32, #tpu.memory_space<smem>>
        %mul3A_1412 = vector.broadcast %get3A_1411 : f32 to vector<16xf32>
        %mul3A_1413 = arith.mulf %get3A_79, %mul3A_1412 : vector<16xf32>
        %get3A_1414 = arith.constant 34 : i32
        %get3A_1415 = arith.index_cast %get3A_1414 : i32 to index
        %get3A_1416 = memref.load %arg8[%get3A_1415] : memref<130xf32, #tpu.memory_space<smem>>
        %mul3A_1417 = vector.broadcast %get3A_1416 : f32 to vector<16xf32>
        %mul3A_1418 = arith.mulf %get3A_91, %mul3A_1417 : vector<16xf32>
        %get3A_1419 = arith.constant 54 : i32
        %get3A_1420 = arith.index_cast %get3A_1419 : i32 to index
        %get3A_1421 = memref.load %arg8[%get3A_1420] : memref<130xf32, #tpu.memory_space<smem>>
        %mul3A_1422 = vector.broadcast %get3A_1421 : f32 to vector<16xf32>
        %mul3A_1423 = arith.mulf %get3A_115, %mul3A_1422 : vector<16xf32>
        %get3A_1424 = arith.constant 64 : i32
        %get3A_1425 = arith.index_cast %get3A_1424 : i32 to index
        %get3A_1426 = memref.load %arg8[%get3A_1425] : memref<130xf32, #tpu.memory_space<smem>>
        %mul3A_1427 = vector.broadcast %get3A_1426 : f32 to vector<16xf32>
        %mul3A_1428 = arith.mulf %get3A_127, %mul3A_1427 : vector<16xf32>
        %add3A_1429 = arith.addf %mul3A_1408, %mul3A_1413 : vector<16xf32>
        %add3A_1430 = arith.addf %mul3A_1418, %mul3A_1423 : vector<16xf32>
        %add3A_1431 = arith.addf %add3A_1429, %add3A_1430 : vector<16xf32>
        %add3A_1432 = arith.addf %add3A_1431, %mul3A_1428 : vector<16xf32>
        %mul3A_1433 = arith.constant 2.000000e+00 : f32
        %mul3A_1434 = vector.broadcast %mul3A_1433 : f32 to vector<16xf32>
        %mul3A_1435 = arith.mulf %add3A_1432, %mul3A_1434 : vector<16xf32>
        %exp3A_1436 = math.exp %mul3A_1435 : vector<16xf32>
        %add3A_1437 = arith.constant 1.000000e+00 : f32
        %add3A_1438 = vector.broadcast %add3A_1437 : f32 to vector<16xf32>
        %add3A_1439 = arith.addf %exp3A_1436, %add3A_1438 : vector<16xf32>
        %div3A_1440 = arith.constant 2.000000e+00 : f32
        %div3A_1441 = vector.broadcast %div3A_1440 : f32 to vector<16xf32>
        %div3A_1442 = arith.divf %div3A_1441, %add3A_1439 : vector<16xf32>
        %sub3A_1443 = arith.constant 1.000000e+00 : f32
        %sub3A_1444 = vector.broadcast %sub3A_1443 : f32 to vector<16xf32>
        %sub3A_1445 = arith.subf %sub3A_1444, %div3A_1442 : vector<16xf32>
        %swap3A_1446 = arith.constant 25 : i32
        %swap3A_1447 = arith.index_cast %swap3A_1446 : i32 to index
        %swap3A_1448 = arith.constant 0 : index
        %swap3A_1449 = tpu.vector_load %arg7[%swap3A_1447, %swap3A_1448] {strides = array<i32>} : memref<26x16xf32, #tpu.memory_space<vmem>>, vector<1x16xf32>,
        %swap3A_1450 = vector.shape_cast %swap3A_1449 : vector<1x16xf32> to vector<16xf32>
        %swap3A_1451 = vector.shape_cast %sub3A_1445 : vector<16xf32> to vector<1x16xf32>
        tpu.vector_store %arg7[%swap3A_1447, %swap3A_1448], %swap3A_1451 {strides = array<i32>} : memref<26x16xf32, #tpu.memory_space<vmem>>, vector<1x16xf32>,
        %get3A_1452 = arith.constant 0 : i32
        %get3A_1453 = arith.index_cast %get3A_1452 : i32 to index
        %get3A_1454 = arith.constant 0 : index
        %get3A_1455 = tpu.vector_load %arg7[%get3A_1453, %get3A_1454] {strides = array<i32>} : memref<26x16xf32, #tpu.memory_space<vmem>>, vector<1x16xf32>,
        %get3A_1456 = vector.shape_cast %get3A_1455 : vector<1x16xf32> to vector<16xf32>
        %get3A_1457 = arith.constant 1 : i32
        %get3A_1458 = arith.index_cast %get3A_1457 : i32 to index
        %get3A_1459 = arith.constant 0 : index
        %get3A_1460 = tpu.vector_load %arg7[%get3A_1458, %get3A_1459] {strides = array<i32>} : memref<26x16xf32, #tpu.memory_space<vmem>>, vector<1x16xf32>,
        %get3A_1461 = vector.shape_cast %get3A_1460 : vector<1x16xf32> to vector<16xf32>
        %get3A_1462 = arith.constant 2 : i32
        %get3A_1463 = arith.index_cast %get3A_1462 : i32 to index
        %get3A_1464 = arith.constant 0 : index
        %get3A_1465 = tpu.vector_load %arg7[%get3A_1463, %get3A_1464] {strides = array<i32>} : memref<26x16xf32, #tpu.memory_space<vmem>>, vector<1x16xf32>,
        %get3A_1466 = vector.shape_cast %get3A_1465 : vector<1x16xf32> to vector<16xf32>
        %get3A_1467 = arith.constant 3 : i32
        %get3A_1468 = arith.index_cast %get3A_1467 : i32 to index
        %get3A_1469 = arith.constant 0 : index
        %get3A_1470 = tpu.vector_load %arg7[%get3A_1468, %get3A_1469] {strides = array<i32>} : memref<26x16xf32, #tpu.memory_space<vmem>>, vector<1x16xf32>,
        %get3A_1471 = vector.shape_cast %get3A_1470 : vector<1x16xf32> to vector<16xf32>
        %get3A_1472 = arith.constant 4 : i32
        %get3A_1473 = arith.index_cast %get3A_1472 : i32 to index
        %get3A_1474 = arith.constant 0 : index
        %get3A_1475 = tpu.vector_load %arg7[%get3A_1473, %get3A_1474] {strides = array<i32>} : memref<26x16xf32, #tpu.memory_space<vmem>>, vector<1x16xf32>,
        %get3A_1476 = vector.shape_cast %get3A_1475 : vector<1x16xf32> to vector<16xf32>
        %get3A_1477 = arith.constant 5 : i32
        %get3A_1478 = arith.index_cast %get3A_1477 : i32 to index
        %get3A_1479 = arith.constant 0 : index
        %get3A_1480 = tpu.vector_load %arg7[%get3A_1478, %get3A_1479] {strides = array<i32>} : memref<26x16xf32, #tpu.memory_space<vmem>>, vector<1x16xf32>,
        %get3A_1481 = vector.shape_cast %get3A_1480 : vector<1x16xf32> to vector<16xf32>
        %get3A_1482 = arith.constant 6 : i32
        %get3A_1483 = arith.index_cast %get3A_1482 : i32 to index
        %get3A_1484 = arith.constant 0 : index
        %get3A_1485 = tpu.vector_load %arg7[%get3A_1483, %get3A_1484] {strides = array<i32>} : memref<26x16xf32, #tpu.memory_space<vmem>>, vector<1x16xf32>,
        %get3A_1486 = vector.shape_cast %get3A_1485 : vector<1x16xf32> to vector<16xf32>
        %get3A_1487 = arith.constant 7 : i32
        %get3A_1488 = arith.index_cast %get3A_1487 : i32 to index
        %get3A_1489 = arith.constant 0 : index
        %get3A_1490 = tpu.vector_load %arg7[%get3A_1488, %get3A_1489] {strides = array<i32>} : memref<26x16xf32, #tpu.memory_space<vmem>>, vector<1x16xf32>,
        %get3A_1491 = vector.shape_cast %get3A_1490 : vector<1x16xf32> to vector<16xf32>
        %get3A_1492 = arith.constant 8 : i32
        %get3A_1493 = arith.index_cast %get3A_1492 : i32 to index
        %get3A_1494 = arith.constant 0 : index
        %get3A_1495 = tpu.vector_load %arg7[%get3A_1493, %get3A_1494] {strides = array<i32>} : memref<26x16xf32, #tpu.memory_space<vmem>>, vector<1x16xf32>,
        %get3A_1496 = vector.shape_cast %get3A_1495 : vector<1x16xf32> to vector<16xf32>
        %get3A_1497 = arith.constant 9 : i32
        %get3A_1498 = arith.index_cast %get3A_1497 : i32 to index
        %get3A_1499 = arith.constant 0 : index
        %get3A_1500 = tpu.vector_load %arg7[%get3A_1498, %get3A_1499] {strides = array<i32>} : memref<26x16xf32, #tpu.memory_space<vmem>>, vector<1x16xf32>,
        %get3A_1501 = vector.shape_cast %get3A_1500 : vector<1x16xf32> to vector<16xf32>
        %get3A_1502 = arith.constant 10 : i32
        %get3A_1503 = arith.index_cast %get3A_1502 : i32 to index
        %get3A_1504 = arith.constant 0 : index
        %get3A_1505 = tpu.vector_load %arg7[%get3A_1503, %get3A_1504] {strides = array<i32>} : memref<26x16xf32, #tpu.memory_space<vmem>>, vector<1x16xf32>,
        %get3A_1506 = vector.shape_cast %get3A_1505 : vector<1x16xf32> to vector<16xf32>
        %get3A_1507 = arith.constant 11 : i32
        %get3A_1508 = arith.index_cast %get3A_1507 : i32 to index
        %get3A_1509 = arith.constant 0 : index
        %get3A_1510 = tpu.vector_load %arg7[%get3A_1508, %get3A_1509] {strides = array<i32>} : memref<26x16xf32, #tpu.memory_space<vmem>>, vector<1x16xf32>,
        %get3A_1511 = vector.shape_cast %get3A_1510 : vector<1x16xf32> to vector<16xf32>
        %get3A_1512 = arith.constant 12 : i32
        %get3A_1513 = arith.index_cast %get3A_1512 : i32 to index
        %get3A_1514 = arith.constant 0 : index
        %get3A_1515 = tpu.vector_load %arg7[%get3A_1513, %get3A_1514] {strides = array<i32>} : memref<26x16xf32, #tpu.memory_space<vmem>>, vector<1x16xf32>,
        %get3A_1516 = vector.shape_cast %get3A_1515 : vector<1x16xf32> to vector<16xf32>
        %get3A_1517 = arith.constant 13 : i32
        %get3A_1518 = arith.index_cast %get3A_1517 : i32 to index
        %get3A_1519 = arith.constant 0 : index
        %get3A_1520 = tpu.vector_load %arg7[%get3A_1518, %get3A_1519] {strides = array<i32>} : memref<26x16xf32, #tpu.memory_space<vmem>>, vector<1x16xf32>,
        %get3A_1521 = vector.shape_cast %get3A_1520 : vector<1x16xf32> to vector<16xf32>
        %get3A_1522 = arith.constant 14 : i32
        %get3A_1523 = arith.index_cast %get3A_1522 : i32 to index
        %get3A_1524 = arith.constant 0 : index
        %get3A_1525 = tpu.vector_load %arg7[%get3A_1523, %get3A_1524] {strides = array<i32>} : memref<26x16xf32, #tpu.memory_space<vmem>>, vector<1x16xf32>,
        %get3A_1526 = vector.shape_cast %get3A_1525 : vector<1x16xf32> to vector<16xf32>
        %get3A_1527 = arith.constant 15 : i32
        %get3A_1528 = arith.index_cast %get3A_1527 : i32 to index
        %get3A_1529 = arith.constant 0 : index
        %get3A_1530 = tpu.vector_load %arg7[%get3A_1528, %get3A_1529] {strides = array<i32>} : memref<26x16xf32, #tpu.memory_space<vmem>>, vector<1x16xf32>,
        %get3A_1531 = vector.shape_cast %get3A_1530 : vector<1x16xf32> to vector<16xf32>
        %get3A_1532 = arith.constant 16 : i32
        %get3A_1533 = arith.index_cast %get3A_1532 : i32 to index
        %get3A_1534 = arith.constant 0 : index
        %get3A_1535 = tpu.vector_load %arg7[%get3A_1533, %get3A_1534] {strides = array<i32>} : memref<26x16xf32, #tpu.memory_space<vmem>>, vector<1x16xf32>,
        %get3A_1536 = vector.shape_cast %get3A_1535 : vector<1x16xf32> to vector<16xf32>
        %get3A_1537 = arith.constant 17 : i32
        %get3A_1538 = arith.index_cast %get3A_1537 : i32 to index
        %get3A_1539 = arith.constant 0 : index
        %get3A_1540 = tpu.vector_load %arg7[%get3A_1538, %get3A_1539] {strides = array<i32>} : memref<26x16xf32, #tpu.memory_space<vmem>>, vector<1x16xf32>,
        %get3A_1541 = vector.shape_cast %get3A_1540 : vector<1x16xf32> to vector<16xf32>
        %get3A_1542 = arith.constant 18 : i32
        %get3A_1543 = arith.index_cast %get3A_1542 : i32 to index
        %get3A_1544 = arith.constant 0 : index
        %get3A_1545 = tpu.vector_load %arg7[%get3A_1543, %get3A_1544] {strides = array<i32>} : memref<26x16xf32, #tpu.memory_space<vmem>>, vector<1x16xf32>,
        %get3A_1546 = vector.shape_cast %get3A_1545 : vector<1x16xf32> to vector<16xf32>
        %get3A_1547 = arith.constant 19 : i32
        %get3A_1548 = arith.index_cast %get3A_1547 : i32 to index
        %get3A_1549 = arith.constant 0 : index
        %get3A_1550 = tpu.vector_load %arg7[%get3A_1548, %get3A_1549] {strides = array<i32>} : memref<26x16xf32, #tpu.memory_space<vmem>>, vector<1x16xf32>,
        %get3A_1551 = vector.shape_cast %get3A_1550 : vector<1x16xf32> to vector<16xf32>
        %get3A_1552 = arith.constant 20 : i32
        %get3A_1553 = arith.index_cast %get3A_1552 : i32 to index
        %get3A_1554 = arith.constant 0 : index
        %get3A_1555 = tpu.vector_load %arg7[%get3A_1553, %get3A_1554] {strides = array<i32>} : memref<26x16xf32, #tpu.memory_space<vmem>>, vector<1x16xf32>,
        %get3A_1556 = vector.shape_cast %get3A_1555 : vector<1x16xf32> to vector<16xf32>
        %get3A_1557 = arith.constant 21 : i32
        %get3A_1558 = arith.index_cast %get3A_1557 : i32 to index
        %get3A_1559 = arith.constant 0 : index
        %get3A_1560 = tpu.vector_load %arg7[%get3A_1558, %get3A_1559] {strides = array<i32>} : memref<26x16xf32, #tpu.memory_space<vmem>>, vector<1x16xf32>,
        %get3A_1561 = vector.shape_cast %get3A_1560 : vector<1x16xf32> to vector<16xf32>
        %get3A_1562 = arith.constant 22 : i32
        %get3A_1563 = arith.index_cast %get3A_1562 : i32 to index
        %get3A_1564 = arith.constant 0 : index
        %get3A_1565 = tpu.vector_load %arg7[%get3A_1563, %get3A_1564] {strides = array<i32>} : memref<26x16xf32, #tpu.memory_space<vmem>>, vector<1x16xf32>,
        %get3A_1566 = vector.shape_cast %get3A_1565 : vector<1x16xf32> to vector<16xf32>
        %get3A_1567 = arith.constant 23 : i32
        %get3A_1568 = arith.index_cast %get3A_1567 : i32 to index
        %get3A_1569 = arith.constant 0 : index
        %get3A_1570 = tpu.vector_load %arg7[%get3A_1568, %get3A_1569] {strides = array<i32>} : memref<26x16xf32, #tpu.memory_space<vmem>>, vector<1x16xf32>,
        %get3A_1571 = vector.shape_cast %get3A_1570 : vector<1x16xf32> to vector<16xf32>
        %get3A_1572 = arith.constant 24 : i32
        %get3A_1573 = arith.index_cast %get3A_1572 : i32 to index
        %get3A_1574 = arith.constant 0 : index
        %get3A_1575 = tpu.vector_load %arg7[%get3A_1573, %get3A_1574] {strides = array<i32>} : memref<26x16xf32, #tpu.memory_space<vmem>>, vector<1x16xf32>,
        %get3A_1576 = vector.shape_cast %get3A_1575 : vector<1x16xf32> to vector<16xf32>
        %get3A_1577 = arith.constant 25 : i32
        %get3A_1578 = arith.index_cast %get3A_1577 : i32 to index
        %get3A_1579 = arith.constant 0 : index
        %get3A_1580 = tpu.vector_load %arg7[%get3A_1578, %get3A_1579] {strides = array<i32>} : memref<26x16xf32, #tpu.memory_space<vmem>>, vector<1x16xf32>,
        %get3A_1581 = vector.shape_cast %get3A_1580 : vector<1x16xf32> to vector<16xf32>
        %get3A_1582 = arith.constant 5 : i32
        %get3A_1583 = arith.index_cast %get3A_1582 : i32 to index
        %get3A_1584 = memref.load %arg9[%get3A_1583] : memref<130xf32, #tpu.memory_space<smem>>
        %mul3A_1585 = vector.broadcast %get3A_1584 : f32 to vector<16xf32>
        %mul3A_1586 = arith.mulf %get3A_1461, %mul3A_1585 : vector<16xf32>
        %get3A_1587 = arith.constant 25 : i32
        %get3A_1588 = arith.index_cast %get3A_1587 : i32 to index
        %get3A_1589 = memref.load %arg9[%get3A_1588] : memref<130xf32, #tpu.memory_space<smem>>
        %mul3A_1590 = vector.broadcast %get3A_1589 : f32 to vector<16xf32>
        %mul3A_1591 = arith.mulf %get3A_1481, %mul3A_1590 : vector<16xf32>
        %get3A_1592 = arith.constant 35 : i32
        %get3A_1593 = arith.index_cast %get3A_1592 : i32 to index
        %get3A_1594 = memref.load %arg9[%get3A_1593] : memref<130xf32, #tpu.memory_space<smem>>
        %mul3A_1595 = vector.broadcast %get3A_1594 : f32 to vector<16xf32>
        %mul3A_1596 = arith.mulf %get3A_1491, %mul3A_1595 : vector<16xf32>
        %get3A_1597 = arith.constant 55 : i32
        %get3A_1598 = arith.index_cast %get3A_1597 : i32 to index
        %get3A_1599 = memref.load %arg9[%get3A_1598] : memref<130xf32, #tpu.memory_space<smem>>
        %mul3A_1600 = vector.broadcast %get3A_1599 : f32 to vector<16xf32>
        %mul3A_1601 = arith.mulf %get3A_1511, %mul3A_1600 : vector<16xf32>
        %get3A_1602 = arith.constant 65 : i32
        %get3A_1603 = arith.index_cast %get3A_1602 : i32 to index
        %get3A_1604 = memref.load %arg9[%get3A_1603] : memref<130xf32, #tpu.memory_space<smem>>
        %mul3A_1605 = vector.broadcast %get3A_1604 : f32 to vector<16xf32>
        %mul3A_1606 = arith.mulf %get3A_1521, %mul3A_1605 : vector<16xf32>
        %add3A_1607 = arith.addf %mul3A_1586, %mul3A_1591 : vector<16xf32>
        %add3A_1608 = arith.addf %mul3A_1596, %mul3A_1601 : vector<16xf32>
        %add3A_1609 = arith.addf %add3A_1607, %add3A_1608 : vector<16xf32>
        %add3A_1610 = arith.addf %add3A_1609, %mul3A_1606 : vector<16xf32>
        %mul3A_1611 = arith.constant 2.000000e+00 : f32
        %mul3A_1612 = vector.broadcast %mul3A_1611 : f32 to vector<16xf32>
        %mul3A_1613 = arith.mulf %add3A_1610, %mul3A_1612 : vector<16xf32>
        %exp3A_1614 = math.exp %mul3A_1613 : vector<16xf32>
        %add3A_1615 = arith.constant 1.000000e+00 : f32
        %add3A_1616 = vector.broadcast %add3A_1615 : f32 to vector<16xf32>
        %add3A_1617 = arith.addf %exp3A_1614, %add3A_1616 : vector<16xf32>
        %div3A_1618 = arith.constant 2.000000e+00 : f32
        %div3A_1619 = vector.broadcast %div3A_1618 : f32 to vector<16xf32>
        %div3A_1620 = arith.divf %div3A_1619, %add3A_1617 : vector<16xf32>
        %sub3A_1621 = arith.constant 1.000000e+00 : f32
        %sub3A_1622 = vector.broadcast %sub3A_1621 : f32 to vector<16xf32>
        %sub3A_1623 = arith.subf %sub3A_1622, %div3A_1620 : vector<16xf32>
        %add3A_1624 = arith.constant 0 : i32
        %add3A_1625 = arith.addi %add3A_1624, %select_n3A : i32
        %swap3A_1626 = arith.index_cast %add3A_1625 : i32 to index
        %swap3A_1627 = arith.index_cast %mul3A_50 : i32 to index
        %swap3A_1628 = tpu.vector_load %arg6[%swap3A_1626, %swap3A_1627] {strides = array<i32>} : memref<832x128xf32, #tpu.memory_space<vmem>>, vector<1x16xf32>,
        %swap3A_1629 = vector.shape_cast %swap3A_1628 : vector<1x16xf32> to vector<16xf32>
        %swap3A_1630 = vector.shape_cast %sub3A_1623 : vector<16xf32> to vector<1x16xf32>
        tpu.vector_store %arg6[%swap3A_1626, %swap3A_1627], %swap3A_1630 {strides = array<i32>} : memref<832x128xf32, #tpu.memory_space<vmem>>, vector<1x16xf32>,
        %get3A_1631 = arith.constant 10 : i32
        %get3A_1632 = arith.index_cast %get3A_1631 : i32 to index
        %get3A_1633 = memref.load %arg9[%get3A_1632] : memref<130xf32, #tpu.memory_space<smem>>
        %mul3A_1634 = vector.broadcast %get3A_1633 : f32 to vector<16xf32>
        %mul3A_1635 = arith.mulf %get3A_1466, %mul3A_1634 : vector<16xf32>
        %get3A_1636 = arith.constant 30 : i32
        %get3A_1637 = arith.index_cast %get3A_1636 : i32 to index
        %get3A_1638 = memref.load %arg9[%get3A_1637] : memref<130xf32, #tpu.memory_space<smem>>
        %mul3A_1639 = vector.broadcast %get3A_1638 : f32 to vector<16xf32>
        %mul3A_1640 = arith.mulf %get3A_1486, %mul3A_1639 : vector<16xf32>
        %get3A_1641 = arith.constant 40 : i32
        %get3A_1642 = arith.index_cast %get3A_1641 : i32 to index
        %get3A_1643 = memref.load %arg9[%get3A_1642] : memref<130xf32, #tpu.memory_space<smem>>
        %mul3A_1644 = vector.broadcast %get3A_1643 : f32 to vector<16xf32>
        %mul3A_1645 = arith.mulf %get3A_1496, %mul3A_1644 : vector<16xf32>
        %get3A_1646 = arith.constant 60 : i32
        %get3A_1647 = arith.index_cast %get3A_1646 : i32 to index
        %get3A_1648 = memref.load %arg9[%get3A_1647] : memref<130xf32, #tpu.memory_space<smem>>
        %mul3A_1649 = vector.broadcast %get3A_1648 : f32 to vector<16xf32>
        %mul3A_1650 = arith.mulf %get3A_1516, %mul3A_1649 : vector<16xf32>
        %get3A_1651 = arith.constant 70 : i32
        %get3A_1652 = arith.index_cast %get3A_1651 : i32 to index
        %get3A_1653 = memref.load %arg9[%get3A_1652] : memref<130xf32, #tpu.memory_space<smem>>
        %mul3A_1654 = vector.broadcast %get3A_1653 : f32 to vector<16xf32>
        %mul3A_1655 = arith.mulf %get3A_1526, %mul3A_1654 : vector<16xf32>
        %add3A_1656 = arith.addf %mul3A_1635, %mul3A_1640 : vector<16xf32>
        %add3A_1657 = arith.addf %mul3A_1645, %mul3A_1650 : vector<16xf32>
        %add3A_1658 = arith.addf %add3A_1656, %add3A_1657 : vector<16xf32>
        %add3A_1659 = arith.addf %add3A_1658, %mul3A_1655 : vector<16xf32>
        %mul3A_1660 = arith.constant 2.000000e+00 : f32
        %mul3A_1661 = vector.broadcast %mul3A_1660 : f32 to vector<16xf32>
        %mul3A_1662 = arith.mulf %add3A_1659, %mul3A_1661 : vector<16xf32>
        %exp3A_1663 = math.exp %mul3A_1662 : vector<16xf32>
        %add3A_1664 = arith.constant 1.000000e+00 : f32
        %add3A_1665 = vector.broadcast %add3A_1664 : f32 to vector<16xf32>
        %add3A_1666 = arith.addf %exp3A_1663, %add3A_1665 : vector<16xf32>
        %div3A_1667 = arith.constant 2.000000e+00 : f32
        %div3A_1668 = vector.broadcast %div3A_1667 : f32 to vector<16xf32>
        %div3A_1669 = arith.divf %div3A_1668, %add3A_1666 : vector<16xf32>
        %sub3A_1670 = arith.constant 1.000000e+00 : f32
        %sub3A_1671 = vector.broadcast %sub3A_1670 : f32 to vector<16xf32>
        %sub3A_1672 = arith.subf %sub3A_1671, %div3A_1669 : vector<16xf32>
        %add3A_1673 = arith.constant 32 : i32
        %add3A_1674 = arith.addi %add3A_1673, %select_n3A : i32
        %swap3A_1675 = arith.index_cast %add3A_1674 : i32 to index
        %swap3A_1676 = arith.index_cast %mul3A_50 : i32 to index
        %swap3A_1677 = tpu.vector_load %arg6[%swap3A_1675, %swap3A_1676] {strides = array<i32>} : memref<832x128xf32, #tpu.memory_space<vmem>>, vector<1x16xf32>,
        %swap3A_1678 = vector.shape_cast %swap3A_1677 : vector<1x16xf32> to vector<16xf32>
        %swap3A_1679 = vector.shape_cast %sub3A_1672 : vector<16xf32> to vector<1x16xf32>
        tpu.vector_store %arg6[%swap3A_1675, %swap3A_1676], %swap3A_1679 {strides = array<i32>} : memref<832x128xf32, #tpu.memory_space<vmem>>, vector<1x16xf32>,
        %get3A_1680 = arith.constant 15 : i32
        %get3A_1681 = arith.index_cast %get3A_1680 : i32 to index
        %get3A_1682 = memref.load %arg9[%get3A_1681] : memref<130xf32, #tpu.memory_space<smem>>
        %mul3A_1683 = vector.broadcast %get3A_1682 : f32 to vector<16xf32>
        %mul3A_1684 = arith.mulf %get3A_1471, %mul3A_1683 : vector<16xf32>
        %get3A_1685 = arith.constant 36 : i32
        %get3A_1686 = arith.index_cast %get3A_1685 : i32 to index
        %get3A_1687 = memref.load %arg9[%get3A_1686] : memref<130xf32, #tpu.memory_space<smem>>
        %mul3A_1688 = vector.broadcast %get3A_1687 : f32 to vector<16xf32>
        %mul3A_1689 = arith.mulf %get3A_1491, %mul3A_1688 : vector<16xf32>
        %get3A_1690 = arith.constant 45 : i32
        %get3A_1691 = arith.index_cast %get3A_1690 : i32 to index
        %get3A_1692 = memref.load %arg9[%get3A_1691] : memref<130xf32, #tpu.memory_space<smem>>
        %mul3A_1693 = vector.broadcast %get3A_1692 : f32 to vector<16xf32>
        %mul3A_1694 = arith.mulf %get3A_1501, %mul3A_1693 : vector<16xf32>
        %get3A_1695 = arith.constant 66 : i32
        %get3A_1696 = arith.index_cast %get3A_1695 : i32 to index
        %get3A_1697 = memref.load %arg9[%get3A_1696] : memref<130xf32, #tpu.memory_space<smem>>
        %mul3A_1698 = vector.broadcast %get3A_1697 : f32 to vector<16xf32>
        %mul3A_1699 = arith.mulf %get3A_1521, %mul3A_1698 : vector<16xf32>
        %get3A_1700 = arith.constant 75 : i32
        %get3A_1701 = arith.index_cast %get3A_1700 : i32 to index
        %get3A_1702 = memref.load %arg9[%get3A_1701] : memref<130xf32, #tpu.memory_space<smem>>
        %mul3A_1703 = vector.broadcast %get3A_1702 : f32 to vector<16xf32>
        %mul3A_1704 = arith.mulf %get3A_1531, %mul3A_1703 : vector<16xf32>
        %add3A_1705 = arith.addf %mul3A_1684, %mul3A_1689 : vector<16xf32>
        %add3A_1706 = arith.addf %mul3A_1694, %mul3A_1699 : vector<16xf32>
        %add3A_1707 = arith.addf %add3A_1705, %add3A_1706 : vector<16xf32>
        %add3A_1708 = arith.addf %add3A_1707, %mul3A_1704 : vector<16xf32>
        %mul3A_1709 = arith.constant 2.000000e+00 : f32
        %mul3A_1710 = vector.broadcast %mul3A_1709 : f32 to vector<16xf32>
        %mul3A_1711 = arith.mulf %add3A_1708, %mul3A_1710 : vector<16xf32>
        %exp3A_1712 = math.exp %mul3A_1711 : vector<16xf32>
        %add3A_1713 = arith.constant 1.000000e+00 : f32
        %add3A_1714 = vector.broadcast %add3A_1713 : f32 to vector<16xf32>
        %add3A_1715 = arith.addf %exp3A_1712, %add3A_1714 : vector<16xf32>
        %div3A_1716 = arith.constant 2.000000e+00 : f32
        %div3A_1717 = vector.broadcast %div3A_1716 : f32 to vector<16xf32>
        %div3A_1718 = arith.divf %div3A_1717, %add3A_1715 : vector<16xf32>
        %sub3A_1719 = arith.constant 1.000000e+00 : f32
        %sub3A_1720 = vector.broadcast %sub3A_1719 : f32 to vector<16xf32>
        %sub3A_1721 = arith.subf %sub3A_1720, %div3A_1718 : vector<16xf32>
        %add3A_1722 = arith.constant 64 : i32
        %add3A_1723 = arith.addi %add3A_1722, %select_n3A : i32
        %swap3A_1724 = arith.index_cast %add3A_1723 : i32 to index
        %swap3A_1725 = arith.index_cast %mul3A_50 : i32 to index
        %swap3A_1726 = tpu.vector_load %arg6[%swap3A_1724, %swap3A_1725] {strides = array<i32>} : memref<832x128xf32, #tpu.memory_space<vmem>>, vector<1x16xf32>,
        %swap3A_1727 = vector.shape_cast %swap3A_1726 : vector<1x16xf32> to vector<16xf32>
        %swap3A_1728 = vector.shape_cast %sub3A_1721 : vector<16xf32> to vector<1x16xf32>
        tpu.vector_store %arg6[%swap3A_1724, %swap3A_1725], %swap3A_1728 {strides = array<i32>} : memref<832x128xf32, #tpu.memory_space<vmem>>, vector<1x16xf32>,
        %get3A_1729 = arith.constant 20 : i32
        %get3A_1730 = arith.index_cast %get3A_1729 : i32 to index
        %get3A_1731 = memref.load %arg9[%get3A_1730] : memref<130xf32, #tpu.memory_space<smem>>
        %mul3A_1732 = vector.broadcast %get3A_1731 : f32 to vector<16xf32>
        %mul3A_1733 = arith.mulf %get3A_1476, %mul3A_1732 : vector<16xf32>
        %get3A_1734 = arith.constant 41 : i32
        %get3A_1735 = arith.index_cast %get3A_1734 : i32 to index
        %get3A_1736 = memref.load %arg9[%get3A_1735] : memref<130xf32, #tpu.memory_space<smem>>
        %mul3A_1737 = vector.broadcast %get3A_1736 : f32 to vector<16xf32>
        %mul3A_1738 = arith.mulf %get3A_1496, %mul3A_1737 : vector<16xf32>
        %get3A_1739 = arith.constant 50 : i32
        %get3A_1740 = arith.index_cast %get3A_1739 : i32 to index
        %get3A_1741 = memref.load %arg9[%get3A_1740] : memref<130xf32, #tpu.memory_space<smem>>
        %mul3A_1742 = vector.broadcast %get3A_1741 : f32 to vector<16xf32>
        %mul3A_1743 = arith.mulf %get3A_1506, %mul3A_1742 : vector<16xf32>
        %get3A_1744 = arith.constant 71 : i32
        %get3A_1745 = arith.index_cast %get3A_1744 : i32 to index
        %get3A_1746 = memref.load %arg9[%get3A_1745] : memref<130xf32, #tpu.memory_space<smem>>
        %mul3A_1747 = vector.broadcast %get3A_1746 : f32 to vector<16xf32>
        %mul3A_1748 = arith.mulf %get3A_1526, %mul3A_1747 : vector<16xf32>
        %get3A_1749 = arith.constant 80 : i32
        %get3A_1750 = arith.index_cast %get3A_1749 : i32 to index
        %get3A_1751 = memref.load %arg9[%get3A_1750] : memref<130xf32, #tpu.memory_space<smem>>
        %mul3A_1752 = vector.broadcast %get3A_1751 : f32 to vector<16xf32>
        %mul3A_1753 = arith.mulf %get3A_1536, %mul3A_1752 : vector<16xf32>
        %add3A_1754 = arith.addf %mul3A_1733, %mul3A_1738 : vector<16xf32>
        %add3A_1755 = arith.addf %mul3A_1743, %mul3A_1748 : vector<16xf32>
        %add3A_1756 = arith.addf %add3A_1754, %add3A_1755 : vector<16xf32>
        %add3A_1757 = arith.addf %add3A_1756, %mul3A_1753 : vector<16xf32>
        %mul3A_1758 = arith.constant 2.000000e+00 : f32
        %mul3A_1759 = vector.broadcast %mul3A_1758 : f32 to vector<16xf32>
        %mul3A_1760 = arith.mulf %add3A_1757, %mul3A_1759 : vector<16xf32>
        %exp3A_1761 = math.exp %mul3A_1760 : vector<16xf32>
        %add3A_1762 = arith.constant 1.000000e+00 : f32
        %add3A_1763 = vector.broadcast %add3A_1762 : f32 to vector<16xf32>
        %add3A_1764 = arith.addf %exp3A_1761, %add3A_1763 : vector<16xf32>
        %div3A_1765 = arith.constant 2.000000e+00 : f32
        %div3A_1766 = vector.broadcast %div3A_1765 : f32 to vector<16xf32>
        %div3A_1767 = arith.divf %div3A_1766, %add3A_1764 : vector<16xf32>
        %sub3A_1768 = arith.constant 1.000000e+00 : f32
        %sub3A_1769 = vector.broadcast %sub3A_1768 : f32 to vector<16xf32>
        %sub3A_1770 = arith.subf %sub3A_1769, %div3A_1767 : vector<16xf32>
        %add3A_1771 = arith.constant 96 : i32
        %add3A_1772 = arith.addi %add3A_1771, %select_n3A : i32
        %swap3A_1773 = arith.index_cast %add3A_1772 : i32 to index
        %swap3A_1774 = arith.index_cast %mul3A_50 : i32 to index
        %swap3A_1775 = tpu.vector_load %arg6[%swap3A_1773, %swap3A_1774] {strides = array<i32>} : memref<832x128xf32, #tpu.memory_space<vmem>>, vector<1x16xf32>,
        %swap3A_1776 = vector.shape_cast %swap3A_1775 : vector<1x16xf32> to vector<16xf32>
        %swap3A_1777 = vector.shape_cast %sub3A_1770 : vector<16xf32> to vector<1x16xf32>
        tpu.vector_store %arg6[%swap3A_1773, %swap3A_1774], %swap3A_1777 {strides = array<i32>} : memref<832x128xf32, #tpu.memory_space<vmem>>, vector<1x16xf32>,
        %get3A_1778 = arith.constant 26 : i32
        %get3A_1779 = arith.index_cast %get3A_1778 : i32 to index
        %get3A_1780 = memref.load %arg9[%get3A_1779] : memref<130xf32, #tpu.memory_space<smem>>
        %mul3A_1781 = vector.broadcast %get3A_1780 : f32 to vector<16xf32>
        %mul3A_1782 = arith.mulf %get3A_1481, %mul3A_1781 : vector<16xf32>
        %get3A_1783 = arith.constant 46 : i32
        %get3A_1784 = arith.index_cast %get3A_1783 : i32 to index
        %get3A_1785 = memref.load %arg9[%get3A_1784] : memref<130xf32, #tpu.memory_space<smem>>
        %mul3A_1786 = vector.broadcast %get3A_1785 : f32 to vector<16xf32>
        %mul3A_1787 = arith.mulf %get3A_1501, %mul3A_1786 : vector<16xf32>
        %get3A_1788 = arith.constant 56 : i32
        %get3A_1789 = arith.index_cast %get3A_1788 : i32 to index
        %get3A_1790 = memref.load %arg9[%get3A_1789] : memref<130xf32, #tpu.memory_space<smem>>
        %mul3A_1791 = vector.broadcast %get3A_1790 : f32 to vector<16xf32>
        %mul3A_1792 = arith.mulf %get3A_1511, %mul3A_1791 : vector<16xf32>
        %get3A_1793 = arith.constant 76 : i32
        %get3A_1794 = arith.index_cast %get3A_1793 : i32 to index
        %get3A_1795 = memref.load %arg9[%get3A_1794] : memref<130xf32, #tpu.memory_space<smem>>
        %mul3A_1796 = vector.broadcast %get3A_1795 : f32 to vector<16xf32>
        %mul3A_1797 = arith.mulf %get3A_1531, %mul3A_1796 : vector<16xf32>
        %get3A_1798 = arith.constant 85 : i32
        %get3A_1799 = arith.index_cast %get3A_1798 : i32 to index
        %get3A_1800 = memref.load %arg9[%get3A_1799] : memref<130xf32, #tpu.memory_space<smem>>
        %mul3A_1801 = vector.broadcast %get3A_1800 : f32 to vector<16xf32>
        %mul3A_1802 = arith.mulf %get3A_1541, %mul3A_1801 : vector<16xf32>
        %add3A_1803 = arith.addf %mul3A_1782, %mul3A_1787 : vector<16xf32>
        %add3A_1804 = arith.addf %mul3A_1792, %mul3A_1797 : vector<16xf32>
        %add3A_1805 = arith.addf %add3A_1803, %add3A_1804 : vector<16xf32>
        %add3A_1806 = arith.addf %add3A_1805, %mul3A_1802 : vector<16xf32>
        %mul3A_1807 = arith.constant 2.000000e+00 : f32
        %mul3A_1808 = vector.broadcast %mul3A_1807 : f32 to vector<16xf32>
        %mul3A_1809 = arith.mulf %add3A_1806, %mul3A_1808 : vector<16xf32>
        %exp3A_1810 = math.exp %mul3A_1809 : vector<16xf32>
        %add3A_1811 = arith.constant 1.000000e+00 : f32
        %add3A_1812 = vector.broadcast %add3A_1811 : f32 to vector<16xf32>
        %add3A_1813 = arith.addf %exp3A_1810, %add3A_1812 : vector<16xf32>
        %div3A_1814 = arith.constant 2.000000e+00 : f32
        %div3A_1815 = vector.broadcast %div3A_1814 : f32 to vector<16xf32>
        %div3A_1816 = arith.divf %div3A_1815, %add3A_1813 : vector<16xf32>
        %sub3A_1817 = arith.constant 1.000000e+00 : f32
        %sub3A_1818 = vector.broadcast %sub3A_1817 : f32 to vector<16xf32>
        %sub3A_1819 = arith.subf %sub3A_1818, %div3A_1816 : vector<16xf32>
        %add3A_1820 = arith.constant 128 : i32
        %add3A_1821 = arith.addi %add3A_1820, %select_n3A : i32
        %swap3A_1822 = arith.index_cast %add3A_1821 : i32 to index
        %swap3A_1823 = arith.index_cast %mul3A_50 : i32 to index
        %swap3A_1824 = tpu.vector_load %arg6[%swap3A_1822, %swap3A_1823] {strides = array<i32>} : memref<832x128xf32, #tpu.memory_space<vmem>>, vector<1x16xf32>,
        %swap3A_1825 = vector.shape_cast %swap3A_1824 : vector<1x16xf32> to vector<16xf32>
        %swap3A_1826 = vector.shape_cast %sub3A_1819 : vector<16xf32> to vector<1x16xf32>
        tpu.vector_store %arg6[%swap3A_1822, %swap3A_1823], %swap3A_1826 {strides = array<i32>} : memref<832x128xf32, #tpu.memory_space<vmem>>, vector<1x16xf32>,
        %get3A_1827 = arith.constant 31 : i32
        %get3A_1828 = arith.index_cast %get3A_1827 : i32 to index
        %get3A_1829 = memref.load %arg9[%get3A_1828] : memref<130xf32, #tpu.memory_space<smem>>
        %mul3A_1830 = vector.broadcast %get3A_1829 : f32 to vector<16xf32>
        %mul3A_1831 = arith.mulf %get3A_1486, %mul3A_1830 : vector<16xf32>
        %get3A_1832 = arith.constant 51 : i32
        %get3A_1833 = arith.index_cast %get3A_1832 : i32 to index
        %get3A_1834 = memref.load %arg9[%get3A_1833] : memref<130xf32, #tpu.memory_space<smem>>
        %mul3A_1835 = vector.broadcast %get3A_1834 : f32 to vector<16xf32>
        %mul3A_1836 = arith.mulf %get3A_1506, %mul3A_1835 : vector<16xf32>
        %get3A_1837 = arith.constant 61 : i32
        %get3A_1838 = arith.index_cast %get3A_1837 : i32 to index
        %get3A_1839 = memref.load %arg9[%get3A_1838] : memref<130xf32, #tpu.memory_space<smem>>
        %mul3A_1840 = vector.broadcast %get3A_1839 : f32 to vector<16xf32>
        %mul3A_1841 = arith.mulf %get3A_1516, %mul3A_1840 : vector<16xf32>
        %get3A_1842 = arith.constant 81 : i32
        %get3A_1843 = arith.index_cast %get3A_1842 : i32 to index
        %get3A_1844 = memref.load %arg9[%get3A_1843] : memref<130xf32, #tpu.memory_space<smem>>
        %mul3A_1845 = vector.broadcast %get3A_1844 : f32 to vector<16xf32>
        %mul3A_1846 = arith.mulf %get3A_1536, %mul3A_1845 : vector<16xf32>
        %get3A_1847 = arith.constant 90 : i32
        %get3A_1848 = arith.index_cast %get3A_1847 : i32 to index
        %get3A_1849 = memref.load %arg9[%get3A_1848] : memref<130xf32, #tpu.memory_space<smem>>
        %mul3A_1850 = vector.broadcast %get3A_1849 : f32 to vector<16xf32>
        %mul3A_1851 = arith.mulf %get3A_1546, %mul3A_1850 : vector<16xf32>
        %add3A_1852 = arith.addf %mul3A_1831, %mul3A_1836 : vector<16xf32>
        %add3A_1853 = arith.addf %mul3A_1841, %mul3A_1846 : vector<16xf32>
        %add3A_1854 = arith.addf %add3A_1852, %add3A_1853 : vector<16xf32>
        %add3A_1855 = arith.addf %add3A_1854, %mul3A_1851 : vector<16xf32>
        %mul3A_1856 = arith.constant 2.000000e+00 : f32
        %mul3A_1857 = vector.broadcast %mul3A_1856 : f32 to vector<16xf32>
        %mul3A_1858 = arith.mulf %add3A_1855, %mul3A_1857 : vector<16xf32>
        %exp3A_1859 = math.exp %mul3A_1858 : vector<16xf32>
        %add3A_1860 = arith.constant 1.000000e+00 : f32
        %add3A_1861 = vector.broadcast %add3A_1860 : f32 to vector<16xf32>
        %add3A_1862 = arith.addf %exp3A_1859, %add3A_1861 : vector<16xf32>
        %div3A_1863 = arith.constant 2.000000e+00 : f32
        %div3A_1864 = vector.broadcast %div3A_1863 : f32 to vector<16xf32>
        %div3A_1865 = arith.divf %div3A_1864, %add3A_1862 : vector<16xf32>
        %sub3A_1866 = arith.constant 1.000000e+00 : f32
        %sub3A_1867 = vector.broadcast %sub3A_1866 : f32 to vector<16xf32>
        %sub3A_1868 = arith.subf %sub3A_1867, %div3A_1865 : vector<16xf32>
        %add3A_1869 = arith.constant 160 : i32
        %add3A_1870 = arith.addi %add3A_1869, %select_n3A : i32
        %swap3A_1871 = arith.index_cast %add3A_1870 : i32 to index
        %swap3A_1872 = arith.index_cast %mul3A_50 : i32 to index
        %swap3A_1873 = tpu.vector_load %arg6[%swap3A_1871, %swap3A_1872] {strides = array<i32>} : memref<832x128xf32, #tpu.memory_space<vmem>>, vector<1x16xf32>,
        %swap3A_1874 = vector.shape_cast %swap3A_1873 : vector<1x16xf32> to vector<16xf32>
        %swap3A_1875 = vector.shape_cast %sub3A_1868 : vector<16xf32> to vector<1x16xf32>
        tpu.vector_store %arg6[%swap3A_1871, %swap3A_1872], %swap3A_1875 {strides = array<i32>} : memref<832x128xf32, #tpu.memory_space<vmem>>, vector<1x16xf32>,
        %get3A_1876 = arith.constant 37 : i32
        %get3A_1877 = arith.index_cast %get3A_1876 : i32 to index
        %get3A_1878 = memref.load %arg9[%get3A_1877] : memref<130xf32, #tpu.memory_space<smem>>
        %mul3A_1879 = vector.broadcast %get3A_1878 : f32 to vector<16xf32>
        %mul3A_1880 = arith.mulf %get3A_1491, %mul3A_1879 : vector<16xf32>
        %get3A_1881 = arith.constant 57 : i32
        %get3A_1882 = arith.index_cast %get3A_1881 : i32 to index
        %get3A_1883 = memref.load %arg9[%get3A_1882] : memref<130xf32, #tpu.memory_space<smem>>
        %mul3A_1884 = vector.broadcast %get3A_1883 : f32 to vector<16xf32>
        %mul3A_1885 = arith.mulf %get3A_1511, %mul3A_1884 : vector<16xf32>
        %get3A_1886 = arith.constant 67 : i32
        %get3A_1887 = arith.index_cast %get3A_1886 : i32 to index
        %get3A_1888 = memref.load %arg9[%get3A_1887] : memref<130xf32, #tpu.memory_space<smem>>
        %mul3A_1889 = vector.broadcast %get3A_1888 : f32 to vector<16xf32>
        %mul3A_1890 = arith.mulf %get3A_1521, %mul3A_1889 : vector<16xf32>
        %get3A_1891 = arith.constant 86 : i32
        %get3A_1892 = arith.index_cast %get3A_1891 : i32 to index
        %get3A_1893 = memref.load %arg9[%get3A_1892] : memref<130xf32, #tpu.memory_space<smem>>
        %mul3A_1894 = vector.broadcast %get3A_1893 : f32 to vector<16xf32>
        %mul3A_1895 = arith.mulf %get3A_1541, %mul3A_1894 : vector<16xf32>
        %get3A_1896 = arith.constant 95 : i32
        %get3A_1897 = arith.index_cast %get3A_1896 : i32 to index
        %get3A_1898 = memref.load %arg9[%get3A_1897] : memref<130xf32, #tpu.memory_space<smem>>
        %mul3A_1899 = vector.broadcast %get3A_1898 : f32 to vector<16xf32>
        %mul3A_1900 = arith.mulf %get3A_1551, %mul3A_1899 : vector<16xf32>
        %add3A_1901 = arith.addf %mul3A_1880, %mul3A_1885 : vector<16xf32>
        %add3A_1902 = arith.addf %mul3A_1890, %mul3A_1895 : vector<16xf32>
        %add3A_1903 = arith.addf %add3A_1901, %add3A_1902 : vector<16xf32>
        %add3A_1904 = arith.addf %add3A_1903, %mul3A_1900 : vector<16xf32>
        %mul3A_1905 = arith.constant 2.000000e+00 : f32
        %mul3A_1906 = vector.broadcast %mul3A_1905 : f32 to vector<16xf32>
        %mul3A_1907 = arith.mulf %add3A_1904, %mul3A_1906 : vector<16xf32>
        %exp3A_1908 = math.exp %mul3A_1907 : vector<16xf32>
        %add3A_1909 = arith.constant 1.000000e+00 : f32
        %add3A_1910 = vector.broadcast %add3A_1909 : f32 to vector<16xf32>
        %add3A_1911 = arith.addf %exp3A_1908, %add3A_1910 : vector<16xf32>
        %div3A_1912 = arith.constant 2.000000e+00 : f32
        %div3A_1913 = vector.broadcast %div3A_1912 : f32 to vector<16xf32>
        %div3A_1914 = arith.divf %div3A_1913, %add3A_1911 : vector<16xf32>
        %sub3A_1915 = arith.constant 1.000000e+00 : f32
        %sub3A_1916 = vector.broadcast %sub3A_1915 : f32 to vector<16xf32>
        %sub3A_1917 = arith.subf %sub3A_1916, %div3A_1914 : vector<16xf32>
        %add3A_1918 = arith.constant 192 : i32
        %add3A_1919 = arith.addi %add3A_1918, %select_n3A : i32
        %swap3A_1920 = arith.index_cast %add3A_1919 : i32 to index
        %swap3A_1921 = arith.index_cast %mul3A_50 : i32 to index
        %swap3A_1922 = tpu.vector_load %arg6[%swap3A_1920, %swap3A_1921] {strides = array<i32>} : memref<832x128xf32, #tpu.memory_space<vmem>>, vector<1x16xf32>,
        %swap3A_1923 = vector.shape_cast %swap3A_1922 : vector<1x16xf32> to vector<16xf32>
        %swap3A_1924 = vector.shape_cast %sub3A_1917 : vector<16xf32> to vector<1x16xf32>
        tpu.vector_store %arg6[%swap3A_1920, %swap3A_1921], %swap3A_1924 {strides = array<i32>} : memref<832x128xf32, #tpu.memory_space<vmem>>, vector<1x16xf32>,
        %get3A_1925 = arith.constant 42 : i32
        %get3A_1926 = arith.index_cast %get3A_1925 : i32 to index
        %get3A_1927 = memref.load %arg9[%get3A_1926] : memref<130xf32, #tpu.memory_space<smem>>
        %mul3A_1928 = vector.broadcast %get3A_1927 : f32 to vector<16xf32>
        %mul3A_1929 = arith.mulf %get3A_1496, %mul3A_1928 : vector<16xf32>
        %get3A_1930 = arith.constant 62 : i32
        %get3A_1931 = arith.index_cast %get3A_1930 : i32 to index
        %get3A_1932 = memref.load %arg9[%get3A_1931] : memref<130xf32, #tpu.memory_space<smem>>
        %mul3A_1933 = vector.broadcast %get3A_1932 : f32 to vector<16xf32>
        %mul3A_1934 = arith.mulf %get3A_1516, %mul3A_1933 : vector<16xf32>
        %get3A_1935 = arith.constant 72 : i32
        %get3A_1936 = arith.index_cast %get3A_1935 : i32 to index
        %get3A_1937 = memref.load %arg9[%get3A_1936] : memref<130xf32, #tpu.memory_space<smem>>
        %mul3A_1938 = vector.broadcast %get3A_1937 : f32 to vector<16xf32>
        %mul3A_1939 = arith.mulf %get3A_1526, %mul3A_1938 : vector<16xf32>
        %get3A_1940 = arith.constant 91 : i32
        %get3A_1941 = arith.index_cast %get3A_1940 : i32 to index
        %get3A_1942 = memref.load %arg9[%get3A_1941] : memref<130xf32, #tpu.memory_space<smem>>
        %mul3A_1943 = vector.broadcast %get3A_1942 : f32 to vector<16xf32>
        %mul3A_1944 = arith.mulf %get3A_1546, %mul3A_1943 : vector<16xf32>
        %get3A_1945 = arith.constant 100 : i32
        %get3A_1946 = arith.index_cast %get3A_1945 : i32 to index
        %get3A_1947 = memref.load %arg9[%get3A_1946] : memref<130xf32, #tpu.memory_space<smem>>
        %mul3A_1948 = vector.broadcast %get3A_1947 : f32 to vector<16xf32>
        %mul3A_1949 = arith.mulf %get3A_1556, %mul3A_1948 : vector<16xf32>
        %add3A_1950 = arith.addf %mul3A_1929, %mul3A_1934 : vector<16xf32>
        %add3A_1951 = arith.addf %mul3A_1939, %mul3A_1944 : vector<16xf32>
        %add3A_1952 = arith.addf %add3A_1950, %add3A_1951 : vector<16xf32>
        %add3A_1953 = arith.addf %add3A_1952, %mul3A_1949 : vector<16xf32>
        %mul3A_1954 = arith.constant 2.000000e+00 : f32
        %mul3A_1955 = vector.broadcast %mul3A_1954 : f32 to vector<16xf32>
        %mul3A_1956 = arith.mulf %add3A_1953, %mul3A_1955 : vector<16xf32>
        %exp3A_1957 = math.exp %mul3A_1956 : vector<16xf32>
        %add3A_1958 = arith.constant 1.000000e+00 : f32
        %add3A_1959 = vector.broadcast %add3A_1958 : f32 to vector<16xf32>
        %add3A_1960 = arith.addf %exp3A_1957, %add3A_1959 : vector<16xf32>
        %div3A_1961 = arith.constant 2.000000e+00 : f32
        %div3A_1962 = vector.broadcast %div3A_1961 : f32 to vector<16xf32>
        %div3A_1963 = arith.divf %div3A_1962, %add3A_1960 : vector<16xf32>
        %sub3A_1964 = arith.constant 1.000000e+00 : f32
        %sub3A_1965 = vector.broadcast %sub3A_1964 : f32 to vector<16xf32>
        %sub3A_1966 = arith.subf %sub3A_1965, %div3A_1963 : vector<16xf32>
        %add3A_1967 = arith.constant 224 : i32
        %add3A_1968 = arith.addi %add3A_1967, %select_n3A : i32
        %swap3A_1969 = arith.index_cast %add3A_1968 : i32 to index
        %swap3A_1970 = arith.index_cast %mul3A_50 : i32 to index
        %swap3A_1971 = tpu.vector_load %arg6[%swap3A_1969, %swap3A_1970] {strides = array<i32>} : memref<832x128xf32, #tpu.memory_space<vmem>>, vector<1x16xf32>,
        %swap3A_1972 = vector.shape_cast %swap3A_1971 : vector<1x16xf32> to vector<16xf32>
        %swap3A_1973 = vector.shape_cast %sub3A_1966 : vector<16xf32> to vector<1x16xf32>
        tpu.vector_store %arg6[%swap3A_1969, %swap3A_1970], %swap3A_1973 {strides = array<i32>} : memref<832x128xf32, #tpu.memory_space<vmem>>, vector<1x16xf32>,
        %get3A_1974 = arith.constant 47 : i32
        %get3A_1975 = arith.index_cast %get3A_1974 : i32 to index
        %get3A_1976 = memref.load %arg9[%get3A_1975] : memref<130xf32, #tpu.memory_space<smem>>
        %mul3A_1977 = vector.broadcast %get3A_1976 : f32 to vector<16xf32>
        %mul3A_1978 = arith.mulf %get3A_1501, %mul3A_1977 : vector<16xf32>
        %get3A_1979 = arith.constant 68 : i32
        %get3A_1980 = arith.index_cast %get3A_1979 : i32 to index
        %get3A_1981 = memref.load %arg9[%get3A_1980] : memref<130xf32, #tpu.memory_space<smem>>
        %mul3A_1982 = vector.broadcast %get3A_1981 : f32 to vector<16xf32>
        %mul3A_1983 = arith.mulf %get3A_1521, %mul3A_1982 : vector<16xf32>
        %get3A_1984 = arith.constant 77 : i32
        %get3A_1985 = arith.index_cast %get3A_1984 : i32 to index
        %get3A_1986 = memref.load %arg9[%get3A_1985] : memref<130xf32, #tpu.memory_space<smem>>
        %mul3A_1987 = vector.broadcast %get3A_1986 : f32 to vector<16xf32>
        %mul3A_1988 = arith.mulf %get3A_1531, %mul3A_1987 : vector<16xf32>
        %get3A_1989 = arith.constant 96 : i32
        %get3A_1990 = arith.index_cast %get3A_1989 : i32 to index
        %get3A_1991 = memref.load %arg9[%get3A_1990] : memref<130xf32, #tpu.memory_space<smem>>
        %mul3A_1992 = vector.broadcast %get3A_1991 : f32 to vector<16xf32>
        %mul3A_1993 = arith.mulf %get3A_1551, %mul3A_1992 : vector<16xf32>
        %get3A_1994 = arith.constant 105 : i32
        %get3A_1995 = arith.index_cast %get3A_1994 : i32 to index
        %get3A_1996 = memref.load %arg9[%get3A_1995] : memref<130xf32, #tpu.memory_space<smem>>
        %mul3A_1997 = vector.broadcast %get3A_1996 : f32 to vector<16xf32>
        %mul3A_1998 = arith.mulf %get3A_1561, %mul3A_1997 : vector<16xf32>
        %add3A_1999 = arith.addf %mul3A_1978, %mul3A_1983 : vector<16xf32>
        %add3A_2000 = arith.addf %mul3A_1988, %mul3A_1993 : vector<16xf32>
        %add3A_2001 = arith.addf %add3A_1999, %add3A_2000 : vector<16xf32>
        %add3A_2002 = arith.addf %add3A_2001, %mul3A_1998 : vector<16xf32>
        %mul3A_2003 = arith.constant 2.000000e+00 : f32
        %mul3A_2004 = vector.broadcast %mul3A_2003 : f32 to vector<16xf32>
        %mul3A_2005 = arith.mulf %add3A_2002, %mul3A_2004 : vector<16xf32>
        %exp3A_2006 = math.exp %mul3A_2005 : vector<16xf32>
        %add3A_2007 = arith.constant 1.000000e+00 : f32
        %add3A_2008 = vector.broadcast %add3A_2007 : f32 to vector<16xf32>
        %add3A_2009 = arith.addf %exp3A_2006, %add3A_2008 : vector<16xf32>
        %div3A_2010 = arith.constant 2.000000e+00 : f32
        %div3A_2011 = vector.broadcast %div3A_2010 : f32 to vector<16xf32>
        %div3A_2012 = arith.divf %div3A_2011, %add3A_2009 : vector<16xf32>
        %sub3A_2013 = arith.constant 1.000000e+00 : f32
        %sub3A_2014 = vector.broadcast %sub3A_2013 : f32 to vector<16xf32>
        %sub3A_2015 = arith.subf %sub3A_2014, %div3A_2012 : vector<16xf32>
        %add3A_2016 = arith.constant 256 : i32
        %add3A_2017 = arith.addi %add3A_2016, %select_n3A : i32
        %swap3A_2018 = arith.index_cast %add3A_2017 : i32 to index
        %swap3A_2019 = arith.index_cast %mul3A_50 : i32 to index
        %swap3A_2020 = tpu.vector_load %arg6[%swap3A_2018, %swap3A_2019] {strides = array<i32>} : memref<832x128xf32, #tpu.memory_space<vmem>>, vector<1x16xf32>,
        %swap3A_2021 = vector.shape_cast %swap3A_2020 : vector<1x16xf32> to vector<16xf32>
        %swap3A_2022 = vector.shape_cast %sub3A_2015 : vector<16xf32> to vector<1x16xf32>
        tpu.vector_store %arg6[%swap3A_2018, %swap3A_2019], %swap3A_2022 {strides = array<i32>} : memref<832x128xf32, #tpu.memory_space<vmem>>, vector<1x16xf32>,
        %get3A_2023 = arith.constant 52 : i32
        %get3A_2024 = arith.index_cast %get3A_2023 : i32 to index
        %get3A_2025 = memref.load %arg9[%get3A_2024] : memref<130xf32, #tpu.memory_space<smem>>
        %mul3A_2026 = vector.broadcast %get3A_2025 : f32 to vector<16xf32>
        %mul3A_2027 = arith.mulf %get3A_1506, %mul3A_2026 : vector<16xf32>
        %get3A_2028 = arith.constant 73 : i32
        %get3A_2029 = arith.index_cast %get3A_2028 : i32 to index
        %get3A_2030 = memref.load %arg9[%get3A_2029] : memref<130xf32, #tpu.memory_space<smem>>
        %mul3A_2031 = vector.broadcast %get3A_2030 : f32 to vector<16xf32>
        %mul3A_2032 = arith.mulf %get3A_1526, %mul3A_2031 : vector<16xf32>
        %get3A_2033 = arith.constant 82 : i32
        %get3A_2034 = arith.index_cast %get3A_2033 : i32 to index
        %get3A_2035 = memref.load %arg9[%get3A_2034] : memref<130xf32, #tpu.memory_space<smem>>
        %mul3A_2036 = vector.broadcast %get3A_2035 : f32 to vector<16xf32>
        %mul3A_2037 = arith.mulf %get3A_1536, %mul3A_2036 : vector<16xf32>
        %get3A_2038 = arith.constant 101 : i32
        %get3A_2039 = arith.index_cast %get3A_2038 : i32 to index
        %get3A_2040 = memref.load %arg9[%get3A_2039] : memref<130xf32, #tpu.memory_space<smem>>
        %mul3A_2041 = vector.broadcast %get3A_2040 : f32 to vector<16xf32>
        %mul3A_2042 = arith.mulf %get3A_1556, %mul3A_2041 : vector<16xf32>
        %get3A_2043 = arith.constant 110 : i32
        %get3A_2044 = arith.index_cast %get3A_2043 : i32 to index
        %get3A_2045 = memref.load %arg9[%get3A_2044] : memref<130xf32, #tpu.memory_space<smem>>
        %mul3A_2046 = vector.broadcast %get3A_2045 : f32 to vector<16xf32>
        %mul3A_2047 = arith.mulf %get3A_1566, %mul3A_2046 : vector<16xf32>
        %add3A_2048 = arith.addf %mul3A_2027, %mul3A_2032 : vector<16xf32>
        %add3A_2049 = arith.addf %mul3A_2037, %mul3A_2042 : vector<16xf32>
        %add3A_2050 = arith.addf %add3A_2048, %add3A_2049 : vector<16xf32>
        %add3A_2051 = arith.addf %add3A_2050, %mul3A_2047 : vector<16xf32>
        %mul3A_2052 = arith.constant 2.000000e+00 : f32
        %mul3A_2053 = vector.broadcast %mul3A_2052 : f32 to vector<16xf32>
        %mul3A_2054 = arith.mulf %add3A_2051, %mul3A_2053 : vector<16xf32>
        %exp3A_2055 = math.exp %mul3A_2054 : vector<16xf32>
        %add3A_2056 = arith.constant 1.000000e+00 : f32
        %add3A_2057 = vector.broadcast %add3A_2056 : f32 to vector<16xf32>
        %add3A_2058 = arith.addf %exp3A_2055, %add3A_2057 : vector<16xf32>
        %div3A_2059 = arith.constant 2.000000e+00 : f32
        %div3A_2060 = vector.broadcast %div3A_2059 : f32 to vector<16xf32>
        %div3A_2061 = arith.divf %div3A_2060, %add3A_2058 : vector<16xf32>
        %sub3A_2062 = arith.constant 1.000000e+00 : f32
        %sub3A_2063 = vector.broadcast %sub3A_2062 : f32 to vector<16xf32>
        %sub3A_2064 = arith.subf %sub3A_2063, %div3A_2061 : vector<16xf32>
        %add3A_2065 = arith.constant 288 : i32
        %add3A_2066 = arith.addi %add3A_2065, %select_n3A : i32
        %swap3A_2067 = arith.index_cast %add3A_2066 : i32 to index
        %swap3A_2068 = arith.index_cast %mul3A_50 : i32 to index
        %swap3A_2069 = tpu.vector_load %arg6[%swap3A_2067, %swap3A_2068] {strides = array<i32>} : memref<832x128xf32, #tpu.memory_space<vmem>>, vector<1x16xf32>,
        %swap3A_2070 = vector.shape_cast %swap3A_2069 : vector<1x16xf32> to vector<16xf32>
        %swap3A_2071 = vector.shape_cast %sub3A_2064 : vector<16xf32> to vector<1x16xf32>
        tpu.vector_store %arg6[%swap3A_2067, %swap3A_2068], %swap3A_2071 {strides = array<i32>} : memref<832x128xf32, #tpu.memory_space<vmem>>, vector<1x16xf32>,
        %get3A_2072 = arith.constant 58 : i32
        %get3A_2073 = arith.index_cast %get3A_2072 : i32 to index
        %get3A_2074 = memref.load %arg9[%get3A_2073] : memref<130xf32, #tpu.memory_space<smem>>
        %mul3A_2075 = vector.broadcast %get3A_2074 : f32 to vector<16xf32>
        %mul3A_2076 = arith.mulf %get3A_1511, %mul3A_2075 : vector<16xf32>
        %get3A_2077 = arith.constant 78 : i32
        %get3A_2078 = arith.index_cast %get3A_2077 : i32 to index
        %get3A_2079 = memref.load %arg9[%get3A_2078] : memref<130xf32, #tpu.memory_space<smem>>
        %mul3A_2080 = vector.broadcast %get3A_2079 : f32 to vector<16xf32>
        %mul3A_2081 = arith.mulf %get3A_1531, %mul3A_2080 : vector<16xf32>
        %get3A_2082 = arith.constant 87 : i32
        %get3A_2083 = arith.index_cast %get3A_2082 : i32 to index
        %get3A_2084 = memref.load %arg9[%get3A_2083] : memref<130xf32, #tpu.memory_space<smem>>
        %mul3A_2085 = vector.broadcast %get3A_2084 : f32 to vector<16xf32>
        %mul3A_2086 = arith.mulf %get3A_1541, %mul3A_2085 : vector<16xf32>
        %get3A_2087 = arith.constant 106 : i32
        %get3A_2088 = arith.index_cast %get3A_2087 : i32 to index
        %get3A_2089 = memref.load %arg9[%get3A_2088] : memref<130xf32, #tpu.memory_space<smem>>
        %mul3A_2090 = vector.broadcast %get3A_2089 : f32 to vector<16xf32>
        %mul3A_2091 = arith.mulf %get3A_1561, %mul3A_2090 : vector<16xf32>
        %get3A_2092 = arith.constant 115 : i32
        %get3A_2093 = arith.index_cast %get3A_2092 : i32 to index
        %get3A_2094 = memref.load %arg9[%get3A_2093] : memref<130xf32, #tpu.memory_space<smem>>
        %mul3A_2095 = vector.broadcast %get3A_2094 : f32 to vector<16xf32>
        %mul3A_2096 = arith.mulf %get3A_1571, %mul3A_2095 : vector<16xf32>
        %add3A_2097 = arith.addf %mul3A_2076, %mul3A_2081 : vector<16xf32>
        %add3A_2098 = arith.addf %mul3A_2086, %mul3A_2091 : vector<16xf32>
        %add3A_2099 = arith.addf %add3A_2097, %add3A_2098 : vector<16xf32>
        %add3A_2100 = arith.addf %add3A_2099, %mul3A_2096 : vector<16xf32>
        %mul3A_2101 = arith.constant 2.000000e+00 : f32
        %mul3A_2102 = vector.broadcast %mul3A_2101 : f32 to vector<16xf32>
        %mul3A_2103 = arith.mulf %add3A_2100, %mul3A_2102 : vector<16xf32>
        %exp3A_2104 = math.exp %mul3A_2103 : vector<16xf32>
        %add3A_2105 = arith.constant 1.000000e+00 : f32
        %add3A_2106 = vector.broadcast %add3A_2105 : f32 to vector<16xf32>
        %add3A_2107 = arith.addf %exp3A_2104, %add3A_2106 : vector<16xf32>
        %div3A_2108 = arith.constant 2.000000e+00 : f32
        %div3A_2109 = vector.broadcast %div3A_2108 : f32 to vector<16xf32>
        %div3A_2110 = arith.divf %div3A_2109, %add3A_2107 : vector<16xf32>
        %sub3A_2111 = arith.constant 1.000000e+00 : f32
        %sub3A_2112 = vector.broadcast %sub3A_2111 : f32 to vector<16xf32>
        %sub3A_2113 = arith.subf %sub3A_2112, %div3A_2110 : vector<16xf32>
        %add3A_2114 = arith.constant 320 : i32
        %add3A_2115 = arith.addi %add3A_2114, %select_n3A : i32
        %swap3A_2116 = arith.index_cast %add3A_2115 : i32 to index
        %swap3A_2117 = arith.index_cast %mul3A_50 : i32 to index
        %swap3A_2118 = tpu.vector_load %arg6[%swap3A_2116, %swap3A_2117] {strides = array<i32>} : memref<832x128xf32, #tpu.memory_space<vmem>>, vector<1x16xf32>,
        %swap3A_2119 = vector.shape_cast %swap3A_2118 : vector<1x16xf32> to vector<16xf32>
        %swap3A_2120 = vector.shape_cast %sub3A_2113 : vector<16xf32> to vector<1x16xf32>
        tpu.vector_store %arg6[%swap3A_2116, %swap3A_2117], %swap3A_2120 {strides = array<i32>} : memref<832x128xf32, #tpu.memory_space<vmem>>, vector<1x16xf32>,
        %get3A_2121 = arith.constant 63 : i32
        %get3A_2122 = arith.index_cast %get3A_2121 : i32 to index
        %get3A_2123 = memref.load %arg9[%get3A_2122] : memref<130xf32, #tpu.memory_space<smem>>
        %mul3A_2124 = vector.broadcast %get3A_2123 : f32 to vector<16xf32>
        %mul3A_2125 = arith.mulf %get3A_1516, %mul3A_2124 : vector<16xf32>
        %get3A_2126 = arith.constant 83 : i32
        %get3A_2127 = arith.index_cast %get3A_2126 : i32 to index
        %get3A_2128 = memref.load %arg9[%get3A_2127] : memref<130xf32, #tpu.memory_space<smem>>
        %mul3A_2129 = vector.broadcast %get3A_2128 : f32 to vector<16xf32>
        %mul3A_2130 = arith.mulf %get3A_1536, %mul3A_2129 : vector<16xf32>
        %get3A_2131 = arith.constant 92 : i32
        %get3A_2132 = arith.index_cast %get3A_2131 : i32 to index
        %get3A_2133 = memref.load %arg9[%get3A_2132] : memref<130xf32, #tpu.memory_space<smem>>
        %mul3A_2134 = vector.broadcast %get3A_2133 : f32 to vector<16xf32>
        %mul3A_2135 = arith.mulf %get3A_1546, %mul3A_2134 : vector<16xf32>
        %get3A_2136 = arith.constant 111 : i32
        %get3A_2137 = arith.index_cast %get3A_2136 : i32 to index
        %get3A_2138 = memref.load %arg9[%get3A_2137] : memref<130xf32, #tpu.memory_space<smem>>
        %mul3A_2139 = vector.broadcast %get3A_2138 : f32 to vector<16xf32>
        %mul3A_2140 = arith.mulf %get3A_1566, %mul3A_2139 : vector<16xf32>
        %get3A_2141 = arith.constant 120 : i32
        %get3A_2142 = arith.index_cast %get3A_2141 : i32 to index
        %get3A_2143 = memref.load %arg9[%get3A_2142] : memref<130xf32, #tpu.memory_space<smem>>
        %mul3A_2144 = vector.broadcast %get3A_2143 : f32 to vector<16xf32>
        %mul3A_2145 = arith.mulf %get3A_1576, %mul3A_2144 : vector<16xf32>
        %add3A_2146 = arith.addf %mul3A_2125, %mul3A_2130 : vector<16xf32>
        %add3A_2147 = arith.addf %mul3A_2135, %mul3A_2140 : vector<16xf32>
        %add3A_2148 = arith.addf %add3A_2146, %add3A_2147 : vector<16xf32>
        %add3A_2149 = arith.addf %add3A_2148, %mul3A_2145 : vector<16xf32>
        %mul3A_2150 = arith.constant 2.000000e+00 : f32
        %mul3A_2151 = vector.broadcast %mul3A_2150 : f32 to vector<16xf32>
        %mul3A_2152 = arith.mulf %add3A_2149, %mul3A_2151 : vector<16xf32>
        %exp3A_2153 = math.exp %mul3A_2152 : vector<16xf32>
        %add3A_2154 = arith.constant 1.000000e+00 : f32
        %add3A_2155 = vector.broadcast %add3A_2154 : f32 to vector<16xf32>
        %add3A_2156 = arith.addf %exp3A_2153, %add3A_2155 : vector<16xf32>
        %div3A_2157 = arith.constant 2.000000e+00 : f32
        %div3A_2158 = vector.broadcast %div3A_2157 : f32 to vector<16xf32>
        %div3A_2159 = arith.divf %div3A_2158, %add3A_2156 : vector<16xf32>
        %sub3A_2160 = arith.constant 1.000000e+00 : f32
        %sub3A_2161 = vector.broadcast %sub3A_2160 : f32 to vector<16xf32>
        %sub3A_2162 = arith.subf %sub3A_2161, %div3A_2159 : vector<16xf32>
        %add3A_2163 = arith.constant 352 : i32
        %add3A_2164 = arith.addi %add3A_2163, %select_n3A : i32
        %swap3A_2165 = arith.index_cast %add3A_2164 : i32 to index
        %swap3A_2166 = arith.index_cast %mul3A_50 : i32 to index
        %swap3A_2167 = tpu.vector_load %arg6[%swap3A_2165, %swap3A_2166] {strides = array<i32>} : memref<832x128xf32, #tpu.memory_space<vmem>>, vector<1x16xf32>,
        %swap3A_2168 = vector.shape_cast %swap3A_2167 : vector<1x16xf32> to vector<16xf32>
        %swap3A_2169 = vector.shape_cast %sub3A_2162 : vector<16xf32> to vector<1x16xf32>
        tpu.vector_store %arg6[%swap3A_2165, %swap3A_2166], %swap3A_2169 {strides = array<i32>} : memref<832x128xf32, #tpu.memory_space<vmem>>, vector<1x16xf32>,
        %get3A_2170 = arith.constant 69 : i32
        %get3A_2171 = arith.index_cast %get3A_2170 : i32 to index
        %get3A_2172 = memref.load %arg9[%get3A_2171] : memref<130xf32, #tpu.memory_space<smem>>
        %mul3A_2173 = vector.broadcast %get3A_2172 : f32 to vector<16xf32>
        %mul3A_2174 = arith.mulf %get3A_1521, %mul3A_2173 : vector<16xf32>
        %get3A_2175 = arith.constant 88 : i32
        %get3A_2176 = arith.index_cast %get3A_2175 : i32 to index
        %get3A_2177 = memref.load %arg9[%get3A_2176] : memref<130xf32, #tpu.memory_space<smem>>
        %mul3A_2178 = vector.broadcast %get3A_2177 : f32 to vector<16xf32>
        %mul3A_2179 = arith.mulf %get3A_1541, %mul3A_2178 : vector<16xf32>
        %get3A_2180 = arith.constant 97 : i32
        %get3A_2181 = arith.index_cast %get3A_2180 : i32 to index
        %get3A_2182 = memref.load %arg9[%get3A_2181] : memref<130xf32, #tpu.memory_space<smem>>
        %mul3A_2183 = vector.broadcast %get3A_2182 : f32 to vector<16xf32>
        %mul3A_2184 = arith.mulf %get3A_1551, %mul3A_2183 : vector<16xf32>
        %get3A_2185 = arith.constant 116 : i32
        %get3A_2186 = arith.index_cast %get3A_2185 : i32 to index
        %get3A_2187 = memref.load %arg9[%get3A_2186] : memref<130xf32, #tpu.memory_space<smem>>
        %mul3A_2188 = vector.broadcast %get3A_2187 : f32 to vector<16xf32>
        %mul3A_2189 = arith.mulf %get3A_1571, %mul3A_2188 : vector<16xf32>
        %get3A_2190 = arith.constant 125 : i32
        %get3A_2191 = arith.index_cast %get3A_2190 : i32 to index
        %get3A_2192 = memref.load %arg9[%get3A_2191] : memref<130xf32, #tpu.memory_space<smem>>
        %mul3A_2193 = vector.broadcast %get3A_2192 : f32 to vector<16xf32>
        %mul3A_2194 = arith.mulf %get3A_1581, %mul3A_2193 : vector<16xf32>
        %add3A_2195 = arith.addf %mul3A_2174, %mul3A_2179 : vector<16xf32>
        %add3A_2196 = arith.addf %mul3A_2184, %mul3A_2189 : vector<16xf32>
        %add3A_2197 = arith.addf %add3A_2195, %add3A_2196 : vector<16xf32>
        %add3A_2198 = arith.addf %add3A_2197, %mul3A_2194 : vector<16xf32>
        %mul3A_2199 = arith.constant 2.000000e+00 : f32
        %mul3A_2200 = vector.broadcast %mul3A_2199 : f32 to vector<16xf32>
        %mul3A_2201 = arith.mulf %add3A_2198, %mul3A_2200 : vector<16xf32>
        %exp3A_2202 = math.exp %mul3A_2201 : vector<16xf32>
        %add3A_2203 = arith.constant 1.000000e+00 : f32
        %add3A_2204 = vector.broadcast %add3A_2203 : f32 to vector<16xf32>
        %add3A_2205 = arith.addf %exp3A_2202, %add3A_2204 : vector<16xf32>
        %div3A_2206 = arith.constant 2.000000e+00 : f32
        %div3A_2207 = vector.broadcast %div3A_2206 : f32 to vector<16xf32>
        %div3A_2208 = arith.divf %div3A_2207, %add3A_2205 : vector<16xf32>
        %sub3A_2209 = arith.constant 1.000000e+00 : f32
        %sub3A_2210 = vector.broadcast %sub3A_2209 : f32 to vector<16xf32>
        %sub3A_2211 = arith.subf %sub3A_2210, %div3A_2208 : vector<16xf32>
        %add3A_2212 = arith.constant 384 : i32
        %add3A_2213 = arith.addi %add3A_2212, %select_n3A : i32
        %swap3A_2214 = arith.index_cast %add3A_2213 : i32 to index
        %swap3A_2215 = arith.index_cast %mul3A_50 : i32 to index
        %swap3A_2216 = tpu.vector_load %arg6[%swap3A_2214, %swap3A_2215] {strides = array<i32>} : memref<832x128xf32, #tpu.memory_space<vmem>>, vector<1x16xf32>,
        %swap3A_2217 = vector.shape_cast %swap3A_2216 : vector<1x16xf32> to vector<16xf32>
        %swap3A_2218 = vector.shape_cast %sub3A_2211 : vector<16xf32> to vector<1x16xf32>
        tpu.vector_store %arg6[%swap3A_2214, %swap3A_2215], %swap3A_2218 {strides = array<i32>} : memref<832x128xf32, #tpu.memory_space<vmem>>, vector<1x16xf32>,
        %get3A_2219 = arith.constant 74 : i32
        %get3A_2220 = arith.index_cast %get3A_2219 : i32 to index
        %get3A_2221 = memref.load %arg9[%get3A_2220] : memref<130xf32, #tpu.memory_space<smem>>
        %mul3A_2222 = vector.broadcast %get3A_2221 : f32 to vector<16xf32>
        %mul3A_2223 = arith.mulf %get3A_1526, %mul3A_2222 : vector<16xf32>
        %get3A_2224 = arith.constant 93 : i32
        %get3A_2225 = arith.index_cast %get3A_2224 : i32 to index
        %get3A_2226 = memref.load %arg9[%get3A_2225] : memref<130xf32, #tpu.memory_space<smem>>
        %mul3A_2227 = vector.broadcast %get3A_2226 : f32 to vector<16xf32>
        %mul3A_2228 = arith.mulf %get3A_1546, %mul3A_2227 : vector<16xf32>
        %get3A_2229 = arith.constant 102 : i32
        %get3A_2230 = arith.index_cast %get3A_2229 : i32 to index
        %get3A_2231 = memref.load %arg9[%get3A_2230] : memref<130xf32, #tpu.memory_space<smem>>
        %mul3A_2232 = vector.broadcast %get3A_2231 : f32 to vector<16xf32>
        %mul3A_2233 = arith.mulf %get3A_1556, %mul3A_2232 : vector<16xf32>
        %get3A_2234 = arith.constant 121 : i32
        %get3A_2235 = arith.index_cast %get3A_2234 : i32 to index
        %get3A_2236 = memref.load %arg9[%get3A_2235] : memref<130xf32, #tpu.memory_space<smem>>
        %mul3A_2237 = vector.broadcast %get3A_2236 : f32 to vector<16xf32>
        %mul3A_2238 = arith.mulf %get3A_1576, %mul3A_2237 : vector<16xf32>
        %get3A_2239 = arith.constant 0 : i32
        %get3A_2240 = arith.index_cast %get3A_2239 : i32 to index
        %get3A_2241 = memref.load %arg9[%get3A_2240] : memref<130xf32, #tpu.memory_space<smem>>
        %mul3A_2242 = vector.broadcast %get3A_2241 : f32 to vector<16xf32>
        %mul3A_2243 = arith.mulf %get3A_1456, %mul3A_2242 : vector<16xf32>
        %add3A_2244 = arith.addf %mul3A_2223, %mul3A_2228 : vector<16xf32>
        %add3A_2245 = arith.addf %mul3A_2233, %mul3A_2238 : vector<16xf32>
        %add3A_2246 = arith.addf %add3A_2244, %add3A_2245 : vector<16xf32>
        %add3A_2247 = arith.addf %add3A_2246, %mul3A_2243 : vector<16xf32>
        %mul3A_2248 = arith.constant 2.000000e+00 : f32
        %mul3A_2249 = vector.broadcast %mul3A_2248 : f32 to vector<16xf32>
        %mul3A_2250 = arith.mulf %add3A_2247, %mul3A_2249 : vector<16xf32>
        %exp3A_2251 = math.exp %mul3A_2250 : vector<16xf32>
        %add3A_2252 = arith.constant 1.000000e+00 : f32
        %add3A_2253 = vector.broadcast %add3A_2252 : f32 to vector<16xf32>
        %add3A_2254 = arith.addf %exp3A_2251, %add3A_2253 : vector<16xf32>
        %div3A_2255 = arith.constant 2.000000e+00 : f32
        %div3A_2256 = vector.broadcast %div3A_2255 : f32 to vector<16xf32>
        %div3A_2257 = arith.divf %div3A_2256, %add3A_2254 : vector<16xf32>
        %sub3A_2258 = arith.constant 1.000000e+00 : f32
        %sub3A_2259 = vector.broadcast %sub3A_2258 : f32 to vector<16xf32>
        %sub3A_2260 = arith.subf %sub3A_2259, %div3A_2257 : vector<16xf32>
        %add3A_2261 = arith.constant 416 : i32
        %add3A_2262 = arith.addi %add3A_2261, %select_n3A : i32
        %swap3A_2263 = arith.index_cast %add3A_2262 : i32 to index
        %swap3A_2264 = arith.index_cast %mul3A_50 : i32 to index
        %swap3A_2265 = tpu.vector_load %arg6[%swap3A_2263, %swap3A_2264] {strides = array<i32>} : memref<832x128xf32, #tpu.memory_space<vmem>>, vector<1x16xf32>,
        %swap3A_2266 = vector.shape_cast %swap3A_2265 : vector<1x16xf32> to vector<16xf32>
        %swap3A_2267 = vector.shape_cast %sub3A_2260 : vector<16xf32> to vector<1x16xf32>
        tpu.vector_store %arg6[%swap3A_2263, %swap3A_2264], %swap3A_2267 {strides = array<i32>} : memref<832x128xf32, #tpu.memory_space<vmem>>, vector<1x16xf32>,
        %get3A_2268 = arith.constant 79 : i32
        %get3A_2269 = arith.index_cast %get3A_2268 : i32 to index
        %get3A_2270 = memref.load %arg9[%get3A_2269] : memref<130xf32, #tpu.memory_space<smem>>
        %mul3A_2271 = vector.broadcast %get3A_2270 : f32 to vector<16xf32>
        %mul3A_2272 = arith.mulf %get3A_1531, %mul3A_2271 : vector<16xf32>
        %get3A_2273 = arith.constant 98 : i32
        %get3A_2274 = arith.index_cast %get3A_2273 : i32 to index
        %get3A_2275 = memref.load %arg9[%get3A_2274] : memref<130xf32, #tpu.memory_space<smem>>
        %mul3A_2276 = vector.broadcast %get3A_2275 : f32 to vector<16xf32>
        %mul3A_2277 = arith.mulf %get3A_1551, %mul3A_2276 : vector<16xf32>
        %get3A_2278 = arith.constant 107 : i32
        %get3A_2279 = arith.index_cast %get3A_2278 : i32 to index
        %get3A_2280 = memref.load %arg9[%get3A_2279] : memref<130xf32, #tpu.memory_space<smem>>
        %mul3A_2281 = vector.broadcast %get3A_2280 : f32 to vector<16xf32>
        %mul3A_2282 = arith.mulf %get3A_1561, %mul3A_2281 : vector<16xf32>
        %get3A_2283 = arith.constant 126 : i32
        %get3A_2284 = arith.index_cast %get3A_2283 : i32 to index
        %get3A_2285 = memref.load %arg9[%get3A_2284] : memref<130xf32, #tpu.memory_space<smem>>
        %mul3A_2286 = vector.broadcast %get3A_2285 : f32 to vector<16xf32>
        %mul3A_2287 = arith.mulf %get3A_1581, %mul3A_2286 : vector<16xf32>
        %get3A_2288 = arith.constant 6 : i32
        %get3A_2289 = arith.index_cast %get3A_2288 : i32 to index
        %get3A_2290 = memref.load %arg9[%get3A_2289] : memref<130xf32, #tpu.memory_space<smem>>
        %mul3A_2291 = vector.broadcast %get3A_2290 : f32 to vector<16xf32>
        %mul3A_2292 = arith.mulf %get3A_1461, %mul3A_2291 : vector<16xf32>
        %add3A_2293 = arith.addf %mul3A_2272, %mul3A_2277 : vector<16xf32>
        %add3A_2294 = arith.addf %mul3A_2282, %mul3A_2287 : vector<16xf32>
        %add3A_2295 = arith.addf %add3A_2293, %add3A_2294 : vector<16xf32>
        %add3A_2296 = arith.addf %add3A_2295, %mul3A_2292 : vector<16xf32>
        %mul3A_2297 = arith.constant 2.000000e+00 : f32
        %mul3A_2298 = vector.broadcast %mul3A_2297 : f32 to vector<16xf32>
        %mul3A_2299 = arith.mulf %add3A_2296, %mul3A_2298 : vector<16xf32>
        %exp3A_2300 = math.exp %mul3A_2299 : vector<16xf32>
        %add3A_2301 = arith.constant 1.000000e+00 : f32
        %add3A_2302 = vector.broadcast %add3A_2301 : f32 to vector<16xf32>
        %add3A_2303 = arith.addf %exp3A_2300, %add3A_2302 : vector<16xf32>
        %div3A_2304 = arith.constant 2.000000e+00 : f32
        %div3A_2305 = vector.broadcast %div3A_2304 : f32 to vector<16xf32>
        %div3A_2306 = arith.divf %div3A_2305, %add3A_2303 : vector<16xf32>
        %sub3A_2307 = arith.constant 1.000000e+00 : f32
        %sub3A_2308 = vector.broadcast %sub3A_2307 : f32 to vector<16xf32>
        %sub3A_2309 = arith.subf %sub3A_2308, %div3A_2306 : vector<16xf32>
        %add3A_2310 = arith.constant 448 : i32
        %add3A_2311 = arith.addi %add3A_2310, %select_n3A : i32
        %swap3A_2312 = arith.index_cast %add3A_2311 : i32 to index
        %swap3A_2313 = arith.index_cast %mul3A_50 : i32 to index
        %swap3A_2314 = tpu.vector_load %arg6[%swap3A_2312, %swap3A_2313] {strides = array<i32>} : memref<832x128xf32, #tpu.memory_space<vmem>>, vector<1x16xf32>,
        %swap3A_2315 = vector.shape_cast %swap3A_2314 : vector<1x16xf32> to vector<16xf32>
        %swap3A_2316 = vector.shape_cast %sub3A_2309 : vector<16xf32> to vector<1x16xf32>
        tpu.vector_store %arg6[%swap3A_2312, %swap3A_2313], %swap3A_2316 {strides = array<i32>} : memref<832x128xf32, #tpu.memory_space<vmem>>, vector<1x16xf32>,
        %get3A_2317 = arith.constant 84 : i32
        %get3A_2318 = arith.index_cast %get3A_2317 : i32 to index
        %get3A_2319 = memref.load %arg9[%get3A_2318] : memref<130xf32, #tpu.memory_space<smem>>
        %mul3A_2320 = vector.broadcast %get3A_2319 : f32 to vector<16xf32>
        %mul3A_2321 = arith.mulf %get3A_1536, %mul3A_2320 : vector<16xf32>
        %get3A_2322 = arith.constant 103 : i32
        %get3A_2323 = arith.index_cast %get3A_2322 : i32 to index
        %get3A_2324 = memref.load %arg9[%get3A_2323] : memref<130xf32, #tpu.memory_space<smem>>
        %mul3A_2325 = vector.broadcast %get3A_2324 : f32 to vector<16xf32>
        %mul3A_2326 = arith.mulf %get3A_1556, %mul3A_2325 : vector<16xf32>
        %get3A_2327 = arith.constant 112 : i32
        %get3A_2328 = arith.index_cast %get3A_2327 : i32 to index
        %get3A_2329 = memref.load %arg9[%get3A_2328] : memref<130xf32, #tpu.memory_space<smem>>
        %mul3A_2330 = vector.broadcast %get3A_2329 : f32 to vector<16xf32>
        %mul3A_2331 = arith.mulf %get3A_1566, %mul3A_2330 : vector<16xf32>
        %get3A_2332 = arith.constant 1 : i32
        %get3A_2333 = arith.index_cast %get3A_2332 : i32 to index
        %get3A_2334 = memref.load %arg9[%get3A_2333] : memref<130xf32, #tpu.memory_space<smem>>
        %mul3A_2335 = vector.broadcast %get3A_2334 : f32 to vector<16xf32>
        %mul3A_2336 = arith.mulf %get3A_1456, %mul3A_2335 : vector<16xf32>
        %get3A_2337 = arith.constant 11 : i32
        %get3A_2338 = arith.index_cast %get3A_2337 : i32 to index
        %get3A_2339 = memref.load %arg9[%get3A_2338] : memref<130xf32, #tpu.memory_space<smem>>
        %mul3A_2340 = vector.broadcast %get3A_2339 : f32 to vector<16xf32>
        %mul3A_2341 = arith.mulf %get3A_1466, %mul3A_2340 : vector<16xf32>
        %add3A_2342 = arith.addf %mul3A_2321, %mul3A_2326 : vector<16xf32>
        %add3A_2343 = arith.addf %mul3A_2331, %mul3A_2336 : vector<16xf32>
        %add3A_2344 = arith.addf %add3A_2342, %add3A_2343 : vector<16xf32>
        %add3A_2345 = arith.addf %add3A_2344, %mul3A_2341 : vector<16xf32>
        %mul3A_2346 = arith.constant 2.000000e+00 : f32
        %mul3A_2347 = vector.broadcast %mul3A_2346 : f32 to vector<16xf32>
        %mul3A_2348 = arith.mulf %add3A_2345, %mul3A_2347 : vector<16xf32>
        %exp3A_2349 = math.exp %mul3A_2348 : vector<16xf32>
        %add3A_2350 = arith.constant 1.000000e+00 : f32
        %add3A_2351 = vector.broadcast %add3A_2350 : f32 to vector<16xf32>
        %add3A_2352 = arith.addf %exp3A_2349, %add3A_2351 : vector<16xf32>
        %div3A_2353 = arith.constant 2.000000e+00 : f32
        %div3A_2354 = vector.broadcast %div3A_2353 : f32 to vector<16xf32>
        %div3A_2355 = arith.divf %div3A_2354, %add3A_2352 : vector<16xf32>
        %sub3A_2356 = arith.constant 1.000000e+00 : f32
        %sub3A_2357 = vector.broadcast %sub3A_2356 : f32 to vector<16xf32>
        %sub3A_2358 = arith.subf %sub3A_2357, %div3A_2355 : vector<16xf32>
        %add3A_2359 = arith.constant 480 : i32
        %add3A_2360 = arith.addi %add3A_2359, %select_n3A : i32
        %swap3A_2361 = arith.index_cast %add3A_2360 : i32 to index
        %swap3A_2362 = arith.index_cast %mul3A_50 : i32 to index
        %swap3A_2363 = tpu.vector_load %arg6[%swap3A_2361, %swap3A_2362] {strides = array<i32>} : memref<832x128xf32, #tpu.memory_space<vmem>>, vector<1x16xf32>,
        %swap3A_2364 = vector.shape_cast %swap3A_2363 : vector<1x16xf32> to vector<16xf32>
        %swap3A_2365 = vector.shape_cast %sub3A_2358 : vector<16xf32> to vector<1x16xf32>
        tpu.vector_store %arg6[%swap3A_2361, %swap3A_2362], %swap3A_2365 {strides = array<i32>} : memref<832x128xf32, #tpu.memory_space<vmem>>, vector<1x16xf32>,
        %get3A_2366 = arith.constant 89 : i32
        %get3A_2367 = arith.index_cast %get3A_2366 : i32 to index
        %get3A_2368 = memref.load %arg9[%get3A_2367] : memref<130xf32, #tpu.memory_space<smem>>
        %mul3A_2369 = vector.broadcast %get3A_2368 : f32 to vector<16xf32>
        %mul3A_2370 = arith.mulf %get3A_1541, %mul3A_2369 : vector<16xf32>
        %get3A_2371 = arith.constant 108 : i32
        %get3A_2372 = arith.index_cast %get3A_2371 : i32 to index
        %get3A_2373 = memref.load %arg9[%get3A_2372] : memref<130xf32, #tpu.memory_space<smem>>
        %mul3A_2374 = vector.broadcast %get3A_2373 : f32 to vector<16xf32>
        %mul3A_2375 = arith.mulf %get3A_1561, %mul3A_2374 : vector<16xf32>
        %get3A_2376 = arith.constant 117 : i32
        %get3A_2377 = arith.index_cast %get3A_2376 : i32 to index
        %get3A_2378 = memref.load %arg9[%get3A_2377] : memref<130xf32, #tpu.memory_space<smem>>
        %mul3A_2379 = vector.broadcast %get3A_2378 : f32 to vector<16xf32>
        %mul3A_2380 = arith.mulf %get3A_1571, %mul3A_2379 : vector<16xf32>
        %get3A_2381 = arith.constant 7 : i32
        %get3A_2382 = arith.index_cast %get3A_2381 : i32 to index
        %get3A_2383 = memref.load %arg9[%get3A_2382] : memref<130xf32, #tpu.memory_space<smem>>
        %mul3A_2384 = vector.broadcast %get3A_2383 : f32 to vector<16xf32>
        %mul3A_2385 = arith.mulf %get3A_1461, %mul3A_2384 : vector<16xf32>
        %get3A_2386 = arith.constant 16 : i32
        %get3A_2387 = arith.index_cast %get3A_2386 : i32 to index
        %get3A_2388 = memref.load %arg9[%get3A_2387] : memref<130xf32, #tpu.memory_space<smem>>
        %mul3A_2389 = vector.broadcast %get3A_2388 : f32 to vector<16xf32>
        %mul3A_2390 = arith.mulf %get3A_1471, %mul3A_2389 : vector<16xf32>
        %add3A_2391 = arith.addf %mul3A_2370, %mul3A_2375 : vector<16xf32>
        %add3A_2392 = arith.addf %mul3A_2380, %mul3A_2385 : vector<16xf32>
        %add3A_2393 = arith.addf %add3A_2391, %add3A_2392 : vector<16xf32>
        %add3A_2394 = arith.addf %add3A_2393, %mul3A_2390 : vector<16xf32>
        %mul3A_2395 = arith.constant 2.000000e+00 : f32
        %mul3A_2396 = vector.broadcast %mul3A_2395 : f32 to vector<16xf32>
        %mul3A_2397 = arith.mulf %add3A_2394, %mul3A_2396 : vector<16xf32>
        %exp3A_2398 = math.exp %mul3A_2397 : vector<16xf32>
        %add3A_2399 = arith.constant 1.000000e+00 : f32
        %add3A_2400 = vector.broadcast %add3A_2399 : f32 to vector<16xf32>
        %add3A_2401 = arith.addf %exp3A_2398, %add3A_2400 : vector<16xf32>
        %div3A_2402 = arith.constant 2.000000e+00 : f32
        %div3A_2403 = vector.broadcast %div3A_2402 : f32 to vector<16xf32>
        %div3A_2404 = arith.divf %div3A_2403, %add3A_2401 : vector<16xf32>
        %sub3A_2405 = arith.constant 1.000000e+00 : f32
        %sub3A_2406 = vector.broadcast %sub3A_2405 : f32 to vector<16xf32>
        %sub3A_2407 = arith.subf %sub3A_2406, %div3A_2404 : vector<16xf32>
        %add3A_2408 = arith.constant 512 : i32
        %add3A_2409 = arith.addi %add3A_2408, %select_n3A : i32
        %swap3A_2410 = arith.index_cast %add3A_2409 : i32 to index
        %swap3A_2411 = arith.index_cast %mul3A_50 : i32 to index
        %swap3A_2412 = tpu.vector_load %arg6[%swap3A_2410, %swap3A_2411] {strides = array<i32>} : memref<832x128xf32, #tpu.memory_space<vmem>>, vector<1x16xf32>,
        %swap3A_2413 = vector.shape_cast %swap3A_2412 : vector<1x16xf32> to vector<16xf32>
        %swap3A_2414 = vector.shape_cast %sub3A_2407 : vector<16xf32> to vector<1x16xf32>
        tpu.vector_store %arg6[%swap3A_2410, %swap3A_2411], %swap3A_2414 {strides = array<i32>} : memref<832x128xf32, #tpu.memory_space<vmem>>, vector<1x16xf32>,
        %get3A_2415 = arith.constant 94 : i32
        %get3A_2416 = arith.index_cast %get3A_2415 : i32 to index
        %get3A_2417 = memref.load %arg9[%get3A_2416] : memref<130xf32, #tpu.memory_space<smem>>
        %mul3A_2418 = vector.broadcast %get3A_2417 : f32 to vector<16xf32>
        %mul3A_2419 = arith.mulf %get3A_1546, %mul3A_2418 : vector<16xf32>
        %get3A_2420 = arith.constant 113 : i32
        %get3A_2421 = arith.index_cast %get3A_2420 : i32 to index
        %get3A_2422 = memref.load %arg9[%get3A_2421] : memref<130xf32, #tpu.memory_space<smem>>
        %mul3A_2423 = vector.broadcast %get3A_2422 : f32 to vector<16xf32>
        %mul3A_2424 = arith.mulf %get3A_1566, %mul3A_2423 : vector<16xf32>
        %get3A_2425 = arith.constant 122 : i32
        %get3A_2426 = arith.index_cast %get3A_2425 : i32 to index
        %get3A_2427 = memref.load %arg9[%get3A_2426] : memref<130xf32, #tpu.memory_space<smem>>
        %mul3A_2428 = vector.broadcast %get3A_2427 : f32 to vector<16xf32>
        %mul3A_2429 = arith.mulf %get3A_1576, %mul3A_2428 : vector<16xf32>
        %get3A_2430 = arith.constant 12 : i32
        %get3A_2431 = arith.index_cast %get3A_2430 : i32 to index
        %get3A_2432 = memref.load %arg9[%get3A_2431] : memref<130xf32, #tpu.memory_space<smem>>
        %mul3A_2433 = vector.broadcast %get3A_2432 : f32 to vector<16xf32>
        %mul3A_2434 = arith.mulf %get3A_1466, %mul3A_2433 : vector<16xf32>
        %get3A_2435 = arith.constant 21 : i32
        %get3A_2436 = arith.index_cast %get3A_2435 : i32 to index
        %get3A_2437 = memref.load %arg9[%get3A_2436] : memref<130xf32, #tpu.memory_space<smem>>
        %mul3A_2438 = vector.broadcast %get3A_2437 : f32 to vector<16xf32>
        %mul3A_2439 = arith.mulf %get3A_1476, %mul3A_2438 : vector<16xf32>
        %add3A_2440 = arith.addf %mul3A_2419, %mul3A_2424 : vector<16xf32>
        %add3A_2441 = arith.addf %mul3A_2429, %mul3A_2434 : vector<16xf32>
        %add3A_2442 = arith.addf %add3A_2440, %add3A_2441 : vector<16xf32>
        %add3A_2443 = arith.addf %add3A_2442, %mul3A_2439 : vector<16xf32>
        %mul3A_2444 = arith.constant 2.000000e+00 : f32
        %mul3A_2445 = vector.broadcast %mul3A_2444 : f32 to vector<16xf32>
        %mul3A_2446 = arith.mulf %add3A_2443, %mul3A_2445 : vector<16xf32>
        %exp3A_2447 = math.exp %mul3A_2446 : vector<16xf32>
        %add3A_2448 = arith.constant 1.000000e+00 : f32
        %add3A_2449 = vector.broadcast %add3A_2448 : f32 to vector<16xf32>
        %add3A_2450 = arith.addf %exp3A_2447, %add3A_2449 : vector<16xf32>
        %div3A_2451 = arith.constant 2.000000e+00 : f32
        %div3A_2452 = vector.broadcast %div3A_2451 : f32 to vector<16xf32>
        %div3A_2453 = arith.divf %div3A_2452, %add3A_2450 : vector<16xf32>
        %sub3A_2454 = arith.constant 1.000000e+00 : f32
        %sub3A_2455 = vector.broadcast %sub3A_2454 : f32 to vector<16xf32>
        %sub3A_2456 = arith.subf %sub3A_2455, %div3A_2453 : vector<16xf32>
        %add3A_2457 = arith.constant 544 : i32
        %add3A_2458 = arith.addi %add3A_2457, %select_n3A : i32
        %swap3A_2459 = arith.index_cast %add3A_2458 : i32 to index
        %swap3A_2460 = arith.index_cast %mul3A_50 : i32 to index
        %swap3A_2461 = tpu.vector_load %arg6[%swap3A_2459, %swap3A_2460] {strides = array<i32>} : memref<832x128xf32, #tpu.memory_space<vmem>>, vector<1x16xf32>,
        %swap3A_2462 = vector.shape_cast %swap3A_2461 : vector<1x16xf32> to vector<16xf32>
        %swap3A_2463 = vector.shape_cast %sub3A_2456 : vector<16xf32> to vector<1x16xf32>
        tpu.vector_store %arg6[%swap3A_2459, %swap3A_2460], %swap3A_2463 {strides = array<i32>} : memref<832x128xf32, #tpu.memory_space<vmem>>, vector<1x16xf32>,
        %get3A_2464 = arith.constant 99 : i32
        %get3A_2465 = arith.index_cast %get3A_2464 : i32 to index
        %get3A_2466 = memref.load %arg9[%get3A_2465] : memref<130xf32, #tpu.memory_space<smem>>
        %mul3A_2467 = vector.broadcast %get3A_2466 : f32 to vector<16xf32>
        %mul3A_2468 = arith.mulf %get3A_1551, %mul3A_2467 : vector<16xf32>
        %get3A_2469 = arith.constant 118 : i32
        %get3A_2470 = arith.index_cast %get3A_2469 : i32 to index
        %get3A_2471 = memref.load %arg9[%get3A_2470] : memref<130xf32, #tpu.memory_space<smem>>
        %mul3A_2472 = vector.broadcast %get3A_2471 : f32 to vector<16xf32>
        %mul3A_2473 = arith.mulf %get3A_1571, %mul3A_2472 : vector<16xf32>
        %get3A_2474 = arith.constant 127 : i32
        %get3A_2475 = arith.index_cast %get3A_2474 : i32 to index
        %get3A_2476 = memref.load %arg9[%get3A_2475] : memref<130xf32, #tpu.memory_space<smem>>
        %mul3A_2477 = vector.broadcast %get3A_2476 : f32 to vector<16xf32>
        %mul3A_2478 = arith.mulf %get3A_1581, %mul3A_2477 : vector<16xf32>
        %get3A_2479 = arith.constant 17 : i32
        %get3A_2480 = arith.index_cast %get3A_2479 : i32 to index
        %get3A_2481 = memref.load %arg9[%get3A_2480] : memref<130xf32, #tpu.memory_space<smem>>
        %mul3A_2482 = vector.broadcast %get3A_2481 : f32 to vector<16xf32>
        %mul3A_2483 = arith.mulf %get3A_1471, %mul3A_2482 : vector<16xf32>
        %get3A_2484 = arith.constant 27 : i32
        %get3A_2485 = arith.index_cast %get3A_2484 : i32 to index
        %get3A_2486 = memref.load %arg9[%get3A_2485] : memref<130xf32, #tpu.memory_space<smem>>
        %mul3A_2487 = vector.broadcast %get3A_2486 : f32 to vector<16xf32>
        %mul3A_2488 = arith.mulf %get3A_1481, %mul3A_2487 : vector<16xf32>
        %add3A_2489 = arith.addf %mul3A_2468, %mul3A_2473 : vector<16xf32>
        %add3A_2490 = arith.addf %mul3A_2478, %mul3A_2483 : vector<16xf32>
        %add3A_2491 = arith.addf %add3A_2489, %add3A_2490 : vector<16xf32>
        %add3A_2492 = arith.addf %add3A_2491, %mul3A_2488 : vector<16xf32>
        %mul3A_2493 = arith.constant 2.000000e+00 : f32
        %mul3A_2494 = vector.broadcast %mul3A_2493 : f32 to vector<16xf32>
        %mul3A_2495 = arith.mulf %add3A_2492, %mul3A_2494 : vector<16xf32>
        %exp3A_2496 = math.exp %mul3A_2495 : vector<16xf32>
        %add3A_2497 = arith.constant 1.000000e+00 : f32
        %add3A_2498 = vector.broadcast %add3A_2497 : f32 to vector<16xf32>
        %add3A_2499 = arith.addf %exp3A_2496, %add3A_2498 : vector<16xf32>
        %div3A_2500 = arith.constant 2.000000e+00 : f32
        %div3A_2501 = vector.broadcast %div3A_2500 : f32 to vector<16xf32>
        %div3A_2502 = arith.divf %div3A_2501, %add3A_2499 : vector<16xf32>
        %sub3A_2503 = arith.constant 1.000000e+00 : f32
        %sub3A_2504 = vector.broadcast %sub3A_2503 : f32 to vector<16xf32>
        %sub3A_2505 = arith.subf %sub3A_2504, %div3A_2502 : vector<16xf32>
        %add3A_2506 = arith.constant 576 : i32
        %add3A_2507 = arith.addi %add3A_2506, %select_n3A : i32
        %swap3A_2508 = arith.index_cast %add3A_2507 : i32 to index
        %swap3A_2509 = arith.index_cast %mul3A_50 : i32 to index
        %swap3A_2510 = tpu.vector_load %arg6[%swap3A_2508, %swap3A_2509] {strides = array<i32>} : memref<832x128xf32, #tpu.memory_space<vmem>>, vector<1x16xf32>,
        %swap3A_2511 = vector.shape_cast %swap3A_2510 : vector<1x16xf32> to vector<16xf32>
        %swap3A_2512 = vector.shape_cast %sub3A_2505 : vector<16xf32> to vector<1x16xf32>
        tpu.vector_store %arg6[%swap3A_2508, %swap3A_2509], %swap3A_2512 {strides = array<i32>} : memref<832x128xf32, #tpu.memory_space<vmem>>, vector<1x16xf32>,
        %get3A_2513 = arith.constant 104 : i32
        %get3A_2514 = arith.index_cast %get3A_2513 : i32 to index
        %get3A_2515 = memref.load %arg9[%get3A_2514] : memref<130xf32, #tpu.memory_space<smem>>
        %mul3A_2516 = vector.broadcast %get3A_2515 : f32 to vector<16xf32>
        %mul3A_2517 = arith.mulf %get3A_1556, %mul3A_2516 : vector<16xf32>
        %get3A_2518 = arith.constant 123 : i32
        %get3A_2519 = arith.index_cast %get3A_2518 : i32 to index
        %get3A_2520 = memref.load %arg9[%get3A_2519] : memref<130xf32, #tpu.memory_space<smem>>
        %mul3A_2521 = vector.broadcast %get3A_2520 : f32 to vector<16xf32>
        %mul3A_2522 = arith.mulf %get3A_1576, %mul3A_2521 : vector<16xf32>
        %get3A_2523 = arith.constant 2 : i32
        %get3A_2524 = arith.index_cast %get3A_2523 : i32 to index
        %get3A_2525 = memref.load %arg9[%get3A_2524] : memref<130xf32, #tpu.memory_space<smem>>
        %mul3A_2526 = vector.broadcast %get3A_2525 : f32 to vector<16xf32>
        %mul3A_2527 = arith.mulf %get3A_1456, %mul3A_2526 : vector<16xf32>
        %get3A_2528 = arith.constant 22 : i32
        %get3A_2529 = arith.index_cast %get3A_2528 : i32 to index
        %get3A_2530 = memref.load %arg9[%get3A_2529] : memref<130xf32, #tpu.memory_space<smem>>
        %mul3A_2531 = vector.broadcast %get3A_2530 : f32 to vector<16xf32>
        %mul3A_2532 = arith.mulf %get3A_1476, %mul3A_2531 : vector<16xf32>
        %get3A_2533 = arith.constant 32 : i32
        %get3A_2534 = arith.index_cast %get3A_2533 : i32 to index
        %get3A_2535 = memref.load %arg9[%get3A_2534] : memref<130xf32, #tpu.memory_space<smem>>
        %mul3A_2536 = vector.broadcast %get3A_2535 : f32 to vector<16xf32>
        %mul3A_2537 = arith.mulf %get3A_1486, %mul3A_2536 : vector<16xf32>
        %add3A_2538 = arith.addf %mul3A_2517, %mul3A_2522 : vector<16xf32>
        %add3A_2539 = arith.addf %mul3A_2527, %mul3A_2532 : vector<16xf32>
        %add3A_2540 = arith.addf %add3A_2538, %add3A_2539 : vector<16xf32>
        %add3A_2541 = arith.addf %add3A_2540, %mul3A_2537 : vector<16xf32>
        %mul3A_2542 = arith.constant 2.000000e+00 : f32
        %mul3A_2543 = vector.broadcast %mul3A_2542 : f32 to vector<16xf32>
        %mul3A_2544 = arith.mulf %add3A_2541, %mul3A_2543 : vector<16xf32>
        %exp3A_2545 = math.exp %mul3A_2544 : vector<16xf32>
        %add3A_2546 = arith.constant 1.000000e+00 : f32
        %add3A_2547 = vector.broadcast %add3A_2546 : f32 to vector<16xf32>
        %add3A_2548 = arith.addf %exp3A_2545, %add3A_2547 : vector<16xf32>
        %div3A_2549 = arith.constant 2.000000e+00 : f32
        %div3A_2550 = vector.broadcast %div3A_2549 : f32 to vector<16xf32>
        %div3A_2551 = arith.divf %div3A_2550, %add3A_2548 : vector<16xf32>
        %sub3A_2552 = arith.constant 1.000000e+00 : f32
        %sub3A_2553 = vector.broadcast %sub3A_2552 : f32 to vector<16xf32>
        %sub3A_2554 = arith.subf %sub3A_2553, %div3A_2551 : vector<16xf32>
        %add3A_2555 = arith.constant 608 : i32
        %add3A_2556 = arith.addi %add3A_2555, %select_n3A : i32
        %swap3A_2557 = arith.index_cast %add3A_2556 : i32 to index
        %swap3A_2558 = arith.index_cast %mul3A_50 : i32 to index
        %swap3A_2559 = tpu.vector_load %arg6[%swap3A_2557, %swap3A_2558] {strides = array<i32>} : memref<832x128xf32, #tpu.memory_space<vmem>>, vector<1x16xf32>,
        %swap3A_2560 = vector.shape_cast %swap3A_2559 : vector<1x16xf32> to vector<16xf32>
        %swap3A_2561 = vector.shape_cast %sub3A_2554 : vector<16xf32> to vector<1x16xf32>
        tpu.vector_store %arg6[%swap3A_2557, %swap3A_2558], %swap3A_2561 {strides = array<i32>} : memref<832x128xf32, #tpu.memory_space<vmem>>, vector<1x16xf32>,
        %get3A_2562 = arith.constant 109 : i32
        %get3A_2563 = arith.index_cast %get3A_2562 : i32 to index
        %get3A_2564 = memref.load %arg9[%get3A_2563] : memref<130xf32, #tpu.memory_space<smem>>
        %mul3A_2565 = vector.broadcast %get3A_2564 : f32 to vector<16xf32>
        %mul3A_2566 = arith.mulf %get3A_1561, %mul3A_2565 : vector<16xf32>
        %get3A_2567 = arith.constant 128 : i32
        %get3A_2568 = arith.index_cast %get3A_2567 : i32 to index
        %get3A_2569 = memref.load %arg9[%get3A_2568] : memref<130xf32, #tpu.memory_space<smem>>
        %mul3A_2570 = vector.broadcast %get3A_2569 : f32 to vector<16xf32>
        %mul3A_2571 = arith.mulf %get3A_1581, %mul3A_2570 : vector<16xf32>
        %get3A_2572 = arith.constant 8 : i32
        %get3A_2573 = arith.index_cast %get3A_2572 : i32 to index
        %get3A_2574 = memref.load %arg9[%get3A_2573] : memref<130xf32, #tpu.memory_space<smem>>
        %mul3A_2575 = vector.broadcast %get3A_2574 : f32 to vector<16xf32>
        %mul3A_2576 = arith.mulf %get3A_1461, %mul3A_2575 : vector<16xf32>
        %get3A_2577 = arith.constant 28 : i32
        %get3A_2578 = arith.index_cast %get3A_2577 : i32 to index
        %get3A_2579 = memref.load %arg9[%get3A_2578] : memref<130xf32, #tpu.memory_space<smem>>
        %mul3A_2580 = vector.broadcast %get3A_2579 : f32 to vector<16xf32>
        %mul3A_2581 = arith.mulf %get3A_1481, %mul3A_2580 : vector<16xf32>
        %get3A_2582 = arith.constant 38 : i32
        %get3A_2583 = arith.index_cast %get3A_2582 : i32 to index
        %get3A_2584 = memref.load %arg9[%get3A_2583] : memref<130xf32, #tpu.memory_space<smem>>
        %mul3A_2585 = vector.broadcast %get3A_2584 : f32 to vector<16xf32>
        %mul3A_2586 = arith.mulf %get3A_1491, %mul3A_2585 : vector<16xf32>
        %add3A_2587 = arith.addf %mul3A_2566, %mul3A_2571 : vector<16xf32>
        %add3A_2588 = arith.addf %mul3A_2576, %mul3A_2581 : vector<16xf32>
        %add3A_2589 = arith.addf %add3A_2587, %add3A_2588 : vector<16xf32>
        %add3A_2590 = arith.addf %add3A_2589, %mul3A_2586 : vector<16xf32>
        %mul3A_2591 = arith.constant 2.000000e+00 : f32
        %mul3A_2592 = vector.broadcast %mul3A_2591 : f32 to vector<16xf32>
        %mul3A_2593 = arith.mulf %add3A_2590, %mul3A_2592 : vector<16xf32>
        %exp3A_2594 = math.exp %mul3A_2593 : vector<16xf32>
        %add3A_2595 = arith.constant 1.000000e+00 : f32
        %add3A_2596 = vector.broadcast %add3A_2595 : f32 to vector<16xf32>
        %add3A_2597 = arith.addf %exp3A_2594, %add3A_2596 : vector<16xf32>
        %div3A_2598 = arith.constant 2.000000e+00 : f32
        %div3A_2599 = vector.broadcast %div3A_2598 : f32 to vector<16xf32>
        %div3A_2600 = arith.divf %div3A_2599, %add3A_2597 : vector<16xf32>
        %sub3A_2601 = arith.constant 1.000000e+00 : f32
        %sub3A_2602 = vector.broadcast %sub3A_2601 : f32 to vector<16xf32>
        %sub3A_2603 = arith.subf %sub3A_2602, %div3A_2600 : vector<16xf32>
        %add3A_2604 = arith.constant 640 : i32
        %add3A_2605 = arith.addi %add3A_2604, %select_n3A : i32
        %swap3A_2606 = arith.index_cast %add3A_2605 : i32 to index
        %swap3A_2607 = arith.index_cast %mul3A_50 : i32 to index
        %swap3A_2608 = tpu.vector_load %arg6[%swap3A_2606, %swap3A_2607] {strides = array<i32>} : memref<832x128xf32, #tpu.memory_space<vmem>>, vector<1x16xf32>,
        %swap3A_2609 = vector.shape_cast %swap3A_2608 : vector<1x16xf32> to vector<16xf32>
        %swap3A_2610 = vector.shape_cast %sub3A_2603 : vector<16xf32> to vector<1x16xf32>
        tpu.vector_store %arg6[%swap3A_2606, %swap3A_2607], %swap3A_2610 {strides = array<i32>} : memref<832x128xf32, #tpu.memory_space<vmem>>, vector<1x16xf32>,
        %get3A_2611 = arith.constant 114 : i32
        %get3A_2612 = arith.index_cast %get3A_2611 : i32 to index
        %get3A_2613 = memref.load %arg9[%get3A_2612] : memref<130xf32, #tpu.memory_space<smem>>
        %mul3A_2614 = vector.broadcast %get3A_2613 : f32 to vector<16xf32>
        %mul3A_2615 = arith.mulf %get3A_1566, %mul3A_2614 : vector<16xf32>
        %get3A_2616 = arith.constant 3 : i32
        %get3A_2617 = arith.index_cast %get3A_2616 : i32 to index
        %get3A_2618 = memref.load %arg9[%get3A_2617] : memref<130xf32, #tpu.memory_space<smem>>
        %mul3A_2619 = vector.broadcast %get3A_2618 : f32 to vector<16xf32>
        %mul3A_2620 = arith.mulf %get3A_1456, %mul3A_2619 : vector<16xf32>
        %get3A_2621 = arith.constant 13 : i32
        %get3A_2622 = arith.index_cast %get3A_2621 : i32 to index
        %get3A_2623 = memref.load %arg9[%get3A_2622] : memref<130xf32, #tpu.memory_space<smem>>
        %mul3A_2624 = vector.broadcast %get3A_2623 : f32 to vector<16xf32>
        %mul3A_2625 = arith.mulf %get3A_1466, %mul3A_2624 : vector<16xf32>
        %get3A_2626 = arith.constant 33 : i32
        %get3A_2627 = arith.index_cast %get3A_2626 : i32 to index
        %get3A_2628 = memref.load %arg9[%get3A_2627] : memref<130xf32, #tpu.memory_space<smem>>
        %mul3A_2629 = vector.broadcast %get3A_2628 : f32 to vector<16xf32>
        %mul3A_2630 = arith.mulf %get3A_1486, %mul3A_2629 : vector<16xf32>
        %get3A_2631 = arith.constant 43 : i32
        %get3A_2632 = arith.index_cast %get3A_2631 : i32 to index
        %get3A_2633 = memref.load %arg9[%get3A_2632] : memref<130xf32, #tpu.memory_space<smem>>
        %mul3A_2634 = vector.broadcast %get3A_2633 : f32 to vector<16xf32>
        %mul3A_2635 = arith.mulf %get3A_1496, %mul3A_2634 : vector<16xf32>
        %add3A_2636 = arith.addf %mul3A_2615, %mul3A_2620 : vector<16xf32>
        %add3A_2637 = arith.addf %mul3A_2625, %mul3A_2630 : vector<16xf32>
        %add3A_2638 = arith.addf %add3A_2636, %add3A_2637 : vector<16xf32>
        %add3A_2639 = arith.addf %add3A_2638, %mul3A_2635 : vector<16xf32>
        %mul3A_2640 = arith.constant 2.000000e+00 : f32
        %mul3A_2641 = vector.broadcast %mul3A_2640 : f32 to vector<16xf32>
        %mul3A_2642 = arith.mulf %add3A_2639, %mul3A_2641 : vector<16xf32>
        %exp3A_2643 = math.exp %mul3A_2642 : vector<16xf32>
        %add3A_2644 = arith.constant 1.000000e+00 : f32
        %add3A_2645 = vector.broadcast %add3A_2644 : f32 to vector<16xf32>
        %add3A_2646 = arith.addf %exp3A_2643, %add3A_2645 : vector<16xf32>
        %div3A_2647 = arith.constant 2.000000e+00 : f32
        %div3A_2648 = vector.broadcast %div3A_2647 : f32 to vector<16xf32>
        %div3A_2649 = arith.divf %div3A_2648, %add3A_2646 : vector<16xf32>
        %sub3A_2650 = arith.constant 1.000000e+00 : f32
        %sub3A_2651 = vector.broadcast %sub3A_2650 : f32 to vector<16xf32>
        %sub3A_2652 = arith.subf %sub3A_2651, %div3A_2649 : vector<16xf32>
        %add3A_2653 = arith.constant 672 : i32
        %add3A_2654 = arith.addi %add3A_2653, %select_n3A : i32
        %swap3A_2655 = arith.index_cast %add3A_2654 : i32 to index
        %swap3A_2656 = arith.index_cast %mul3A_50 : i32 to index
        %swap3A_2657 = tpu.vector_load %arg6[%swap3A_2655, %swap3A_2656] {strides = array<i32>} : memref<832x128xf32, #tpu.memory_space<vmem>>, vector<1x16xf32>,
        %swap3A_2658 = vector.shape_cast %swap3A_2657 : vector<1x16xf32> to vector<16xf32>
        %swap3A_2659 = vector.shape_cast %sub3A_2652 : vector<16xf32> to vector<1x16xf32>
        tpu.vector_store %arg6[%swap3A_2655, %swap3A_2656], %swap3A_2659 {strides = array<i32>} : memref<832x128xf32, #tpu.memory_space<vmem>>, vector<1x16xf32>,
        %get3A_2660 = arith.constant 119 : i32
        %get3A_2661 = arith.index_cast %get3A_2660 : i32 to index
        %get3A_2662 = memref.load %arg9[%get3A_2661] : memref<130xf32, #tpu.memory_space<smem>>
        %mul3A_2663 = vector.broadcast %get3A_2662 : f32 to vector<16xf32>
        %mul3A_2664 = arith.mulf %get3A_1571, %mul3A_2663 : vector<16xf32>
        %get3A_2665 = arith.constant 9 : i32
        %get3A_2666 = arith.index_cast %get3A_2665 : i32 to index
        %get3A_2667 = memref.load %arg9[%get3A_2666] : memref<130xf32, #tpu.memory_space<smem>>
        %mul3A_2668 = vector.broadcast %get3A_2667 : f32 to vector<16xf32>
        %mul3A_2669 = arith.mulf %get3A_1461, %mul3A_2668 : vector<16xf32>
        %get3A_2670 = arith.constant 18 : i32
        %get3A_2671 = arith.index_cast %get3A_2670 : i32 to index
        %get3A_2672 = memref.load %arg9[%get3A_2671] : memref<130xf32, #tpu.memory_space<smem>>
        %mul3A_2673 = vector.broadcast %get3A_2672 : f32 to vector<16xf32>
        %mul3A_2674 = arith.mulf %get3A_1471, %mul3A_2673 : vector<16xf32>
        %get3A_2675 = arith.constant 39 : i32
        %get3A_2676 = arith.index_cast %get3A_2675 : i32 to index
        %get3A_2677 = memref.load %arg9[%get3A_2676] : memref<130xf32, #tpu.memory_space<smem>>
        %mul3A_2678 = vector.broadcast %get3A_2677 : f32 to vector<16xf32>
        %mul3A_2679 = arith.mulf %get3A_1491, %mul3A_2678 : vector<16xf32>
        %get3A_2680 = arith.constant 48 : i32
        %get3A_2681 = arith.index_cast %get3A_2680 : i32 to index
        %get3A_2682 = memref.load %arg9[%get3A_2681] : memref<130xf32, #tpu.memory_space<smem>>
        %mul3A_2683 = vector.broadcast %get3A_2682 : f32 to vector<16xf32>
        %mul3A_2684 = arith.mulf %get3A_1501, %mul3A_2683 : vector<16xf32>
        %add3A_2685 = arith.addf %mul3A_2664, %mul3A_2669 : vector<16xf32>
        %add3A_2686 = arith.addf %mul3A_2674, %mul3A_2679 : vector<16xf32>
        %add3A_2687 = arith.addf %add3A_2685, %add3A_2686 : vector<16xf32>
        %add3A_2688 = arith.addf %add3A_2687, %mul3A_2684 : vector<16xf32>
        %mul3A_2689 = arith.constant 2.000000e+00 : f32
        %mul3A_2690 = vector.broadcast %mul3A_2689 : f32 to vector<16xf32>
        %mul3A_2691 = arith.mulf %add3A_2688, %mul3A_2690 : vector<16xf32>
        %exp3A_2692 = math.exp %mul3A_2691 : vector<16xf32>
        %add3A_2693 = arith.constant 1.000000e+00 : f32
        %add3A_2694 = vector.broadcast %add3A_2693 : f32 to vector<16xf32>
        %add3A_2695 = arith.addf %exp3A_2692, %add3A_2694 : vector<16xf32>
        %div3A_2696 = arith.constant 2.000000e+00 : f32
        %div3A_2697 = vector.broadcast %div3A_2696 : f32 to vector<16xf32>
        %div3A_2698 = arith.divf %div3A_2697, %add3A_2695 : vector<16xf32>
        %sub3A_2699 = arith.constant 1.000000e+00 : f32
        %sub3A_2700 = vector.broadcast %sub3A_2699 : f32 to vector<16xf32>
        %sub3A_2701 = arith.subf %sub3A_2700, %div3A_2698 : vector<16xf32>
        %add3A_2702 = arith.constant 704 : i32
        %add3A_2703 = arith.addi %add3A_2702, %select_n3A : i32
        %swap3A_2704 = arith.index_cast %add3A_2703 : i32 to index
        %swap3A_2705 = arith.index_cast %mul3A_50 : i32 to index
        %swap3A_2706 = tpu.vector_load %arg6[%swap3A_2704, %swap3A_2705] {strides = array<i32>} : memref<832x128xf32, #tpu.memory_space<vmem>>, vector<1x16xf32>,
        %swap3A_2707 = vector.shape_cast %swap3A_2706 : vector<1x16xf32> to vector<16xf32>
        %swap3A_2708 = vector.shape_cast %sub3A_2701 : vector<16xf32> to vector<1x16xf32>
        tpu.vector_store %arg6[%swap3A_2704, %swap3A_2705], %swap3A_2708 {strides = array<i32>} : memref<832x128xf32, #tpu.memory_space<vmem>>, vector<1x16xf32>,
        %get3A_2709 = arith.constant 124 : i32
        %get3A_2710 = arith.index_cast %get3A_2709 : i32 to index
        %get3A_2711 = memref.load %arg9[%get3A_2710] : memref<130xf32, #tpu.memory_space<smem>>
        %mul3A_2712 = vector.broadcast %get3A_2711 : f32 to vector<16xf32>
        %mul3A_2713 = arith.mulf %get3A_1576, %mul3A_2712 : vector<16xf32>
        %get3A_2714 = arith.constant 14 : i32
        %get3A_2715 = arith.index_cast %get3A_2714 : i32 to index
        %get3A_2716 = memref.load %arg9[%get3A_2715] : memref<130xf32, #tpu.memory_space<smem>>
        %mul3A_2717 = vector.broadcast %get3A_2716 : f32 to vector<16xf32>
        %mul3A_2718 = arith.mulf %get3A_1466, %mul3A_2717 : vector<16xf32>
        %get3A_2719 = arith.constant 23 : i32
        %get3A_2720 = arith.index_cast %get3A_2719 : i32 to index
        %get3A_2721 = memref.load %arg9[%get3A_2720] : memref<130xf32, #tpu.memory_space<smem>>
        %mul3A_2722 = vector.broadcast %get3A_2721 : f32 to vector<16xf32>
        %mul3A_2723 = arith.mulf %get3A_1476, %mul3A_2722 : vector<16xf32>
        %get3A_2724 = arith.constant 44 : i32
        %get3A_2725 = arith.index_cast %get3A_2724 : i32 to index
        %get3A_2726 = memref.load %arg9[%get3A_2725] : memref<130xf32, #tpu.memory_space<smem>>
        %mul3A_2727 = vector.broadcast %get3A_2726 : f32 to vector<16xf32>
        %mul3A_2728 = arith.mulf %get3A_1496, %mul3A_2727 : vector<16xf32>
        %get3A_2729 = arith.constant 53 : i32
        %get3A_2730 = arith.index_cast %get3A_2729 : i32 to index
        %get3A_2731 = memref.load %arg9[%get3A_2730] : memref<130xf32, #tpu.memory_space<smem>>
        %mul3A_2732 = vector.broadcast %get3A_2731 : f32 to vector<16xf32>
        %mul3A_2733 = arith.mulf %get3A_1506, %mul3A_2732 : vector<16xf32>
        %add3A_2734 = arith.addf %mul3A_2713, %mul3A_2718 : vector<16xf32>
        %add3A_2735 = arith.addf %mul3A_2723, %mul3A_2728 : vector<16xf32>
        %add3A_2736 = arith.addf %add3A_2734, %add3A_2735 : vector<16xf32>
        %add3A_2737 = arith.addf %add3A_2736, %mul3A_2733 : vector<16xf32>
        %mul3A_2738 = arith.constant 2.000000e+00 : f32
        %mul3A_2739 = vector.broadcast %mul3A_2738 : f32 to vector<16xf32>
        %mul3A_2740 = arith.mulf %add3A_2737, %mul3A_2739 : vector<16xf32>
        %exp3A_2741 = math.exp %mul3A_2740 : vector<16xf32>
        %add3A_2742 = arith.constant 1.000000e+00 : f32
        %add3A_2743 = vector.broadcast %add3A_2742 : f32 to vector<16xf32>
        %add3A_2744 = arith.addf %exp3A_2741, %add3A_2743 : vector<16xf32>
        %div3A_2745 = arith.constant 2.000000e+00 : f32
        %div3A_2746 = vector.broadcast %div3A_2745 : f32 to vector<16xf32>
        %div3A_2747 = arith.divf %div3A_2746, %add3A_2744 : vector<16xf32>
        %sub3A_2748 = arith.constant 1.000000e+00 : f32
        %sub3A_2749 = vector.broadcast %sub3A_2748 : f32 to vector<16xf32>
        %sub3A_2750 = arith.subf %sub3A_2749, %div3A_2747 : vector<16xf32>
        %add3A_2751 = arith.constant 736 : i32
        %add3A_2752 = arith.addi %add3A_2751, %select_n3A : i32
        %swap3A_2753 = arith.index_cast %add3A_2752 : i32 to index
        %swap3A_2754 = arith.index_cast %mul3A_50 : i32 to index
        %swap3A_2755 = tpu.vector_load %arg6[%swap3A_2753, %swap3A_2754] {strides = array<i32>} : memref<832x128xf32, #tpu.memory_space<vmem>>, vector<1x16xf32>,
        %swap3A_2756 = vector.shape_cast %swap3A_2755 : vector<1x16xf32> to vector<16xf32>
        %swap3A_2757 = vector.shape_cast %sub3A_2750 : vector<16xf32> to vector<1x16xf32>
        tpu.vector_store %arg6[%swap3A_2753, %swap3A_2754], %swap3A_2757 {strides = array<i32>} : memref<832x128xf32, #tpu.memory_space<vmem>>, vector<1x16xf32>,
        %get3A_2758 = arith.constant 129 : i32
        %get3A_2759 = arith.index_cast %get3A_2758 : i32 to index
        %get3A_2760 = memref.load %arg9[%get3A_2759] : memref<130xf32, #tpu.memory_space<smem>>
        %mul3A_2761 = vector.broadcast %get3A_2760 : f32 to vector<16xf32>
        %mul3A_2762 = arith.mulf %get3A_1581, %mul3A_2761 : vector<16xf32>
        %get3A_2763 = arith.constant 19 : i32
        %get3A_2764 = arith.index_cast %get3A_2763 : i32 to index
        %get3A_2765 = memref.load %arg9[%get3A_2764] : memref<130xf32, #tpu.memory_space<smem>>
        %mul3A_2766 = vector.broadcast %get3A_2765 : f32 to vector<16xf32>
        %mul3A_2767 = arith.mulf %get3A_1471, %mul3A_2766 : vector<16xf32>
        %get3A_2768 = arith.constant 29 : i32
        %get3A_2769 = arith.index_cast %get3A_2768 : i32 to index
        %get3A_2770 = memref.load %arg9[%get3A_2769] : memref<130xf32, #tpu.memory_space<smem>>
        %mul3A_2771 = vector.broadcast %get3A_2770 : f32 to vector<16xf32>
        %mul3A_2772 = arith.mulf %get3A_1481, %mul3A_2771 : vector<16xf32>
        %get3A_2773 = arith.constant 49 : i32
        %get3A_2774 = arith.index_cast %get3A_2773 : i32 to index
        %get3A_2775 = memref.load %arg9[%get3A_2774] : memref<130xf32, #tpu.memory_space<smem>>
        %mul3A_2776 = vector.broadcast %get3A_2775 : f32 to vector<16xf32>
        %mul3A_2777 = arith.mulf %get3A_1501, %mul3A_2776 : vector<16xf32>
        %get3A_2778 = arith.constant 59 : i32
        %get3A_2779 = arith.index_cast %get3A_2778 : i32 to index
        %get3A_2780 = memref.load %arg9[%get3A_2779] : memref<130xf32, #tpu.memory_space<smem>>
        %mul3A_2781 = vector.broadcast %get3A_2780 : f32 to vector<16xf32>
        %mul3A_2782 = arith.mulf %get3A_1511, %mul3A_2781 : vector<16xf32>
        %add3A_2783 = arith.addf %mul3A_2762, %mul3A_2767 : vector<16xf32>
        %add3A_2784 = arith.addf %mul3A_2772, %mul3A_2777 : vector<16xf32>
        %add3A_2785 = arith.addf %add3A_2783, %add3A_2784 : vector<16xf32>
        %add3A_2786 = arith.addf %add3A_2785, %mul3A_2782 : vector<16xf32>
        %mul3A_2787 = arith.constant 2.000000e+00 : f32
        %mul3A_2788 = vector.broadcast %mul3A_2787 : f32 to vector<16xf32>
        %mul3A_2789 = arith.mulf %add3A_2786, %mul3A_2788 : vector<16xf32>
        %exp3A_2790 = math.exp %mul3A_2789 : vector<16xf32>
        %add3A_2791 = arith.constant 1.000000e+00 : f32
        %add3A_2792 = vector.broadcast %add3A_2791 : f32 to vector<16xf32>
        %add3A_2793 = arith.addf %exp3A_2790, %add3A_2792 : vector<16xf32>
        %div3A_2794 = arith.constant 2.000000e+00 : f32
        %div3A_2795 = vector.broadcast %div3A_2794 : f32 to vector<16xf32>
        %div3A_2796 = arith.divf %div3A_2795, %add3A_2793 : vector<16xf32>
        %sub3A_2797 = arith.constant 1.000000e+00 : f32
        %sub3A_2798 = vector.broadcast %sub3A_2797 : f32 to vector<16xf32>
        %sub3A_2799 = arith.subf %sub3A_2798, %div3A_2796 : vector<16xf32>
        %add3A_2800 = arith.constant 768 : i32
        %add3A_2801 = arith.addi %add3A_2800, %select_n3A : i32
        %swap3A_2802 = arith.index_cast %add3A_2801 : i32 to index
        %swap3A_2803 = arith.index_cast %mul3A_50 : i32 to index
        %swap3A_2804 = tpu.vector_load %arg6[%swap3A_2802, %swap3A_2803] {strides = array<i32>} : memref<832x128xf32, #tpu.memory_space<vmem>>, vector<1x16xf32>,
        %swap3A_2805 = vector.shape_cast %swap3A_2804 : vector<1x16xf32> to vector<16xf32>
        %swap3A_2806 = vector.shape_cast %sub3A_2799 : vector<16xf32> to vector<1x16xf32>
        tpu.vector_store %arg6[%swap3A_2802, %swap3A_2803], %swap3A_2806 {strides = array<i32>} : memref<832x128xf32, #tpu.memory_space<vmem>>, vector<1x16xf32>,
        %get3A_2807 = arith.constant 4 : i32
        %get3A_2808 = arith.index_cast %get3A_2807 : i32 to index
        %get3A_2809 = memref.load %arg9[%get3A_2808] : memref<130xf32, #tpu.memory_space<smem>>
        %mul3A_2810 = vector.broadcast %get3A_2809 : f32 to vector<16xf32>
        %mul3A_2811 = arith.mulf %get3A_1456, %mul3A_2810 : vector<16xf32>
        %get3A_2812 = arith.constant 24 : i32
        %get3A_2813 = arith.index_cast %get3A_2812 : i32 to index
        %get3A_2814 = memref.load %arg9[%get3A_2813] : memref<130xf32, #tpu.memory_space<smem>>
        %mul3A_2815 = vector.broadcast %get3A_2814 : f32 to vector<16xf32>
        %mul3A_2816 = arith.mulf %get3A_1476, %mul3A_2815 : vector<16xf32>
        %get3A_2817 = arith.constant 34 : i32
        %get3A_2818 = arith.index_cast %get3A_2817 : i32 to index
        %get3A_2819 = memref.load %arg9[%get3A_2818] : memref<130xf32, #tpu.memory_space<smem>>
        %mul3A_2820 = vector.broadcast %get3A_2819 : f32 to vector<16xf32>
        %mul3A_2821 = arith.mulf %get3A_1486, %mul3A_2820 : vector<16xf32>
        %get3A_2822 = arith.constant 54 : i32
        %get3A_2823 = arith.index_cast %get3A_2822 : i32 to index
        %get3A_2824 = memref.load %arg9[%get3A_2823] : memref<130xf32, #tpu.memory_space<smem>>
        %mul3A_2825 = vector.broadcast %get3A_2824 : f32 to vector<16xf32>
        %mul3A_2826 = arith.mulf %get3A_1506, %mul3A_2825 : vector<16xf32>
        %get3A_2827 = arith.constant 64 : i32
        %get3A_2828 = arith.index_cast %get3A_2827 : i32 to index
        %get3A_2829 = memref.load %arg9[%get3A_2828] : memref<130xf32, #tpu.memory_space<smem>>
        %mul3A_2830 = vector.broadcast %get3A_2829 : f32 to vector<16xf32>
        %mul3A_2831 = arith.mulf %get3A_1516, %mul3A_2830 : vector<16xf32>
        %add3A_2832 = arith.addf %mul3A_2811, %mul3A_2816 : vector<16xf32>
        %add3A_2833 = arith.addf %mul3A_2821, %mul3A_2826 : vector<16xf32>
        %add3A_2834 = arith.addf %add3A_2832, %add3A_2833 : vector<16xf32>
        %add3A_2835 = arith.addf %add3A_2834, %mul3A_2831 : vector<16xf32>
        %mul3A_2836 = arith.constant 2.000000e+00 : f32
        %mul3A_2837 = vector.broadcast %mul3A_2836 : f32 to vector<16xf32>
        %mul3A_2838 = arith.mulf %add3A_2835, %mul3A_2837 : vector<16xf32>
        %exp3A_2839 = math.exp %mul3A_2838 : vector<16xf32>
        %add3A_2840 = arith.constant 1.000000e+00 : f32
        %add3A_2841 = vector.broadcast %add3A_2840 : f32 to vector<16xf32>
        %add3A_2842 = arith.addf %exp3A_2839, %add3A_2841 : vector<16xf32>
        %div3A_2843 = arith.constant 2.000000e+00 : f32
        %div3A_2844 = vector.broadcast %div3A_2843 : f32 to vector<16xf32>
        %div3A_2845 = arith.divf %div3A_2844, %add3A_2842 : vector<16xf32>
        %sub3A_2846 = arith.constant 1.000000e+00 : f32
        %sub3A_2847 = vector.broadcast %sub3A_2846 : f32 to vector<16xf32>
        %sub3A_2848 = arith.subf %sub3A_2847, %div3A_2845 : vector<16xf32>
        %add3A_2849 = arith.constant 800 : i32
        %add3A_2850 = arith.addi %add3A_2849, %select_n3A : i32
        %swap3A_2851 = arith.index_cast %add3A_2850 : i32 to index
        %swap3A_2852 = arith.index_cast %mul3A_50 : i32 to index
        %swap3A_2853 = tpu.vector_load %arg6[%swap3A_2851, %swap3A_2852] {strides = array<i32>} : memref<832x128xf32, #tpu.memory_space<vmem>>, vector<1x16xf32>,
        %swap3A_2854 = vector.shape_cast %swap3A_2853 : vector<1x16xf32> to vector<16xf32>
        %swap3A_2855 = vector.shape_cast %sub3A_2848 : vector<16xf32> to vector<1x16xf32>
        tpu.vector_store %arg6[%swap3A_2851, %swap3A_2852], %swap3A_2855 {strides = array<i32>} : memref<832x128xf32, #tpu.memory_space<vmem>>, vector<1x16xf32>,
      }
      %scan3A_17 = arith.constant 256 : i32
      "tpu.region"() ({
        %run_scoped3A = tpu.sem_alloc : memref<!tpu.dma_semaphore, #tpu.memory_space<semaphore_mem>>
        %dma_start3A = arith.constant 0 : i32
        %dma_start3A_18 = tpu.memref_slice %arg5[%dma_start3A, %add3A_11] : memref<832x16384xf32, #tpu.memory_space<hbm>> -> memref<832x128xf32, #tpu.memory_space<hbm>>
        %dma_start3A_19 = arith.constant 0 : i32
        %dma_start3A_20 = tpu.memref_slice %arg5[%dma_start3A_19, %add3A_11] : memref<832x16384xf32, #tpu.memory_space<hbm>> -> memref<832x128xf32, #tpu.memory_space<hbm>>
        tpu.enqueue_dma source(%arg6 : memref<832x128xf32, #tpu.memory_space<vmem>>) target(%dma_start3A_20 : memref<832x128xf32, #tpu.memory_space<hbm>>) target_semaphore(%run_scoped3A : memref<!tpu.dma_semaphore, #tpu.memory_space<semaphore_mem>>)
        %dma_wait3A = arith.constant 0 : i32
        %dma_wait3A_21 = tpu.memref_slice %arg5[%dma_wait3A, %add3A_11] : memref<832x16384xf32, #tpu.memory_space<hbm>> -> memref<832x128xf32, #tpu.memory_space<hbm>>
        %dma_wait3A_22 = arith.constant 0 : i32
        %dma_wait3A_23 = tpu.memref_slice %arg5[%dma_wait3A_22, %add3A_11] : memref<832x16384xf32, #tpu.memory_space<hbm>> -> memref<832x128xf32, #tpu.memory_space<hbm>>
        tpu.wait_dma2 semaphore(%run_scoped3A : memref<!tpu.dma_semaphore, #tpu.memory_space<semaphore_mem>>) src(%arg6 : memref<832x128xf32, #tpu.memory_space<vmem>>) dst(%dma_wait3A_23 : memref<832x128xf32, #tpu.memory_space<hbm>>)
        tpu.yield
      }) : () -> ()
    }
    %scan3A_7 = arith.constant 4 : i32
    return
  }
}

</mosaic_0001>

<sc_bundles>
// kernel: kernel.3.cloned.1.call-start
scs
__scs_entry_jumppad:
0x0: {  	(pc) =	sbr.rel $0x88, $3  }
0x1: {  	(tag) =	ssettag $0x0;
	lr =	simm.s32 $0x1  }
0x2: {  	[smem:$0x3F9E] =	sst lr;
	_ =	strace $0xD0000000  }
0x3: {  	_ = 	snop  }
0x4: {  	_ = 	snop  }
0x5: {  	_ = 	snop  }
0x6: {  	_ = 	snop  }
0x7: {  	_ = 	snop  }
__scs_overlays_trampoline_lowered:
0x8: {  	[smem:$0x3FAD] =	sst s0  }
0x9: {  	[smem:$0x3FAE] =	sst s1  }
0xa: {  	[smem:$0x3FAF] =	sst s2  }
0xb: {  	[smem:$0x3FB0] =	sst s3  }
0xc: {  	[smem:$0x3FB1] =	sst s4  }
0xd: {  	[smem:$0x3FB2] =	sst s5  }
0xe: {  	[smem:$0x3FB3] =	sst s6  }
0xf: {  	[smem:$0x3FB4] =	sst s7  }
0x10: {  	[smem:$0x3FB5] =	sst s8  }
0x11: {  	[smem:$0x3FB6] =	sst s9;
	s0 =	simm.s32 @!p0 $0x0  }
0x12: {  	s1 =	sld [smem:$0x3F9C];
	s0 =	simm.s32 @p0 $0x1  }
0x13: {  	[smem:$0x3FB7] =	sst s0;
	s0 =	simm.s32 @!p1 $0x0  }
0x14: {  	s2 =	sld [smem:$0x3F9B];
	s0 =	simm.s32 @p1 $0x1  }
0x15: {  	[smem:$0x3FB8] =	sst s0;
	s0 =	simm.s32 @!p2 $0x0  }
0x16: {  	s3 =	sld [smem:$0x3FDB];
	s0 =	simm.s32 @p2 $0x1  }
0x17: {  	s4 =	simm.s32 $0x1BF5;
	[smem:$0x3FBA] =	sst s0  }
0x18: {  	s0 =	sld [smem:$0x3F9D];
	_ =	swait.ge [sflag:s4], $0x0  }
0x19: {  	s7 =	sld [smem:$0x3F9E]  }
0x1a: {  	s8 =	sadd.s32 $0xFFFFE003, lr  }
0x1b: {  	s9 =	sadd.s32 $0xFFFFFEF7, lr;
	s5 =	simm.s32 $0xFFFFFFFF;
	p2 =	slt.u32 s8, $0xFFFFF086  }
0x1c: {  	p1 =	slt.u32 s9, $0xF7A;
	s5 =	simm.s32 @!p2 $0x0  }
0x1d: {  	s5 =	simm.s32 @p1 $0x1;
	p0 =	seq.s32 s7, s2  }
0x1e: {  	s7 =	smul.u32 @!p0 $0xF7A, s2;
	p2 =	seq.s32 @!p0 s5, $0x0  }
0x1f: {  	s9 =	smul.u32 $0xF7A, s1;
	s8 =	simm.s32 @!p0 $0x1BF5;
	p2 =	por !p2, p0  }
0x20: {  	[sflag:s8] =	ssyncset.s32 @!p0 $0xFFFFF086;
	s6 =	sadd.s32 @!p0 s3, s7;
	s7 =	simm.s32 @!p0 $0x108  }
0x21: {  	s3 =	sadd.s32 s3, s9;
	s6 =	sadd.s32 @!p0 $0x88, s6;
	s7 =	simm.s32 @p2 $0x1082  }
0x22: {  	[simem:s7], [sflag:s8] =	dma.local @!p0 [hbm:s6], $0xF7A  }
0x23: {  	s9 =	sor.u32 $0xD0000000, s2;
	s6 =	simm.s32 $0x108;
	_ =	swait.ge @!p0 [sflag:s8], $0x0  }
0x24: {  	s3 =	sadd.s32 $0x88, s3;
	s6 =	simm.s32 @!p1 $0x1082;
	[sflag:s4] =	ssyncset.s32 $0xFFFFF086  }
0x25: {  	[simem:s6], [sflag:s4] =	dma.local [hbm:s3], $0xF7A  }
0x26: {  	[smem:$0x3F9E] =	sst s1;
	(tag) =	ssettag s2;
	_ =	strace s9  }
0x27: {  	s1 =	sld [smem:$0x3FAE]  }
0x28: {  	s2 =	sld [smem:$0x3FAF]  }
0x29: {  	s4 =	sld [smem:$0x3FB1]  }
0x2a: {  	p0 =	seq.s32 s5, $0x0;
	s5 =	sld [smem:$0x3FB2]  }
0x2b: {  	s6 =	sld [smem:$0x3FB3]  }
0x2c: {  	s7 =	sld [smem:$0x3FB4]  }
0x2d: {  	s3 =	simm.s32 $0x108;
	s8 =	sld [smem:$0x3FB5]  }
0x2e: {  	s3 =	simm.s32 @!p0 $0x1082;
	s9 =	sld [smem:$0x3FB6]  }
0x2f: {  	lr =	sadd.s32 s0, s3;
	s0 =	sld [smem:$0x3FAD]  }
0x30: {  	s3 =	sld [smem:$0x3FB0]  }
0x31: {  	[smem:$0x3FB9] =	sst s10  }
0x32: {  	s10 =	sld [smem:$0x3FB7];
	_ =	sdelay $0x3  }
0x33: {  	p0 =	seq.s32 s10, $0x1;
	s10 =	sld [smem:$0x3FB9];
	_ =	sdelay $0x3  }
0x34: {  	[smem:$0x3FB9] =	sst s10  }
0x35: {  	s10 =	sld [smem:$0x3FB8];
	_ =	sdelay $0x3  }
0x36: {  	p1 =	seq.s32 s10, $0x1;
	s10 =	sld [smem:$0x3FB9];
	_ =	sdelay $0x3  }
0x37: {  	[smem:$0x3FB9] =	sst s10  }
0x38: {  	s10 =	sld [smem:$0x3FBA]  }
0x39: {  	_ = 	snop;
	(pc) =	sbr.ind lr, $3  }
0x3a: {  	_ = 	snop  }
0x3b: {  	_ = 	snop  }
0x3c: {  	p2 =	seq.s32 s10, $0x1;
	s10 =	sld [smem:$0x3FB9]  }
0x3d: {  	_ =	shalt  }
0x3e: {  	_ =	shalt  }
0x3f: {  	_ =	shalt  }
0x40: {  	_ =	shalt  }
0x41: {  	_ =	shalt  }
0x42: {  	_ =	shalt  }
0x43: {  	_ =	shalt  }
0x44: {  	_ =	shalt  }
0x45: {  	_ =	shalt  }
0x46: {  	_ =	shalt  }
0x47: {  	_ =	shalt  }
0x48: {  	_ =	shalt  }
0x49: {  	_ =	shalt  }
0x4a: {  	_ =	shalt  }
0x4b: {  	_ =	shalt  }
0x4c: {  	_ =	shalt  }
0x4d: {  	_ =	shalt  }
0x4e: {  	_ =	shalt  }
0x4f: {  	_ =	shalt  }
0x50: {  	_ =	shalt  }
0x51: {  	_ =	shalt  }
0x52: {  	_ =	shalt  }
0x53: {  	_ =	shalt  }
0x54: {  	_ =	shalt  }
0x55: {  	_ =	shalt  }
0x56: {  	_ =	shalt  }
0x57: {  	_ =	shalt  }
0x58: {  	_ =	shalt  }
0x59: {  	_ =	shalt  }
0x5a: {  	_ =	shalt  }
0x5b: {  	_ =	shalt  }
0x5c: {  	_ =	shalt  }
0x5d: {  	_ =	shalt  }
0x5e: {  	_ =	shalt  }
0x5f: {  	_ =	shalt  }
0x60: {  	_ =	shalt  }
0x61: {  	_ =	shalt  }
0x62: {  	_ =	shalt  }
0x63: {  	_ =	shalt  }
0x64: {  	_ =	shalt  }
0x65: {  	_ =	shalt  }
0x66: {  	_ =	shalt  }
0x67: {  	_ =	shalt  }
0x68: {  	_ =	shalt  }
0x69: {  	_ =	shalt  }
0x6a: {  	_ =	shalt  }
0x6b: {  	_ =	shalt  }
0x6c: {  	_ =	shalt  }
0x6d: {  	_ =	shalt  }
0x6e: {  	_ =	shalt  }
0x6f: {  	_ =	shalt  }
0x70: {  	_ =	shalt  }
0x71: {  	_ =	shalt  }
0x72: {  	_ =	shalt  }
0x73: {  	_ =	shalt  }
0x74: {  	_ =	shalt  }
0x75: {  	_ =	shalt  }
0x76: {  	_ =	shalt  }
0x77: {  	_ =	shalt  }
0x78: {  	_ =	shalt  }
0x79: {  	_ =	shalt  }
0x7a: {  	_ =	shalt  }
0x7b: {  	_ =	shalt  }
0x7c: {  	_ =	shalt  }
0x7d: {  	_ =	shalt  }
0x7e: {  	_ =	shalt  }
0x7f: {  	_ =	shalt  }
0x80: {  	_ =	shalt  }
0x81: {  	_ =	shalt  }
0x82: {  	_ =	shalt  }
0x83: {  	_ =	shalt  }
0x84: {  	_ =	shalt  }
0x85: {  	_ =	shalt  }
0x86: {  	_ =	shalt  }
0x87: {  	_ =	shalt  }
.Lfunc_end0:
.L_simem_size_0:
called_computation_lowered:
.L_overlay_start_0:
0x88: {  	s2 =	sld [smem:$0x3FD9]  }
0x89: {  	s3 =	sld [smem:$0x3FFE];
	_ =	sdelay $0x1  }
0x8a: {  	s1 =	srdreg.scid  }
0x8b: {  	s0 =	sand.u32 $0x1, s1  }
0x8c: {  	s18 =	sshll.u32 s0, $0xA;
	s2 =	sadd.s32 s3, s2  }
0x8d: {  	s2 =	sadd.s32 s2, s18  }
0x8e: {  	[smem:$0x3FC5] =	sst s2  }
0x8f: {  	_ = 	snop  }
0x90: {  	s2 =	sld [smem:$0x3FC9]  }
0x91: {  	s19 =	sld [smem:$0x3FC8]  }
0x92: {  	s4 =	sld [smem:$0x3FC7]  }
0x93: {  	s5 =	sld [smem:$0x3FD0];
	(tm) =	ssettm $0x1  }
0x94: {  	s6 =	sld [smem:$0x3FFB];
	_ =	sdelay $0x3  }
0x95: {  	_ =	strace s6  }
0x96: {  	s6 =	sld [smem:$0x3FFC];
	_ =	sdelay $0x3  }
0x97: {  	_ =	strace s6  }
0x98: {  	s6 =	sld [smem:$0x3FFD];
	_ =	sdelay $0x3  }
0x99: {  	_ =	strace s6  }
0x9a: {  	_ =	strace $0x8FFFFFFF  }
0x9b: {  	s20 =	sld [smem:$0x3FDB];
	_ =	sdelay $0x1  }
0x9c: {  	s7 =	simm.s32 $_scs_section_size  }
0x9d: {  	s8 =	simm.s32 $_size__tile_overlayer_lowered;
	s9 =	simm.s32 $_tile_overlayer_lowered  }
0x9e: {  	s23 =	simm.s32 $0x1BFF;
	s22 =	sshll.u32 s9, $0x1;
	s6 =	sadd.s32 s7, s20  }
0x9f: {  	s10 =	simm.s32 $0x0;
	s21 =	sshll.u32 s8, $0x1;
	s8 =	sadd.s32 s22, s6  }
0xa0: {  	[timem:s10], [sflag:s23] =	dma.local [hbm:s8], s21  }
0xa1: {  	_ =	swait.ge [sflag:s23], s21  }
0xa2: {  	s7 =	ssub.s32 $0x0, s21;
	[sflag:s23] =	ssyncset.done $0x0  }
0xa3: {  	[sflag:s23] =	ssyncadd.s32 s7;
	_ =	sdelay $0x1  }
0xa4: {  	s24 =	simm.s32 $0x1B8B  }
0xa5: {  	_ =	swait.ge [sflag:s24], $0x1  }
0xa6: {  	[sflag:s24] =	ssyncset.done $0x0  }
0xa7: {  	s25 =	simm.s32 $0x1B8E;
	[sflag:s24] =	ssyncadd.s32 $0xFFFFFFFF  }
0xa8: {  	s26 =	simm.s32 $execute0_lowered;
	[smem:$0x3FD2] =	sst s25  }
0xa9: {  	s7 =	sshll.u32 s26, $0x1;
	_ =	strace $0x80000046;
	[dreg:$0x1] =	wrdreg $0xFFFFFFFF  }
0xaa: {  	s28 =	simm.s32 $_size_execute0_lowered;
	s6 =	sadd.s32 s6, s7;
	[dreg:$0x0] =	wrdreg $0x0  }
0xab: {  	s7 =	sshll.u32 s28, $0x1;
	[dreg:$0x2] =	wrdreg s6  }
0xac: {  	[dreg:$0x3] =	wrdreg s7  }
0xad: {  	[dreg:$0x4] =	wrdreg $0xC0  }
0xae: {  	_ =	task [dreg:s10], $0x5FFFF  }
0xaf: {  	[dreg:$0x1] =	wrdreg $0xFFFFFFFF  }
0xb0: {  	[dreg:$0x0] =	wrdreg $0x60  }
0xb1: {  	[dreg:$0x2] =	wrdreg s2  }
0xb2: {  	[dreg:$0x3] =	wrdreg s19  }
0xb3: {  	[dreg:$0x4] =	wrdreg s4  }
0xb4: {  	[dreg:$0x5] =	wrdreg s5  }
0xb5: {  	[dreg:$0x6] =	wrdreg $0x1B0000  }
0xb6: {  	[dreg:$0x7] =	wrdreg $0x1B0100  }
0xb7: {  	[dreg:$0x8] =	wrdreg $0x9  }
0xb8: {  	_ =	task.clear_ibuf [dreg:s10], $0x9FFFF;
	_ =	strace $0x90000046  }
0xb9: {  	s29 =	simm.s32 $0x9;
	_ =	strace $0x80000048  }
0xba: {  	_ =	swait.ge [sflag:s29], $0x1  }
0xbb: {  	[sflag:s29] =	ssyncadd.s32 $0xFFFFFFFF  }
0xbc: {  	_ =	strace $0x90000048  }
0xbd: {  	_ =	sfence  }
0xbe: {  	s30 =	sld [smem:$0x0];
	_ =	sdelay $0x2  }
0xbf: {  	s31 =	sshll.u32 s1, $0xD;
	s1 =	sshrl.u32 s1, $0x2  }
0xc0: {  	s3 =	sand.u32 $0x4000, s31;
	s1 =	sadd.s32 s1, s30  }
0xc1: {  	s0 =	sor.u32 s3, s0;
	s1 =	sshll.u32 s1, $0x11  }
0xc2: {  	s0 =	sor.u32 s1, s0  }
0xc3: {  	s0 =	sadd.s32 $0x8F2B, s0  }
0xc4: {  	[sflag:s0] =	ssyncadd.remote.s32 $0x1  }
0xc5: {  	_ =	sfence.sel $0xFFFF  }
0xc6: {  	[dreg:$0x0] =	wrdreg $0xFFFFFFFF;
	(pc) =	sbr.abs _section_cstart, $3  }
0xc7: {  	[dreg:$0x1] =	wrdreg $0xFFFFFFFF  }
0xc8: {  	_ =	task.clear_ibuf [dreg:s10], $0x2FFFF;
	_ =	strace $0x9FFFFFFF  }
0xc9: {  	(tm) =	ssettm $0x7FFFFFFF  }
tec
execute0_lowered:
.L_overlay_start_1:
0x0: {  	(tag) =	ssettag $0x1  }
0x1: {  	s4 =	rddreg [dreg:$0x4]  }
0x2: {  	s5 =	rddreg [dreg:$0x5];
	s1 =	simm.s32 $0x0;
	s0 =	srdreg.scid  }
0x3: {  	s6 =	stileid.u32;
	[smem:$0x7FF] =	sst s1;
	s0 =	sand.u32 $0x1, s0  }
0x4: {  	s3 =	sshll.u32 s6, $0xA;
	s28 =	sshll.u32 s6, $0x6;
	s30 =	sshrl.u32 s4, $0x3  }
0x5: {  	s31 =	sshrl.u32 s5, $0x3;
	s4 =	simm.s32 $0x400;
	_ =	strace $0x80000047  }
0x6: {  	s26 =	ssub.s32 $0x2, s0;
	s0 =	sshll.u32 s0, $0x9;
	[dreg:$0xa] =	wrdreg s30  }
0x7: {  	[dreg:$0xb] =	wrdreg s31;
	s2 =	sshrl.u32 s26, $0x1;
	s0 =	sor.u32 s0, s3  }
0x8: {  	s1 =	ssub.s32 s26, s2;
	[dreg:$0x7] =	wrdreg s0;
	s0 =	sor.u32 $0x1C01, s28  }
0x9: {  	s5 =	simm.s32 $0x20000;
	[dreg:$0x8] =	wrdreg s0;
	s29 =	smax.u32 s1, $0x1  }
0xa: {  	s3 =	simm.s32 $0x1;
	s1 =	simm.s32 $0x0;
	[dreg:$0x9] =	wrdreg s29  }
.LBB2_1:
0xb: {  	[dreg:$0xc] =	wrdreg s1  }
0xc: {  	s0 =	rddreg [dreg:$0x1]  }
0xd: {  	s24 =	rddreg [dreg:$0x8]  }
0xe: {  	s2 =	rddreg [dreg:$0xa]  }
0xf: {  	[spmem:s2], [sflag:s24] =	dma.local [hbm:s0], $0x20  }
0x10: {  	_ =	swait.ge [sflag:s3], $0x20  }
0x11: {  	[sflag:s3] =	ssyncset.done $0x0  }
0x12: {  	s26 =	rddreg [dreg:$0xb];
	[sflag:s3] =	ssyncadd.s32 $0xFFFFFFE0  }
0x13: {  	s25 =	rddreg [dreg:$0x2]  }
0x14: {  	[spmem:s26], [sflag:s24] =	dma.local [hbm:s25], $0x20  }
0x15: {  	_ =	swait.ge [sflag:s3], $0x20  }
0x16: {  	[sflag:s3] =	ssyncset.done $0x0  }
0x17: {  	[sflag:s3] =	ssyncadd.s32 $0xFFFFFFE0  }
0x18: {  	s29 =	simm.s32 $0x0;
	s28 =	rddreg [dreg:$0x4]  }
0x19: {  	[smem:s29], [sflag:$0x1] =	stream.linear.gather [spmem:s28], $0x100, $0x38;
	[tilespmem:$0x1B020] =	vst v63  }
0x1a: {  	_ =	swait.ge [sflag:s3], $0x100  }
0x1b: {  	[sflag:s3] =	ssyncset.done $0x0  }
0x1c: {  	[sflag:s3] =	ssyncadd.s32 $0xFFFFFF00  }
0x1d: {  	s31 =	simm.s32 $0x100;
	s30 =	rddreg [dreg:$0x5]  }
0x1e: {  	[smem:s31], [sflag:$0x1] =	stream.linear.gather [spmem:s30], $0x100, $0x38;
	[tilespmem:$0x1B020] =	vst v63  }
0x1f: {  	_ =	swait.ge [sflag:s3], $0x100  }
0x20: {  	[sflag:s3] =	ssyncset.done $0x0  }
0x21: {  	s0 =	simm.s32 $0x0;
	[sflag:s3] =	ssyncadd.s32 $0xFFFFFF00  }
.LBB2_2:
0x22: {  	[dreg:$0xd] =	wrdreg s0  }
0x23: {  	s15 =	sshll.u32 s0, $0x7;
	s1 =	rddreg [dreg:$0x7]  }
0x24: {  	s16 =	rddreg [dreg:$0x0];
	s1 =	sadd.s32 s1, s15  }
0x25: {  	s21 =	simm.s32 $0x0;
	[dreg:$0xe] =	wrdreg s1;
	s0 =	sadd.s32 s16, s1  }
0x26: {  	[tilespmem:s21], [sflag:$0x1] =	stream.strided.gather [hbm4b:s0+s4], $0x1A000, s5, s4, $0x38;
	[tilespmem:$0x1B020] =	vst v63  }
0x27: {  	_ =	swait.ge [sflag:s3], $0x1A000  }
0x28: {  	[sflag:s3] =	ssyncset.done $0x0  }
0x29: {  	[sflag:s3] =	ssyncadd.s32 $0xFFFE6000  }
0x2a: {  	s29 =	sld [smem:$0x3D];
	_ =	sdelay $0x2  }
0x2b: {  	[smem:$0x76C] =	sst s29  }
0x2c: {  	s29 =	sld [smem:$0x25];
	_ =	sdelay $0x2  }
0x2d: {  	[smem:$0x76D] =	sst s29  }
0x2e: {  	s29 =	sld [smem:$0x39];
	_ =	sdelay $0x2  }
0x2f: {  	[smem:$0x76E] =	sst s29  }
0x30: {  	s29 =	sld [smem:$0x43];
	_ =	sdelay $0x2  }
0x31: {  	[smem:$0x76F] =	sst s29  }
0x32: {  	s29 =	sld [smem:$0x56];
	_ =	sdelay $0x2  }
0x33: {  	[smem:$0x770] =	sst s29  }
0x34: {  	s29 =	sld [smem:$0x5F];
	_ =	sdelay $0x2  }
0x35: {  	[smem:$0x771] =	sst s29  }
0x36: {  	s29 =	sld [smem:$0x2A];
	_ =	sdelay $0x2  }
0x37: {  	[smem:$0x772] =	sst s29  }
0x38: {  	s29 =	sld [smem:$0x3E];
	_ =	sdelay $0x2  }
0x39: {  	[smem:$0x773] =	sst s29  }
0x3a: {  	s29 =	sld [smem:$0x48];
	_ =	sdelay $0x2  }
0x3b: {  	[smem:$0x774] =	sst s29  }
0x3c: {  	s29 =	sld [smem:$0x5B];
	_ =	sdelay $0x2  }
0x3d: {  	[smem:$0x775] =	sst s29  }
0x3e: {  	s29 =	sld [smem:$0x64];
	_ =	sdelay $0x2  }
0x3f: {  	[smem:$0x776] =	sst s29  }
0x40: {  	s29 =	sld [smem:$0x2F];
	_ =	sdelay $0x2  }
0x41: {  	[smem:$0x777] =	sst s29  }
0x42: {  	s29 =	sld [smem:$0x44];
	_ =	sdelay $0x2  }
0x43: {  	[smem:$0x778] =	sst s29  }
0x44: {  	s29 =	sld [smem:$0x4D];
	_ =	sdelay $0x2  }
0x45: {  	[smem:$0x779] =	sst s29  }
0x46: {  	s29 =	sld [smem:$0x60];
	_ =	sdelay $0x2  }
0x47: {  	[smem:$0x77A] =	sst s29  }
0x48: {  	s29 =	sld [smem:$0x69];
	_ =	sdelay $0x2  }
0x49: {  	[smem:$0x77B] =	sst s29  }
0x4a: {  	s29 =	sld [smem:$0x34];
	_ =	sdelay $0x2  }
0x4b: {  	[smem:$0x77C] =	sst s29  }
0x4c: {  	s29 =	sld [smem:$0x49];
	_ =	sdelay $0x2  }
0x4d: {  	[smem:$0x77D] =	sst s29  }
0x4e: {  	s29 =	sld [smem:$0x52];
	_ =	sdelay $0x2  }
0x4f: {  	[smem:$0x77E] =	sst s29  }
0x50: {  	s29 =	sld [smem:$0x65];
	_ =	sdelay $0x2  }
0x51: {  	[smem:$0x77F] =	sst s29  }
0x52: {  	s29 =	sld [smem:$0x6E];
	_ =	sdelay $0x2  }
0x53: {  	[smem:$0x780] =	sst s29  }
0x54: {  	s29 =	sld [smem:$0x3A];
	_ =	sdelay $0x2  }
0x55: {  	[smem:$0x781] =	sst s29  }
0x56: {  	s29 =	sld [smem:$0x4E];
	_ =	sdelay $0x2  }
0x57: {  	[smem:$0x782] =	sst s29  }
0x58: {  	s29 =	sld [smem:$0x57];
	_ =	sdelay $0x2  }
0x59: {  	[smem:$0x783] =	sst s29  }
0x5a: {  	s29 =	sld [smem:$0x6A];
	_ =	sdelay $0x2  }
0x5b: {  	[smem:$0x784] =	sst s29  }
0x5c: {  	s29 =	sld [smem:$0x73];
	_ =	sdelay $0x2  }
0x5d: {  	[smem:$0x785] =	sst s29  }
0x5e: {  	s29 =	sld [smem:$0x3F];
	_ =	sdelay $0x2  }
0x5f: {  	[smem:$0x786] =	sst s29  }
0x60: {  	s29 =	sld [smem:$0x53];
	_ =	sdelay $0x2  }
0x61: {  	[smem:$0x787] =	sst s29  }
0x62: {  	s29 =	sld [smem:$0x5C];
	_ =	sdelay $0x2  }
0x63: {  	[smem:$0x788] =	sst s29  }
0x64: {  	s29 =	sld [smem:$0x6F];
	_ =	sdelay $0x2  }
0x65: {  	[smem:$0x789] =	sst s29  }
0x66: {  	s29 =	sld [smem:$0x78];
	_ =	sdelay $0x2  }
0x67: {  	[smem:$0x78A] =	sst s29  }
0x68: {  	s29 =	sld [smem:$0x45];
	_ =	sdelay $0x2  }
0x69: {  	[smem:$0x78B] =	sst s29  }
0x6a: {  	s29 =	sld [smem:$0x58];
	_ =	sdelay $0x2  }
0x6b: {  	[smem:$0x78C] =	sst s29  }
0x6c: {  	s29 =	sld [smem:$0x61];
	_ =	sdelay $0x2  }
0x6d: {  	[smem:$0x78D] =	sst s29  }
0x6e: {  	s29 =	sld [smem:$0x74];
	_ =	sdelay $0x2  }
0x6f: {  	[smem:$0x78E] =	sst s29  }
0x70: {  	s29 =	sld [smem:$0x7D];
	_ =	sdelay $0x2  }
0x71: {  	[smem:$0x78F] =	sst s29  }
0x72: {  	s29 =	sld [smem:$0x4A];
	_ =	sdelay $0x2  }
0x73: {  	[smem:$0x790] =	sst s29  }
0x74: {  	s29 =	sld [smem:$0x5D];
	_ =	sdelay $0x2  }
0x75: {  	[smem:$0x791] =	sst s29  }
0x76: {  	s29 =	sld [smem:$0x66];
	_ =	sdelay $0x2  }
0x77: {  	[smem:$0x792] =	sst s29  }
0x78: {  	s29 =	sld [smem:$0x79];
	_ =	sdelay $0x2  }
0x79: {  	[smem:$0x793] =	sst s29  }
0x7a: {  	s29 =	sld [smem:$0x0];
	_ =	sdelay $0x2  }
0x7b: {  	[smem:$0x794] =	sst s29  }
0x7c: {  	s29 =	sld [smem:$0x4F];
	_ =	sdelay $0x2  }
0x7d: {  	[smem:$0x795] =	sst s29  }
0x7e: {  	s29 =	sld [smem:$0x62];
	_ =	sdelay $0x2  }
0x7f: {  	[smem:$0x796] =	sst s29  }
0x80: {  	s29 =	sld [smem:$0x6B];
	_ =	sdelay $0x2  }
0x81: {  	[smem:$0x797] =	sst s29  }
0x82: {  	s29 =	sld [smem:$0x7E];
	_ =	sdelay $0x2  }
0x83: {  	[smem:$0x798] =	sst s29  }
0x84: {  	s29 =	sld [smem:$0x6];
	_ =	sdelay $0x2  }
0x85: {  	[smem:$0x799] =	sst s29  }
0x86: {  	s29 =	sld [smem:$0x54];
	_ =	sdelay $0x2  }
0x87: {  	[smem:$0x79A] =	sst s29  }
0x88: {  	s29 =	sld [smem:$0x67];
	_ =	sdelay $0x2  }
0x89: {  	[smem:$0x79B] =	sst s29  }
0x8a: {  	s29 =	sld [smem:$0x70];
	_ =	sdelay $0x2  }
0x8b: {  	[smem:$0x79C] =	sst s29  }
0x8c: {  	s29 =	sld [smem:$0x1];
	_ =	sdelay $0x2  }
0x8d: {  	[smem:$0x79D] =	sst s29  }
0x8e: {  	s29 =	sld [smem:$0xB];
	_ =	sdelay $0x2  }
0x8f: {  	[smem:$0x79E] =	sst s29  }
0x90: {  	s29 =	sld [smem:$0x59];
	_ =	sdelay $0x2  }
0x91: {  	[smem:$0x79F] =	sst s29  }
0x92: {  	s29 =	sld [smem:$0x6C];
	_ =	sdelay $0x2  }
0x93: {  	[smem:$0x7A0] =	sst s29  }
0x94: {  	s29 =	sld [smem:$0x75];
	_ =	sdelay $0x2  }
0x95: {  	[smem:$0x7A1] =	sst s29  }
0x96: {  	s29 =	sld [smem:$0x7];
	_ =	sdelay $0x2  }
0x97: {  	[smem:$0x7A2] =	sst s29  }
0x98: {  	s29 =	sld [smem:$0x10];
	_ =	sdelay $0x2  }
0x99: {  	[smem:$0x7A3] =	sst s29  }
0x9a: {  	s29 =	sld [smem:$0x5E];
	_ =	sdelay $0x2  }
0x9b: {  	[smem:$0x7A4] =	sst s29  }
0x9c: {  	s29 =	sld [smem:$0x71];
	_ =	sdelay $0x2  }
0x9d: {  	[smem:$0x7A5] =	sst s29  }
0x9e: {  	s29 =	sld [smem:$0x7A];
	_ =	sdelay $0x2  }
0x9f: {  	[smem:$0x7A6] =	sst s29  }
0xa0: {  	s29 =	sld [smem:$0xC];
	_ =	sdelay $0x2  }
0xa1: {  	[smem:$0x7A7] =	sst s29  }
0xa2: {  	s29 =	sld [smem:$0x15];
	_ =	sdelay $0x2  }
0xa3: {  	[smem:$0x7A8] =	sst s29  }
0xa4: {  	s29 =	sld [smem:$0x63];
	_ =	sdelay $0x2  }
0xa5: {  	[smem:$0x7A9] =	sst s29  }
0xa6: {  	s29 =	sld [smem:$0x76];
	_ =	sdelay $0x2  }
0xa7: {  	[smem:$0x7AA] =	sst s29  }
0xa8: {  	s29 =	sld [smem:$0x7F];
	_ =	sdelay $0x2  }
0xa9: {  	[smem:$0x7AB] =	sst s29  }
0xaa: {  	s29 =	sld [smem:$0x11];
	_ =	sdelay $0x2  }
0xab: {  	[smem:$0x7AC] =	sst s29  }
0xac: {  	s29 =	sld [smem:$0x1B];
	_ =	sdelay $0x2  }
0xad: {  	[smem:$0x7AD] =	sst s29  }
0xae: {  	s29 =	sld [smem:$0x68];
	_ =	sdelay $0x2  }
0xaf: {  	[smem:$0x7AE] =	sst s29  }
0xb0: {  	s29 =	sld [smem:$0x7B];
	_ =	sdelay $0x2  }
0xb1: {  	[smem:$0x7AF] =	sst s29  }
0xb2: {  	s29 =	sld [smem:$0x2];
	_ =	sdelay $0x2  }
0xb3: {  	[smem:$0x7B0] =	sst s29  }
0xb4: {  	s29 =	sld [smem:$0x16];
	_ =	sdelay $0x2  }
0xb5: {  	[smem:$0x7B1] =	sst s29  }
0xb6: {  	s29 =	sld [smem:$0x20];
	_ =	sdelay $0x2  }
0xb7: {  	[smem:$0x7B2] =	sst s29  }
0xb8: {  	s29 =	sld [smem:$0x6D];
	_ =	sdelay $0x2  }
0xb9: {  	[smem:$0x7B3] =	sst s29  }
0xba: {  	s29 =	sld [smem:$0x80];
	_ =	sdelay $0x2  }
0xbb: {  	[smem:$0x7B4] =	sst s29  }
0xbc: {  	s29 =	sld [smem:$0x8];
	_ =	sdelay $0x2  }
0xbd: {  	[smem:$0x7B5] =	sst s29  }
0xbe: {  	s29 =	sld [smem:$0x1C];
	_ =	sdelay $0x2  }
0xbf: {  	[smem:$0x7B6] =	sst s29  }
0xc0: {  	s29 =	sld [smem:$0x26];
	_ =	sdelay $0x2  }
0xc1: {  	[smem:$0x7B7] =	sst s29  }
0xc2: {  	s29 =	sld [smem:$0x72];
	_ =	sdelay $0x2  }
0xc3: {  	[smem:$0x7B8] =	sst s29  }
0xc4: {  	s29 =	sld [smem:$0x3];
	_ =	sdelay $0x2  }
0xc5: {  	[smem:$0x7B9] =	sst s29  }
0xc6: {  	s29 =	sld [smem:$0xD];
	_ =	sdelay $0x2  }
0xc7: {  	[smem:$0x7BA] =	sst s29  }
0xc8: {  	s29 =	sld [smem:$0x21];
	_ =	sdelay $0x2  }
0xc9: {  	[smem:$0x7BB] =	sst s29  }
0xca: {  	s29 =	sld [smem:$0x2B];
	_ =	sdelay $0x2  }
0xcb: {  	[smem:$0x7BC] =	sst s29  }
0xcc: {  	s29 =	sld [smem:$0x77];
	_ =	sdelay $0x2  }
0xcd: {  	[smem:$0x7BD] =	sst s29  }
0xce: {  	s29 =	sld [smem:$0x9];
	_ =	sdelay $0x2  }
0xcf: {  	[smem:$0x7BE] =	sst s29  }
0xd0: {  	s29 =	sld [smem:$0x12];
	_ =	sdelay $0x2  }
0xd1: {  	[smem:$0x7BF] =	sst s29  }
0xd2: {  	s29 =	sld [smem:$0x27];
	_ =	sdelay $0x2  }
0xd3: {  	[smem:$0x7C0] =	sst s29  }
0xd4: {  	s29 =	sld [smem:$0x30];
	_ =	sdelay $0x2  }
0xd5: {  	[smem:$0x7C1] =	sst s29  }
0xd6: {  	s29 =	sld [smem:$0x7C];
	_ =	sdelay $0x2  }
0xd7: {  	[smem:$0x7C2] =	sst s29  }
0xd8: {  	s29 =	sld [smem:$0xE];
	_ =	sdelay $0x2  }
0xd9: {  	[smem:$0x7C3] =	sst s29  }
0xda: {  	s29 =	sld [smem:$0x17];
	_ =	sdelay $0x2  }
0xdb: {  	[smem:$0x7C4] =	sst s29  }
0xdc: {  	s29 =	sld [smem:$0x2C];
	_ =	sdelay $0x2  }
0xdd: {  	[smem:$0x7C5] =	sst s29  }
0xde: {  	s29 =	sld [smem:$0x35];
	_ =	sdelay $0x2  }
0xdf: {  	[smem:$0x7C6] =	sst s29  }
0xe0: {  	s29 =	sld [smem:$0x81];
	_ =	sdelay $0x2  }
0xe1: {  	[smem:$0x7C7] =	sst s29  }
0xe2: {  	s29 =	sld [smem:$0x13];
	_ =	sdelay $0x2  }
0xe3: {  	[smem:$0x7C8] =	sst s29  }
0xe4: {  	s29 =	sld [smem:$0x1D];
	_ =	sdelay $0x2  }
0xe5: {  	[smem:$0x7C9] =	sst s29  }
0xe6: {  	s29 =	sld [smem:$0x31];
	_ =	sdelay $0x2  }
0xe7: {  	[smem:$0x7CA] =	sst s29  }
0xe8: {  	s29 =	sld [smem:$0x3B];
	_ =	sdelay $0x2  }
0xe9: {  	[smem:$0x7CB] =	sst s29  }
0xea: {  	s29 =	sld [smem:$0x4];
	_ =	sdelay $0x2  }
0xeb: {  	[smem:$0x7CC] =	sst s29  }
0xec: {  	s29 =	sld [smem:$0x18];
	_ =	sdelay $0x2  }
0xed: {  	[smem:$0x7CD] =	sst s29  }
0xee: {  	s29 =	sld [smem:$0x22];
	_ =	sdelay $0x2  }
0xef: {  	[smem:$0x7CE] =	sst s29  }
0xf0: {  	s29 =	sld [smem:$0x36];
	_ =	sdelay $0x2  }
0xf1: {  	[smem:$0x7CF] =	sst s29  }
0xf2: {  	s29 =	sld [smem:$0x40];
	_ =	sdelay $0x2  }
0xf3: {  	[smem:$0x7D0] =	sst s29  }
0xf4: {  	s29 =	sld [smem:$0x105];
	_ =	sdelay $0x2  }
0xf5: {  	[smem:$0x7D1] =	sst s29  }
0xf6: {  	s29 =	sld [smem:$0x119];
	_ =	sdelay $0x2  }
0xf7: {  	[smem:$0x7D2] =	sst s29  }
0xf8: {  	s29 =	sld [smem:$0x123];
	_ =	sdelay $0x2  }
0xf9: {  	[smem:$0x7D3] =	sst s29  }
0xfa: {  	s29 =	sld [smem:$0x137];
	_ =	sdelay $0x2  }
0xfb: {  	[smem:$0x7D4] =	sst s29  }
0xfc: {  	s29 =	sld [smem:$0x141];
	_ =	sdelay $0x2  }
0xfd: {  	[smem:$0x7D5] =	sst s29  }
0xfe: {  	s29 =	sld [smem:$0x10A];
	_ =	sdelay $0x2  }
0xff: {  	[smem:$0x7D6] =	sst s29  }
0x100: {  	s29 =	sld [smem:$0x11E];
	_ =	sdelay $0x2  }
0x101: {  	[smem:$0x7D7] =	sst s29  }
0x102: {  	s29 =	sld [smem:$0x128];
	_ =	sdelay $0x2  }
0x103: {  	[smem:$0x7D8] =	sst s29  }
0x104: {  	s29 =	sld [smem:$0x13C];
	_ =	sdelay $0x2  }
0x105: {  	[smem:$0x7D9] =	sst s29  }
0x106: {  	s29 =	sld [smem:$0x146];
	_ =	sdelay $0x2  }
0x107: {  	[smem:$0x7DA] =	sst s29  }
0x108: {  	s29 =	sld [smem:$0x10F];
	_ =	sdelay $0x2  }
0x109: {  	[smem:$0x7DB] =	sst s29  }
0x10a: {  	s29 =	sld [smem:$0x124];
	_ =	sdelay $0x2  }
0x10b: {  	[smem:$0x7DC] =	sst s29  }
0x10c: {  	s29 =	sld [smem:$0x12D];
	_ =	sdelay $0x2  }
0x10d: {  	[smem:$0x7DD] =	sst s29  }
0x10e: {  	s29 =	sld [smem:$0x142];
	_ =	sdelay $0x2  }
0x10f: {  	[smem:$0x7DE] =	sst s29  }
0x110: {  	s29 =	sld [smem:$0x14B];
	_ =	sdelay $0x2  }
0x111: {  	[dreg:$0x1f] =	wrdreg s29  }
0x112: {  	s29 =	sld [smem:$0x114];
	_ =	sdelay $0x2  }
0x113: {  	[smem:$0x7DF] =	sst s29  }
0x114: {  	s29 =	sld [smem:$0x129];
	_ =	sdelay $0x2  }
0x115: {  	[smem:$0x7E0] =	sst s29  }
0x116: {  	s29 =	sld [smem:$0x132];
	_ =	sdelay $0x1  }
0x117: {  	s0 =	sld [smem:$0x5]  }
0x118: {  	[dreg:$0x1c] =	wrdreg s29  }
0x119: {  	s29 =	sld [smem:$0x147]  }
0x11a: {  	s1 =	sld [smem:$0x19]  }
0x11b: {  	s2 =	sld [smem:$0x23]  }
0x11c: {  	[dreg:$0x1d] =	wrdreg s29  }
0x11d: {  	s29 =	sld [smem:$0x150]  }
0x11e: {  	s3 =	sld [smem:$0x37]  }
0x11f: {  	s4 =	sld [smem:$0x41]  }
0x120: {  	[dreg:$0x1e] =	wrdreg s29  }
0x121: {  	s29 =	sld [smem:$0x11A]  }
0x122: {  	s5 =	sld [smem:$0xA]  }
0x123: {  	s6 =	sld [smem:$0x1E]  }
0x124: {  	[dreg:$0x19] =	wrdreg s29  }
0x125: {  	s29 =	sld [smem:$0x12E]  }
0x126: {  	s7 =	sld [smem:$0x28]  }
0x127: {  	s8 =	sld [smem:$0x3C]  }
0x128: {  	[dreg:$0x1a] =	wrdreg s29  }
0x129: {  	s29 =	sld [smem:$0x138]  }
0x12a: {  	s9 =	sld [smem:$0x46]  }
0x12b: {  	s10 =	sld [smem:$0xF]  }
0x12c: {  	[dreg:$0x1b] =	wrdreg s29  }
0x12d: {  	s29 =	sld [smem:$0x14C]  }
0x12e: {  	s11 =	sld [smem:$0x24]  }
0x12f: {  	s12 =	sld [smem:$0x2D]  }
0x130: {  	[dreg:$0x16] =	wrdreg s29  }
0x131: {  	s29 =	sld [smem:$0x155]  }
0x132: {  	s13 =	sld [smem:$0x42]  }
0x133: {  	s14 =	sld [smem:$0x4B]  }
0x134: {  	[dreg:$0x17] =	wrdreg s29  }
0x135: {  	s29 =	sld [smem:$0x11F]  }
0x136: {  	s15 =	sld [smem:$0x14]  }
0x137: {  	s16 =	sld [smem:$0x29]  }
0x138: {  	[dreg:$0x18] =	wrdreg s29  }
0x139: {  	s29 =	sld [smem:$0x133]  }
0x13a: {  	s17 =	sld [smem:$0x32]  }
0x13b: {  	s18 =	sld [smem:$0x47]  }
0x13c: {  	[dreg:$0x13] =	wrdreg s29  }
0x13d: {  	s29 =	sld [smem:$0x13D]  }
0x13e: {  	s19 =	sld [smem:$0x50]  }
0x13f: {  	s20 =	sld [smem:$0x1A]  }
0x140: {  	[dreg:$0x14] =	wrdreg s29  }
0x141: {  	s29 =	sld [smem:$0x151]  }
0x142: {  	s22 =	sld [smem:$0x2E]  }
0x143: {  	s23 =	sld [smem:$0x38]  }
0x144: {  	[dreg:$0x15] =	wrdreg s29  }
0x145: {  	s29 =	sld [smem:$0x15A]  }
0x146: {  	s24 =	sld [smem:$0x4C]  }
0x147: {  	s25 =	sld [smem:$0x55]  }
0x148: {  	[dreg:$0x10] =	wrdreg s29  }
0x149: {  	s29 =	sld [smem:$0x125]  }
0x14a: {  	s26 =	sld [smem:$0x1F]  }
0x14b: {  	s28 =	sld [smem:$0x33]  }
0x14c: {  	[dreg:$0x11] =	wrdreg s29  }
0x14d: {  	s29 =	sld [smem:$0x139]  }
0x14e: {  	s30 =	sld [smem:$0x51]  }
0x14f: {  	s31 =	sld [smem:$0x5A]  }
0x150: {  	[dreg:$0x12] =	wrdreg s29  }
0x151: {  	s29 =	sld [smem:$0x143]  }
0x152: {  	v17 =	vmov s1;
	s1 =	sld [smem:$0x156]  }
0x153: {  	v18 =	vmov s2;
	s2 =	sld [smem:$0x15F]  }
0x154: {  	v19 =	vmov s3;
	s3 =	sld [smem:$0x12A]  }
0x155: {  	v20 =	vmov s4;
	s4 =	sld [smem:$0x13E]  }
0x156: {  	v21 =	vmov s5;
	s5 =	sld [smem:$0x148]  }
0x157: {  	v22 =	vmov s6;
	s6 =	sld [smem:$0x15B]  }
0x158: {  	v23 =	vmov s7;
	s7 =	sld [smem:$0x164]  }
0x159: {  	v24 =	vmov s8;
	s8 =	sld [smem:$0x12F]  }
0x15a: {  	v33 =	vmov s17;
	s17 =	sld [smem:$0x144]  }
0x15b: {  	v34 =	vmov s18;
	s18 =	sld [smem:$0x76C]  }
0x15c: {  	v35 =	vmov s19;
	s19 =	sld [smem:$0x14D]  }
0x15d: {  	v36 =	vmov s20;
	s20 =	sld [smem:$0x76D]  }
0x15e: {  	v37 =	vmov s22;
	s22 =	sld [smem:$0x76E]  }
0x15f: {  	v38 =	vmov s23;
	s23 =	sld [smem:$0x76F]  }
0x160: {  	v39 =	vmov s24;
	s24 =	sld [smem:$0x160]  }
0x161: {  	v40 =	vmov s25;
	s25 =	sld [smem:$0x770]  }
0x162: {  	v41 =	vmov s26;
	s26 =	sld [smem:$0x771]  }
0x163: {  	v42 =	vmov s28;
	s28 =	sld [smem:$0x772]  }
0x164: {  	v44 =	vmov s30;
	s30 =	sld [smem:$0x773]  }
0x165: {  	v45 =	vmov s31;
	s31 =	sld [smem:$0x774]  }
0x166: {  	v25 =	vmov s9;
	s9 =	sld [smem:$0x775]  }
0x167: {  	v26 =	vmov s10;
	s10 =	sld [smem:$0x134]  }
0x168: {  	v27 =	vmov s11;
	s11 =	sld [smem:$0x776]  }
0x169: {  	v28 =	vmov s12;
	s12 =	sld [smem:$0x777]  }
0x16a: {  	v29 =	vmov s13;
	s13 =	sld [smem:$0x778]  }
0x16b: {  	v30 =	vmov s14;
	s14 =	sld [smem:$0x149]  }
0x16c: {  	v31 =	vmov s15;
	s15 =	sld [smem:$0x779]  }
0x16d: {  	v32 =	vmov s16;
	s16 =	sld [smem:$0x77A]  }
0x16e: {  	v0 =	vmov s0;
	s0 =	sld [smem:$0x116]  }
0x16f: {  	[dreg:$0xf] =	wrdreg s29  }
0x170: {  	[smem:$0x7E1] =	sst s17  }
0x171: {  	[smem:$0x7E2] =	sst s19  }
0x172: {  	[smem:$0x7E3] =	sst s24  }
0x173: {  	s29 =	sld [smem:$0x169]  }
0x174: {  	[smem:$0x7E5] =	sst s10  }
0x175: {  	[smem:$0x7E6] =	sst s14  }
0x176: {  	s17 =	sld [smem:$0x77B]  }
0x177: {  	v43 =	vmov s18;
	s18 =	sld [smem:$0x152]  }
0x178: {  	s19 =	sld [smem:$0x77C]  }
0x179: {  	v46 =	vmov s20;
	s20 =	sld [smem:$0x77D]  }
0x17a: {  	v47 =	vmov s22;
	s22 =	sld [smem:$0x77E]  }
0x17b: {  	v48 =	vmov s23;
	s23 =	sld [smem:$0x165]  }
0x17c: {  	s24 =	sld [smem:$0x77F]  }
0x17d: {  	v49 =	vmov s25;
	s25 =	sld [smem:$0x780]  }
0x17e: {  	v50 =	vmov s26;
	s26 =	sld [smem:$0x781]  }
0x17f: {  	[tilespmem:$0x1F1C0] =	vst v0;
	v51 =	vmov s28;
	s28 =	sld [smem:$0x16E]  }
0x180: {  	[tilespmem:$0x1F1D0] =	vst v17;
	v52 =	vmov s30;
	s30 =	sld [smem:$0x783]  }
0x181: {  	[tilespmem:$0x1F1E0] =	vst v18;
	v53 =	vmov s31;
	s31 =	sld [smem:$0x784]  }
0x182: {  	[tilespmem:$0x1F1F0] =	vst v19;
	v54 =	vmov s9;
	s9 =	sld [smem:$0x13A]  }
0x183: {  	[tilespmem:$0x1F200] =	vst v20;
	s10 =	sld [smem:$0x785]  }
0x184: {  	[tilespmem:$0x1F210] =	vst v21;
	v55 =	vmov s11;
	s11 =	sld [smem:$0x786]  }
0x185: {  	[tilespmem:$0x1F220] =	vst v22;
	v56 =	vmov s12;
	s12 =	sld [smem:$0x787]  }
0x186: {  	[tilespmem:$0x1F230] =	vst v23;
	v57 =	vmov s13;
	s13 =	sld [smem:$0x14E]  }
0x187: {  	[tilespmem:$0x1F240] =	vst v24;
	s14 =	sld [smem:$0x788]  }
0x188: {  	[tilespmem:$0x1F250] =	vst v25;
	v58 =	vmov s15;
	s15 =	sld [smem:$0x789]  }
0x189: {  	[tilespmem:$0x1F260] =	vst v26;
	v59 =	vmov s16;
	s16 =	sld [smem:$0x78A]  }
0x18a: {  	[tilespmem:$0x1F270] =	vst v27;
	[smem:$0x7E4] =	sst s29  }
0x18b: {  	[tilespmem:$0x1F280] =	vst v28;
	[smem:$0x7E7] =	sst s18  }
0x18c: {  	[tilespmem:$0x1F290] =	vst v29;
	[smem:$0x7E8] =	sst s23  }
0x18d: {  	[tilespmem:$0x1F2A0] =	vst v30;
	[smem:$0x7E9] =	sst s28  }
0x18e: {  	[tilespmem:$0x1F2B0] =	vst v31;
	s29 =	sld [smem:$0x782]  }
0x18f: {  	[tilespmem:$0x1F2C0] =	vst v32;
	[smem:$0x7EA] =	sst s9  }
0x190: {  	[tilespmem:$0x1F2D0] =	vst v33;
	[smem:$0x7EB] =	sst s13  }
0x191: {  	[tilespmem:$0x1F2E0] =	vst v34;
	v60 =	vmov s17;
	s17 =	sld [smem:$0x157]  }
0x192: {  	[tilespmem:$0x1F2F0] =	vst v35;
	s18 =	sld [smem:$0x78B]  }
0x193: {  	[tilespmem:$0x1F300] =	vst v36;
	v61 =	vmov s19;
	s19 =	sld [smem:$0x78C]  }
0x194: {  	[tilespmem:$0x1F310] =	vst v37;
	v62 =	vmov s20;
	s20 =	sld [smem:$0x78D]  }
0x195: {  	[tilespmem:$0x1F320] =	vst v38;
	v63 =	vmov s22;
	s22 =	sld [smem:$0x16A]  }
0x196: {  	[tilespmem:$0x1F330] =	vst v39;
	s23 =	sld [smem:$0x78E]  }
0x197: {  	[tilespmem:$0x1F340] =	vst v40;
	v4 =	vmov s24;
	s24 =	sld [smem:$0x78F]  }
0x198: {  	[tilespmem:$0x1F350] =	vst v41;
	v5 =	vmov s25;
	s25 =	sld [smem:$0x790]  }
0x199: {  	[tilespmem:$0x1F360] =	vst v42;
	v6 =	vmov s26;
	s26 =	sld [smem:$0x173]  }
0x19a: {  	[tilespmem:$0x1F380] =	vst v44;
	s28 =	sld [smem:$0x791]  }
0x19b: {  	[tilespmem:$0x1F390] =	vst v45;
	v8 =	vmov s30;
	s30 =	sld [smem:$0x793]  }
0x19c: {  	[tilespmem:$0x1F370] =	vst v43;
	v9 =	vmov s31;
	s31 =	sld [smem:$0x13F]  }
0x19d: {  	[tilespmem:$0x1F3A0] =	vst v46;
	s9 =	sld [smem:$0x794]  }
0x19e: {  	[tilespmem:$0x1F3B0] =	vst v47;
	v10 =	vmov s10;
	s10 =	sld [smem:$0x795]  }
0x19f: {  	[tilespmem:$0x1F3C0] =	vst v48;
	v11 =	vmov s11;
	s11 =	sld [smem:$0x796]  }
0x1a0: {  	[tilespmem:$0x1F3D0] =	vst v49;
	v12 =	vmov s12;
	s12 =	sld [smem:$0x153]  }
0x1a1: {  	[tilespmem:$0x1F3E0] =	vst v50;
	s13 =	sld [smem:$0x797]  }
0x1a2: {  	[tilespmem:$0x1F3F0] =	vst v51;
	v13 =	vmov s14;
	s14 =	sld [smem:$0x798]  }
0x1a3: {  	[tilespmem:$0x1F400] =	vst v52;
	v14 =	vmov s15;
	s15 =	sld [smem:$0x799]  }
0x1a4: {  	[tilespmem:$0x1F410] =	vst v53;
	v15 =	vmov s16;
	s16 =	sld [smem:$0x15C]  }
0x1a5: {  	[tilespmem:$0x1F420] =	vst v54;
	[smem:$0x7EC] =	sst s17  }
0x1a6: {  	[tilespmem:$0x1F430] =	vst v55;
	[smem:$0x7ED] =	sst s22  }
0x1a7: {  	[tilespmem:$0x1F440] =	vst v56;
	[smem:$0x7EE] =	sst s26  }
0x1a8: {  	[tilespmem:$0x1F450] =	vst v57;
	v7 =	vmov s29;
	s29 =	sld [smem:$0x792]  }
0x1a9: {  	[tilespmem:$0x1F460] =	vst v58;
	[smem:$0x7EF] =	sst s31  }
0x1aa: {  	[tilespmem:$0x1F470] =	vst v59;
	[smem:$0x7F0] =	sst s12  }
0x1ab: {  	[tilespmem:$0x1F480] =	vst v60;
	[smem:$0x7F1] =	sst s16  }
0x1ac: {  	[tilespmem:$0x1F490] =	vst v61;
	s17 =	sld [smem:$0x79A]  }
0x1ad: {  	[tilespmem:$0x1F4A0] =	vst v62;
	v16 =	vmov s18;
	s18 =	sld [smem:$0x79B]  }
0x1ae: {  	[tilespmem:$0x1F4B0] =	vst v63;
	v17 =	vmov s19;
	s19 =	sld [smem:$0x79C]  }
0x1af: {  	[tilespmem:$0x1F4C0] =	vst v4;
	v18 =	vmov s20;
	s20 =	sld [smem:$0x16F]  }
0x1b0: {  	[tilespmem:$0x1F4D0] =	vst v5;
	s22 =	sld [smem:$0x79D]  }
0x1b1: {  	[tilespmem:$0x1F4E0] =	vst v6;
	v19 =	vmov s23;
	s23 =	sld [smem:$0x79E]  }
0x1b2: {  	[tilespmem:$0x1F500] =	vst v8;
	v20 =	vmov s24;
	s24 =	sld [smem:$0x79F]  }
0x1b3: {  	[tilespmem:$0x1F510] =	vst v9;
	v21 =	vmov s25;
	s25 =	sld [smem:$0x178]  }
0x1b4: {  	[tilespmem:$0x1F520] =	vst v10;
	s26 =	sld [smem:$0x7A0]  }
0x1b5: {  	[tilespmem:$0x1F530] =	vst v11;
	v22 =	vmov s28;
	s28 =	sld [smem:$0x7A1]  }
0x1b6: {  	[tilespmem:$0x1F540] =	vst v12;
	v24 =	vmov s30;
	s30 =	sld [smem:$0x145]  }
0x1b7: {  	[tilespmem:$0x1F550] =	vst v13;
	s31 =	sld [smem:$0x7A3]  }
0x1b8: {  	[tilespmem:$0x1F560] =	vst v14;
	v25 =	vmov s9;
	s9 =	sld [smem:$0x7A4]  }
0x1b9: {  	[tilespmem:$0x1F570] =	vst v15;
	v26 =	vmov s10;
	s10 =	sld [smem:$0x7A5]  }
0x1ba: {  	v27 =	vmov s11;
	s11 =	sld [smem:$0x158];
	[tilespmem:$0x1F4F0] =	vst v7  }
0x1bb: {  	s12 =	sld [smem:$0x7A6];
	[tilespmem:$0x1F580] =	vst v16  }
0x1bc: {  	v28 =	vmov s13;
	s13 =	sld [smem:$0x7A7];
	[tilespmem:$0x1F590] =	vst v17  }
0x1bd: {  	v29 =	vmov s14;
	s14 =	sld [smem:$0x7A8];
	[tilespmem:$0x1F5A0] =	vst v18  }
0x1be: {  	v30 =	vmov s15;
	s15 =	sld [smem:$0x161];
	[tilespmem:$0x1F5B0] =	vst v19  }
0x1bf: {  	s16 =	sld [smem:$0x7A9];
	[tilespmem:$0x1F5C0] =	vst v20  }
0x1c0: {  	[tilespmem:$0x1F5D0] =	vst v21;
	[smem:$0x7F2] =	sst s20  }
0x1c1: {  	[tilespmem:$0x1F5E0] =	vst v22;
	[smem:$0x7F3] =	sst s25  }
0x1c2: {  	[tilespmem:$0x1F600] =	vst v24;
	v23 =	vmov s29;
	s29 =	sld [smem:$0x7A2]  }
0x1c3: {  	[tilespmem:$0x1F610] =	vst v25;
	[smem:$0x7F4] =	sst s30  }
0x1c4: {  	[tilespmem:$0x1F620] =	vst v26;
	[smem:$0x7F5] =	sst s11  }
0x1c5: {  	[tilespmem:$0x1F630] =	vst v27;
	[smem:$0x7F6] =	sst s15  }
0x1c6: {  	[tilespmem:$0x1F640] =	vst v28;
	v31 =	vmov s17;
	s17 =	sld [smem:$0x7AA]  }
0x1c7: {  	[tilespmem:$0x1F650] =	vst v29;
	v32 =	vmov s18;
	s18 =	sld [smem:$0x7AB]  }
0x1c8: {  	[tilespmem:$0x1F660] =	vst v30;
	v33 =	vmov s19;
	s19 =	sld [smem:$0x174]  }
0x1c9: {  	s20 =	sld [smem:$0x7AC];
	[tilespmem:$0x1F5F0] =	vst v23  }
0x1ca: {  	v34 =	vmov s22;
	s22 =	sld [smem:$0x7AD];
	[tilespmem:$0x1F670] =	vst v31  }
0x1cb: {  	v35 =	vmov s23;
	s23 =	sld [smem:$0x7AE];
	[tilespmem:$0x1F680] =	vst v32  }
0x1cc: {  	v36 =	vmov s24;
	s24 =	sld [smem:$0x17D];
	[tilespmem:$0x1F690] =	vst v33  }
0x1cd: {  	s25 =	sld [smem:$0x7AF];
	[tilespmem:$0x1F6A0] =	vst v34  }
0x1ce: {  	v37 =	vmov s26;
	s26 =	sld [smem:$0x7B0];
	[tilespmem:$0x1F6B0] =	vst v35  }
0x1cf: {  	v38 =	vmov s28;
	s28 =	sld [smem:$0x7B1];
	[tilespmem:$0x1F6C0] =	vst v36  }
0x1d0: {  	s30 =	sld [smem:$0x7B2];
	[tilespmem:$0x1F6D0] =	vst v37  }
0x1d1: {  	v40 =	vmov s31;
	s31 =	sld [smem:$0x7B3];
	[tilespmem:$0x1F6E0] =	vst v38  }
0x1d2: {  	v41 =	vmov s9;
	s9 =	sld [smem:$0x7B4];
	[tilespmem:$0x1F700] =	vst v40  }
0x1d3: {  	v42 =	vmov s10;
	s10 =	sld [smem:$0x15D];
	[tilespmem:$0x1F710] =	vst v41  }
0x1d4: {  	v43 =	vmov s12;
	s11 =	sld [smem:$0x7B5];
	[tilespmem:$0x1F720] =	vst v42  }
0x1d5: {  	v44 =	vmov s13;
	s12 =	sld [smem:$0x7B6];
	[tilespmem:$0x1F730] =	vst v43  }
0x1d6: {  	v45 =	vmov s14;
	s13 =	sld [smem:$0x7B7];
	[tilespmem:$0x1F740] =	vst v44  }
0x1d7: {  	v46 =	vmov s16;
	s14 =	sld [smem:$0x166];
	[tilespmem:$0x1F750] =	vst v45  }
0x1d8: {  	s15 =	sld [smem:$0x7B8];
	[tilespmem:$0x1F760] =	vst v46;
	v39 =	vmov s29  }
0x1d9: {  	s16 =	sld [smem:$0x7B9];
	v47 =	vmov s17;
	[tilespmem:$0x1F6F0] =	vst v39  }
0x1da: {  	v48 =	vmov s18;
	[smem:$0x7F7] =	sst s19;
	[tilespmem:$0x1F770] =	vst v47  }
0x1db: {  	v49 =	vmov s20;
	[smem:$0x7F8] =	sst s24;
	[tilespmem:$0x1F780] =	vst v48  }
0x1dc: {  	v50 =	vmov s22;
	s29 =	sld [smem:$0x14A];
	[tilespmem:$0x1F790] =	vst v49  }
0x1dd: {  	v51 =	vmov s23;
	[smem:$0x7FA] =	sst s10;
	[tilespmem:$0x1F7A0] =	vst v50  }
0x1de: {  	v52 =	vmov s25;
	[smem:$0x7FB] =	sst s14;
	[tilespmem:$0x1F7B0] =	vst v51  }
0x1df: {  	v53 =	vmov s26;
	s17 =	sld [smem:$0x7BA];
	[tilespmem:$0x1F7C0] =	vst v52  }
0x1e0: {  	v54 =	vmov s28;
	s18 =	sld [smem:$0x179];
	[tilespmem:$0x1F7D0] =	vst v53  }
0x1e1: {  	v55 =	vmov s30;
	s19 =	sld [smem:$0x7BB];
	[tilespmem:$0x1F7E0] =	vst v54  }
0x1e2: {  	v56 =	vmov s31;
	s20 =	sld [smem:$0x7BC];
	[tilespmem:$0x1F7F0] =	vst v55  }
0x1e3: {  	v57 =	vmov s9;
	s22 =	sld [smem:$0x7BD];
	[tilespmem:$0x1F800] =	vst v56  }
0x1e4: {  	v58 =	vmov s11;
	s23 =	sld [smem:$0x100];
	[tilespmem:$0x1F810] =	vst v57  }
0x1e5: {  	v59 =	vmov s12;
	s24 =	sld [smem:$0x7BE];
	[tilespmem:$0x1F820] =	vst v58  }
0x1e6: {  	v60 =	vmov s13;
	s25 =	sld [smem:$0x7BF];
	[tilespmem:$0x1F830] =	vst v59  }
0x1e7: {  	v61 =	vmov s15;
	s26 =	sld [smem:$0x7C0];
	[tilespmem:$0x1F840] =	vst v60  }
0x1e8: {  	v62 =	vmov s16;
	s28 =	sld [smem:$0x7C1];
	[tilespmem:$0x1F850] =	vst v61  }
0x1e9: {  	s30 =	sld [smem:$0x7C3];
	[tilespmem:$0x1F860] =	vst v62;
	v59 =	vmov s1  }
0x1ea: {  	s31 =	sld [smem:$0x7C4];
	v60 =	vmov s2;
	[tilespmem:$0x1FBF0] =	vst v59  }
0x1eb: {  	s9 =	sld [smem:$0x7C5];
	v61 =	vmov s3;
	[tilespmem:$0x1FC00] =	vst v60  }
0x1ec: {  	s10 =	sld [smem:$0x7C6];
	v62 =	vmov s4;
	[tilespmem:$0x1FC10] =	vst v61  }
0x1ed: {  	s11 =	sld [smem:$0x7C7];
	[tilespmem:$0x1FC20] =	vst v62;
	v63 =	vmov s17  }
0x1ee: {  	s12 =	sld [smem:$0x7C8];
	v4 =	vmov s19;
	[tilespmem:$0x1F870] =	vst v63  }
0x1ef: {  	s13 =	sld [smem:$0x7C9];
	v5 =	vmov s20;
	[tilespmem:$0x1F880] =	vst v4  }
0x1f0: {  	s14 =	sld [smem:$0x7CA];
	v6 =	vmov s22;
	[tilespmem:$0x1F890] =	vst v5  }
0x1f1: {  	s15 =	sld [smem:$0x7CB];
	v7 =	vmov s24;
	[tilespmem:$0x1F8A0] =	vst v6  }
0x1f2: {  	s16 =	sld [smem:$0x7CC];
	v8 =	vmov s25;
	[tilespmem:$0x1F8B0] =	vst v7  }
0x1f3: {  	s1 =	sld [smem:$0x7E3];
	v9 =	vmov s26;
	[tilespmem:$0x1F8C0] =	vst v8  }
0x1f4: {  	s2 =	sld [smem:$0x7E4];
	v10 =	vmov s28;
	[tilespmem:$0x1F8D0] =	vst v9  }
0x1f5: {  	s3 =	sld [smem:$0x7E5];
	v12 =	vmov s30;
	[tilespmem:$0x1F8E0] =	vst v10  }
0x1f6: {  	s4 =	sld [smem:$0x7E6];
	v13 =	vmov s31;
	[tilespmem:$0x1F900] =	vst v12  }
0x1f7: {  	[smem:$0x7F9] =	sst s29;
	v14 =	vmov s9;
	[tilespmem:$0x1F910] =	vst v13  }
0x1f8: {  	[smem:$0x7FC] =	sst s18;
	v15 =	vmov s10;
	[tilespmem:$0x1F920] =	vst v14  }
0x1f9: {  	[smem:$0x7FD] =	sst s23;
	v16 =	vmov s11;
	[tilespmem:$0x1F930] =	vst v15  }
0x1fa: {  	s26 =	sld [smem:$0x14F];
	v17 =	vmov s12;
	[tilespmem:$0x1F940] =	vst v16  }
0x1fb: {  	s29 =	sld [smem:$0x7C2];
	v18 =	vmov s13;
	[tilespmem:$0x1F950] =	vst v17  }
0x1fc: {  	s28 =	sld [smem:$0x162];
	v19 =	vmov s14;
	[tilespmem:$0x1F960] =	vst v18  }
0x1fd: {  	s30 =	sld [smem:$0x17E];
	v20 =	vmov s15;
	[tilespmem:$0x1F970] =	vst v19  }
0x1fe: {  	v21 =	vmov s16;
	s31 =	sld [smem:$0x106];
	[tilespmem:$0x1F980] =	vst v20  }
0x1ff: {  	s17 =	sld [smem:$0x7CD];
	[tilespmem:$0x1F990] =	vst v21;
	v63 =	vmov s5  }
0x200: {  	s18 =	sld [smem:$0x7CE];
	v4 =	vmov s6;
	[tilespmem:$0x1FC30] =	vst v63  }
0x201: {  	s19 =	sld [smem:$0x7CF];
	v5 =	vmov s7;
	[tilespmem:$0x1FC40] =	vst v4  }
0x202: {  	s24 =	sld [smem:$0x154];
	v6 =	vmov s8;
	[tilespmem:$0x1FC50] =	vst v5  }
0x203: {  	s20 =	sld [smem:$0x7D0];
	v9 =	vmov s1;
	[tilespmem:$0x1FC60] =	vst v6  }
0x204: {  	s22 =	sld [smem:$0x7D1];
	v10 =	vmov s2;
	[tilespmem:$0x1FC90] =	vst v9  }
0x205: {  	s23 =	sld [smem:$0x7D2];
	v12 =	vmov s4;
	[tilespmem:$0x1FCA0] =	vst v10  }
0x206: {  	s25 =	sld [smem:$0x7D3];
	[tilespmem:$0x1FCC0] =	vst v12;
	v11 =	vmov s29  }
0x207: {  	s9 =	sld [smem:$0x7D4];
	v22 =	vmov s17;
	[tilespmem:$0x1F8F0] =	vst v11  }
0x208: {  	s10 =	sld [smem:$0x7D5];
	v23 =	vmov s18;
	[tilespmem:$0x1F9A0] =	vst v22  }
0x209: {  	s11 =	sld [smem:$0x7D6];
	v24 =	vmov s19;
	[tilespmem:$0x1F9B0] =	vst v23  }
0x20a: {  	s12 =	sld [smem:$0x7D7];
	v25 =	vmov s20;
	[tilespmem:$0x1F9C0] =	vst v24  }
0x20b: {  	s13 =	sld [smem:$0x7D8];
	v26 =	vmov s22;
	[tilespmem:$0x1F9D0] =	vst v25  }
0x20c: {  	s14 =	sld [smem:$0x7D9];
	v27 =	vmov s23;
	[tilespmem:$0x1F9E0] =	vst v26  }
0x20d: {  	s15 =	sld [smem:$0x7DA];
	v28 =	vmov s25;
	[tilespmem:$0x1F9F0] =	vst v27  }
0x20e: {  	s16 =	sld [smem:$0x7DB];
	v29 =	vmov s9;
	[tilespmem:$0x1FA00] =	vst v28  }
0x20f: {  	s8 =	sld [smem:$0x7E1];
	v30 =	vmov s10;
	[tilespmem:$0x1FA10] =	vst v29  }
0x210: {  	s7 =	sld [smem:$0x176];
	v31 =	vmov s11;
	[tilespmem:$0x1FA20] =	vst v30  }
0x211: {  	s5 =	sld [smem:$0x7E7];
	v32 =	vmov s12;
	[tilespmem:$0x1FA30] =	vst v31  }
0x212: {  	s6 =	sld [smem:$0x7E8];
	v33 =	vmov s13;
	[tilespmem:$0x1FA40] =	vst v32  }
0x213: {  	s1 =	sld [smem:$0x7EA];
	v34 =	vmov s14;
	[tilespmem:$0x1FA50] =	vst v33  }
0x214: {  	s2 =	sld [smem:$0x7EB];
	v35 =	vmov s15;
	[tilespmem:$0x1FA60] =	vst v34  }
0x215: {  	v36 =	vmov s16;
	s9 =	rddreg [dreg:$0x1f];
	[tilespmem:$0x1FA70] =	vst v35  }
0x216: {  	s12 =	rddreg [dreg:$0x1c];
	[tilespmem:$0x1FA80] =	vst v36;
	v40 =	vmov s9  }
0x217: {  	s13 =	rddreg [dreg:$0x1d];
	v43 =	vmov s12;
	[tilespmem:$0x1FAC0] =	vst v40  }
0x218: {  	s14 =	rddreg [dreg:$0x1e];
	v44 =	vmov s13;
	[tilespmem:$0x1FAF0] =	vst v43  }
0x219: {  	s15 =	rddreg [dreg:$0x19];
	v45 =	vmov s14;
	[tilespmem:$0x1FB00] =	vst v44  }
0x21a: {  	s4 =	sld [smem:$0x7ED];
	v46 =	vmov s15;
	[tilespmem:$0x1FB10] =	vst v45  }
0x21b: {  	s29 =	sld [smem:$0x16B];
	v7 =	vmov s8;
	[tilespmem:$0x1FB20] =	vst v46  }
0x21c: {  	s23 =	sld [smem:$0x167];
	v11 =	vmov s3;
	[tilespmem:$0x1FC70] =	vst v7  }
0x21d: {  	s22 =	sld [smem:$0x170];
	v13 =	vmov s5;
	[tilespmem:$0x1FCB0] =	vst v11  }
0x21e: {  	s20 =	sld [smem:$0x101];
	v14 =	vmov s6;
	[tilespmem:$0x1FCD0] =	vst v13  }
0x21f: {  	s19 =	sld [smem:$0x10B];
	v16 =	vmov s1;
	[tilespmem:$0x1FCE0] =	vst v14  }
0x220: {  	s17 =	sld [smem:$0x7DC];
	v17 =	vmov s2;
	[tilespmem:$0x1FD00] =	vst v16  }
0x221: {  	s18 =	sld [smem:$0x7DD];
	v19 =	vmov s4;
	[tilespmem:$0x1FD10] =	vst v17  }
0x222: {  	s9 =	rddreg [dreg:$0x1b];
	v36 =	vmov s26;
	[tilespmem:$0x1FD30] =	vst v19  }
0x223: {  	s12 =	rddreg [dreg:$0x18];
	v48 =	vmov s9;
	[tilespmem:$0x1FE40] =	vst v36  }
0x224: {  	s13 =	rddreg [dreg:$0x13];
	v51 =	vmov s12;
	[tilespmem:$0x1FB40] =	vst v48  }
0x225: {  	s25 =	sld [smem:$0x7DE];
	v52 =	vmov s13;
	[tilespmem:$0x1FB70] =	vst v51  }
0x226: {  	s10 =	sld [smem:$0x7DF];
	v40 =	vmov s31;
	[tilespmem:$0x1FB80] =	vst v52  }
0x227: {  	s11 =	sld [smem:$0x7E0];
	v37 =	vmov s17;
	[tilespmem:$0x1FE80] =	vst v40  }
0x228: {  	s16 =	sld [smem:$0x175];
	v38 =	vmov s18;
	[tilespmem:$0x1FA90] =	vst v37  }
0x229: {  	s15 =	sld [smem:$0x107];
	v39 =	vmov s25;
	[tilespmem:$0x1FAA0] =	vst v38  }
0x22a: {  	s14 =	sld [smem:$0x110];
	v41 =	vmov s10;
	[tilespmem:$0x1FAB0] =	vst v39  }
0x22b: {  	s9 =	rddreg [dreg:$0x15];
	v42 =	vmov s11;
	[tilespmem:$0x1FAD0] =	vst v41  }
0x22c: {  	s12 =	rddreg [dreg:$0x12];
	v54 =	vmov s9;
	[tilespmem:$0x1FAE0] =	vst v42  }
0x22d: {  	s8 =	sld [smem:$0x163];
	v57 =	vmov s12;
	[tilespmem:$0x1FBA0] =	vst v54  }
0x22e: {  	s6 =	sld [smem:$0x17F];
	v43 =	vmov s22;
	[tilespmem:$0x1FBD0] =	vst v57  }
0x22f: {  	s3 =	sld [smem:$0x7EC];
	v44 =	vmov s20;
	[tilespmem:$0x1FEB0] =	vst v43  }
0x230: {  	s1 =	sld [smem:$0x7EF];
	v45 =	vmov s19;
	[tilespmem:$0x1FEC0] =	vst v44  }
0x231: {  	s25 =	rddreg [dreg:$0x1a];
	v48 =	vmov s16;
	[tilespmem:$0x1FED0] =	vst v45  }
0x232: {  	s10 =	rddreg [dreg:$0x16];
	v47 =	vmov s25;
	[tilespmem:$0x1FF00] =	vst v48  }
0x233: {  	s11 =	rddreg [dreg:$0x17];
	v49 =	vmov s10;
	[tilespmem:$0x1FB30] =	vst v47  }
0x234: {  	s2 =	sld [smem:$0x7F0];
	v50 =	vmov s11;
	[tilespmem:$0x1FB50] =	vst v49  }
0x235: {  	s5 =	sld [smem:$0x111];
	v18 =	vmov s3;
	[tilespmem:$0x1FB60] =	vst v50  }
0x236: {  	s4 =	sld [smem:$0x11B];
	v21 =	vmov s1;
	[tilespmem:$0x1FD20] =	vst v18  }
0x237: {  	s26 =	sld [smem:$0x16D];
	v22 =	vmov s2;
	[tilespmem:$0x1FD50] =	vst v21  }
0x238: {  	s13 =	sld [smem:$0x15E];
	v37 =	vmov s28;
	[tilespmem:$0x1FD60] =	vst v22  }
0x239: {  	s31 =	sld [smem:$0x12B];
	v38 =	vmov s29;
	[tilespmem:$0x1FE50] =	vst v37  }
0x23a: {  	s18 =	sld [smem:$0x159];
	v39 =	vmov s30;
	[tilespmem:$0x1FE60] =	vst v38  }
0x23b: {  	s17 =	sld [smem:$0x16C];
	v41 =	vmov s24;
	[tilespmem:$0x1FE70] =	vst v39  }
0x23c: {  	s25 =	rddreg [dreg:$0x14];
	v42 =	vmov s23;
	[tilespmem:$0x1FE90] =	vst v41  }
0x23d: {  	v57 =	vmov s7;
	v53 =	vmov s25;
	s25 =	rddreg [dreg:$0xf];
	[tilespmem:$0x1FEA0] =	vst v42  }
0x23e: {  	v59 =	vmov s5;
	[tilespmem:$0x1FF90] =	vst v57;
	v58 =	vmov s25;
	s25 =	sld [smem:$0x7E2]  }
0x23f: {  	s10 =	rddreg [dreg:$0x10];
	v60 =	vmov s4;
	[tilespmem:$0x1FFB0] =	vst v59  }
0x240: {  	s11 =	rddreg [dreg:$0x11];
	[tilespmem:$0x1FFC0] =	vst v60  }
0x241: {  	v55 =	vmov s10;
	[tilespmem:$0x1FB90] =	vst v53;
	v8 =	vmov s25;
	s25 =	sld [smem:$0x7E9]  }
0x242: {  	s12 =	sld [smem:$0x171];
	v56 =	vmov s11;
	[tilespmem:$0x1FBB0] =	vst v55  }
0x243: {  	s9 =	sld [smem:$0x115];
	v49 =	vmov s15;
	[tilespmem:$0x1FBC0] =	vst v56  }
0x244: {  	v50 =	vmov s14;
	[tilespmem:$0x1FF10] =	vst v49;
	v15 =	vmov s25;
	s25 =	sld [smem:$0x7EE]  }
0x245: {  	s20 =	sld [smem:$0x108];
	v51 =	vmov s13;
	[tilespmem:$0x1FF20] =	vst v50  }
0x246: {  	s3 =	sld [smem:$0x7F1];
	[tilespmem:$0x1FF30] =	vst v51  }
0x247: {  	v46 =	vmov s18;
	[tilespmem:$0x1FBE0] =	vst v58;
	v20 =	vmov s25;
	s25 =	sld [smem:$0x7F2]  }
0x248: {  	s1 =	sld [smem:$0x7F3];
	v47 =	vmov s17;
	[tilespmem:$0x1FEE0] =	vst v46  }
0x249: {  	s2 =	sld [smem:$0x7F4];
	v52 =	vmov s12;
	[tilespmem:$0x1FEF0] =	vst v47  }
0x24a: {  	v55 =	vmov s9;
	[tilespmem:$0x1FF40] =	vst v52;
	v24 =	vmov s25;
	s25 =	sld [smem:$0x7F5]  }
0x24b: {  	s11 =	sld [smem:$0x17A];
	v56 =	vmov s8;
	[tilespmem:$0x1FF70] =	vst v55  }
0x24c: {  	s10 =	sld [smem:$0x10C];
	v23 =	vmov s3;
	[tilespmem:$0x1FF80] =	vst v56  }
0x24d: {  	v25 =	vmov s1;
	[tilespmem:$0x1FD70] =	vst v23;
	v27 =	vmov s25;
	s25 =	sld [smem:$0x7F7]  }
0x24e: {  	s3 =	sld [smem:$0x168];
	v26 =	vmov s2;
	[tilespmem:$0x1FD90] =	vst v25  }
0x24f: {  	s1 =	sld [smem:$0x7F6];
	v58 =	vmov s6;
	[tilespmem:$0x1FDA0] =	vst v26  }
0x250: {  	v53 =	vmov s11;
	[tilespmem:$0x1FFA0] =	vst v58;
	v29 =	vmov s25;
	s25 =	sld [smem:$0x7F9]  }
0x251: {  	s2 =	sld [smem:$0x17B];
	v54 =	vmov s10;
	[tilespmem:$0x1FF50] =	vst v53  }
0x252: {  	[tilespmem:$0x1FF60] =	vst v54;
	v28 =	vmov s1;
	s1 =	sld [smem:$0x7F8]  }
0x253: {  	[tilespmem:$0x1FC80] =	vst v8;
	v31 =	vmov s25;
	s25 =	sld [smem:$0x7FA]  }
0x254: {  	s19 =	sld [smem:$0x11C];
	v61 =	vmov s3;
	[tilespmem:$0x1FDC0] =	vst v28  }
0x255: {  	v62 =	vmov s2;
	[tilespmem:$0x1FFD0] =	vst v61;
	v30 =	vmov s1;
	s1 =	sld [smem:$0x102]  }
0x256: {  	[tilespmem:$0x1FFE0] =	vst v62;
	v32 =	vmov s25;
	s25 =	sld [smem:$0x7FB]  }
0x257: {  	s22 =	sld [smem:$0x126];
	[tilespmem:$0x1FCF0] =	vst v15  }
0x258: {  	s23 =	sld [smem:$0x180];
	[tilespmem:$0x1FDE0] =	vst v30  }
0x259: {  	[tilespmem:$0x1FD40] =	vst v20;
	v63 =	vmov s1;
	v33 =	vmov s25;
	s25 =	sld [smem:$0x7FC]  }
0x25a: {  	s24 =	sld [smem:$0x172];
	[tilespmem:$0x1FFF0] =	vst v63  }
0x25b: {  	s28 =	sld [smem:$0x103];
	[tilespmem:$0x1FD80] =	vst v24  }
0x25c: {  	[tilespmem:$0x1FDB0] =	vst v27;
	v34 =	vmov s25;
	s25 =	sld [smem:$0x7FD]  }
0x25d: {  	s29 =	sld [smem:$0x10D];
	[tilespmem:$0x1FDD0] =	vst v29  }
0x25e: {  	v36 =	vmov s0;
	s30 =	sld [smem:$0x121];
	[tilespmem:$0x1FDF0] =	vst v31  }
0x25f: {  	v38 =	vmov s26;
	v40 =	vmov s20;
	[tilespmem:$0x1FE00] =	vst v32;
	v35 =	vmov s25;
	s25 =	sld [smem:$0x120]  }
0x260: {  	v41 =	vmov s19;
	v42 =	vmov s22;
	v39 =	vmov s23;
	[tilespmem:$0x1FE10] =	vst v33  }
0x261: {  	v43 =	vmov s24;
	v44 =	vmov s28;
	v45 =	vmov s29;
	[tilespmem:$0x1FE20] =	vst v34  }
0x262: {  	s22 =	simm.s32 $0x0;
	v46 =	vmov s30;
	v47 =	vmov s31;
	[tilespmem:$0x1FE30] =	vst v35;
	v37 =	vmov s25  }
.LBB2_3:
0x263: {  	v0 =	vld [tilespmem:$0x1F1C0]  }
0x264: {  	s0 =	sand.u32 $0x3E00, s22;
	v2 =	vld [tilespmem:$0x1F1D0]  }
0x265: {  	s1 =	sand.u32 $0x70, s21;
	v3 =	vld [tilespmem:$0x1F1E0];
	s0 =	sshrl.u32 s0, $0x2  }
0x266: {  	v4 =	vld [tilespmem:$0x1F1F0];
	s23 =	sor.u32 s1, s0  }
0x267: {  	v7 =	vld [tilespmem:s23+$0x1000]  }
0x268: {  	v1 =	vld [tilespmem:s23+$0x5000]  }
0x269: {  	v51 =	vld [tilespmem:s23+$0x7000]  }
0x26a: {  	v50 =	vld [tilespmem:s23+$0xB000];
	_ =	sdelay $0x2  }
0x26b: {  	v30 =	vld [tilespmem:$0x1F200]  }
0x26c: {  	v11 =	vld [tilespmem:s23+$0xD000];
	v0 =	vmul.f32 v0, v7;
	v2 =	vmul.f32 v2, v1  }
0x26d: {  	v3 =	vmul.f32 v3, v51;
	v4 =	vmul.f32 v4, v50  }
0x26e: {  	v32 =	vld [tilespmem:$0x1F210]  }
0x26f: {  	v33 =	vld [tilespmem:$0x1F220];
	v0 =	vadd.f32 v2, v0;
	v29 =	vadd.f32 v4, v3  }
0x270: {  	v6 =	vld [tilespmem:$0x1F230]  }
0x271: {  	v8 =	vld [tilespmem:$0x1F240];
	v3 =	vmul.f32 v30, v11;
	v0 =	vadd.f32 v29, v0  }
0x272: {  	v49 =	vld [tilespmem:s23+$0x6000]  }
0x273: {  	v5 =	vld [tilespmem:s23+$0x8000];
	v0 =	vadd.f32 v0, v3  }
0x274: {  	v4 =	vld [tilespmem:s23+$0x2000]  }
0x275: {  	v31 =	vadd.f32 v0, v0;
	v0 =	vld [tilespmem:s23+$0xC000];
	_ =	sdelay $0x1  }
0x276: {  	v2 =	vmul.f32 $1.442695020e+00, v31  }
0x277: {  	v35 =	vld [tilespmem:$0x1F250];
	v6 =	vmul.f32 v6, v5  }
0x278: {  	v15 =	vld [tilespmem:s23+$0xE000];
	v3 =	vmul.f32 v33, v49;
	(erf) = vpow2.f32 v2  }
0x279: {  	v2 =	vmul.f32 v32, v4;
	v8 =	vmul.f32 v8, v0;
	_ =	sdelay $0x1  }
0x27a: {  	v2 =	vadd.f32 v3, v2;
	v34 =	vadd.f32 v8, v6;
	_ =	sdelay $0x1  }
0x27b: {  	v6 =	vmul.f32 v35, v15;
	v2 =	vadd.f32 v34, v2;
	_ =	sdelay $0x1  }
0x27c: {  	v2 =	vadd.f32 v2, v6  }
0x27d: {  	v55 =	vld [tilespmem:$0x1F260]  }
0x27e: {  	v56 =	vld [tilespmem:$0x1F270];
	v48 =	vpop (erf);
	v2 =	vadd.f32 v2, v2  }
0x27f: {  	v57 =	vld [tilespmem:$0x1F280];
	v3 =	vadd.f32 $1.000000000e+00, v48  }
0x280: {  	v9 =	vld [tilespmem:$0x1F290];
	v2 =	vmul.f32 $1.442695020e+00, v2  }
0x281: {  	v52 =	vld [tilespmem:s23+$0x9000];
	(erf) = vrcp.f32 v3  }
0x282: {  	v6 =	vld [tilespmem:s23+$0x3000];
	(erf) = vpow2.f32 v2;
	_ =	sdelay $0x2  }
0x283: {  	v59 =	vld [tilespmem:$0x1F2A0]  }
0x284: {  	v16 =	vld [tilespmem:s23+$0xF000];
	v9 =	vmul.f32 v9, v11;
	v8 =	vmul.f32 v57, v52  }
0x285: {  	v3 =	vmul.f32 v56, v51;
	v2 =	vmul.f32 v55, v6;
	_ =	sdelay $0x1  }
0x286: {  	v58 =	vadd.f32 v9, v8;
	v2 =	vadd.f32 v3, v2  }
0x287: {  	v48 =	vpop (erf)  }
0x288: {  	v53 =	vld [tilespmem:s23+$0x4000];
	v8 =	vmul.f32 v59, v16;
	v2 =	vadd.f32 v58, v2;
	v60 =	vpop (erf)  }
0x289: {  	v55 =	vld [tilespmem:s23+$0xA000]  }
0x28a: {  	v2 =	vadd.f32 v2, v8;
	v61 =	vld [tilespmem:$0x1F2B0]  }
0x28b: {  	v62 =	vld [tilespmem:$0x1F2C0]  }
0x28c: {  	v2 =	vadd.f32 v2, v2;
	v63 =	vld [tilespmem:$0x1F2D0]  }
0x28d: {  	v3 =	vadd.f32 $1.000000000e+00, v60;
	v12 =	vld [tilespmem:$0x1F2E0]  }
0x28e: {  	v2 =	vmul.f32 $1.442695020e+00, v2  }
0x28f: {  	v17 =	vld [tilespmem:s23+$0x10000];
	(erf) = vrcp.f32 v3  }
0x290: {  	v14 =	vld [tilespmem:$0x1F2F0];
	(erf) = vpow2.f32 v2  }
0x291: {  	v2 =	vmul.f32 v61, v53;
	v3 =	vmul.f32 v62, v5  }
0x292: {  	v8 =	vmul.f32 v63, v55;
	v9 =	vmul.f32 v12, v15;
	_ =	sdelay $0x1  }
0x293: {  	v2 =	vadd.f32 v3, v2;
	v13 =	vadd.f32 v9, v8  }
0x294: {  	v8 =	vmul.f32 v14, v17  }
0x295: {  	v2 =	vadd.f32 v13, v2  }
0x296: {  	v19 =	vld [tilespmem:$0x1F300]  }
0x297: {  	v10 =	vld [tilespmem:$0x1F330];
	v2 =	vadd.f32 v2, v8  }
0x298: {  	v21 =	vld [tilespmem:$0x1F320];
	v8 =	vpop (erf)  }
0x299: {  	v20 =	vld [tilespmem:$0x1F310];
	v18 =	vpop (erf);
	v2 =	vadd.f32 v2, v2  }
0x29a: {  	v3 =	vadd.f32 $1.000000000e+00, v18  }
0x29b: {  	v2 =	vmul.f32 $1.442695020e+00, v2  }
0x29c: {  	v23 =	vld [tilespmem:$0x1F340];
	v10 =	vmul.f32 v10, v16;
	(erf) = vrcp.f32 v3  }
0x29d: {  	v9 =	vmul.f32 v21, v50;
	v18 =	vld [tilespmem:s23+$0x11000];
	(erf) = vpow2.f32 v2  }
0x29e: {  	v3 =	vmul.f32 v20, v52;
	v2 =	vmul.f32 v19, v1;
	_ =	sdelay $0x1  }
0x29f: {  	v22 =	vadd.f32 v10, v9;
	v2 =	vadd.f32 v3, v2;
	_ =	sdelay $0x1  }
0x2a0: {  	v28 =	vld [tilespmem:$0x1F380];
	v9 =	vmul.f32 v23, v18;
	v2 =	vadd.f32 v22, v2  }
0x2a1: {  	v27 =	vld [tilespmem:$0x1F370]  }
0x2a2: {  	v26 =	vld [tilespmem:$0x1F360];
	v2 =	vadd.f32 v2, v9  }
0x2a3: {  	v25 =	vld [tilespmem:$0x1F350];
	v54 =	vpop (erf)  }
0x2a4: {  	v2 =	vadd.f32 v2, v2;
	v24 =	vpop (erf)  }
0x2a5: {  	v10 =	vmul.f32 v28, v17;
	v3 =	vadd.f32 $1.000000000e+00, v24  }
0x2a6: {  	v9 =	vmul.f32 v27, v0;
	v2 =	vmul.f32 $1.442695020e+00, v2  }
0x2a7: {  	v30 =	vld [tilespmem:$0x1F390];
	(erf) = vrcp.f32 v3;
	v3 =	vmul.f32 v26, v55  }
0x2a8: {  	v19 =	vld [tilespmem:s23+$0x12000];
	(erf) = vpow2.f32 v2;
	v2 =	vmul.f32 v25, v49;
	_ =	sdelay $0x1  }
0x2a9: {  	v29 =	vadd.f32 v10, v9;
	v2 =	vadd.f32 v3, v2;
	_ =	sdelay $0x1  }
0x2aa: {  	v2 =	vadd.f32 v29, v2  }
0x2ab: {  	v12 =	vld [tilespmem:$0x1F3D0];
	v9 =	vmul.f32 v30, v19  }
0x2ac: {  	v34 =	vld [tilespmem:$0x1F3C0]  }
0x2ad: {  	v33 =	vld [tilespmem:$0x1F3B0];
	v3 =	vadd.f32 v2, v9  }
0x2ae: {  	v32 =	vld [tilespmem:$0x1F3A0];
	v2 =	vpop (erf)  }
0x2af: {  	v3 =	vadd.f32 v3, v3;
	v31 =	vpop (erf)  }
0x2b0: {  	v12 =	vmul.f32 v12, v18;
	v9 =	vadd.f32 $1.000000000e+00, v31  }
0x2b1: {  	v10 =	vmul.f32 v34, v11;
	v3 =	vmul.f32 $1.442695020e+00, v3  }
0x2b2: {  	v56 =	vld [tilespmem:$0x1F3E0];
	(erf) = vrcp.f32 v9;
	v9 =	vmul.f32 v33, v50  }
0x2b3: {  	v20 =	vld [tilespmem:s23+$0x13000];
	(erf) = vpow2.f32 v3;
	v3 =	vmul.f32 v32, v51;
	_ =	sdelay $0x1  }
0x2b4: {  	v35 =	vadd.f32 v12, v10;
	v3 =	vadd.f32 v9, v3;
	_ =	sdelay $0x1  }
0x2b5: {  	v3 =	vadd.f32 v35, v3  }
0x2b6: {  	v10 =	vmul.f32 v56, v20  }
0x2b7: {  	v58 =	vld [tilespmem:$0x1F3F0]  }
0x2b8: {  	v13 =	vld [tilespmem:$0x1F420];
	v9 =	vadd.f32 v3, v10  }
0x2b9: {  	v60 =	vld [tilespmem:$0x1F410];
	v3 =	vpop (erf)  }
0x2ba: {  	v59 =	vld [tilespmem:$0x1F400];
	v9 =	vadd.f32 v9, v9;
	v57 =	vpop (erf)  }
0x2bb: {  	v10 =	vadd.f32 $1.000000000e+00, v57  }
0x2bc: {  	v9 =	vmul.f32 $1.442695020e+00, v9  }
0x2bd: {  	v62 =	vld [tilespmem:$0x1F430];
	v13 =	vmul.f32 v13, v19;
	(erf) = vrcp.f32 v10  }
0x2be: {  	v21 =	vld [tilespmem:s23+$0x14000];
	v12 =	vmul.f32 v60, v15;
	(erf) = vpow2.f32 v9  }
0x2bf: {  	v10 =	vmul.f32 v59, v0;
	v9 =	vmul.f32 v58, v5;
	_ =	sdelay $0x1  }
0x2c0: {  	v61 =	vadd.f32 v13, v12;
	v9 =	vadd.f32 v10, v9;
	_ =	sdelay $0x1  }
0x2c1: {  	v12 =	vmul.f32 v62, v21;
	v9 =	vadd.f32 v61, v9;
	_ =	sdelay $0x1  }
0x2c2: {  	v9 =	vadd.f32 v9, v12  }
0x2c3: {  	v14 =	vld [tilespmem:$0x1F440];
	v10 =	vpop (erf)  }
0x2c4: {  	v9 =	vadd.f32 v9, v9;
	v63 =	vpop (erf)  }
0x2c5: {  	v12 =	vadd.f32 $1.000000000e+00, v63  }
0x2c6: {  	v23 =	vld [tilespmem:$0x1F450];
	v9 =	vmul.f32 $1.442695020e+00, v9  }
0x2c7: {  	v24 =	vld [tilespmem:$0x1F460];
	(erf) = vrcp.f32 v12  }
0x2c8: {  	(erf) = vpow2.f32 v9;
	v9 =	vmul.f32 v14, v52;
	v14 =	vld [tilespmem:$0x1F470];
	_ =	sdelay $0x3  }
0x2c9: {  	v22 =	vld [tilespmem:s23+$0x15000];
	v13 =	vmul.f32 v24, v16  }
0x2ca: {  	v26 =	vld [tilespmem:$0x1F480];
	v12 =	vmul.f32 v23, v11;
	v14 =	vmul.f32 v14, v20;
	_ =	sdelay $0x1  }
0x2cb: {  	v9 =	vadd.f32 v12, v9;
	v25 =	vadd.f32 v14, v13;
	_ =	sdelay $0x1  }
0x2cc: {  	v9 =	vadd.f32 v25, v9  }
0x2cd: {  	v13 =	vmul.f32 v26, v22  }
0x2ce: {  	v28 =	vld [tilespmem:$0x1F490]  }
0x2cf: {  	v23 =	vld [tilespmem:$0x1F4C0];
	v12 =	vadd.f32 v9, v13  }
0x2d0: {  	v30 =	vld [tilespmem:$0x1F4B0];
	v9 =	vpop (erf)  }
0x2d1: {  	v29 =	vld [tilespmem:$0x1F4A0];
	v12 =	vadd.f32 v12, v12;
	v27 =	vpop (erf)  }
0x2d2: {  	v13 =	vadd.f32 $1.000000000e+00, v27  }
0x2d3: {  	v32 =	vld [tilespmem:$0x1F4D0];
	v12 =	vmul.f32 $1.442695020e+00, v12  }
0x2d4: {  	v23 =	vmul.f32 v23, v21;
	v25 =	vld [tilespmem:s23+$0x16000];
	(erf) = vrcp.f32 v13  }
0x2d5: {  	v14 =	vmul.f32 v30, v17;
	(erf) = vpow2.f32 v12  }
0x2d6: {  	v13 =	vmul.f32 v29, v15;
	v12 =	vmul.f32 v28, v55;
	_ =	sdelay $0x1  }
0x2d7: {  	v31 =	vadd.f32 v23, v14;
	v12 =	vadd.f32 v13, v12  }
0x2d8: {  	v14 =	vmul.f32 v32, v25  }
0x2d9: {  	v12 =	vadd.f32 v31, v12  }
0x2da: {  	v34 =	vld [tilespmem:$0x1F4E0]  }
0x2db: {  	v24 =	vld [tilespmem:$0x1F510];
	v12 =	vadd.f32 v12, v14  }
0x2dc: {  	v56 =	vld [tilespmem:$0x1F500];
	v14 =	vpop (erf)  }
0x2dd: {  	v35 =	vld [tilespmem:$0x1F4F0];
	v12 =	vadd.f32 v12, v12;
	v33 =	vpop (erf)  }
0x2de: {  	v13 =	vadd.f32 $1.000000000e+00, v33  }
0x2df: {  	v12 =	vmul.f32 $1.442695020e+00, v12  }
0x2e0: {  	v24 =	vmul.f32 v24, v22;
	v58 =	vld [tilespmem:$0x1F520];
	(erf) = vrcp.f32 v13  }
0x2e1: {  	v23 =	vmul.f32 v56, v18;
	v27 =	vld [tilespmem:s23+$0x17000];
	(erf) = vpow2.f32 v12  }
0x2e2: {  	v13 =	vmul.f32 v35, v16;
	v12 =	vmul.f32 v34, v50;
	_ =	sdelay $0x1  }
0x2e3: {  	v57 =	vadd.f32 v24, v23;
	v12 =	vadd.f32 v13, v12;
	_ =	sdelay $0x1  }
0x2e4: {  	v62 =	vld [tilespmem:$0x1F550];
	v23 =	vmul.f32 v58, v27;
	v12 =	vadd.f32 v57, v12  }
0x2e5: {  	v26 =	vld [tilespmem:$0x1F560]  }
0x2e6: {  	v61 =	vld [tilespmem:$0x1F540];
	v12 =	vadd.f32 v12, v23  }
0x2e7: {  	v60 =	vld [tilespmem:$0x1F530];
	v13 =	vpop (erf)  }
0x2e8: {  	v12 =	vadd.f32 v12, v12;
	v59 =	vpop (erf)  }
0x2e9: {  	v24 =	vmul.f32 v62, v19;
	v23 =	vadd.f32 $1.000000000e+00, v59  }
0x2ea: {  	v26 =	vmul.f32 v26, v25;
	v12 =	vmul.f32 $1.442695020e+00, v12  }
0x2eb: {  	v56 =	vld [tilespmem:s23+$0x18000];
	(erf) = vrcp.f32 v23;
	v23 =	vmul.f32 v61, v17  }
0x2ec: {  	v28 =	vld [tilespmem:$0x1F570];
	(erf) = vpow2.f32 v12;
	v12 =	vmul.f32 v60, v0;
	_ =	sdelay $0x1  }
0x2ed: {  	v63 =	vadd.f32 v26, v24;
	v12 =	vadd.f32 v23, v12;
	_ =	sdelay $0x1  }
0x2ee: {  	v12 =	vadd.f32 v63, v12  }
0x2ef: {  	v30 =	vld [tilespmem:$0x1F580];
	v24 =	vmul.f32 v28, v56  }
0x2f0: {  	v33 =	vld [tilespmem:$0x1F5B0]  }
0x2f1: {  	v32 =	vld [tilespmem:$0x1F5A0];
	v23 =	vadd.f32 v12, v24  }
0x2f2: {  	v31 =	vld [tilespmem:$0x1F590];
	v12 =	vpop (erf)  }
0x2f3: {  	v23 =	vadd.f32 v23, v23;
	v29 =	vpop (erf)  }
0x2f4: {  	v11 =	vmul.f32 v30, v11;
	v24 =	vadd.f32 $1.000000000e+00, v29  }
0x2f5: {  	v26 =	vmul.f32 v33, v27;
	v23 =	vmul.f32 $1.442695020e+00, v23  }
0x2f6: {  	v35 =	vld [tilespmem:$0x1F5C0];
	(erf) = vrcp.f32 v24;
	v24 =	vmul.f32 v32, v20  }
0x2f7: {  	v57 =	vld [tilespmem:s23+$0x19000];
	(erf) = vpow2.f32 v23;
	v23 =	vmul.f32 v31, v18;
	_ =	sdelay $0x1  }
0x2f8: {  	v34 =	vadd.f32 v26, v24;
	v11 =	vadd.f32 v23, v11;
	_ =	sdelay $0x1  }
0x2f9: {  	v11 =	vadd.f32 v34, v11  }
0x2fa: {  	v24 =	vmul.f32 v35, v57  }
0x2fb: {  	v62 =	vld [tilespmem:$0x1F600]  }
0x2fc: {  	v59 =	vld [tilespmem:$0x1F5D0];
	v23 =	vadd.f32 v11, v24  }
0x2fd: {  	v61 =	vld [tilespmem:$0x1F5F0];
	v11 =	vpop (erf)  }
0x2fe: {  	v60 =	vld [tilespmem:$0x1F5E0];
	v23 =	vadd.f32 v23, v23;
	v58 =	vpop (erf)  }
0x2ff: {  	v24 =	vadd.f32 $1.000000000e+00, v58  }
0x300: {  	v23 =	vmul.f32 $1.442695020e+00, v23  }
0x301: {  	v28 =	vld [tilespmem:$0x1F610];
	v15 =	vmul.f32 v59, v15;
	(erf) = vrcp.f32 v24  }
0x302: {  	v26 =	vmul.f32 v62, v56;
	v58 =	vld [tilespmem:s23+$0x0];
	(erf) = vpow2.f32 v23  }
0x303: {  	v24 =	vmul.f32 v61, v21;
	v23 =	vmul.f32 v60, v19;
	_ =	sdelay $0x1  }
0x304: {  	v63 =	vadd.f32 v26, v24;
	v15 =	vadd.f32 v23, v15;
	_ =	sdelay $0x1  }
0x305: {  	v24 =	vmul.f32 v28, v58;
	v15 =	vadd.f32 v63, v15  }
0x306: {  	v30 =	vld [tilespmem:$0x1F620]  }
0x307: {  	v33 =	vld [tilespmem:$0x1F650];
	v15 =	vadd.f32 v15, v24  }
0x308: {  	v32 =	vld [tilespmem:$0x1F640];
	v23 =	vpop (erf)  }
0x309: {  	v31 =	vld [tilespmem:$0x1F630];
	v15 =	vadd.f32 v15, v15;
	v29 =	vpop (erf)  }
0x30a: {  	v24 =	vadd.f32 $1.000000000e+00, v29  }
0x30b: {  	v15 =	vmul.f32 $1.442695020e+00, v15  }
0x30c: {  	v26 =	vmul.f32 v33, v57;
	(erf) = vrcp.f32 v24  }
0x30d: {  	v24 =	vmul.f32 v32, v22;
	(erf) = vpow2.f32 v15  }
0x30e: {  	v35 =	vld [tilespmem:$0x1F660];
	v15 =	vmul.f32 v30, v16;
	v16 =	vmul.f32 v31, v20;
	_ =	sdelay $0x1  }
0x30f: {  	v34 =	vadd.f32 v26, v24;
	v15 =	vadd.f32 v16, v15;
	_ =	sdelay $0x1  }
0x310: {  	v15 =	vadd.f32 v34, v15  }
0x311: {  	v24 =	vmul.f32 v35, v7  }
0x312: {  	v62 =	vld [tilespmem:$0x1F690]  }
0x313: {  	v63 =	vld [tilespmem:$0x1F6A0];
	v16 =	vadd.f32 v15, v24  }
0x314: {  	v61 =	vld [tilespmem:$0x1F680];
	v15 =	vpop (erf)  }
0x315: {  	v60 =	vld [tilespmem:$0x1F670];
	v16 =	vadd.f32 v16, v16;
	v59 =	vpop (erf)  }
0x316: {  	v24 =	vadd.f32 $1.000000000e+00, v59  }
0x317: {  	v16 =	vmul.f32 $1.442695020e+00, v16  }
0x318: {  	v26 =	vmul.f32 v63, v58;
	(erf) = vrcp.f32 v24  }
0x319: {  	v29 =	vld [tilespmem:$0x1F6B0];
	v24 =	vmul.f32 v62, v25;
	(erf) = vpow2.f32 v16  }
0x31a: {  	v16 =	vmul.f32 v60, v17;
	v17 =	vmul.f32 v61, v21;
	_ =	sdelay $0x1  }
0x31b: {  	v28 =	vadd.f32 v26, v24;
	v16 =	vadd.f32 v17, v16;
	_ =	sdelay $0x1  }
0x31c: {  	v24 =	vmul.f32 v29, v4;
	v16 =	vadd.f32 v28, v16  }
0x31d: {  	v33 =	vld [tilespmem:$0x1F6E0]  }
0x31e: {  	v34 =	vld [tilespmem:$0x1F6F0];
	v16 =	vadd.f32 v16, v24  }
0x31f: {  	v32 =	vld [tilespmem:$0x1F6D0];
	v59 =	vpop (erf)  }
0x320: {  	v31 =	vld [tilespmem:$0x1F6C0];
	v16 =	vadd.f32 v16, v16;
	v30 =	vpop (erf)  }
0x321: {  	v17 =	vadd.f32 $1.000000000e+00, v30  }
0x322: {  	v16 =	vmul.f32 $1.442695020e+00, v16  }
0x323: {  	v24 =	vmul.f32 v34, v7;
	(erf) = vrcp.f32 v17  }
0x324: {  	v60 =	vld [tilespmem:$0x1F700];
	v17 =	vmul.f32 v32, v22;
	(erf) = vpow2.f32 v16  }
0x325: {  	v16 =	vmul.f32 v31, v18;
	v18 =	vmul.f32 v33, v27;
	_ =	sdelay $0x1  }
0x326: {  	v16 =	vadd.f32 v17, v16;
	v35 =	vadd.f32 v24, v18;
	_ =	sdelay $0x1  }
0x327: {  	v18 =	vmul.f32 v60, v6;
	v16 =	vadd.f32 v35, v16  }
0x328: {  	v63 =	vld [tilespmem:$0x1F720]  }
0x329: {  	v24 =	vld [tilespmem:$0x1F730];
	v16 =	vadd.f32 v16, v18  }
0x32a: {  	v62 =	vld [tilespmem:$0x1F710];
	v28 =	vpop (erf)  }
0x32b: {  	v26 =	vld [tilespmem:$0x1F740];
	v16 =	vadd.f32 v16, v16;
	v61 =	vpop (erf)  }
0x32c: {  	v17 =	vadd.f32 $1.000000000e+00, v61  }
0x32d: {  	v16 =	vmul.f32 $1.442695020e+00, v16  }
0x32e: {  	v18 =	vmul.f32 v24, v56;
	(erf) = vrcp.f32 v17  }
0x32f: {  	v30 =	vld [tilespmem:$0x1F750];
	v17 =	vmul.f32 v63, v25;
	(erf) = vpow2.f32 v16  }
0x330: {  	v16 =	vmul.f32 v62, v19;
	v19 =	vmul.f32 v26, v4;
	_ =	sdelay $0x1  }
0x331: {  	v16 =	vadd.f32 v17, v16;
	v29 =	vadd.f32 v19, v18;
	_ =	sdelay $0x1  }
0x332: {  	v18 =	vmul.f32 v30, v53;
	v16 =	vadd.f32 v29, v16  }
0x333: {  	v34 =	vld [tilespmem:$0x1F780]  }
0x334: {  	v35 =	vld [tilespmem:$0x1F790];
	v16 =	vadd.f32 v16, v18  }
0x335: {  	v32 =	vld [tilespmem:$0x1F760];
	v60 =	vpop (erf)  }
0x336: {  	v33 =	vld [tilespmem:$0x1F770];
	v16 =	vadd.f32 v16, v16;
	v31 =	vpop (erf)  }
0x337: {  	v17 =	vadd.f32 $1.000000000e+00, v31  }
0x338: {  	v16 =	vmul.f32 $1.442695020e+00, v16  }
0x339: {  	v19 =	vmul.f32 v35, v6;
	(erf) = vrcp.f32 v17  }
0x33a: {  	v62 =	vld [tilespmem:$0x1F7A0];
	v18 =	vmul.f32 v34, v57;
	(erf) = vpow2.f32 v16  }
0x33b: {  	v17 =	vmul.f32 v33, v27;
	v16 =	vmul.f32 v32, v20;
	_ =	sdelay $0x1  }
0x33c: {  	v61 =	vadd.f32 v19, v18;
	v16 =	vadd.f32 v17, v16;
	_ =	sdelay $0x1  }
0x33d: {  	v18 =	vmul.f32 v62, v1;
	v16 =	vadd.f32 v61, v16;
	_ =	sdelay $0x1  }
0x33e: {  	v16 =	vadd.f32 v16, v18  }
0x33f: {  	v20 =	vld [tilespmem:$0x1F7B0];
	v26 =	vpop (erf)  }
0x340: {  	v16 =	vadd.f32 v16, v16;
	v63 =	vpop (erf)  }
0x341: {  	v17 =	vadd.f32 $1.000000000e+00, v63  }
0x342: {  	v24 =	vld [tilespmem:$0x1F7D0];
	v16 =	vmul.f32 $1.442695020e+00, v16  }
0x343: {  	v29 =	vld [tilespmem:$0x1F7E0];
	(erf) = vrcp.f32 v17  }
0x344: {  	(erf) = vpow2.f32 v16;
	v16 =	vmul.f32 v20, v21;
	v21 =	vld [tilespmem:$0x1F7C0];
	_ =	sdelay $0x3  }
0x345: {  	v19 =	vmul.f32 v29, v53;
	v31 =	vld [tilespmem:$0x1F7F0]  }
0x346: {  	v18 =	vmul.f32 v24, v58;
	v17 =	vmul.f32 v21, v56;
	_ =	sdelay $0x1  }
0x347: {  	v30 =	vadd.f32 v19, v18;
	v16 =	vadd.f32 v17, v16;
	_ =	sdelay $0x1  }
0x348: {  	v18 =	vmul.f32 v31, v49;
	v16 =	vadd.f32 v30, v16  }
0x349: {  	v35 =	vld [tilespmem:$0x1F820]  }
0x34a: {  	v61 =	vld [tilespmem:$0x1F830];
	v16 =	vadd.f32 v16, v18  }
0x34b: {  	v34 =	vld [tilespmem:$0x1F810];
	v24 =	vpop (erf)  }
0x34c: {  	v33 =	vld [tilespmem:$0x1F800];
	v32 =	vpop (erf);
	v16 =	vadd.f32 v16, v16  }
0x34d: {  	v17 =	vadd.f32 $1.000000000e+00, v32  }
0x34e: {  	v16 =	vmul.f32 $1.442695020e+00, v16  }
0x34f: {  	v19 =	vmul.f32 v61, v1;
	(erf) = vrcp.f32 v17  }
0x350: {  	v63 =	vld [tilespmem:$0x1F840];
	v18 =	vmul.f32 v35, v7;
	(erf) = vpow2.f32 v16  }
0x351: {  	v17 =	vmul.f32 v34, v57;
	v16 =	vmul.f32 v33, v22;
	_ =	sdelay $0x1  }
0x352: {  	v62 =	vadd.f32 v19, v18;
	v16 =	vadd.f32 v17, v16;
	_ =	sdelay $0x1  }
0x353: {  	v18 =	vmul.f32 v63, v51;
	v16 =	vadd.f32 v62, v16  }
0x354: {  	v29 =	vld [tilespmem:$0x1F850]  }
0x355: {  	v32 =	vld [tilespmem:$0x1F880];
	v16 =	vadd.f32 v16, v18  }
0x356: {  	v31 =	vld [tilespmem:$0x1F870];
	v22 =	vpop (erf)  }
0x357: {  	v30 =	vld [tilespmem:$0x1F860];
	v16 =	vadd.f32 v16, v16;
	v21 =	vpop (erf)  }
0x358: {  	v17 =	vadd.f32 $1.000000000e+00, v21  }
0x359: {  	v16 =	vmul.f32 $1.442695020e+00, v16  }
0x35a: {  	v19 =	vmul.f32 v32, v49;
	(erf) = vrcp.f32 v17  }
0x35b: {  	v34 =	vld [tilespmem:$0x1F890];
	v18 =	vmul.f32 v31, v4;
	(erf) = vpow2.f32 v16  }
0x35c: {  	v17 =	vmul.f32 v30, v58;
	v16 =	vmul.f32 v29, v25;
	_ =	sdelay $0x1  }
0x35d: {  	v33 =	vadd.f32 v19, v18;
	v16 =	vadd.f32 v17, v16;
	_ =	sdelay $0x1  }
0x35e: {  	v18 =	vmul.f32 v34, v5;
	v16 =	vadd.f32 v33, v16  }
0x35f: {  	v61 =	vld [tilespmem:$0x1F8A0]  }
0x360: {  	v62 =	vld [tilespmem:$0x1F8B0];
	v16 =	vadd.f32 v16, v18  }
0x361: {  	v63 =	vld [tilespmem:$0x1F8C0];
	v20 =	vpop (erf)  }
0x362: {  	v21 =	vld [tilespmem:$0x1F8D0];
	v16 =	vadd.f32 v16, v16;
	v35 =	vpop (erf)  }
0x363: {  	v17 =	vadd.f32 $1.000000000e+00, v35  }
0x364: {  	v16 =	vmul.f32 $1.442695020e+00, v16  }
0x365: {  	v7 =	vmul.f32 v62, v7;
	(erf) = vrcp.f32 v17  }
0x366: {  	(erf) = vpow2.f32 v16;
	v16 =	vmul.f32 v61, v27;
	v27 =	vld [tilespmem:$0x1F8E0]  }
0x367: {  	v18 =	vmul.f32 v21, v51;
	v17 =	vmul.f32 v63, v6;
	_ =	sdelay $0x1  }
0x368: {  	v25 =	vadd.f32 v18, v17;
	v7 =	vadd.f32 v7, v16;
	_ =	sdelay $0x1  }
0x369: {  	v7 =	vadd.f32 v25, v7;
	v17 =	vmul.f32 v27, v52  }
0x36a: {  	v32 =	vld [tilespmem:$0x1F910]  }
0x36b: {  	v31 =	vld [tilespmem:$0x1F900];
	v7 =	vadd.f32 v7, v17  }
0x36c: {  	v33 =	vld [tilespmem:$0x1F920];
	v19 =	vpop (erf)  }
0x36d: {  	v30 =	vld [tilespmem:$0x1F8F0];
	v29 =	vpop (erf);
	v7 =	vadd.f32 v7, v7  }
0x36e: {  	v16 =	vadd.f32 $1.000000000e+00, v29  }
0x36f: {  	v7 =	vmul.f32 $1.442695020e+00, v7  }
0x370: {  	v4 =	vmul.f32 v31, v4;
	(erf) = vrcp.f32 v16  }
0x371: {  	v34 =	vld [tilespmem:$0x1F930];
	v5 =	vmul.f32 v33, v5;
	(erf) = vpow2.f32 v7  }
0x372: {  	v16 =	vmul.f32 v32, v53;
	v7 =	vmul.f32 v30, v56;
	_ =	sdelay $0x1  }
0x373: {  	v5 =	vadd.f32 v5, v16;
	v4 =	vadd.f32 v4, v7;
	_ =	sdelay $0x1  }
0x374: {  	v7 =	vmul.f32 v34, v55;
	v4 =	vadd.f32 v5, v4;
	_ =	sdelay $0x1  }
0x375: {  	v4 =	vadd.f32 v4, v7  }
0x376: {  	v51 =	vld [tilespmem:$0x1F940];
	v18 =	vpop (erf)  }
0x377: {  	v4 =	vadd.f32 v4, v4;
	v35 =	vpop (erf)  }
0x378: {  	v5 =	vadd.f32 $1.000000000e+00, v35  }
0x379: {  	v61 =	vld [tilespmem:$0x1F970];
	v4 =	vmul.f32 $1.442695020e+00, v4  }
0x37a: {  	v56 =	vld [tilespmem:$0x1F950];
	(erf) = vrcp.f32 v5  }
0x37b: {  	(erf) = vpow2.f32 v4;
	v4 =	vmul.f32 v51, v57;
	v57 =	vld [tilespmem:$0x1F960];
	_ =	sdelay $0x3  }
0x37c: {  	v62 =	vld [tilespmem:$0x1F980];
	v5 =	vmul.f32 v56, v6  }
0x37d: {  	v6 =	vmul.f32 v61, v52;
	v1 =	vmul.f32 v57, v1;
	_ =	sdelay $0x1  }
0x37e: {  	v4 =	vadd.f32 v5, v4;
	v1 =	vadd.f32 v6, v1;
	_ =	sdelay $0x1  }
0x37f: {  	v5 =	vmul.f32 v62, v50;
	v1 =	vadd.f32 v1, v4  }
0x380: {  	v21 =	vld [tilespmem:$0x1F9A0]  }
0x381: {  	v27 =	vld [tilespmem:$0x1F9C0];
	v1 =	vadd.f32 v1, v5  }
0x382: {  	v25 =	vld [tilespmem:$0x1F9B0];
	v17 =	vpop (erf)  }
0x383: {  	v16 =	vld [tilespmem:$0x1F990];
	v63 =	vpop (erf);
	v1 =	vadd.f32 v1, v1  }
0x384: {  	v4 =	vadd.f32 $1.000000000e+00, v63  }
0x385: {  	v1 =	vmul.f32 $1.442695020e+00, v1  }
0x386: {  	v6 =	vmul.f32 v27, v55;
	(erf) = vrcp.f32 v4  }
0x387: {  	v30 =	vld [tilespmem:$0x1F9D0];
	v5 =	vmul.f32 v25, v49;
	(erf) = vpow2.f32 v1  }
0x388: {  	v4 =	vmul.f32 v21, v53;
	v1 =	vmul.f32 v16, v58;
	_ =	sdelay $0x1  }
0x389: {  	v29 =	vadd.f32 v6, v5;
	v1 =	vadd.f32 v4, v1;
	_ =	sdelay $0x1  }
0x38a: {  	v0 =	vmul.f32 v30, v0;
	v1 =	vadd.f32 v29, v1  }
0x38b: {  	v56 =	vld [tilespmem:$0x1F9F0]  }
0x38c: {  	v31 =	vadd.f32 v8, v8;
	v57 =	vld [tilespmem:$0x1FA00];
	v0 =	vadd.f32 v1, v0  }
0x38d: {  	v33 =	vadd.f32 v10, v10;
	v34 =	vadd.f32 v14, v14;
	v58 =	vld [tilespmem:$0x1FA10];
	v16 =	vpop (erf)  }
0x38e: {  	v35 =	vadd.f32 v23, v23;
	v51 =	vld [tilespmem:$0x1F9E0];
	v0 =	vadd.f32 v0, v0;
	v32 =	vpop (erf)  }
0x38f: {  	v52 =	vsub.f32 $1.000000000e+00, v34;
	v4 =	vadd.f32 $1.000000000e+00, v32  }
0x390: {  	v50 =	vsub.f32 $1.000000000e+00, v35;
	v55 =	vsub.f32 $1.000000000e+00, v31;
	v0 =	vmul.f32 $1.442695020e+00, v0  }
0x391: {  	v53 =	vsub.f32 $1.000000000e+00, v33;
	v5 =	vmul.f32 v57, v52;
	(erf) = vrcp.f32 v4  }
0x392: {  	v62 =	vld [tilespmem:$0x1FA20];
	v49 =	vadd.f32 v59, v59;
	v6 =	vmul.f32 v58, v50;
	(erf) = vpow2.f32 v0  }
0x393: {  	v1 =	vmul.f32 v51, v55;
	v4 =	vmul.f32 v56, v53  }
0x394: {  	v51 =	vsub.f32 $1.000000000e+00, v49  }
0x395: {  	v61 =	vadd.f32 v6, v5;
	v59 =	vadd.f32 v4, v1;
	_ =	sdelay $0x1  }
0x396: {  	v4 =	vmul.f32 v62, v51;
	v0 =	vadd.f32 v61, v59  }
0x397: {  	v14 =	vadd.f32 v15, v15;
	v15 =	vadd.f32 v28, v28;
	v28 =	vld [tilespmem:$0x1FA60]  }
0x398: {  	v27 =	vld [tilespmem:$0x1FA50];
	v0 =	vadd.f32 v0, v4  }
0x399: {  	v13 =	vadd.f32 v13, v13;
	v10 =	vadd.f32 v9, v9;
	v23 =	vld [tilespmem:$0x1FA30];
	v21 =	vpop (erf)  }
0x39a: {  	v63 =	vadd.f32 v54, v54;
	v25 =	vld [tilespmem:$0x1FA40];
	v0 =	vadd.f32 v0, v0;
	v8 =	vpop (erf)  }
0x39b: {  	v58 =	vsub.f32 $1.000000000e+00, v13;
	v4 =	vadd.f32 $1.000000000e+00, v8  }
0x39c: {  	v54 =	vsub.f32 $1.000000000e+00, v10;
	v49 =	vsub.f32 $1.000000000e+00, v14;
	v0 =	vmul.f32 $1.442695020e+00, v0  }
0x39d: {  	v5 =	vmul.f32 v27, v58;
	v59 =	vsub.f32 $1.000000000e+00, v63;
	(erf) = vrcp.f32 v4  }
0x39e: {  	v31 =	vld [tilespmem:$0x1FA70];
	v6 =	vmul.f32 v28, v49;
	(erf) = vpow2.f32 v0  }
0x39f: {  	v1 =	vmul.f32 v23, v59;
	v4 =	vmul.f32 v25, v54  }
0x3a0: {  	v57 =	vsub.f32 $1.000000000e+00, v15  }
0x3a1: {  	v30 =	vadd.f32 v6, v5;
	v29 =	vadd.f32 v4, v1;
	_ =	sdelay $0x1  }
0x3a2: {  	v4 =	vmul.f32 v31, v57;
	v0 =	vadd.f32 v30, v29  }
0x3a3: {  	v34 =	vadd.f32 v60, v60;
	v60 =	vld [tilespmem:$0x1FAA0]  }
0x3a4: {  	v35 =	vld [tilespmem:$0x1FA80];
	v0 =	vadd.f32 v0, v4  }
0x3a5: {  	v33 =	vadd.f32 v12, v12;
	v61 =	vld [tilespmem:$0x1FAB0];
	v23 =	vpop (erf)  }
0x3a6: {  	v2 =	vadd.f32 v2, v2;
	v56 =	vld [tilespmem:$0x1FA90];
	v0 =	vadd.f32 v0, v0;
	v32 =	vpop (erf)  }
0x3a7: {  	v62 =	vsub.f32 $1.000000000e+00, v33;
	v1 =	vadd.f32 $1.000000000e+00, v32  }
0x3a8: {  	v0 =	vmul.f32 $1.442695020e+00, v0  }
0x3a9: {  	v2 =	vsub.f32 $1.000000000e+00, v2;
	v5 =	vmul.f32 v60, v62;
	(erf) = vrcp.f32 v1  }
0x3aa: {  	v9 =	vld [tilespmem:$0x1FAC0];
	v6 =	vmul.f32 v61, v51;
	(erf) = vpow2.f32 v0  }
0x3ab: {  	v4 =	vmul.f32 v56, v52;
	v1 =	vmul.f32 v35, v2  }
0x3ac: {  	v60 =	vsub.f32 $1.000000000e+00, v34  }
0x3ad: {  	v8 =	vadd.f32 v6, v5;
	v63 =	vadd.f32 v4, v1;
	_ =	sdelay $0x1  }
0x3ae: {  	v4 =	vmul.f32 v9, v60;
	v0 =	vadd.f32 v8, v63  }
0x3af: {  	v15 =	vld [tilespmem:$0x1FAD0]  }
0x3b0: {  	v27 =	vld [tilespmem:$0x1FB00];
	v0 =	vadd.f32 v0, v4  }
0x3b1: {  	v14 =	vadd.f32 v26, v26;
	v26 =	vld [tilespmem:$0x1FAF0];
	v56 =	vpop (erf)  }
0x3b2: {  	v12 =	vadd.f32 v11, v11;
	v25 =	vld [tilespmem:$0x1FAE0];
	v0 =	vadd.f32 v0, v0;
	v10 =	vpop (erf)  }
0x3b3: {  	v3 =	vadd.f32 v3, v3;
	v1 =	vadd.f32 $1.000000000e+00, v10  }
0x3b4: {  	v63 =	vsub.f32 $1.000000000e+00, v12;
	v13 =	vmul.f32 $1.442695020e+00, v0  }
0x3b5: {  	v6 =	vmul.f32 v27, v57;
	v0 =	vsub.f32 $1.000000000e+00, v3;
	(erf) = vrcp.f32 v1  }
0x3b6: {  	v29 =	vld [tilespmem:$0x1FB10];
	v5 =	vmul.f32 v26, v63;
	(erf) = vpow2.f32 v13  }
0x3b7: {  	v4 =	vmul.f32 v25, v58;
	v3 =	vmul.f32 v15, v0  }
0x3b8: {  	v28 =	vadd.f32 v6, v5  }
0x3b9: {  	v1 =	vsub.f32 $1.000000000e+00, v14;
	v3 =	vadd.f32 v4, v3;
	_ =	sdelay $0x1  }
0x3ba: {  	v34 =	vld [tilespmem:$0x1FB30];
	v5 =	vmul.f32 v29, v1;
	v3 =	vadd.f32 v28, v3  }
0x3bb: {  	v32 =	vld [tilespmem:$0x1FB20]  }
0x3bc: {  	v12 =	vld [tilespmem:$0x1FB40];
	v3 =	vadd.f32 v3, v5  }
0x3bd: {  	v14 =	vld [tilespmem:$0x1FB50];
	v61 =	vpop (erf)  }
0x3be: {  	v3 =	vadd.f32 v3, v3;
	v30 =	vpop (erf)  }
0x3bf: {  	v35 =	vmul.f32 v34, v62;
	v4 =	vadd.f32 $1.000000000e+00, v30  }
0x3c0: {  	v33 =	vmul.f32 v32, v53;
	v3 =	vmul.f32 $1.442695020e+00, v3  }
0x3c1: {  	v13 =	vmul.f32 v12, v50;
	(erf) = vrcp.f32 v4  }
0x3c2: {  	v26 =	vld [tilespmem:$0x1FB60];
	v15 =	vmul.f32 v14, v60;
	(erf) = vpow2.f32 v3  }
0x3c3: {  	v31 =	vadd.f32 v24, v24  }
0x3c4: {  	v24 =	vadd.f32 v35, v33;
	v25 =	vadd.f32 v15, v13  }
0x3c5: {  	v4 =	vsub.f32 $1.000000000e+00, v31  }
0x3c6: {  	v3 =	vadd.f32 v25, v24  }
0x3c7: {  	v32 =	vld [tilespmem:$0x1FB90];
	v6 =	vmul.f32 v26, v4  }
0x3c8: {  	v34 =	vld [tilespmem:$0x1FBA0]  }
0x3c9: {  	v30 =	vld [tilespmem:$0x1FB80];
	v5 =	vadd.f32 v3, v6  }
0x3ca: {  	v29 =	vld [tilespmem:$0x1FB70];
	v3 =	vpop (erf)  }
0x3cb: {  	v5 =	vadd.f32 v5, v5;
	v27 =	vpop (erf)  }
0x3cc: {  	v33 =	vmul.f32 v32, v49;
	v6 =	vadd.f32 $1.000000000e+00, v27  }
0x3cd: {  	v35 =	vmul.f32 v34, v1;
	v5 =	vmul.f32 $1.442695020e+00, v5  }
0x3ce: {  	v31 =	vmul.f32 v30, v63;
	(erf) = vrcp.f32 v6  }
0x3cf: {  	v14 =	vld [tilespmem:$0x1FBB0];
	v6 =	vmul.f32 v29, v54;
	(erf) = vpow2.f32 v5  }
0x3d0: {  	v28 =	vadd.f32 v22, v22  }
0x3d1: {  	v13 =	vadd.f32 v35, v33;
	v12 =	vadd.f32 v31, v6  }
0x3d2: {  	v7 =	vsub.f32 $1.000000000e+00, v28  }
0x3d3: {  	v5 =	vadd.f32 v13, v12  }
0x3d4: {  	v8 =	vmul.f32 v14, v7;
	v25 =	vld [tilespmem:$0x1FBD0]  }
0x3d5: {  	v27 =	vld [tilespmem:$0x1FBE0]  }
0x3d6: {  	v29 =	vld [tilespmem:$0x1FBF0];
	v6 =	vadd.f32 v5, v8  }
0x3d7: {  	v24 =	vld [tilespmem:$0x1FBC0];
	v5 =	vpop (erf)  }
0x3d8: {  	v6 =	vadd.f32 v6, v6;
	v15 =	vpop (erf)  }
0x3d9: {  	v26 =	vmul.f32 v25, v50;
	v8 =	vadd.f32 $1.000000000e+00, v15  }
0x3da: {  	v28 =	vmul.f32 v27, v51;
	v6 =	vmul.f32 $1.442695020e+00, v6  }
0x3db: {  	v30 =	vmul.f32 v29, v4;
	(erf) = vrcp.f32 v8  }
0x3dc: {  	v33 =	vld [tilespmem:$0x1FC00];
	v8 =	vmul.f32 v24, v52;
	(erf) = vpow2.f32 v6  }
0x3dd: {  	v22 =	vadd.f32 v20, v20  }
0x3de: {  	v32 =	vadd.f32 v30, v28;
	v31 =	vadd.f32 v26, v8  }
0x3df: {  	v9 =	vsub.f32 $1.000000000e+00, v22  }
0x3e0: {  	v6 =	vadd.f32 v32, v31  }
0x3e1: {  	v20 =	vld [tilespmem:$0x1FC20];
	v10 =	vmul.f32 v33, v9  }
0x3e2: {  	v24 =	vld [tilespmem:$0x1FC30]  }
0x3e3: {  	v26 =	vld [tilespmem:$0x1FC40];
	v8 =	vadd.f32 v6, v10  }
0x3e4: {  	v35 =	vadd.f32 v19, v19;
	v19 =	vld [tilespmem:$0x1FC10];
	v6 =	vpop (erf)  }
0x3e5: {  	v8 =	vadd.f32 v8, v8;
	v34 =	vpop (erf)  }
0x3e6: {  	v22 =	vmul.f32 v20, v49;
	v10 =	vadd.f32 $1.000000000e+00, v34  }
0x3e7: {  	v25 =	vmul.f32 v24, v57;
	v8 =	vmul.f32 $1.442695020e+00, v8  }
0x3e8: {  	v27 =	vmul.f32 v26, v7;
	(erf) = vrcp.f32 v10  }
0x3e9: {  	v30 =	vld [tilespmem:$0x1FC50];
	v10 =	vmul.f32 v19, v58;
	(erf) = vpow2.f32 v8;
	_ =	sdelay $0x1  }
0x3ea: {  	v29 =	vadd.f32 v27, v25;
	v28 =	vadd.f32 v22, v10  }
0x3eb: {  	v11 =	vsub.f32 $1.000000000e+00, v35  }
0x3ec: {  	v8 =	vadd.f32 v29, v28  }
0x3ed: {  	v12 =	vmul.f32 v30, v11;
	v24 =	vld [tilespmem:$0x1FC90]  }
0x3ee: {  	v20 =	vld [tilespmem:$0x1FC80]  }
0x3ef: {  	v34 =	vld [tilespmem:$0x1FC70];
	v10 =	vadd.f32 v8, v12  }
0x3f0: {  	v33 =	vld [tilespmem:$0x1FC60];
	v8 =	vpop (erf)  }
0x3f1: {  	v10 =	vadd.f32 v10, v10;
	v31 =	vpop (erf)  }
0x3f2: {  	v25 =	vmul.f32 v24, v9;
	v12 =	vadd.f32 $1.000000000e+00, v31  }
0x3f3: {  	v22 =	vmul.f32 v20, v60;
	v10 =	vmul.f32 $1.442695020e+00, v10  }
0x3f4: {  	v35 =	vmul.f32 v34, v51;
	(erf) = vrcp.f32 v12  }
0x3f5: {  	v28 =	vld [tilespmem:$0x1FCA0];
	v12 =	vmul.f32 v33, v62;
	(erf) = vpow2.f32 v10  }
0x3f6: {  	v32 =	vadd.f32 v18, v18  }
0x3f7: {  	v27 =	vadd.f32 v25, v22;
	v26 =	vadd.f32 v35, v12  }
0x3f8: {  	v13 =	vsub.f32 $1.000000000e+00, v32  }
0x3f9: {  	v10 =	vadd.f32 v27, v26  }
0x3fa: {  	v20 =	vld [tilespmem:$0x1FCE0];
	v14 =	vmul.f32 v28, v13  }
0x3fb: {  	v32 =	vld [tilespmem:$0x1FCC0]  }
0x3fc: {  	v34 =	vld [tilespmem:$0x1FCD0];
	v12 =	vadd.f32 v10, v14  }
0x3fd: {  	v31 =	vld [tilespmem:$0x1FCB0];
	v10 =	vpop (erf)  }
0x3fe: {  	v12 =	vadd.f32 v12, v12;
	v29 =	vpop (erf)  }
0x3ff: {  	v22 =	vmul.f32 v20, v11;
	v14 =	vadd.f32 $1.000000000e+00, v29  }
0x400: {  	v33 =	vmul.f32 v32, v57;
	v12 =	vmul.f32 $1.442695020e+00, v12  }
0x401: {  	v35 =	vmul.f32 v34, v1;
	(erf) = vrcp.f32 v14  }
0x402: {  	v26 =	vld [tilespmem:$0x1FCF0];
	v14 =	vmul.f32 v31, v63;
	(erf) = vpow2.f32 v12  }
0x403: {  	v30 =	vadd.f32 v17, v17  }
0x404: {  	v25 =	vadd.f32 v22, v35;
	v24 =	vadd.f32 v33, v14  }
0x405: {  	v15 =	vsub.f32 $1.000000000e+00, v30  }
0x406: {  	v12 =	vadd.f32 v25, v24  }
0x407: {  	v34 =	vld [tilespmem:$0x1FD30];
	v17 =	vmul.f32 v26, v15  }
0x408: {  	v30 =	vld [tilespmem:$0x1FD10]  }
0x409: {  	v32 =	vld [tilespmem:$0x1FD20];
	v14 =	vadd.f32 v12, v17  }
0x40a: {  	v29 =	vld [tilespmem:$0x1FD00];
	v12 =	vpop (erf)  }
0x40b: {  	v14 =	vadd.f32 v14, v14;
	v27 =	vpop (erf)  }
0x40c: {  	v35 =	vmul.f32 v34, v13;
	v17 =	vadd.f32 $1.000000000e+00, v27  }
0x40d: {  	v31 =	vmul.f32 v30, v60;
	v14 =	vmul.f32 $1.442695020e+00, v14  }
0x40e: {  	v33 =	vmul.f32 v32, v4;
	(erf) = vrcp.f32 v17  }
0x40f: {  	v28 =	vadd.f32 v16, v16;
	v26 =	vld [tilespmem:$0x1FD40];
	v16 =	vmul.f32 v29, v50;
	(erf) = vpow2.f32 v14;
	_ =	sdelay $0x1  }
0x410: {  	v25 =	vadd.f32 v35, v33;
	v24 =	vadd.f32 v31, v16  }
0x411: {  	v17 =	vsub.f32 $1.000000000e+00, v28  }
0x412: {  	v14 =	vadd.f32 v25, v24  }
0x413: {  	v34 =	vld [tilespmem:$0x1FD80];
	v18 =	vmul.f32 v26, v17  }
0x414: {  	v30 =	vld [tilespmem:$0x1FD60]  }
0x415: {  	v32 =	vld [tilespmem:$0x1FD70];
	v16 =	vadd.f32 v14, v18  }
0x416: {  	v29 =	vld [tilespmem:$0x1FD50];
	v14 =	vpop (erf)  }
0x417: {  	v16 =	vadd.f32 v16, v16;
	v27 =	vpop (erf)  }
0x418: {  	v35 =	vmul.f32 v34, v15;
	v18 =	vadd.f32 $1.000000000e+00, v27  }
0x419: {  	v31 =	vmul.f32 v30, v1;
	v16 =	vmul.f32 $1.442695020e+00, v16  }
0x41a: {  	v33 =	vmul.f32 v32, v7;
	(erf) = vrcp.f32 v18  }
0x41b: {  	v26 =	vld [tilespmem:$0x1FD90];
	v18 =	vmul.f32 v29, v49;
	(erf) = vpow2.f32 v16  }
0x41c: {  	v28 =	vadd.f32 v21, v21  }
0x41d: {  	v25 =	vadd.f32 v35, v33;
	v24 =	vadd.f32 v31, v18  }
0x41e: {  	v19 =	vsub.f32 $1.000000000e+00, v28  }
0x41f: {  	v16 =	vadd.f32 v25, v24  }
0x420: {  	v28 =	vld [tilespmem:$0x1FDA0];
	v20 =	vmul.f32 v26, v19  }
0x421: {  	v30 =	vld [tilespmem:$0x1FDB0]  }
0x422: {  	v32 =	vld [tilespmem:$0x1FDC0];
	v18 =	vadd.f32 v16, v20  }
0x423: {  	v34 =	vld [tilespmem:$0x1FDD0];
	v16 =	vpop (erf)  }
0x424: {  	v18 =	vadd.f32 v18, v18;
	v27 =	vpop (erf)  }
0x425: {  	v29 =	vmul.f32 v28, v51;
	v20 =	vadd.f32 $1.000000000e+00, v27  }
0x426: {  	v31 =	vmul.f32 v30, v4;
	v18 =	vmul.f32 $1.442695020e+00, v18  }
0x427: {  	v33 =	vmul.f32 v32, v9;
	(erf) = vrcp.f32 v20  }
0x428: {  	v35 =	vmul.f32 v34, v17;
	v27 =	vadd.f32 v31, v29;
	v29 =	vld [tilespmem:$0x1FDE0];
	(erf) = vpow2.f32 v18  }
0x429: {  	v18 =	vadd.f32 v23, v23  }
0x42a: {  	v28 =	vadd.f32 v35, v33  }
0x42b: {  	v20 =	vsub.f32 $1.000000000e+00, v18  }
0x42c: {  	v18 =	vadd.f32 v28, v27  }
0x42d: {  	v22 =	vmul.f32 v29, v20  }
0x42e: {  	v32 =	vld [tilespmem:$0x1FDF0]  }
0x42f: {  	v34 =	vld [tilespmem:$0x1FE10];
	v21 =	vadd.f32 v18, v22  }
0x430: {  	v35 =	vld [tilespmem:$0x1FE20];
	v18 =	vpop (erf)  }
0x431: {  	v33 =	vld [tilespmem:$0x1FE00];
	v21 =	vadd.f32 v21, v21;
	v30 =	vpop (erf)  }
0x432: {  	v22 =	vadd.f32 $1.000000000e+00, v30  }
0x433: {  	v21 =	vmul.f32 $1.442695020e+00, v21  }
0x434: {  	v24 =	vmul.f32 v34, v11;
	(erf) = vrcp.f32 v22  }
0x435: {  	v31 =	vadd.f32 v48, v48;
	v48 =	vmul.f32 v35, v19;
	v30 =	vld [tilespmem:$0x1FE30];
	(erf) = vpow2.f32 v21  }
0x436: {  	v23 =	vmul.f32 v33, v7;
	v22 =	vmul.f32 v32, v57  }
0x437: {  	v25 =	vsub.f32 $1.000000000e+00, v31  }
0x438: {  	v29 =	vadd.f32 v48, v24;
	v28 =	vadd.f32 v23, v22;
	_ =	sdelay $0x1  }
0x439: {  	v35 =	vld [tilespmem:$0x1FE70];
	v23 =	vmul.f32 v30, v25;
	v21 =	vadd.f32 v29, v28  }
0x43a: {  	v34 =	vld [tilespmem:$0x1FE60]  }
0x43b: {  	v33 =	vld [tilespmem:$0x1FE50];
	v21 =	vadd.f32 v21, v23  }
0x43c: {  	v32 =	vld [tilespmem:$0x1FE40];
	v48 =	vpop (erf)  }
0x43d: {  	v21 =	vadd.f32 v21, v21;
	v31 =	vpop (erf)  }
0x43e: {  	v24 =	vmul.f32 v35, v20;
	v22 =	vadd.f32 $1.000000000e+00, v31  }
0x43f: {  	v23 =	vmul.f32 v34, v13;
	v21 =	vmul.f32 $1.442695020e+00, v21  }
0x440: {  	(erf) = vrcp.f32 v22;
	v22 =	vmul.f32 v33, v9  }
0x441: {  	v29 =	vld [tilespmem:$0x1FE80];
	(erf) = vpow2.f32 v21;
	v21 =	vmul.f32 v32, v60;
	_ =	sdelay $0x1  }
0x442: {  	v28 =	vadd.f32 v24, v23;
	v21 =	vadd.f32 v22, v21;
	_ =	sdelay $0x1  }
0x443: {  	v21 =	vadd.f32 v28, v21  }
0x444: {  	v34 =	vld [tilespmem:$0x1FEC0];
	v23 =	vmul.f32 v29, v55  }
0x445: {  	v33 =	vld [tilespmem:$0x1FEB0]  }
0x446: {  	v32 =	vld [tilespmem:$0x1FEA0];
	v22 =	vadd.f32 v21, v23  }
0x447: {  	v31 =	vld [tilespmem:$0x1FE90];
	v21 =	vpop (erf)  }
0x448: {  	v22 =	vadd.f32 v22, v22;
	v30 =	vpop (erf)  }
0x449: {  	v26 =	vmul.f32 v34, v25;
	v23 =	vadd.f32 $1.000000000e+00, v30  }
0x44a: {  	v24 =	vmul.f32 v33, v15;
	v22 =	vmul.f32 $1.442695020e+00, v22  }
0x44b: {  	(erf) = vrcp.f32 v23;
	v23 =	vmul.f32 v32, v11  }
0x44c: {  	v28 =	vld [tilespmem:$0x1FED0];
	(erf) = vpow2.f32 v22;
	v22 =	vmul.f32 v31, v1;
	_ =	sdelay $0x1  }
0x44d: {  	v35 =	vadd.f32 v26, v24;
	v22 =	vadd.f32 v23, v22;
	_ =	sdelay $0x1  }
0x44e: {  	v22 =	vadd.f32 v35, v22  }
0x44f: {  	v33 =	vld [tilespmem:$0x1FF10];
	v24 =	vmul.f32 v28, v59  }
0x450: {  	v32 =	vld [tilespmem:$0x1FF00]  }
0x451: {  	v31 =	vld [tilespmem:$0x1FEF0];
	v23 =	vadd.f32 v22, v24  }
0x452: {  	v30 =	vld [tilespmem:$0x1FEE0];
	v22 =	vpop (erf)  }
0x453: {  	v23 =	vadd.f32 v23, v23;
	v29 =	vpop (erf)  }
0x454: {  	v27 =	vmul.f32 v33, v55;
	v24 =	vadd.f32 $1.000000000e+00, v29  }
0x455: {  	v26 =	vmul.f32 v32, v17;
	v23 =	vmul.f32 $1.442695020e+00, v23  }
0x456: {  	(erf) = vrcp.f32 v24;
	v24 =	vmul.f32 v31, v13  }
0x457: {  	v35 =	vld [tilespmem:$0x1FF20];
	(erf) = vpow2.f32 v23;
	v23 =	vmul.f32 v30, v4;
	_ =	sdelay $0x1  }
0x458: {  	v34 =	vadd.f32 v27, v26;
	v23 =	vadd.f32 v24, v23;
	_ =	sdelay $0x1  }
0x459: {  	v23 =	vadd.f32 v34, v23  }
0x45a: {  	v26 =	vmul.f32 v35, v2;
	v31 =	vld [tilespmem:$0x1FF50]  }
0x45b: {  	v32 =	vld [tilespmem:$0x1FF60]  }
0x45c: {  	v30 =	vld [tilespmem:$0x1FF40];
	v24 =	vadd.f32 v23, v26  }
0x45d: {  	v29 =	vld [tilespmem:$0x1FF30];
	v23 =	vpop (erf)  }
0x45e: {  	v24 =	vadd.f32 v24, v24;
	v28 =	vpop (erf)  }
0x45f: {  	v27 =	vmul.f32 v31, v19;
	v26 =	vadd.f32 $1.000000000e+00, v28  }
0x460: {  	v24 =	vmul.f32 $1.442695020e+00, v24;
	v28 =	vmul.f32 v32, v59  }
0x461: {  	(erf) = vrcp.f32 v26;
	v26 =	vmul.f32 v30, v15  }
0x462: {  	v34 =	vld [tilespmem:$0x1FF70];
	(erf) = vpow2.f32 v24;
	v24 =	vmul.f32 v29, v7;
	_ =	sdelay $0x1  }
0x463: {  	v33 =	vadd.f32 v28, v27;
	v24 =	vadd.f32 v26, v24;
	_ =	sdelay $0x1  }
0x464: {  	v24 =	vadd.f32 v33, v24  }
0x465: {  	v32 =	vld [tilespmem:$0x1FFA0];
	v27 =	vmul.f32 v34, v0  }
0x466: {  	v29 =	vld [tilespmem:$0x1FFB0]  }
0x467: {  	v31 =	vld [tilespmem:$0x1FF90];
	v26 =	vadd.f32 v24, v27  }
0x468: {  	v30 =	vld [tilespmem:$0x1FF80];
	v24 =	vpop (erf)  }
0x469: {  	v26 =	vadd.f32 v26, v26;
	v35 =	vpop (erf)  }
0x46a: {  	v28 =	vmul.f32 v32, v20;
	v27 =	vadd.f32 $1.000000000e+00, v35  }
0x46b: {  	v29 =	vmul.f32 v29, v2;
	v26 =	vmul.f32 $1.442695020e+00, v26  }
0x46c: {  	(erf) = vrcp.f32 v27;
	v27 =	vmul.f32 v31, v17  }
0x46d: {  	v34 =	vld [tilespmem:$0x1FFC0];
	(erf) = vpow2.f32 v26;
	v26 =	vmul.f32 v30, v9;
	_ =	sdelay $0x1  }
0x46e: {  	v33 =	vadd.f32 v29, v28;
	v26 =	vadd.f32 v27, v26;
	_ =	sdelay $0x1  }
0x46f: {  	v26 =	vadd.f32 v33, v26  }
0x470: {  	v28 =	vmul.f32 v34, v53  }
0x471: {  	v33 =	vld [tilespmem:$0x1FFF0]  }
0x472: {  	v32 =	vld [tilespmem:$0x1FFE0];
	v27 =	vadd.f32 v26, v28  }
0x473: {  	v31 =	vld [tilespmem:$0x1FFD0];
	v26 =	vpop (erf)  }
0x474: {  	v27 =	vadd.f32 v27, v27;
	v35 =	vpop (erf)  }
0x475: {  	v30 =	vmul.f32 v36, v0;
	v28 =	vadd.f32 $1.000000000e+00, v35  }
0x476: {  	v29 =	vmul.f32 v33, v25;
	v27 =	vmul.f32 $1.442695020e+00, v27  }
0x477: {  	(erf) = vrcp.f32 v28;
	v28 =	vmul.f32 v32, v19  }
0x478: {  	(erf) = vpow2.f32 v27;
	v27 =	vmul.f32 v31, v11;
	_ =	sdelay $0x1  }
0x479: {  	v34 =	vadd.f32 v30, v29;
	v27 =	vadd.f32 v28, v27;
	_ =	sdelay $0x1  }
0x47a: {  	v27 =	vadd.f32 v34, v27  }
0x47b: {  	v35 =	vmul.f32 v37, v54;
	_ =	sdelay $0x1  }
0x47c: {  	v28 =	vadd.f32 v27, v35  }
0x47d: {  	v27 =	vpop (erf)  }
0x47e: {  	v28 =	vadd.f32 v28, v28;
	v32 =	vpop (erf)  }
0x47f: {  	v33 =	vmul.f32 v38, v13;
	v29 =	vadd.f32 $1.000000000e+00, v32  }
0x480: {  	v31 =	vmul.f32 v41, v53;
	v28 =	vmul.f32 $1.442695020e+00, v28  }
0x481: {  	v34 =	vmul.f32 v39, v20;
	(erf) = vrcp.f32 v29  }
0x482: {  	v35 =	vmul.f32 v40, v55;
	(erf) = vpow2.f32 v28;
	_ =	sdelay $0x1  }
0x483: {  	v28 =	vadd.f32 v34, v33;
	v33 =	vadd.f32 v31, v35;
	_ =	sdelay $0x1  }
0x484: {  	v28 =	vadd.f32 v33, v28  }
0x485: {  	v34 =	vmul.f32 v42, v52;
	_ =	sdelay $0x1  }
0x486: {  	v29 =	vadd.f32 v28, v34  }
0x487: {  	v28 =	vpop (erf)  }
0x488: {  	v29 =	vadd.f32 v29, v29;
	v35 =	vpop (erf)  }
0x489: {  	v32 =	vmul.f32 v46, v54;
	v30 =	vadd.f32 $1.000000000e+00, v35  }
0x48a: {  	v31 =	vmul.f32 v45, v59;
	v29 =	vmul.f32 $1.442695020e+00, v29  }
0x48b: {  	(erf) = vrcp.f32 v30;
	v30 =	vmul.f32 v44, v25  }
0x48c: {  	(erf) = vpow2.f32 v29;
	v29 =	vmul.f32 v43, v15;
	_ =	sdelay $0x1  }
0x48d: {  	v33 =	vadd.f32 v32, v31;
	v29 =	vadd.f32 v30, v29;
	_ =	sdelay $0x1  }
0x48e: {  	v29 =	vadd.f32 v33, v29  }
0x48f: {  	v34 =	vmul.f32 v47, v58;
	_ =	sdelay $0x1  }
0x490: {  	s2 =	sld [smem:$0x112];
	v30 =	vadd.f32 v29, v34  }
0x491: {  	s3 =	sld [smem:$0x127];
	v29 =	vpop (erf)  }
0x492: {  	s11 =	sld [smem:$0x109];
	v30 =	vadd.f32 v30, v30;
	v35 =	vpop (erf)  }
0x493: {  	s10 =	sld [smem:$0x177];
	v32 =	vmul.f32 s2, v2;
	v31 =	vadd.f32 $1.000000000e+00, v35  }
0x494: {  	v33 =	vmul.f32 s3, v52;
	v30 =	vmul.f32 $1.442695020e+00, v30  }
0x495: {  	(erf) = vrcp.f32 v31;
	v31 =	vmul.f32 s11, v55  }
0x496: {  	(erf) = vpow2.f32 v30;
	v30 =	vmul.f32 s10, v17;
	_ =	sdelay $0x1  }
0x497: {  	s12 =	sld [smem:$0x130];
	v30 =	vadd.f32 v31, v30;
	v31 =	vadd.f32 v33, v32;
	_ =	sdelay $0x1  }
0x498: {  	v30 =	vadd.f32 v31, v30  }
0x499: {  	v32 =	vmul.f32 s12, v62;
	_ =	sdelay $0x1  }
0x49a: {  	s16 =	sld [smem:$0x12C];
	v31 =	vadd.f32 v30, v32  }
0x49b: {  	s15 =	sld [smem:$0x117];
	v30 =	vpop (erf)  }
0x49c: {  	s14 =	sld [smem:$0x10E];
	v31 =	vadd.f32 v31, v31;
	v32 =	vpop (erf)  }
0x49d: {  	s13 =	sld [smem:$0x17C];
	v34 =	vmul.f32 s16, v58;
	v32 =	vadd.f32 $1.000000000e+00, v32  }
0x49e: {  	v33 =	vmul.f32 s15, v0;
	v31 =	vmul.f32 $1.442695020e+00, v31  }
0x49f: {  	(erf) = vrcp.f32 v32;
	v32 =	vmul.f32 s14, v59  }
0x4a0: {  	(erf) = vpow2.f32 v31;
	v31 =	vmul.f32 s13, v19;
	_ =	sdelay $0x1  }
0x4a1: {  	s17 =	sld [smem:$0x135];
	v31 =	vadd.f32 v32, v31;
	v32 =	vadd.f32 v34, v33;
	_ =	sdelay $0x1  }
0x4a2: {  	v31 =	vadd.f32 v32, v31  }
0x4a3: {  	v33 =	vmul.f32 s17, v63;
	_ =	sdelay $0x1  }
0x4a4: {  	v32 =	vadd.f32 v31, v33  }
0x4a5: {  	s18 =	sld [smem:$0x181];
	v31 =	vpop (erf)  }
0x4a6: {  	s24 =	sld [smem:$0x131];
	v32 =	vadd.f32 v32, v32;
	v33 =	vpop (erf)  }
0x4a7: {  	s20 =	sld [smem:$0x11D];
	v33 =	vadd.f32 $1.000000000e+00, v33  }
0x4a8: {  	s19 =	sld [smem:$0x113];
	v32 =	vmul.f32 $1.442695020e+00, v32  }
0x4a9: {  	v35 =	vmul.f32 s24, v62;
	(erf) = vrcp.f32 v33  }
0x4aa: {  	v34 =	vmul.f32 s20, v53;
	(erf) = vpow2.f32 v32  }
0x4ab: {  	[tilespmem:$0x1A180] =	vst v2;
	v33 =	vmul.f32 s19, v2;
	v32 =	vmul.f32 s18, v20  }
0x4ac: {  	s25 =	sld [smem:$0x13B];
	[tilespmem:$0x1A380] =	vst v52  }
0x4ad: {  	[tilespmem:$0x1A100] =	vst v59;
	v59 =	vadd.f32 v35, v34;
	v32 =	vadd.f32 v33, v32  }
0x4ae: {  	[tilespmem:$0x1A580] =	vst v50  }
0x4af: {  	[tilespmem:$0x1A080] =	vst v55;
	v55 =	vadd.f32 v59, v32;
	v59 =	vmul.f32 s25, v50  }
0x4b0: {  	[tilespmem:$0x1A300] =	vst v54  }
0x4b1: {  	[tilespmem:$0x1A280] =	vst v53;
	v2 =	vadd.f32 v55, v59  }
0x4b2: {  	s26 =	sld [smem:$0x104];
	[tilespmem:$0x1A700] =	vst v57;
	v32 =	vpop (erf)  }
0x4b3: {  	s29 =	sld [smem:$0x122];
	[tilespmem:$0x1A480] =	vst v62;
	v2 =	vadd.f32 v2, v2;
	v62 =	vpop (erf)  }
0x4b4: {  	s30 =	sld [smem:$0x136];
	[tilespmem:$0x1A400] =	vst v58;
	v33 =	vadd.f32 $1.000000000e+00, v62  }
0x4b5: {  	s28 =	sld [smem:$0x118];
	[tilespmem:$0x1A680] =	vst v51;
	v2 =	vmul.f32 $1.442695020e+00, v2  }
0x4b6: {  	[tilespmem:$0x1A600] =	vst v49;
	v51 =	vmul.f32 s29, v54;
	(erf) = vrcp.f32 v33  }
0x4b7: {  	[tilespmem:$0x1A780] =	vst v60;
	v52 =	vmul.f32 s30, v63;
	(erf) = vpow2.f32 v2  }
0x4b8: {  	[tilespmem:$0x1A200] =	vst v0;
	v0 =	vmul.f32 s28, v0;
	v50 =	vmul.f32 s26, v25  }
0x4b9: {  	s31 =	sld [smem:$0x140];
	[tilespmem:$0x1A500] =	vst v63  }
0x4ba: {  	[tilespmem:$0x1A800] =	vst v1;
	v53 =	vadd.f32 v52, v51;
	v0 =	vadd.f32 v0, v50  }
0x4bb: {  	[tilespmem:$0x1A900] =	vst v7  }
0x4bc: {  	[tilespmem:$0x1A980] =	vst v9;
	v54 =	vmul.f32 s31, v49;
	v0 =	vadd.f32 v53, v0  }
0x4bd: {  	[tilespmem:$0x1AA00] =	vst v11  }
0x4be: {  	[tilespmem:$0x1A880] =	vst v4;
	v0 =	vadd.f32 v0, v54  }
0x4bf: {  	v56 =	vadd.f32 v56, v56;
	v3 =	vadd.f32 v3, v3;
	[tilespmem:$0x1AB00] =	vst v15;
	v1 =	vpop (erf)  }
0x4c0: {  	[tilespmem:$0x1AA80] =	vst v13;
	v57 =	vadd.f32 v61, v61;
	v0 =	vadd.f32 v0, v0;
	v55 =	vpop (erf)  }
0x4c1: {  	v3 =	vsub.f32 $1.000000000e+00, v3;
	[tilespmem:$0x1AB80] =	vst v17;
	v2 =	vadd.f32 $1.000000000e+00, v55  }
0x4c2: {  	[tilespmem:$0x1AC00] =	vst v19;
	v60 =	vsub.f32 $1.000000000e+00, v57;
	v13 =	vadd.f32 v14, v14;
	v0 =	vmul.f32 $1.442695020e+00, v0  }
0x4c3: {  	[tilespmem:$0x1A000] =	vst v25;
	v23 =	vadd.f32 v23, v23;
	v14 =	vadd.f32 v16, v16;
	(erf) = vrcp.f32 v2  }
0x4c4: {  	[tilespmem:$0x1AC80] =	vst v20;
	v16 =	vsub.f32 $1.000000000e+00, v13;
	v17 =	vadd.f32 v48, v48;
	(erf) = vpow2.f32 v0  }
0x4c5: {  	[tilespmem:s23+$0x2000] =	vst v3;
	v58 =	vsub.f32 $1.000000000e+00, v56;
	v48 =	vadd.f32 v28, v28  }
0x4c6: {  	[tilespmem:s23+$0x1000] =	vst v60;
	v19 =	vsub.f32 $1.000000000e+00, v17;
	v63 =	vadd.f32 v8, v8  }
0x4c7: {  	[tilespmem:s23+$0x8000] =	vst v16;
	v8 =	vadd.f32 v10, v10;
	v10 =	vadd.f32 v12, v12  }
0x4c8: {  	v26 =	vadd.f32 v26, v26;
	[tilespmem:s23+$0x0] =	vst v58;
	v51 =	vsub.f32 $1.000000000e+00, v48  }
0x4c9: {  	[tilespmem:s23+$0xB000] =	vst v19;
	v11 =	vsub.f32 $1.000000000e+00, v8;
	v12 =	vsub.f32 $1.000000000e+00, v10  }
0x4ca: {  	v34 =	vadd.f32 v27, v27;
	[tilespmem:s23+$0x12000] =	vst v51;
	v20 =	vadd.f32 v21, v21  }
0x4cb: {  	v15 =	vadd.f32 v18, v18;
	v35 =	vsub.f32 $1.000000000e+00, v26;
	[tilespmem:s23+$0x6000] =	vst v11  }
0x4cc: {  	[tilespmem:s23+$0x7000] =	vst v12;
	v49 =	vsub.f32 $1.000000000e+00, v34;
	v4 =	vsub.f32 $1.000000000e+00, v20;
	v18 =	vpop (erf)  }
0x4cd: {  	[tilespmem:s23+$0x10000] =	vst v35;
	v25 =	vsub.f32 $1.000000000e+00, v23;
	v59 =	vadd.f32 v5, v5;
	v21 =	vpop (erf)  }
0x4ce: {  	[tilespmem:s23+$0x11000] =	vst v49;
	v62 =	vadd.f32 v6, v6;
	v6 =	vadd.f32 $1.000000000e+00, v21  }
0x4cf: {  	[tilespmem:s23+$0xC000] =	vst v4;
	v5 =	vsub.f32 $1.000000000e+00, v15;
	v50 =	vadd.f32 v29, v29  }
0x4d0: {  	[tilespmem:s23+$0xE000] =	vst v25;
	v61 =	vsub.f32 $1.000000000e+00, v59;
	v56 =	vadd.f32 v32, v32;
	(erf) = vrcp.f32 v6  }
0x4d1: {  	[tilespmem:s23+$0xA000] =	vst v5;
	v53 =	vsub.f32 $1.000000000e+00, v50  }
0x4d2: {  	v24 =	vadd.f32 v24, v24;
	[tilespmem:s23+$0x3000] =	vst v61;
	v58 =	vsub.f32 $1.000000000e+00, v56  }
0x4d3: {  	v54 =	vadd.f32 v31, v31;
	[tilespmem:s23+$0x13000] =	vst v53;
	v9 =	vsub.f32 $1.000000000e+00, v62  }
0x4d4: {  	v33 =	vsub.f32 $1.000000000e+00, v24;
	[tilespmem:s23+$0x16000] =	vst v58  }
0x4d5: {  	v52 =	vadd.f32 v30, v30;
	v57 =	vsub.f32 $1.000000000e+00, v54;
	[tilespmem:s23+$0x4000] =	vst v9  }
0x4d6: {  	[tilespmem:s23+$0xF000] =	vst v33;
	v0 =	vsub.f32 $1.000000000e+00, v63  }
0x4d7: {  	[tilespmem:s23+$0x15000] =	vst v57;
	v1 =	vadd.f32 v1, v1;
	v55 =	vsub.f32 $1.000000000e+00, v52  }
0x4d8: {  	v22 =	vadd.f32 v22, v22;
	[tilespmem:s23+$0x5000] =	vst v0;
	v0 =	vsub.f32 $1.000000000e+00, v14  }
0x4d9: {  	p0 =	sne.s32 s22, $0x3FC0;
	v60 =	vsub.f32 $1.000000000e+00, v1;
	[tilespmem:s23+$0x14000] =	vst v55;
	v3 =	vadd.f32 v18, v18;
	v59 =	vpop (erf)  }
.Ltmp0:
0x4da: {  	[tilespmem:s23+$0x9000] =	vst v0;
	v0 =	vsub.f32 $1.000000000e+00, v22;
	v61 =	vadd.f32 v59, v59;
	(pc) =	sbr.rel @p0 .LBB2_3-.Ltmp0, $4  }
0x4db: {  	[tilespmem:s23+$0x17000] =	vst v60;
	v62 =	vsub.f32 $1.000000000e+00, v3  }
0x4dc: {  	[tilespmem:s23+$0xD000] =	vst v0;
	v63 =	vsub.f32 $1.000000000e+00, v61  }
0x4dd: {  	[tilespmem:s23+$0x18000] =	vst v62  }
0x4de: {  	s21 =	sadd.s32 $0x10, s21;
	s22 =	sadd.s32 $0x40, s22;
	[tilespmem:s23+$0x19000] =	vst v63  }
0x4df: {  	s0 =	rddreg [dreg:$0x3]  }
0x4e0: {  	s1 =	rddreg [dreg:$0xe];
	s30 =	simm.s32 $0x0;
	s4 =	simm.s32 $0x400  }
0x4e1: {  	s5 =	simm.s32 $0x20000;
	s3 =	simm.s32 $0x1;
	s0 =	sadd.s32 s0, s1  }
0x4e2: {  	[hbm4b:s0+s4] =	stream.strided.scatter [tilespmem:s30], [sflag:$0x1], $0x1A000, s5, s4, $0x38;
	[tilespmem:$0x1B020] =	vst v63  }
0x4e3: {  	_ =	swait.ge [sflag:s3], $0x1A000  }
0x4e4: {  	s31 =	rddreg [dreg:$0xd]  }
0x4e5: {  	s0 =	sadd.s32 $0x1, s31  }
0x4e6: {  	p0 =	sne.s32 s0, $0x4  }
.Ltmp1:
0x4e7: {  	_ = 	snop;
	(pc) =	sbr.rel @p0 .LBB2_2-.Ltmp1, $3  }
0x4e8: {  	_ =	sdelay $0x1  }
0x4e9: {  	[sflag:s3] =	ssyncset.done $0x0  }
0x4ea: {  	[sflag:s3] =	ssyncadd.s32 $0xFFFE6000  }
0x4eb: {  	s1 =	rddreg [dreg:$0xc]  }
0x4ec: {  	s0 =	rddreg [dreg:$0x9];
	s1 =	sadd.s32 $0x1, s1  }
0x4ed: {  	p0 =	sne.s32 s1, s0  }
.Ltmp2:
0x4ee: {  	_ = 	snop;
	(pc) =	sbr.rel @p0 .LBB2_1-.Ltmp2, $1  }
0x4ef: {  	_ =	sdelay $0x3  }
0x4f0: {  	_ =	sfence.sel $0x180000  }
0x4f1: {  	[bflag:$0x0] =	sbarrier.arrive $0xFFFF  }
0x4f2: {  	_ =	strace $0x90000047  }
0x4f3: {  	s0 =	stileid.u32;
	[bflag:$0x2] =	sbarrier.arrive $0xFFFF  }
0x4f4: {  	p0 =	sne.s32 s0, $0x0;
	s0 =	rddreg [dreg:$0x6]  }
0x4f5: {  	s0 =	sadd.s32 @!p0 $0x100000, s0  }
0x4f6: {  	[sflag:s0] =	ssyncadd.tile.s32 @!p0 $0x1;
	_ =	shalt  }
.Lfunc_end2:
_tile_overlayer_lowered:
.L_overlay_start_2:
0x4f7: {  	(tag) =	ssettag $0x2  }
0x4f8: {  	s0 =	rddreg [dreg:$0x0];
	s2 =	stileid.u32  }
0x4f9: {  	s1 =	rddreg [dreg:$0x1];
	p0 =	sne.s32 s2, $0x0  }
0x4fa: {  	s3 =	rddreg [dreg:$0x2];
	[bflag:$0x3] =	sbarrier.arrive $0xFFFF;
	s2 =	simm.s32 @!p0 $0x1C01  }
0x4fb: {  	[timem:s3], [sflag:s2] =	dma.local @!p0 [hbm:s0], s1  }
0x4fc: {  	s0 =	simm.s32 @!p0 $0x1  }
0x4fd: {  	_ =	swait.ge @!p0 [sflag:s0], s1  }
0x4fe: {  	s1 =	ssub.s32 @!p0 $0x0, s1;
	[sflag:s0] =	ssyncset.done @!p0 $0x0  }
0x4ff: {  	[sflag:s0] =	ssyncadd.s32 @!p0 s1  }
0x500: {  	[bflag:$0x3] =	sbarrier.arrive $0xFFFF  }
0x501: {  	_ =	shalt  }

</sc_bundles>
